<compile_context>
chip_gen: v7x
topology: tpu7x:2x2x1
jax: 0.10.2.dev20260603
libtpu: 0.0.44.dev20260713+nightly
codegen_flags: <defaults>
</compile_context>

<pallas_src>
import jax
import jax.numpy as jnp
from jax import lax
from jax.experimental import pallas as pl
from jax.experimental.pallas import tpu as pltpu
from jax.experimental.pallas import tpu_sc as plsc

TOPK = 16
ROWS = 128
COLS = 32768
L = 16
NSEG = 64
SEG_VREGS = COLS // (NSEG * L)
SEGW = COLS // NSEG
NHOT = 32
NBKT = 256

_info = plsc.get_sparse_core_info()
NCORES = _info.num_cores
NWORK = _info.num_cores * _info.num_subcores
ROWS_PER_W = ROWS // NWORK


def _sortd(v):
    s, _ = plsc.sort_key_val(v, v, descending=True)
    return s


def _merge16(a, b):
    return _sortd(jnp.maximum(a, lax.rev(b, (0,))))


def _tree16(vs):
    while len(vs) > 1:
        nxt = [_merge16(vs[k], vs[k + 1]) for k in range(0, len(vs) - 1, 2)]
        if len(vs) % 2:
            nxt.append(vs[-1])
        vs = nxt
    return vs[0]


def _reduce_row(row_v, accs_u, smaxs_v, hot_v, bkt_v, stage_v, r):
    lane = lax.iota(jnp.int32, L)
    lane0 = lane == 0

    def seg_body(s, run):
        base = s * SEGW
        a0 = row_v[pl.ds(base, L)]
        a1 = row_v[pl.ds(base + L, L)]
        a2 = row_v[pl.ds(base + 2 * L, L)]
        a3 = row_v[pl.ds(base + 3 * L, L)]
        for j in range(4, SEG_VREGS, 4):
            a0 = jnp.maximum(a0, row_v[pl.ds(base + j * L, L)])
            a1 = jnp.maximum(a1, row_v[pl.ds(base + (j + 1) * L, L)])
            a2 = jnp.maximum(a2, row_v[pl.ds(base + (j + 2) * L, L)])
            a3 = jnp.maximum(a3, row_v[pl.ds(base + (j + 3) * L, L)])
        acc = jnp.maximum(jnp.maximum(a0, a1), jnp.maximum(a2, a3))
        accs_u[pl.ds(s * L, L)] = acc
        sacc = _sortd(acc)
        plsc.store_scatter(smaxs_v, [jnp.full((L,), s, jnp.int32)], sacc,
                           mask=lane0)
        return run

    lax.fori_loop(0, NSEG, seg_body, 0, unroll=2)

    run = _tree16([_sortd(smaxs_v[pl.ds(k * L, L)])
                   for k in range(NSEG // L)])
    t = jnp.min(run)

    zero_off = jnp.zeros((L,), jnp.int32)

    def hot_k(k, off):
        v = smaxs_v[pl.ds(k * L, L)]
        mask = v > t
        cnt = plsc.all_reduce_population_count(mask)
        pos = off + plsc.cumsum(mask.astype(jnp.int32)) - 1
        pos = jnp.where(mask, pos, NHOT - 1)
        plsc.store_scatter(hot_v, [pos], k * L + lane, mask=mask)
        return off + cnt

    hoff = lax.fori_loop(0, NSEG // L, hot_k, zero_off, unroll=True)
    nhot = jnp.max(hoff)

    def bkt_m(m, off):
        s = hot_v[pl.ds(m, L)][0]
        v = accs_u[pl.ds(s * L, L)]
        mask = v > t
        cnt = plsc.all_reduce_population_count(mask)
        pos = off + plsc.cumsum(mask.astype(jnp.int32)) - 1
        pos = jnp.where(mask, pos, NBKT - 1)
        plsc.store_scatter(bkt_v, [pos], s * L + lane, mask=mask)
        return off + cnt

    boff = lax.fori_loop(0, nhot, bkt_m, zero_off)
    nbkt = jnp.max(boff)

    tfill = jnp.full((L,), t, dtype=jnp.float32)
    colstep = lane * L

    def gat(m, top):
        b = bkt_v[pl.ds(m, L)][0]
        seg = b // L
        ln = b - seg * L
        base = seg * SEGW + ln
        i0 = base + colstep
        g0 = plsc.load_gather(row_v, [i0])
        g1 = plsc.load_gather(row_v, [i0 + L * L])
        return _merge16(top, _merge16(_sortd(g0), _sortd(g1)))

    top = lax.fori_loop(0, nbkt, gat, tfill)
    stage_v[pl.ds(r * TOPK, TOPK)] = top


def _topk_body(x_hbm, out_hbm, row0_v, row1_v, accs_u, smaxs_v,
               hot_v, bkt_v, stage_v, sem0, sem1):
    wid = lax.axis_index("s") * NCORES + lax.axis_index("c")
    base_row = wid * ROWS_PER_W
    bufs = (row0_v, row1_v)
    sems = (sem0, sem1)

    pltpu.async_copy(x_hbm.at[base_row], row0_v, sem0)
    for r in range(ROWS_PER_W):
        pltpu.make_async_copy(x_hbm.at[base_row + r], bufs[r % 2],
                              sems[r % 2]).wait()
        if r + 1 < ROWS_PER_W:
            pltpu.async_copy(x_hbm.at[base_row + r + 1], bufs[(r + 1) % 2],
                             sems[(r + 1) % 2])
        _reduce_row(bufs[r % 2], accs_u, smaxs_v, hot_v, bkt_v,
                    stage_v, r)
    pltpu.sync_copy(stage_v,
                    out_hbm.at[pl.ds(base_row * TOPK, ROWS_PER_W * TOPK)])


def kernel(x, x_mask):
    del x_mask
    mesh = plsc.VectorSubcoreMesh(core_axis_name="c", subcore_axis_name="s")
    f = pl.kernel(
        _topk_body,
        out_type=jax.ShapeDtypeStruct((ROWS * TOPK,), jnp.float32),
        mesh=mesh,
        compiler_params=pltpu.CompilerParams(needs_layout_passes=False),
        scratch_types=[
            pltpu.VMEM((COLS,), jnp.float32),
            pltpu.VMEM((COLS,), jnp.float32),
            pltpu.VMEM((NSEG * L,), jnp.float32),
            pltpu.VMEM((NSEG,), jnp.float32),
            pltpu.VMEM((NHOT,), jnp.int32),
            pltpu.VMEM((NBKT,), jnp.int32),
            pltpu.VMEM((ROWS_PER_W * TOPK,), jnp.float32),
            pltpu.SemaphoreType.DMA,
            pltpu.SemaphoreType.DMA,
        ],
    )
    return f(x).reshape(ROWS, TOPK)

# --- scband reference (transcript-rebuilt; emitter-appended) ---
"""Pipeline reference for scband-top-kpooling-89223650607314 (READ-ONLY COPY).

The authoritative reference and input builder live on the scoring server;
editing this copy changes nothing except your own understanding.
"""

import jax, jax.numpy as jnp
import numpy as np

TOP_K = 16

def setup_inputs(seed: int = 0) -> dict:
    key = jax.random.key(seed)
    k1, _ = jax.random.split(key)
    x = jax.random.normal(k1, (128, 32768), dtype=jnp.float32)
    x_mask = jnp.zeros((128, 32768), dtype=jnp.float32)
    return {"x": x, "x_mask": x_mask}

def reference(x, x_mask):
    # Faithful to the torch module for this input configuration: x_mask.sum() == 0,
    # so forward takes the unmasked branch: torch.topk(x, k, dim=1)[0].view(B, -1)
    vals, _ = jax.lax.top_k(x, TOP_K)
    return vals.reshape(x.shape[0], -1)

if __name__ == "__main__":
    import jax
    _d = setup_inputs()
    print(jax.jit(kernel)(*tuple(_d.values())))

</pallas_src>

<mosaic_0001>
#map = affine_map<(d0, d1) -> (0, 0)>
#map1 = affine_map<(d0, d1) -> (0)>
module attributes {stable_mosaic.version = 14 : i64} {
  func.func @_topk_body(%arg0: i32, %arg1: i32, %arg2: memref<128x32768xf32, #tpu.memory_space<hbm>>, %arg3: memref<2048xf32, #tpu.memory_space<hbm>>, %arg4: memref<32768xf32, #tpu.memory_space<vmem>>, %arg5: memref<32768xf32, #tpu.memory_space<vmem>>, %arg6: memref<1024xf32, #tpu.memory_space<vmem>>, %arg7: memref<64xf32, #tpu.memory_space<vmem>>, %arg8: memref<32xi32, #tpu.memory_space<vmem>>, %arg9: memref<256xi32, #tpu.memory_space<vmem>>, %arg10: memref<64xf32, #tpu.memory_space<vmem>>, %arg11: memref<!tpu.dma_semaphore, #tpu.memory_space<semaphore_mem>>, %arg12: memref<!tpu.dma_semaphore, #tpu.memory_space<semaphore_mem>>) attributes {dimension_semantics = [#tpu.dimension_semantics<core_parallel>, #tpu.dimension_semantics<subcore_parallel>], iteration_bounds = array<i64: 2, 16>, scalar_prefetch = 0 : i64, scratch_operands = 9 : i64, tpu.core_type = #tpu.core_type<sc_vector_subcore>, window_params = [{transform_indices = #map}, {transform_indices = #map1}]} {
    %mul3A = arith.constant 2 : i32
    %mul3A_0 = arith.muli %arg1, %mul3A : i32
    %add3A = arith.addi %mul3A_0, %arg0 : i32
    %mul3A_1 = arith.constant 4 : i32
    %mul3A_2 = arith.muli %add3A, %mul3A_1 : i32
    %dma_start3A = arith.constant 0 : i32
    %dma_start3A_3 = tpu.memref_slice %arg2[%mul3A_2, %dma_start3A] : memref<128x32768xf32, #tpu.memory_space<hbm>> -> memref<1x32768xf32, #tpu.memory_space<hbm>>
    %dma_start3A_4 = tpu.memref_squeeze %dma_start3A_3 : memref<1x32768xf32, #tpu.memory_space<hbm>> -> memref<32768xf32, #tpu.memory_space<hbm>>
    %dma_start3A_5 = arith.constant 0 : i32
    %dma_start3A_6 = tpu.memref_slice %arg2[%mul3A_2, %dma_start3A_5] : memref<128x32768xf32, #tpu.memory_space<hbm>> -> memref<1x32768xf32, #tpu.memory_space<hbm>>
    %dma_start3A_7 = tpu.memref_squeeze %dma_start3A_6 : memref<1x32768xf32, #tpu.memory_space<hbm>> -> memref<32768xf32, #tpu.memory_space<hbm>>
    tpu.enqueue_dma source(%dma_start3A_7 : memref<32768xf32, #tpu.memory_space<hbm>>) target(%arg4 : memref<32768xf32, #tpu.memory_space<vmem>>) target_semaphore(%arg11 : memref<!tpu.dma_semaphore, #tpu.memory_space<semaphore_mem>>)
    %add3A_8 = arith.constant 0 : i32
    %add3A_9 = arith.addi %mul3A_2, %add3A_8 : i32
    %dma_wait3A = arith.constant 0 : i32
    %dma_wait3A_10 = tpu.memref_slice %arg2[%add3A_9, %dma_wait3A] : memref<128x32768xf32, #tpu.memory_space<hbm>> -> memref<1x32768xf32, #tpu.memory_space<hbm>>
    %dma_wait3A_11 = tpu.memref_squeeze %dma_wait3A_10 : memref<1x32768xf32, #tpu.memory_space<hbm>> -> memref<32768xf32, #tpu.memory_space<hbm>>
    %dma_wait3A_12 = arith.constant 0 : i32
    %dma_wait3A_13 = tpu.memref_slice %arg2[%add3A_9, %dma_wait3A_12] : memref<128x32768xf32, #tpu.memory_space<hbm>> -> memref<1x32768xf32, #tpu.memory_space<hbm>>
    %dma_wait3A_14 = tpu.memref_squeeze %dma_wait3A_13 : memref<1x32768xf32, #tpu.memory_space<hbm>> -> memref<32768xf32, #tpu.memory_space<hbm>>
    tpu.wait_dma2 semaphore(%arg11 : memref<!tpu.dma_semaphore, #tpu.memory_space<semaphore_mem>>) src(%dma_wait3A_14 : memref<32768xf32, #tpu.memory_space<hbm>>) dst(%arg4 : memref<32768xf32, #tpu.memory_space<vmem>>)
    %add3A_15 = arith.constant 0 : i32
    %add3A_16 = arith.addi %mul3A_2, %add3A_15 : i32
    %add3A_17 = arith.constant 1 : i32
    %add3A_18 = arith.addi %add3A_16, %add3A_17 : i32
    %dma_start3A_19 = arith.constant 0 : i32
    %dma_start3A_20 = tpu.memref_slice %arg2[%add3A_18, %dma_start3A_19] : memref<128x32768xf32, #tpu.memory_space<hbm>> -> memref<1x32768xf32, #tpu.memory_space<hbm>>
    %dma_start3A_21 = tpu.memref_squeeze %dma_start3A_20 : memref<1x32768xf32, #tpu.memory_space<hbm>> -> memref<32768xf32, #tpu.memory_space<hbm>>
    %dma_start3A_22 = arith.constant 0 : i32
    %dma_start3A_23 = tpu.memref_slice %arg2[%add3A_18, %dma_start3A_22] : memref<128x32768xf32, #tpu.memory_space<hbm>> -> memref<1x32768xf32, #tpu.memory_space<hbm>>
    %dma_start3A_24 = tpu.memref_squeeze %dma_start3A_23 : memref<1x32768xf32, #tpu.memory_space<hbm>> -> memref<32768xf32, #tpu.memory_space<hbm>>
    tpu.enqueue_dma source(%dma_start3A_24 : memref<32768xf32, #tpu.memory_space<hbm>>) target(%arg5 : memref<32768xf32, #tpu.memory_space<vmem>>) target_semaphore(%arg12 : memref<!tpu.dma_semaphore, #tpu.memory_space<semaphore_mem>>)
    %iota3A = tpu.iota {dimensions = array<i32: 0>} : vector<16xi32>
    %eq3A = arith.constant 0 : i32
    %eq3A_25 = vector.broadcast %eq3A : i32 to vector<16xi32>
    %eq3A_26 = arith.cmpi eq, %iota3A, %eq3A_25 : vector<16xi32>
    %scan3A = arith.constant 0 : i32
    %scan3A_27 = arith.constant 0 : i32
    %scan3A_28 = arith.constant 64 : i32
    %scan3A_29 = arith.addi %scan3A_27, %scan3A_28 : i32
    %scan3A_30 = arith.constant 2 : i32
    scf.for %scan3A_896 = %scan3A_27 to %scan3A_29 step %scan3A_30  : i32 {
      %mul3A_897 = arith.constant 512 : i32
      %mul3A_898 = arith.muli %scan3A_896, %mul3A_897 : i32
      %get3A_899 = arith.index_cast %mul3A_898 : i32 to index
      %get3A_900 = tpu.vector_load %arg4[%get3A_899] {strides = array<i32>} : memref<32768xf32, #tpu.memory_space<vmem>>, vector<16xf32>,
      %add3A_901 = arith.constant 16 : i32
      %add3A_902 = arith.addi %mul3A_898, %add3A_901 : i32
      %get3A_903 = arith.index_cast %add3A_902 : i32 to index
      %get3A_904 = tpu.vector_load %arg4[%get3A_903] {strides = array<i32>} : memref<32768xf32, #tpu.memory_space<vmem>>, vector<16xf32>,
      %add3A_905 = arith.constant 32 : i32
      %add3A_906 = arith.addi %mul3A_898, %add3A_905 : i32
      %get3A_907 = arith.index_cast %add3A_906 : i32 to index
      %get3A_908 = tpu.vector_load %arg4[%get3A_907] {strides = array<i32>} : memref<32768xf32, #tpu.memory_space<vmem>>, vector<16xf32>,
      %add3A_909 = arith.constant 48 : i32
      %add3A_910 = arith.addi %mul3A_898, %add3A_909 : i32
      %get3A_911 = arith.index_cast %add3A_910 : i32 to index
      %get3A_912 = tpu.vector_load %arg4[%get3A_911] {strides = array<i32>} : memref<32768xf32, #tpu.memory_space<vmem>>, vector<16xf32>,
      %add3A_913 = arith.constant 64 : i32
      %add3A_914 = arith.addi %mul3A_898, %add3A_913 : i32
      %get3A_915 = arith.index_cast %add3A_914 : i32 to index
      %get3A_916 = tpu.vector_load %arg4[%get3A_915] {strides = array<i32>} : memref<32768xf32, #tpu.memory_space<vmem>>, vector<16xf32>,
      %max3A_917 = arith.maximumf %get3A_900, %get3A_916 : vector<16xf32>
      %add3A_918 = arith.constant 80 : i32
      %add3A_919 = arith.addi %mul3A_898, %add3A_918 : i32
      %get3A_920 = arith.index_cast %add3A_919 : i32 to index
      %get3A_921 = tpu.vector_load %arg4[%get3A_920] {strides = array<i32>} : memref<32768xf32, #tpu.memory_space<vmem>>, vector<16xf32>,
      %max3A_922 = arith.maximumf %get3A_904, %get3A_921 : vector<16xf32>
      %add3A_923 = arith.constant 96 : i32
      %add3A_924 = arith.addi %mul3A_898, %add3A_923 : i32
      %get3A_925 = arith.index_cast %add3A_924 : i32 to index
      %get3A_926 = tpu.vector_load %arg4[%get3A_925] {strides = array<i32>} : memref<32768xf32, #tpu.memory_space<vmem>>, vector<16xf32>,
      %max3A_927 = arith.maximumf %get3A_908, %get3A_926 : vector<16xf32>
      %add3A_928 = arith.constant 112 : i32
      %add3A_929 = arith.addi %mul3A_898, %add3A_928 : i32
      %get3A_930 = arith.index_cast %add3A_929 : i32 to index
      %get3A_931 = tpu.vector_load %arg4[%get3A_930] {strides = array<i32>} : memref<32768xf32, #tpu.memory_space<vmem>>, vector<16xf32>,
      %max3A_932 = arith.maximumf %get3A_912, %get3A_931 : vector<16xf32>
      %add3A_933 = arith.constant 128 : i32
      %add3A_934 = arith.addi %mul3A_898, %add3A_933 : i32
      %get3A_935 = arith.index_cast %add3A_934 : i32 to index
      %get3A_936 = tpu.vector_load %arg4[%get3A_935] {strides = array<i32>} : memref<32768xf32, #tpu.memory_space<vmem>>, vector<16xf32>,
      %max3A_937 = arith.maximumf %max3A_917, %get3A_936 : vector<16xf32>
      %add3A_938 = arith.constant 144 : i32
      %add3A_939 = arith.addi %mul3A_898, %add3A_938 : i32
      %get3A_940 = arith.index_cast %add3A_939 : i32 to index
      %get3A_941 = tpu.vector_load %arg4[%get3A_940] {strides = array<i32>} : memref<32768xf32, #tpu.memory_space<vmem>>, vector<16xf32>,
      %max3A_942 = arith.maximumf %max3A_922, %get3A_941 : vector<16xf32>
      %add3A_943 = arith.constant 160 : i32
      %add3A_944 = arith.addi %mul3A_898, %add3A_943 : i32
      %get3A_945 = arith.index_cast %add3A_944 : i32 to index
      %get3A_946 = tpu.vector_load %arg4[%get3A_945] {strides = array<i32>} : memref<32768xf32, #tpu.memory_space<vmem>>, vector<16xf32>,
      %max3A_947 = arith.maximumf %max3A_927, %get3A_946 : vector<16xf32>
      %add3A_948 = arith.constant 176 : i32
      %add3A_949 = arith.addi %mul3A_898, %add3A_948 : i32
      %get3A_950 = arith.index_cast %add3A_949 : i32 to index
      %get3A_951 = tpu.vector_load %arg4[%get3A_950] {strides = array<i32>} : memref<32768xf32, #tpu.memory_space<vmem>>, vector<16xf32>,
      %max3A_952 = arith.maximumf %max3A_932, %get3A_951 : vector<16xf32>
      %add3A_953 = arith.constant 192 : i32
      %add3A_954 = arith.addi %mul3A_898, %add3A_953 : i32
      %get3A_955 = arith.index_cast %add3A_954 : i32 to index
      %get3A_956 = tpu.vector_load %arg4[%get3A_955] {strides = array<i32>} : memref<32768xf32, #tpu.memory_space<vmem>>, vector<16xf32>,
      %max3A_957 = arith.maximumf %max3A_937, %get3A_956 : vector<16xf32>
      %add3A_958 = arith.constant 208 : i32
      %add3A_959 = arith.addi %mul3A_898, %add3A_958 : i32
      %get3A_960 = arith.index_cast %add3A_959 : i32 to index
      %get3A_961 = tpu.vector_load %arg4[%get3A_960] {strides = array<i32>} : memref<32768xf32, #tpu.memory_space<vmem>>, vector<16xf32>,
      %max3A_962 = arith.maximumf %max3A_942, %get3A_961 : vector<16xf32>
      %add3A_963 = arith.constant 224 : i32
      %add3A_964 = arith.addi %mul3A_898, %add3A_963 : i32
      %get3A_965 = arith.index_cast %add3A_964 : i32 to index
      %get3A_966 = tpu.vector_load %arg4[%get3A_965] {strides = array<i32>} : memref<32768xf32, #tpu.memory_space<vmem>>, vector<16xf32>,
      %max3A_967 = arith.maximumf %max3A_947, %get3A_966 : vector<16xf32>
      %add3A_968 = arith.constant 240 : i32
      %add3A_969 = arith.addi %mul3A_898, %add3A_968 : i32
      %get3A_970 = arith.index_cast %add3A_969 : i32 to index
      %get3A_971 = tpu.vector_load %arg4[%get3A_970] {strides = array<i32>} : memref<32768xf32, #tpu.memory_space<vmem>>, vector<16xf32>,
      %max3A_972 = arith.maximumf %max3A_952, %get3A_971 : vector<16xf32>
      %add3A_973 = arith.constant 256 : i32
      %add3A_974 = arith.addi %mul3A_898, %add3A_973 : i32
      %get3A_975 = arith.index_cast %add3A_974 : i32 to index
      %get3A_976 = tpu.vector_load %arg4[%get3A_975] {strides = array<i32>} : memref<32768xf32, #tpu.memory_space<vmem>>, vector<16xf32>,
      %max3A_977 = arith.maximumf %max3A_957, %get3A_976 : vector<16xf32>
      %add3A_978 = arith.constant 272 : i32
      %add3A_979 = arith.addi %mul3A_898, %add3A_978 : i32
      %get3A_980 = arith.index_cast %add3A_979 : i32 to index
      %get3A_981 = tpu.vector_load %arg4[%get3A_980] {strides = array<i32>} : memref<32768xf32, #tpu.memory_space<vmem>>, vector<16xf32>,
      %max3A_982 = arith.maximumf %max3A_962, %get3A_981 : vector<16xf32>
      %add3A_983 = arith.constant 288 : i32
      %add3A_984 = arith.addi %mul3A_898, %add3A_983 : i32
      %get3A_985 = arith.index_cast %add3A_984 : i32 to index
      %get3A_986 = tpu.vector_load %arg4[%get3A_985] {strides = array<i32>} : memref<32768xf32, #tpu.memory_space<vmem>>, vector<16xf32>,
      %max3A_987 = arith.maximumf %max3A_967, %get3A_986 : vector<16xf32>
      %add3A_988 = arith.constant 304 : i32
      %add3A_989 = arith.addi %mul3A_898, %add3A_988 : i32
      %get3A_990 = arith.index_cast %add3A_989 : i32 to index
      %get3A_991 = tpu.vector_load %arg4[%get3A_990] {strides = array<i32>} : memref<32768xf32, #tpu.memory_space<vmem>>, vector<16xf32>,
      %max3A_992 = arith.maximumf %max3A_972, %get3A_991 : vector<16xf32>
      %add3A_993 = arith.constant 320 : i32
      %add3A_994 = arith.addi %mul3A_898, %add3A_993 : i32
      %get3A_995 = arith.index_cast %add3A_994 : i32 to index
      %get3A_996 = tpu.vector_load %arg4[%get3A_995] {strides = array<i32>} : memref<32768xf32, #tpu.memory_space<vmem>>, vector<16xf32>,
      %max3A_997 = arith.maximumf %max3A_977, %get3A_996 : vector<16xf32>
      %add3A_998 = arith.constant 336 : i32
      %add3A_999 = arith.addi %mul3A_898, %add3A_998 : i32
      %get3A_1000 = arith.index_cast %add3A_999 : i32 to index
      %get3A_1001 = tpu.vector_load %arg4[%get3A_1000] {strides = array<i32>} : memref<32768xf32, #tpu.memory_space<vmem>>, vector<16xf32>,
      %max3A_1002 = arith.maximumf %max3A_982, %get3A_1001 : vector<16xf32>
      %add3A_1003 = arith.constant 352 : i32
      %add3A_1004 = arith.addi %mul3A_898, %add3A_1003 : i32
      %get3A_1005 = arith.index_cast %add3A_1004 : i32 to index
      %get3A_1006 = tpu.vector_load %arg4[%get3A_1005] {strides = array<i32>} : memref<32768xf32, #tpu.memory_space<vmem>>, vector<16xf32>,
      %max3A_1007 = arith.maximumf %max3A_987, %get3A_1006 : vector<16xf32>
      %add3A_1008 = arith.constant 368 : i32
      %add3A_1009 = arith.addi %mul3A_898, %add3A_1008 : i32
      %get3A_1010 = arith.index_cast %add3A_1009 : i32 to index
      %get3A_1011 = tpu.vector_load %arg4[%get3A_1010] {strides = array<i32>} : memref<32768xf32, #tpu.memory_space<vmem>>, vector<16xf32>,
      %max3A_1012 = arith.maximumf %max3A_992, %get3A_1011 : vector<16xf32>
      %add3A_1013 = arith.constant 384 : i32
      %add3A_1014 = arith.addi %mul3A_898, %add3A_1013 : i32
      %get3A_1015 = arith.index_cast %add3A_1014 : i32 to index
      %get3A_1016 = tpu.vector_load %arg4[%get3A_1015] {strides = array<i32>} : memref<32768xf32, #tpu.memory_space<vmem>>, vector<16xf32>,
      %max3A_1017 = arith.maximumf %max3A_997, %get3A_1016 : vector<16xf32>
      %add3A_1018 = arith.constant 400 : i32
      %add3A_1019 = arith.addi %mul3A_898, %add3A_1018 : i32
      %get3A_1020 = arith.index_cast %add3A_1019 : i32 to index
      %get3A_1021 = tpu.vector_load %arg4[%get3A_1020] {strides = array<i32>} : memref<32768xf32, #tpu.memory_space<vmem>>, vector<16xf32>,
      %max3A_1022 = arith.maximumf %max3A_1002, %get3A_1021 : vector<16xf32>
      %add3A_1023 = arith.constant 416 : i32
      %add3A_1024 = arith.addi %mul3A_898, %add3A_1023 : i32
      %get3A_1025 = arith.index_cast %add3A_1024 : i32 to index
      %get3A_1026 = tpu.vector_load %arg4[%get3A_1025] {strides = array<i32>} : memref<32768xf32, #tpu.memory_space<vmem>>, vector<16xf32>,
      %max3A_1027 = arith.maximumf %max3A_1007, %get3A_1026 : vector<16xf32>
      %add3A_1028 = arith.constant 432 : i32
      %add3A_1029 = arith.addi %mul3A_898, %add3A_1028 : i32
      %get3A_1030 = arith.index_cast %add3A_1029 : i32 to index
      %get3A_1031 = tpu.vector_load %arg4[%get3A_1030] {strides = array<i32>} : memref<32768xf32, #tpu.memory_space<vmem>>, vector<16xf32>,
      %max3A_1032 = arith.maximumf %max3A_1012, %get3A_1031 : vector<16xf32>
      %add3A_1033 = arith.constant 448 : i32
      %add3A_1034 = arith.addi %mul3A_898, %add3A_1033 : i32
      %get3A_1035 = arith.index_cast %add3A_1034 : i32 to index
      %get3A_1036 = tpu.vector_load %arg4[%get3A_1035] {strides = array<i32>} : memref<32768xf32, #tpu.memory_space<vmem>>, vector<16xf32>,
      %max3A_1037 = arith.maximumf %max3A_1017, %get3A_1036 : vector<16xf32>
      %add3A_1038 = arith.constant 464 : i32
      %add3A_1039 = arith.addi %mul3A_898, %add3A_1038 : i32
      %get3A_1040 = arith.index_cast %add3A_1039 : i32 to index
      %get3A_1041 = tpu.vector_load %arg4[%get3A_1040] {strides = array<i32>} : memref<32768xf32, #tpu.memory_space<vmem>>, vector<16xf32>,
      %max3A_1042 = arith.maximumf %max3A_1022, %get3A_1041 : vector<16xf32>
      %add3A_1043 = arith.constant 480 : i32
      %add3A_1044 = arith.addi %mul3A_898, %add3A_1043 : i32
      %get3A_1045 = arith.index_cast %add3A_1044 : i32 to index
      %get3A_1046 = tpu.vector_load %arg4[%get3A_1045] {strides = array<i32>} : memref<32768xf32, #tpu.memory_space<vmem>>, vector<16xf32>,
      %max3A_1047 = arith.maximumf %max3A_1027, %get3A_1046 : vector<16xf32>
      %add3A_1048 = arith.constant 496 : i32
      %add3A_1049 = arith.addi %mul3A_898, %add3A_1048 : i32
      %get3A_1050 = arith.index_cast %add3A_1049 : i32 to index
      %get3A_1051 = tpu.vector_load %arg4[%get3A_1050] {strides = array<i32>} : memref<32768xf32, #tpu.memory_space<vmem>>, vector<16xf32>,
      %max3A_1052 = arith.maximumf %max3A_1032, %get3A_1051 : vector<16xf32>
      %max3A_1053 = arith.maximumf %max3A_1037, %max3A_1042 : vector<16xf32>
      %max3A_1054 = arith.maximumf %max3A_1047, %max3A_1052 : vector<16xf32>
      %max3A_1055 = arith.maximumf %max3A_1053, %max3A_1054 : vector<16xf32>
      %mul3A_1056 = arith.constant 16 : i32
      %mul3A_1057 = arith.muli %scan3A_896, %mul3A_1056 : i32
      %swap3A_1058 = arith.index_cast %mul3A_1057 : i32 to index
      %swap3A_1059 = tpu.vector_load %arg6[%swap3A_1058] {strides = array<i32>} : memref<1024xf32, #tpu.memory_space<vmem>>, vector<16xf32>,
      tpu.vector_store %arg6[%swap3A_1058], %max3A_1055 {strides = array<i32>} : memref<1024xf32, #tpu.memory_space<vmem>>, vector<16xf32>,
      %masked_sort3A_1060 = arith.constant dense<true> : vector<16xi1>
      %masked_sort3A_1061, %masked_sort3A_1062, %masked_sort3A_1063 = tpu.sort %max3A_1055, %max3A_1055 masked %masked_sort3A_1060 {descending = true} : (vector<16xf32>, vector<16xf32>, vector<16xi1>) -> (vector<16xi1>, vector<16xf32>, vector<16xf32>)
      %broadcast_in_dim3A_1064 = vector.broadcast %scan3A_896 : i32 to vector<16xi32>
      tpu.vector_store_idx %arg7[%broadcast_in_dim3A_1064], %masked_sort3A_1062 masked %eq3A_26 : memref<64xf32, #tpu.memory_space<vmem>>[vector<16xi32>], vector<16xf32>, vector<16xi1>
      %scan3A_1065 = arith.constant 1 : i32
      %scan3A_1066 = arith.addi %scan3A_896, %scan3A_1065 : i32
      %mul3A_1067 = arith.constant 512 : i32
      %mul3A_1068 = arith.muli %scan3A_1066, %mul3A_1067 : i32
      %get3A_1069 = arith.index_cast %mul3A_1068 : i32 to index
      %get3A_1070 = tpu.vector_load %arg4[%get3A_1069] {strides = array<i32>} : memref<32768xf32, #tpu.memory_space<vmem>>, vector<16xf32>,
      %add3A_1071 = arith.constant 16 : i32
      %add3A_1072 = arith.addi %mul3A_1068, %add3A_1071 : i32
      %get3A_1073 = arith.index_cast %add3A_1072 : i32 to index
      %get3A_1074 = tpu.vector_load %arg4[%get3A_1073] {strides = array<i32>} : memref<32768xf32, #tpu.memory_space<vmem>>, vector<16xf32>,
      %add3A_1075 = arith.constant 32 : i32
      %add3A_1076 = arith.addi %mul3A_1068, %add3A_1075 : i32
      %get3A_1077 = arith.index_cast %add3A_1076 : i32 to index
      %get3A_1078 = tpu.vector_load %arg4[%get3A_1077] {strides = array<i32>} : memref<32768xf32, #tpu.memory_space<vmem>>, vector<16xf32>,
      %add3A_1079 = arith.constant 48 : i32
      %add3A_1080 = arith.addi %mul3A_1068, %add3A_1079 : i32
      %get3A_1081 = arith.index_cast %add3A_1080 : i32 to index
      %get3A_1082 = tpu.vector_load %arg4[%get3A_1081] {strides = array<i32>} : memref<32768xf32, #tpu.memory_space<vmem>>, vector<16xf32>,
      %add3A_1083 = arith.constant 64 : i32
      %add3A_1084 = arith.addi %mul3A_1068, %add3A_1083 : i32
      %get3A_1085 = arith.index_cast %add3A_1084 : i32 to index
      %get3A_1086 = tpu.vector_load %arg4[%get3A_1085] {strides = array<i32>} : memref<32768xf32, #tpu.memory_space<vmem>>, vector<16xf32>,
      %max3A_1087 = arith.maximumf %get3A_1070, %get3A_1086 : vector<16xf32>
      %add3A_1088 = arith.constant 80 : i32
      %add3A_1089 = arith.addi %mul3A_1068, %add3A_1088 : i32
      %get3A_1090 = arith.index_cast %add3A_1089 : i32 to index
      %get3A_1091 = tpu.vector_load %arg4[%get3A_1090] {strides = array<i32>} : memref<32768xf32, #tpu.memory_space<vmem>>, vector<16xf32>,
      %max3A_1092 = arith.maximumf %get3A_1074, %get3A_1091 : vector<16xf32>
      %add3A_1093 = arith.constant 96 : i32
      %add3A_1094 = arith.addi %mul3A_1068, %add3A_1093 : i32
      %get3A_1095 = arith.index_cast %add3A_1094 : i32 to index
      %get3A_1096 = tpu.vector_load %arg4[%get3A_1095] {strides = array<i32>} : memref<32768xf32, #tpu.memory_space<vmem>>, vector<16xf32>,
      %max3A_1097 = arith.maximumf %get3A_1078, %get3A_1096 : vector<16xf32>
      %add3A_1098 = arith.constant 112 : i32
      %add3A_1099 = arith.addi %mul3A_1068, %add3A_1098 : i32
      %get3A_1100 = arith.index_cast %add3A_1099 : i32 to index
      %get3A_1101 = tpu.vector_load %arg4[%get3A_1100] {strides = array<i32>} : memref<32768xf32, #tpu.memory_space<vmem>>, vector<16xf32>,
      %max3A_1102 = arith.maximumf %get3A_1082, %get3A_1101 : vector<16xf32>
      %add3A_1103 = arith.constant 128 : i32
      %add3A_1104 = arith.addi %mul3A_1068, %add3A_1103 : i32
      %get3A_1105 = arith.index_cast %add3A_1104 : i32 to index
      %get3A_1106 = tpu.vector_load %arg4[%get3A_1105] {strides = array<i32>} : memref<32768xf32, #tpu.memory_space<vmem>>, vector<16xf32>,
      %max3A_1107 = arith.maximumf %max3A_1087, %get3A_1106 : vector<16xf32>
      %add3A_1108 = arith.constant 144 : i32
      %add3A_1109 = arith.addi %mul3A_1068, %add3A_1108 : i32
      %get3A_1110 = arith.index_cast %add3A_1109 : i32 to index
      %get3A_1111 = tpu.vector_load %arg4[%get3A_1110] {strides = array<i32>} : memref<32768xf32, #tpu.memory_space<vmem>>, vector<16xf32>,
      %max3A_1112 = arith.maximumf %max3A_1092, %get3A_1111 : vector<16xf32>
      %add3A_1113 = arith.constant 160 : i32
      %add3A_1114 = arith.addi %mul3A_1068, %add3A_1113 : i32
      %get3A_1115 = arith.index_cast %add3A_1114 : i32 to index
      %get3A_1116 = tpu.vector_load %arg4[%get3A_1115] {strides = array<i32>} : memref<32768xf32, #tpu.memory_space<vmem>>, vector<16xf32>,
      %max3A_1117 = arith.maximumf %max3A_1097, %get3A_1116 : vector<16xf32>
      %add3A_1118 = arith.constant 176 : i32
      %add3A_1119 = arith.addi %mul3A_1068, %add3A_1118 : i32
      %get3A_1120 = arith.index_cast %add3A_1119 : i32 to index
      %get3A_1121 = tpu.vector_load %arg4[%get3A_1120] {strides = array<i32>} : memref<32768xf32, #tpu.memory_space<vmem>>, vector<16xf32>,
      %max3A_1122 = arith.maximumf %max3A_1102, %get3A_1121 : vector<16xf32>
      %add3A_1123 = arith.constant 192 : i32
      %add3A_1124 = arith.addi %mul3A_1068, %add3A_1123 : i32
      %get3A_1125 = arith.index_cast %add3A_1124 : i32 to index
      %get3A_1126 = tpu.vector_load %arg4[%get3A_1125] {strides = array<i32>} : memref<32768xf32, #tpu.memory_space<vmem>>, vector<16xf32>,
      %max3A_1127 = arith.maximumf %max3A_1107, %get3A_1126 : vector<16xf32>
      %add3A_1128 = arith.constant 208 : i32
      %add3A_1129 = arith.addi %mul3A_1068, %add3A_1128 : i32
      %get3A_1130 = arith.index_cast %add3A_1129 : i32 to index
      %get3A_1131 = tpu.vector_load %arg4[%get3A_1130] {strides = array<i32>} : memref<32768xf32, #tpu.memory_space<vmem>>, vector<16xf32>,
      %max3A_1132 = arith.maximumf %max3A_1112, %get3A_1131 : vector<16xf32>
      %add3A_1133 = arith.constant 224 : i32
      %add3A_1134 = arith.addi %mul3A_1068, %add3A_1133 : i32
      %get3A_1135 = arith.index_cast %add3A_1134 : i32 to index
      %get3A_1136 = tpu.vector_load %arg4[%get3A_1135] {strides = array<i32>} : memref<32768xf32, #tpu.memory_space<vmem>>, vector<16xf32>,
      %max3A_1137 = arith.maximumf %max3A_1117, %get3A_1136 : vector<16xf32>
      %add3A_1138 = arith.constant 240 : i32
      %add3A_1139 = arith.addi %mul3A_1068, %add3A_1138 : i32
      %get3A_1140 = arith.index_cast %add3A_1139 : i32 to index
      %get3A_1141 = tpu.vector_load %arg4[%get3A_1140] {strides = array<i32>} : memref<32768xf32, #tpu.memory_space<vmem>>, vector<16xf32>,
      %max3A_1142 = arith.maximumf %max3A_1122, %get3A_1141 : vector<16xf32>
      %add3A_1143 = arith.constant 256 : i32
      %add3A_1144 = arith.addi %mul3A_1068, %add3A_1143 : i32
      %get3A_1145 = arith.index_cast %add3A_1144 : i32 to index
      %get3A_1146 = tpu.vector_load %arg4[%get3A_1145] {strides = array<i32>} : memref<32768xf32, #tpu.memory_space<vmem>>, vector<16xf32>,
      %max3A_1147 = arith.maximumf %max3A_1127, %get3A_1146 : vector<16xf32>
      %add3A_1148 = arith.constant 272 : i32
      %add3A_1149 = arith.addi %mul3A_1068, %add3A_1148 : i32
      %get3A_1150 = arith.index_cast %add3A_1149 : i32 to index
      %get3A_1151 = tpu.vector_load %arg4[%get3A_1150] {strides = array<i32>} : memref<32768xf32, #tpu.memory_space<vmem>>, vector<16xf32>,
      %max3A_1152 = arith.maximumf %max3A_1132, %get3A_1151 : vector<16xf32>
      %add3A_1153 = arith.constant 288 : i32
      %add3A_1154 = arith.addi %mul3A_1068, %add3A_1153 : i32
      %get3A_1155 = arith.index_cast %add3A_1154 : i32 to index
      %get3A_1156 = tpu.vector_load %arg4[%get3A_1155] {strides = array<i32>} : memref<32768xf32, #tpu.memory_space<vmem>>, vector<16xf32>,
      %max3A_1157 = arith.maximumf %max3A_1137, %get3A_1156 : vector<16xf32>
      %add3A_1158 = arith.constant 304 : i32
      %add3A_1159 = arith.addi %mul3A_1068, %add3A_1158 : i32
      %get3A_1160 = arith.index_cast %add3A_1159 : i32 to index
      %get3A_1161 = tpu.vector_load %arg4[%get3A_1160] {strides = array<i32>} : memref<32768xf32, #tpu.memory_space<vmem>>, vector<16xf32>,
      %max3A_1162 = arith.maximumf %max3A_1142, %get3A_1161 : vector<16xf32>
      %add3A_1163 = arith.constant 320 : i32
      %add3A_1164 = arith.addi %mul3A_1068, %add3A_1163 : i32
      %get3A_1165 = arith.index_cast %add3A_1164 : i32 to index
      %get3A_1166 = tpu.vector_load %arg4[%get3A_1165] {strides = array<i32>} : memref<32768xf32, #tpu.memory_space<vmem>>, vector<16xf32>,
      %max3A_1167 = arith.maximumf %max3A_1147, %get3A_1166 : vector<16xf32>
      %add3A_1168 = arith.constant 336 : i32
      %add3A_1169 = arith.addi %mul3A_1068, %add3A_1168 : i32
      %get3A_1170 = arith.index_cast %add3A_1169 : i32 to index
      %get3A_1171 = tpu.vector_load %arg4[%get3A_1170] {strides = array<i32>} : memref<32768xf32, #tpu.memory_space<vmem>>, vector<16xf32>,
      %max3A_1172 = arith.maximumf %max3A_1152, %get3A_1171 : vector<16xf32>
      %add3A_1173 = arith.constant 352 : i32
      %add3A_1174 = arith.addi %mul3A_1068, %add3A_1173 : i32
      %get3A_1175 = arith.index_cast %add3A_1174 : i32 to index
      %get3A_1176 = tpu.vector_load %arg4[%get3A_1175] {strides = array<i32>} : memref<32768xf32, #tpu.memory_space<vmem>>, vector<16xf32>,
      %max3A_1177 = arith.maximumf %max3A_1157, %get3A_1176 : vector<16xf32>
      %add3A_1178 = arith.constant 368 : i32
      %add3A_1179 = arith.addi %mul3A_1068, %add3A_1178 : i32
      %get3A_1180 = arith.index_cast %add3A_1179 : i32 to index
      %get3A_1181 = tpu.vector_load %arg4[%get3A_1180] {strides = array<i32>} : memref<32768xf32, #tpu.memory_space<vmem>>, vector<16xf32>,
      %max3A_1182 = arith.maximumf %max3A_1162, %get3A_1181 : vector<16xf32>
      %add3A_1183 = arith.constant 384 : i32
      %add3A_1184 = arith.addi %mul3A_1068, %add3A_1183 : i32
      %get3A_1185 = arith.index_cast %add3A_1184 : i32 to index
      %get3A_1186 = tpu.vector_load %arg4[%get3A_1185] {strides = array<i32>} : memref<32768xf32, #tpu.memory_space<vmem>>, vector<16xf32>,
      %max3A_1187 = arith.maximumf %max3A_1167, %get3A_1186 : vector<16xf32>
      %add3A_1188 = arith.constant 400 : i32
      %add3A_1189 = arith.addi %mul3A_1068, %add3A_1188 : i32
      %get3A_1190 = arith.index_cast %add3A_1189 : i32 to index
      %get3A_1191 = tpu.vector_load %arg4[%get3A_1190] {strides = array<i32>} : memref<32768xf32, #tpu.memory_space<vmem>>, vector<16xf32>,
      %max3A_1192 = arith.maximumf %max3A_1172, %get3A_1191 : vector<16xf32>
      %add3A_1193 = arith.constant 416 : i32
      %add3A_1194 = arith.addi %mul3A_1068, %add3A_1193 : i32
      %get3A_1195 = arith.index_cast %add3A_1194 : i32 to index
      %get3A_1196 = tpu.vector_load %arg4[%get3A_1195] {strides = array<i32>} : memref<32768xf32, #tpu.memory_space<vmem>>, vector<16xf32>,
      %max3A_1197 = arith.maximumf %max3A_1177, %get3A_1196 : vector<16xf32>
      %add3A_1198 = arith.constant 432 : i32
      %add3A_1199 = arith.addi %mul3A_1068, %add3A_1198 : i32
      %get3A_1200 = arith.index_cast %add3A_1199 : i32 to index
      %get3A_1201 = tpu.vector_load %arg4[%get3A_1200] {strides = array<i32>} : memref<32768xf32, #tpu.memory_space<vmem>>, vector<16xf32>,
      %max3A_1202 = arith.maximumf %max3A_1182, %get3A_1201 : vector<16xf32>
      %add3A_1203 = arith.constant 448 : i32
      %add3A_1204 = arith.addi %mul3A_1068, %add3A_1203 : i32
      %get3A_1205 = arith.index_cast %add3A_1204 : i32 to index
      %get3A_1206 = tpu.vector_load %arg4[%get3A_1205] {strides = array<i32>} : memref<32768xf32, #tpu.memory_space<vmem>>, vector<16xf32>,
      %max3A_1207 = arith.maximumf %max3A_1187, %get3A_1206 : vector<16xf32>
      %add3A_1208 = arith.constant 464 : i32
      %add3A_1209 = arith.addi %mul3A_1068, %add3A_1208 : i32
      %get3A_1210 = arith.index_cast %add3A_1209 : i32 to index
      %get3A_1211 = tpu.vector_load %arg4[%get3A_1210] {strides = array<i32>} : memref<32768xf32, #tpu.memory_space<vmem>>, vector<16xf32>,
      %max3A_1212 = arith.maximumf %max3A_1192, %get3A_1211 : vector<16xf32>
      %add3A_1213 = arith.constant 480 : i32
      %add3A_1214 = arith.addi %mul3A_1068, %add3A_1213 : i32
      %get3A_1215 = arith.index_cast %add3A_1214 : i32 to index
      %get3A_1216 = tpu.vector_load %arg4[%get3A_1215] {strides = array<i32>} : memref<32768xf32, #tpu.memory_space<vmem>>, vector<16xf32>,
      %max3A_1217 = arith.maximumf %max3A_1197, %get3A_1216 : vector<16xf32>
      %add3A_1218 = arith.constant 496 : i32
      %add3A_1219 = arith.addi %mul3A_1068, %add3A_1218 : i32
      %get3A_1220 = arith.index_cast %add3A_1219 : i32 to index
      %get3A_1221 = tpu.vector_load %arg4[%get3A_1220] {strides = array<i32>} : memref<32768xf32, #tpu.memory_space<vmem>>, vector<16xf32>,
      %max3A_1222 = arith.maximumf %max3A_1202, %get3A_1221 : vector<16xf32>
      %max3A_1223 = arith.maximumf %max3A_1207, %max3A_1212 : vector<16xf32>
      %max3A_1224 = arith.maximumf %max3A_1217, %max3A_1222 : vector<16xf32>
      %max3A_1225 = arith.maximumf %max3A_1223, %max3A_1224 : vector<16xf32>
      %mul3A_1226 = arith.constant 16 : i32
      %mul3A_1227 = arith.muli %scan3A_1066, %mul3A_1226 : i32
      %swap3A_1228 = arith.index_cast %mul3A_1227 : i32 to index
      %swap3A_1229 = tpu.vector_load %arg6[%swap3A_1228] {strides = array<i32>} : memref<1024xf32, #tpu.memory_space<vmem>>, vector<16xf32>,
      tpu.vector_store %arg6[%swap3A_1228], %max3A_1225 {strides = array<i32>} : memref<1024xf32, #tpu.memory_space<vmem>>, vector<16xf32>,
      %masked_sort3A_1230 = arith.constant dense<true> : vector<16xi1>
      %masked_sort3A_1231, %masked_sort3A_1232, %masked_sort3A_1233 = tpu.sort %max3A_1225, %max3A_1225 masked %masked_sort3A_1230 {descending = true} : (vector<16xf32>, vector<16xf32>, vector<16xi1>) -> (vector<16xi1>, vector<16xf32>, vector<16xf32>)
      %broadcast_in_dim3A_1234 = vector.broadcast %scan3A_1066 : i32 to vector<16xi32>
      tpu.vector_store_idx %arg7[%broadcast_in_dim3A_1234], %masked_sort3A_1232 masked %eq3A_26 : memref<64xf32, #tpu.memory_space<vmem>>[vector<16xi32>], vector<16xf32>, vector<16xi1>
    }
    %scan3A_31 = arith.constant 64 : i32
    %get3A = arith.constant 0 : index
    %get3A_32 = tpu.vector_load %arg7[%get3A] {strides = array<i32>} : memref<64xf32, #tpu.memory_space<vmem>>, vector<16xf32>,
    %masked_sort3A = arith.constant dense<true> : vector<16xi1>
    %masked_sort3A_33, %masked_sort3A_34, %masked_sort3A_35 = tpu.sort %get3A_32, %get3A_32 masked %masked_sort3A {descending = true} : (vector<16xf32>, vector<16xf32>, vector<16xi1>) -> (vector<16xi1>, vector<16xf32>, vector<16xf32>)
    %get3A_36 = arith.constant 16 : index
    %get3A_37 = tpu.vector_load %arg7[%get3A_36] {strides = array<i32>} : memref<64xf32, #tpu.memory_space<vmem>>, vector<16xf32>,
    %masked_sort3A_38 = arith.constant dense<true> : vector<16xi1>
    %masked_sort3A_39, %masked_sort3A_40, %masked_sort3A_41 = tpu.sort %get3A_37, %get3A_37 masked %masked_sort3A_38 {descending = true} : (vector<16xf32>, vector<16xf32>, vector<16xi1>) -> (vector<16xi1>, vector<16xf32>, vector<16xf32>)
    %get3A_42 = arith.constant 32 : index
    %get3A_43 = tpu.vector_load %arg7[%get3A_42] {strides = array<i32>} : memref<64xf32, #tpu.memory_space<vmem>>, vector<16xf32>,
    %masked_sort3A_44 = arith.constant dense<true> : vector<16xi1>
    %masked_sort3A_45, %masked_sort3A_46, %masked_sort3A_47 = tpu.sort %get3A_43, %get3A_43 masked %masked_sort3A_44 {descending = true} : (vector<16xf32>, vector<16xf32>, vector<16xi1>) -> (vector<16xi1>, vector<16xf32>, vector<16xf32>)
    %get3A_48 = arith.constant 48 : index
    %get3A_49 = tpu.vector_load %arg7[%get3A_48] {strides = array<i32>} : memref<64xf32, #tpu.memory_space<vmem>>, vector<16xf32>,
    %masked_sort3A_50 = arith.constant dense<true> : vector<16xi1>
    %masked_sort3A_51, %masked_sort3A_52, %masked_sort3A_53 = tpu.sort %get3A_49, %get3A_49 masked %masked_sort3A_50 {descending = true} : (vector<16xf32>, vector<16xf32>, vector<16xi1>) -> (vector<16xi1>, vector<16xf32>, vector<16xf32>)
    %rev3A = arith.constant 15 : i32
    %rev3A_54 = vector.broadcast %rev3A : i32 to vector<16xi32>
    %rev3A_55 = tpu.iota {dimensions = array<i32: 0>} : vector<16xi32>
    %rev3A_56 = arith.subi %rev3A_54, %rev3A_55 : vector<16xi32>
    %rev3A_57 = tpu.dynamic_gather %masked_sort3A_40[%rev3A_56] in [0] : vector<16xf32>, vector<16xi32> -> vector<16xf32>
    %max3A = arith.maximumf %masked_sort3A_34, %rev3A_57 : vector<16xf32>
    %masked_sort3A_58 = arith.constant dense<true> : vector<16xi1>
    %masked_sort3A_59, %masked_sort3A_60, %masked_sort3A_61 = tpu.sort %max3A, %max3A masked %masked_sort3A_58 {descending = true} : (vector<16xf32>, vector<16xf32>, vector<16xi1>) -> (vector<16xi1>, vector<16xf32>, vector<16xf32>)
    %rev3A_62 = arith.constant 15 : i32
    %rev3A_63 = vector.broadcast %rev3A_62 : i32 to vector<16xi32>
    %rev3A_64 = tpu.iota {dimensions = array<i32: 0>} : vector<16xi32>
    %rev3A_65 = arith.subi %rev3A_63, %rev3A_64 : vector<16xi32>
    %rev3A_66 = tpu.dynamic_gather %masked_sort3A_52[%rev3A_65] in [0] : vector<16xf32>, vector<16xi32> -> vector<16xf32>
    %max3A_67 = arith.maximumf %masked_sort3A_46, %rev3A_66 : vector<16xf32>
    %masked_sort3A_68 = arith.constant dense<true> : vector<16xi1>
    %masked_sort3A_69, %masked_sort3A_70, %masked_sort3A_71 = tpu.sort %max3A_67, %max3A_67 masked %masked_sort3A_68 {descending = true} : (vector<16xf32>, vector<16xf32>, vector<16xi1>) -> (vector<16xi1>, vector<16xf32>, vector<16xf32>)
    %rev3A_72 = arith.constant 15 : i32
    %rev3A_73 = vector.broadcast %rev3A_72 : i32 to vector<16xi32>
    %rev3A_74 = tpu.iota {dimensions = array<i32: 0>} : vector<16xi32>
    %rev3A_75 = arith.subi %rev3A_73, %rev3A_74 : vector<16xi32>
    %rev3A_76 = tpu.dynamic_gather %masked_sort3A_70[%rev3A_75] in [0] : vector<16xf32>, vector<16xi32> -> vector<16xf32>
    %max3A_77 = arith.maximumf %masked_sort3A_60, %rev3A_76 : vector<16xf32>
    %masked_sort3A_78 = arith.constant dense<true> : vector<16xi1>
    %masked_sort3A_79, %masked_sort3A_80, %masked_sort3A_81 = tpu.sort %max3A_77, %max3A_77 masked %masked_sort3A_78 {descending = true} : (vector<16xf32>, vector<16xf32>, vector<16xi1>) -> (vector<16xi1>, vector<16xf32>, vector<16xf32>)
    %reduce_min3A = arith.constant true
    %reduce_min3A_82 = vector.broadcast %reduce_min3A : i1 to vector<16xi1>
    %reduce_min3A_83 = tpu.scan <min>, %masked_sort3A_80 masked %reduce_min3A_82 : vector<16xf32>, vector<16xi1> -> vector<16xf32>
    %reduce_min3A_84 = vector.extract %reduce_min3A_83[15] : f32 from vector<16xf32>
    %broadcast_in_dim3A = arith.constant 0 : i32
    %broadcast_in_dim3A_85 = vector.broadcast %broadcast_in_dim3A : i32 to vector<16xi32>
    %scan3A_86 = arith.constant 0 : i32
    %mul3A_87 = arith.constant 16 : i32
    %mul3A_88 = arith.muli %scan3A_86, %mul3A_87 : i32
    %get3A_89 = arith.index_cast %mul3A_88 : i32 to index
    %get3A_90 = tpu.vector_load %arg7[%get3A_89] {strides = array<i32>} : memref<64xf32, #tpu.memory_space<vmem>>, vector<16xf32>,
    %gt3A = vector.broadcast %reduce_min3A_84 : f32 to vector<16xf32>
    %gt3A_91 = arith.cmpf ogt, %get3A_90, %gt3A : vector<16xf32>
    %all_reduce_population_count3A = tpu.all_reduce %gt3A_91 {dim = 0 : i64, kind = #tpu.reduction_kind<sum>} : vector<16xi1> -> vector<16xi32>
    %convert_element_type3A = arith.extui %gt3A_91 : vector<16xi1> to vector<16xi32>
    %broadcast_in_dim3A_92 = arith.constant true
    %broadcast_in_dim3A_93 = vector.broadcast %broadcast_in_dim3A_92 : i1 to vector<16xi1>
    %masked_cumsum3A = tpu.scan <sum>, %convert_element_type3A masked %broadcast_in_dim3A_93 : vector<16xi32>, vector<16xi1> -> vector<16xi32>
    %add3A_94 = arith.addi %broadcast_in_dim3A_85, %masked_cumsum3A : vector<16xi32>
    %sub3A = arith.constant 1 : i32
    %sub3A_95 = vector.broadcast %sub3A : i32 to vector<16xi32>
    %sub3A_96 = arith.subi %add3A_94, %sub3A_95 : vector<16xi32>
    %jit3A = arith.constant 31 : i32
    %broadcast_in_dim3A_97 = vector.broadcast %jit3A : i32 to vector<16xi32>
    %select_n3A = arith.select %gt3A_91, %sub3A_96, %broadcast_in_dim3A_97 : vector<16xi1>, vector<16xi32>
    %mul3A_98 = arith.constant 16 : i32
    %mul3A_99 = arith.muli %scan3A_86, %mul3A_98 : i32
    %add3A_100 = vector.broadcast %mul3A_99 : i32 to vector<16xi32>
    %add3A_101 = arith.addi %add3A_100, %iota3A : vector<16xi32>
    tpu.vector_store_idx %arg8[%select_n3A], %add3A_101 masked %gt3A_91 : memref<32xi32, #tpu.memory_space<vmem>>[vector<16xi32>], vector<16xi32>, vector<16xi1>
    %add3A_102 = arith.addi %broadcast_in_dim3A_85, %all_reduce_population_count3A : vector<16xi32>
    %scan3A_103 = arith.constant 1 : i32
    %mul3A_104 = arith.constant 16 : i32
    %mul3A_105 = arith.muli %scan3A_103, %mul3A_104 : i32
    %get3A_106 = arith.index_cast %mul3A_105 : i32 to index
    %get3A_107 = tpu.vector_load %arg7[%get3A_106] {strides = array<i32>} : memref<64xf32, #tpu.memory_space<vmem>>, vector<16xf32>,
    %gt3A_108 = vector.broadcast %reduce_min3A_84 : f32 to vector<16xf32>
    %gt3A_109 = arith.cmpf ogt, %get3A_107, %gt3A_108 : vector<16xf32>
    %all_reduce_population_count3A_110 = tpu.all_reduce %gt3A_109 {dim = 0 : i64, kind = #tpu.reduction_kind<sum>} : vector<16xi1> -> vector<16xi32>
    %convert_element_type3A_111 = arith.extui %gt3A_109 : vector<16xi1> to vector<16xi32>
    %broadcast_in_dim3A_112 = arith.constant true
    %broadcast_in_dim3A_113 = vector.broadcast %broadcast_in_dim3A_112 : i1 to vector<16xi1>
    %masked_cumsum3A_114 = tpu.scan <sum>, %convert_element_type3A_111 masked %broadcast_in_dim3A_113 : vector<16xi32>, vector<16xi1> -> vector<16xi32>
    %add3A_115 = arith.addi %add3A_102, %masked_cumsum3A_114 : vector<16xi32>
    %sub3A_116 = arith.constant 1 : i32
    %sub3A_117 = vector.broadcast %sub3A_116 : i32 to vector<16xi32>
    %sub3A_118 = arith.subi %add3A_115, %sub3A_117 : vector<16xi32>
    %jit3A_119 = arith.constant 31 : i32
    %broadcast_in_dim3A_120 = vector.broadcast %jit3A_119 : i32 to vector<16xi32>
    %select_n3A_121 = arith.select %gt3A_109, %sub3A_118, %broadcast_in_dim3A_120 : vector<16xi1>, vector<16xi32>
    %mul3A_122 = arith.constant 16 : i32
    %mul3A_123 = arith.muli %scan3A_103, %mul3A_122 : i32
    %add3A_124 = vector.broadcast %mul3A_123 : i32 to vector<16xi32>
    %add3A_125 = arith.addi %add3A_124, %iota3A : vector<16xi32>
    tpu.vector_store_idx %arg8[%select_n3A_121], %add3A_125 masked %gt3A_109 : memref<32xi32, #tpu.memory_space<vmem>>[vector<16xi32>], vector<16xi32>, vector<16xi1>
    %add3A_126 = arith.addi %add3A_102, %all_reduce_population_count3A_110 : vector<16xi32>
    %scan3A_127 = arith.constant 2 : i32
    %mul3A_128 = arith.constant 16 : i32
    %mul3A_129 = arith.muli %scan3A_127, %mul3A_128 : i32
    %get3A_130 = arith.index_cast %mul3A_129 : i32 to index
    %get3A_131 = tpu.vector_load %arg7[%get3A_130] {strides = array<i32>} : memref<64xf32, #tpu.memory_space<vmem>>, vector<16xf32>,
    %gt3A_132 = vector.broadcast %reduce_min3A_84 : f32 to vector<16xf32>
    %gt3A_133 = arith.cmpf ogt, %get3A_131, %gt3A_132 : vector<16xf32>
    %all_reduce_population_count3A_134 = tpu.all_reduce %gt3A_133 {dim = 0 : i64, kind = #tpu.reduction_kind<sum>} : vector<16xi1> -> vector<16xi32>
    %convert_element_type3A_135 = arith.extui %gt3A_133 : vector<16xi1> to vector<16xi32>
    %broadcast_in_dim3A_136 = arith.constant true
    %broadcast_in_dim3A_137 = vector.broadcast %broadcast_in_dim3A_136 : i1 to vector<16xi1>
    %masked_cumsum3A_138 = tpu.scan <sum>, %convert_element_type3A_135 masked %broadcast_in_dim3A_137 : vector<16xi32>, vector<16xi1> -> vector<16xi32>
    %add3A_139 = arith.addi %add3A_126, %masked_cumsum3A_138 : vector<16xi32>
    %sub3A_140 = arith.constant 1 : i32
    %sub3A_141 = vector.broadcast %sub3A_140 : i32 to vector<16xi32>
    %sub3A_142 = arith.subi %add3A_139, %sub3A_141 : vector<16xi32>
    %jit3A_143 = arith.constant 31 : i32
    %broadcast_in_dim3A_144 = vector.broadcast %jit3A_143 : i32 to vector<16xi32>
    %select_n3A_145 = arith.select %gt3A_133, %sub3A_142, %broadcast_in_dim3A_144 : vector<16xi1>, vector<16xi32>
    %mul3A_146 = arith.constant 16 : i32
    %mul3A_147 = arith.muli %scan3A_127, %mul3A_146 : i32
    %add3A_148 = vector.broadcast %mul3A_147 : i32 to vector<16xi32>
    %add3A_149 = arith.addi %add3A_148, %iota3A : vector<16xi32>
    tpu.vector_store_idx %arg8[%select_n3A_145], %add3A_149 masked %gt3A_133 : memref<32xi32, #tpu.memory_space<vmem>>[vector<16xi32>], vector<16xi32>, vector<16xi1>
    %add3A_150 = arith.addi %add3A_126, %all_reduce_population_count3A_134 : vector<16xi32>
    %scan3A_151 = arith.constant 3 : i32
    %mul3A_152 = arith.constant 16 : i32
    %mul3A_153 = arith.muli %scan3A_151, %mul3A_152 : i32
    %get3A_154 = arith.index_cast %mul3A_153 : i32 to index
    %get3A_155 = tpu.vector_load %arg7[%get3A_154] {strides = array<i32>} : memref<64xf32, #tpu.memory_space<vmem>>, vector<16xf32>,
    %gt3A_156 = vector.broadcast %reduce_min3A_84 : f32 to vector<16xf32>
    %gt3A_157 = arith.cmpf ogt, %get3A_155, %gt3A_156 : vector<16xf32>
    %all_reduce_population_count3A_158 = tpu.all_reduce %gt3A_157 {dim = 0 : i64, kind = #tpu.reduction_kind<sum>} : vector<16xi1> -> vector<16xi32>
    %convert_element_type3A_159 = arith.extui %gt3A_157 : vector<16xi1> to vector<16xi32>
    %broadcast_in_dim3A_160 = arith.constant true
    %broadcast_in_dim3A_161 = vector.broadcast %broadcast_in_dim3A_160 : i1 to vector<16xi1>
    %masked_cumsum3A_162 = tpu.scan <sum>, %convert_element_type3A_159 masked %broadcast_in_dim3A_161 : vector<16xi32>, vector<16xi1> -> vector<16xi32>
    %add3A_163 = arith.addi %add3A_150, %masked_cumsum3A_162 : vector<16xi32>
    %sub3A_164 = arith.constant 1 : i32
    %sub3A_165 = vector.broadcast %sub3A_164 : i32 to vector<16xi32>
    %sub3A_166 = arith.subi %add3A_163, %sub3A_165 : vector<16xi32>
    %jit3A_167 = arith.constant 31 : i32
    %broadcast_in_dim3A_168 = vector.broadcast %jit3A_167 : i32 to vector<16xi32>
    %select_n3A_169 = arith.select %gt3A_157, %sub3A_166, %broadcast_in_dim3A_168 : vector<16xi1>, vector<16xi32>
    %mul3A_170 = arith.constant 16 : i32
    %mul3A_171 = arith.muli %scan3A_151, %mul3A_170 : i32
    %add3A_172 = vector.broadcast %mul3A_171 : i32 to vector<16xi32>
    %add3A_173 = arith.addi %add3A_172, %iota3A : vector<16xi32>
    tpu.vector_store_idx %arg8[%select_n3A_169], %add3A_173 masked %gt3A_157 : memref<32xi32, #tpu.memory_space<vmem>>[vector<16xi32>], vector<16xi32>, vector<16xi1>
    %add3A_174 = arith.addi %add3A_150, %all_reduce_population_count3A_158 : vector<16xi32>
    %scan3A_175 = arith.constant 4 : i32
    %reduce_max3A = arith.constant true
    %reduce_max3A_176 = vector.broadcast %reduce_max3A : i1 to vector<16xi1>
    %reduce_max3A_177 = arith.constant -2147483648 : i32
    %reduce_max3A_178 = vector.broadcast %reduce_max3A_177 : i32 to vector<16xi32>
    %reduce_max3A_179 = arith.xori %add3A_174, %reduce_max3A_178 : vector<16xi32>
    %reduce_max3A_180 = tpu.scan <max>, %reduce_max3A_179 masked %reduce_max3A_176 : vector<16xi32>, vector<16xi1> -> vector<16xi32>
    %reduce_max3A_181 = arith.xori %reduce_max3A_180, %reduce_max3A_178 : vector<16xi32>
    %reduce_max3A_182 = vector.extract %reduce_max3A_181[15] : i32 from vector<16xi32>
    %while3A = arith.constant 0 : i32
    %while3A_183 = arith.subi %reduce_max3A_182, %while3A : i32
    %while3A_184 = arith.addi %while3A, %while3A_183 : i32
    %while3A_185 = arith.constant 1 : i32
    %while3A_186 = arith.divsi %while3A_183, %while3A_185 : i32
    %while3A_187 = arith.muli %while3A_186, %while3A_185 : i32
    %while3A_188 = arith.addi %while3A, %while3A_187 : i32
    %while3A_189 = arith.constant 1 : i32
    %while3A_190 = scf.for %while3A_896 = %while3A to %while3A_188 step %while3A_189 iter_args(%while3A_897 = %broadcast_in_dim3A_85) -> (vector<16xi32>)  : i32 {
      %get3A_898 = arith.index_cast %while3A_896 : i32 to index
      %get3A_899 = tpu.vector_load %arg8[%get3A_898] {strides = array<i32>} : memref<32xi32, #tpu.memory_space<vmem>>, vector<16xi32>,
      %slice3A = vector.extract_strided_slice %get3A_899 {offsets = [0], sizes = [1], strides = [1]} : vector<16xi32> to vector<1xi32>
      %squeeze3A = vector.extract %slice3A[0] : i32 from vector<1xi32>
      %mul3A_900 = arith.constant 16 : i32
      %mul3A_901 = arith.muli %squeeze3A, %mul3A_900 : i32
      %get3A_902 = arith.index_cast %mul3A_901 : i32 to index
      %get3A_903 = tpu.vector_load %arg6[%get3A_902] {strides = array<i32>} : memref<1024xf32, #tpu.memory_space<vmem>>, vector<16xf32>,
      %gt3A_904 = vector.broadcast %reduce_min3A_84 : f32 to vector<16xf32>
      %gt3A_905 = arith.cmpf ogt, %get3A_903, %gt3A_904 : vector<16xf32>
      %all_reduce_population_count3A_906 = tpu.all_reduce %gt3A_905 {dim = 0 : i64, kind = #tpu.reduction_kind<sum>} : vector<16xi1> -> vector<16xi32>
      %convert_element_type3A_907 = arith.extui %gt3A_905 : vector<16xi1> to vector<16xi32>
      %broadcast_in_dim3A_908 = arith.constant true
      %broadcast_in_dim3A_909 = vector.broadcast %broadcast_in_dim3A_908 : i1 to vector<16xi1>
      %masked_cumsum3A_910 = tpu.scan <sum>, %convert_element_type3A_907 masked %broadcast_in_dim3A_909 : vector<16xi32>, vector<16xi1> -> vector<16xi32>
      %add3A_911 = arith.addi %while3A_897, %masked_cumsum3A_910 : vector<16xi32>
      %sub3A_912 = arith.constant 1 : i32
      %sub3A_913 = vector.broadcast %sub3A_912 : i32 to vector<16xi32>
      %sub3A_914 = arith.subi %add3A_911, %sub3A_913 : vector<16xi32>
      %jit3A_915 = arith.constant 255 : i32
      %broadcast_in_dim3A_916 = vector.broadcast %jit3A_915 : i32 to vector<16xi32>
      %select_n3A_917 = arith.select %gt3A_905, %sub3A_914, %broadcast_in_dim3A_916 : vector<16xi1>, vector<16xi32>
      %mul3A_918 = arith.constant 16 : i32
      %mul3A_919 = arith.muli %squeeze3A, %mul3A_918 : i32
      %add3A_920 = vector.broadcast %mul3A_919 : i32 to vector<16xi32>
      %add3A_921 = arith.addi %add3A_920, %iota3A : vector<16xi32>
      tpu.vector_store_idx %arg9[%select_n3A_917], %add3A_921 masked %gt3A_905 : memref<256xi32, #tpu.memory_space<vmem>>[vector<16xi32>], vector<16xi32>, vector<16xi1>
      %add3A_922 = arith.addi %while3A_897, %all_reduce_population_count3A_906 : vector<16xi32>
      scf.yield %add3A_922 : vector<16xi32>
    }
    %while3A_191 = arith.constant 1 : i32
    %while3A_192 = scf.for %while3A_896 = %while3A_188 to %while3A_184 step %while3A_191 iter_args(%while3A_897 = %while3A_190) -> (vector<16xi32>)  : i32 {
      %get3A_898 = arith.index_cast %while3A_896 : i32 to index
      %get3A_899 = tpu.vector_load %arg8[%get3A_898] {strides = array<i32>} : memref<32xi32, #tpu.memory_space<vmem>>, vector<16xi32>,
      %slice3A = vector.extract_strided_slice %get3A_899 {offsets = [0], sizes = [1], strides = [1]} : vector<16xi32> to vector<1xi32>
      %squeeze3A = vector.extract %slice3A[0] : i32 from vector<1xi32>
      %mul3A_900 = arith.constant 16 : i32
      %mul3A_901 = arith.muli %squeeze3A, %mul3A_900 : i32
      %get3A_902 = arith.index_cast %mul3A_901 : i32 to index
      %get3A_903 = tpu.vector_load %arg6[%get3A_902] {strides = array<i32>} : memref<1024xf32, #tpu.memory_space<vmem>>, vector<16xf32>,
      %gt3A_904 = vector.broadcast %reduce_min3A_84 : f32 to vector<16xf32>
      %gt3A_905 = arith.cmpf ogt, %get3A_903, %gt3A_904 : vector<16xf32>
      %all_reduce_population_count3A_906 = tpu.all_reduce %gt3A_905 {dim = 0 : i64, kind = #tpu.reduction_kind<sum>} : vector<16xi1> -> vector<16xi32>
      %convert_element_type3A_907 = arith.extui %gt3A_905 : vector<16xi1> to vector<16xi32>
      %broadcast_in_dim3A_908 = arith.constant true
      %broadcast_in_dim3A_909 = vector.broadcast %broadcast_in_dim3A_908 : i1 to vector<16xi1>
      %masked_cumsum3A_910 = tpu.scan <sum>, %convert_element_type3A_907 masked %broadcast_in_dim3A_909 : vector<16xi32>, vector<16xi1> -> vector<16xi32>
      %add3A_911 = arith.addi %while3A_897, %masked_cumsum3A_910 : vector<16xi32>
      %sub3A_912 = arith.constant 1 : i32
      %sub3A_913 = vector.broadcast %sub3A_912 : i32 to vector<16xi32>
      %sub3A_914 = arith.subi %add3A_911, %sub3A_913 : vector<16xi32>
      %jit3A_915 = arith.constant 255 : i32
      %broadcast_in_dim3A_916 = vector.broadcast %jit3A_915 : i32 to vector<16xi32>
      %select_n3A_917 = arith.select %gt3A_905, %sub3A_914, %broadcast_in_dim3A_916 : vector<16xi1>, vector<16xi32>
      %mul3A_918 = arith.constant 16 : i32
      %mul3A_919 = arith.muli %squeeze3A, %mul3A_918 : i32
      %add3A_920 = vector.broadcast %mul3A_919 : i32 to vector<16xi32>
      %add3A_921 = arith.addi %add3A_920, %iota3A : vector<16xi32>
      tpu.vector_store_idx %arg9[%select_n3A_917], %add3A_921 masked %gt3A_905 : memref<256xi32, #tpu.memory_space<vmem>>[vector<16xi32>], vector<16xi32>, vector<16xi1>
      %add3A_922 = arith.addi %while3A_897, %all_reduce_population_count3A_906 : vector<16xi32>
      scf.yield %add3A_922 : vector<16xi32>
    }
    %reduce_max3A_193 = arith.constant true
    %reduce_max3A_194 = vector.broadcast %reduce_max3A_193 : i1 to vector<16xi1>
    %reduce_max3A_195 = arith.constant -2147483648 : i32
    %reduce_max3A_196 = vector.broadcast %reduce_max3A_195 : i32 to vector<16xi32>
    %reduce_max3A_197 = arith.xori %while3A_192, %reduce_max3A_196 : vector<16xi32>
    %reduce_max3A_198 = tpu.scan <max>, %reduce_max3A_197 masked %reduce_max3A_194 : vector<16xi32>, vector<16xi1> -> vector<16xi32>
    %reduce_max3A_199 = arith.xori %reduce_max3A_198, %reduce_max3A_196 : vector<16xi32>
    %reduce_max3A_200 = vector.extract %reduce_max3A_199[15] : i32 from vector<16xi32>
    %broadcast_in_dim3A_201 = vector.broadcast %reduce_min3A_84 : f32 to vector<16xf32>
    %mul3A_202 = arith.constant 16 : i32
    %mul3A_203 = vector.broadcast %mul3A_202 : i32 to vector<16xi32>
    %mul3A_204 = arith.muli %iota3A, %mul3A_203 : vector<16xi32>
    %while3A_205 = arith.constant 0 : i32
    %while3A_206 = arith.subi %reduce_max3A_200, %while3A_205 : i32
    %while3A_207 = arith.addi %while3A_205, %while3A_206 : i32
    %while3A_208 = arith.constant 1 : i32
    %while3A_209 = arith.divsi %while3A_206, %while3A_208 : i32
    %while3A_210 = arith.muli %while3A_209, %while3A_208 : i32
    %while3A_211 = arith.addi %while3A_205, %while3A_210 : i32
    %while3A_212 = arith.constant 1 : i32
    %while3A_213 = scf.for %while3A_896 = %while3A_205 to %while3A_211 step %while3A_212 iter_args(%while3A_897 = %broadcast_in_dim3A_201) -> (vector<16xf32>)  : i32 {
      %get3A_898 = arith.index_cast %while3A_896 : i32 to index
      %get3A_899 = tpu.vector_load %arg9[%get3A_898] {strides = array<i32>} : memref<256xi32, #tpu.memory_space<vmem>>, vector<16xi32>,
      %slice3A = vector.extract_strided_slice %get3A_899 {offsets = [0], sizes = [1], strides = [1]} : vector<16xi32> to vector<1xi32>
      %squeeze3A = vector.extract %slice3A[0] : i32 from vector<1xi32>
      %jit3A_900 = arith.constant 16 : i32
      %div3A = arith.divsi %squeeze3A, %jit3A_900 : i32
      %sign3A = arith.constant 0 : i32
      %sign3A_901 = arith.cmpi sgt, %squeeze3A, %sign3A : i32
      %sign3A_902 = arith.extui %sign3A_901 : i1 to i32
      %sign3A_903 = arith.constant 0 : i32
      %sign3A_904 = arith.cmpi slt, %squeeze3A, %sign3A_903 : i32
      %sign3A_905 = arith.extui %sign3A_904 : i1 to i32
      %sign3A_906 = arith.subi %sign3A_902, %sign3A_905 : i32
      %sign3A_907 = arith.constant 0 : i32
      %sign3A_908 = arith.cmpi sgt, %jit3A_900, %sign3A_907 : i32
      %sign3A_909 = arith.extui %sign3A_908 : i1 to i32
      %sign3A_910 = arith.constant 0 : i32
      %sign3A_911 = arith.cmpi slt, %jit3A_900, %sign3A_910 : i32
      %sign3A_912 = arith.extui %sign3A_911 : i1 to i32
      %sign3A_913 = arith.subi %sign3A_909, %sign3A_912 : i32
      %ne3A = arith.cmpi ne, %sign3A_906, %sign3A_913 : i32
      %rem3A = arith.remsi %squeeze3A, %jit3A_900 : i32
      %ne3A_914 = arith.constant 0 : i32
      %ne3A_915 = arith.cmpi ne, %rem3A, %ne3A_914 : i32
      %and3A = arith.andi %ne3A, %ne3A_915 : i1
      %sub3A_916 = arith.constant 1 : i32
      %sub3A_917 = arith.subi %div3A, %sub3A_916 : i32
      %select_n3A_918 = arith.select %and3A, %sub3A_917, %div3A : i32
      %mul3A_919 = arith.constant 16 : i32
      %mul3A_920 = arith.muli %select_n3A_918, %mul3A_919 : i32
      %sub3A_921 = arith.subi %squeeze3A, %mul3A_920 : i32
      %mul3A_922 = arith.constant 512 : i32
      %mul3A_923 = arith.muli %select_n3A_918, %mul3A_922 : i32
      %add3A_924 = arith.addi %mul3A_923, %sub3A_921 : i32
      %add3A_925 = vector.broadcast %add3A_924 : i32 to vector<16xi32>
      %add3A_926 = arith.addi %add3A_925, %mul3A_204 : vector<16xi32>
      %gather3A = tpu.vector_load_idx %arg4[%add3A_926] : memref<32768xf32, #tpu.memory_space<vmem>>[vector<16xi32>], vector<16xf32>,
      %add3A_927 = arith.constant 256 : i32
      %add3A_928 = vector.broadcast %add3A_927 : i32 to vector<16xi32>
      %add3A_929 = arith.addi %add3A_926, %add3A_928 : vector<16xi32>
      %gather3A_930 = tpu.vector_load_idx %arg4[%add3A_929] : memref<32768xf32, #tpu.memory_space<vmem>>[vector<16xi32>], vector<16xf32>,
      %masked_sort3A_931 = arith.constant dense<true> : vector<16xi1>
      %masked_sort3A_932, %masked_sort3A_933, %masked_sort3A_934 = tpu.sort %gather3A, %gather3A masked %masked_sort3A_931 {descending = true} : (vector<16xf32>, vector<16xf32>, vector<16xi1>) -> (vector<16xi1>, vector<16xf32>, vector<16xf32>)
      %masked_sort3A_935 = arith.constant dense<true> : vector<16xi1>
      %masked_sort3A_936, %masked_sort3A_937, %masked_sort3A_938 = tpu.sort %gather3A_930, %gather3A_930 masked %masked_sort3A_935 {descending = true} : (vector<16xf32>, vector<16xf32>, vector<16xi1>) -> (vector<16xi1>, vector<16xf32>, vector<16xf32>)
      %rev3A_939 = arith.constant 15 : i32
      %rev3A_940 = vector.broadcast %rev3A_939 : i32 to vector<16xi32>
      %rev3A_941 = tpu.iota {dimensions = array<i32: 0>} : vector<16xi32>
      %rev3A_942 = arith.subi %rev3A_940, %rev3A_941 : vector<16xi32>
      %rev3A_943 = tpu.dynamic_gather %masked_sort3A_937[%rev3A_942] in [0] : vector<16xf32>, vector<16xi32> -> vector<16xf32>
      %max3A_944 = arith.maximumf %masked_sort3A_933, %rev3A_943 : vector<16xf32>
      %masked_sort3A_945 = arith.constant dense<true> : vector<16xi1>
      %masked_sort3A_946, %masked_sort3A_947, %masked_sort3A_948 = tpu.sort %max3A_944, %max3A_944 masked %masked_sort3A_945 {descending = true} : (vector<16xf32>, vector<16xf32>, vector<16xi1>) -> (vector<16xi1>, vector<16xf32>, vector<16xf32>)
      %rev3A_949 = arith.constant 15 : i32
      %rev3A_950 = vector.broadcast %rev3A_949 : i32 to vector<16xi32>
      %rev3A_951 = tpu.iota {dimensions = array<i32: 0>} : vector<16xi32>
      %rev3A_952 = arith.subi %rev3A_950, %rev3A_951 : vector<16xi32>
      %rev3A_953 = tpu.dynamic_gather %masked_sort3A_947[%rev3A_952] in [0] : vector<16xf32>, vector<16xi32> -> vector<16xf32>
      %max3A_954 = arith.maximumf %while3A_897, %rev3A_953 : vector<16xf32>
      %masked_sort3A_955 = arith.constant dense<true> : vector<16xi1>
      %masked_sort3A_956, %masked_sort3A_957, %masked_sort3A_958 = tpu.sort %max3A_954, %max3A_954 masked %masked_sort3A_955 {descending = true} : (vector<16xf32>, vector<16xf32>, vector<16xi1>) -> (vector<16xi1>, vector<16xf32>, vector<16xf32>)
      scf.yield %masked_sort3A_957 : vector<16xf32>
    }
    %while3A_214 = arith.constant 1 : i32
    %while3A_215 = scf.for %while3A_896 = %while3A_211 to %while3A_207 step %while3A_214 iter_args(%while3A_897 = %while3A_213) -> (vector<16xf32>)  : i32 {
      %get3A_898 = arith.index_cast %while3A_896 : i32 to index
      %get3A_899 = tpu.vector_load %arg9[%get3A_898] {strides = array<i32>} : memref<256xi32, #tpu.memory_space<vmem>>, vector<16xi32>,
      %slice3A = vector.extract_strided_slice %get3A_899 {offsets = [0], sizes = [1], strides = [1]} : vector<16xi32> to vector<1xi32>
      %squeeze3A = vector.extract %slice3A[0] : i32 from vector<1xi32>
      %jit3A_900 = arith.constant 16 : i32
      %div3A = arith.divsi %squeeze3A, %jit3A_900 : i32
      %sign3A = arith.constant 0 : i32
      %sign3A_901 = arith.cmpi sgt, %squeeze3A, %sign3A : i32
      %sign3A_902 = arith.extui %sign3A_901 : i1 to i32
      %sign3A_903 = arith.constant 0 : i32
      %sign3A_904 = arith.cmpi slt, %squeeze3A, %sign3A_903 : i32
      %sign3A_905 = arith.extui %sign3A_904 : i1 to i32
      %sign3A_906 = arith.subi %sign3A_902, %sign3A_905 : i32
      %sign3A_907 = arith.constant 0 : i32
      %sign3A_908 = arith.cmpi sgt, %jit3A_900, %sign3A_907 : i32
      %sign3A_909 = arith.extui %sign3A_908 : i1 to i32
      %sign3A_910 = arith.constant 0 : i32
      %sign3A_911 = arith.cmpi slt, %jit3A_900, %sign3A_910 : i32
      %sign3A_912 = arith.extui %sign3A_911 : i1 to i32
      %sign3A_913 = arith.subi %sign3A_909, %sign3A_912 : i32
      %ne3A = arith.cmpi ne, %sign3A_906, %sign3A_913 : i32
      %rem3A = arith.remsi %squeeze3A, %jit3A_900 : i32
      %ne3A_914 = arith.constant 0 : i32
      %ne3A_915 = arith.cmpi ne, %rem3A, %ne3A_914 : i32
      %and3A = arith.andi %ne3A, %ne3A_915 : i1
      %sub3A_916 = arith.constant 1 : i32
      %sub3A_917 = arith.subi %div3A, %sub3A_916 : i32
      %select_n3A_918 = arith.select %and3A, %sub3A_917, %div3A : i32
      %mul3A_919 = arith.constant 16 : i32
      %mul3A_920 = arith.muli %select_n3A_918, %mul3A_919 : i32
      %sub3A_921 = arith.subi %squeeze3A, %mul3A_920 : i32
      %mul3A_922 = arith.constant 512 : i32
      %mul3A_923 = arith.muli %select_n3A_918, %mul3A_922 : i32
      %add3A_924 = arith.addi %mul3A_923, %sub3A_921 : i32
      %add3A_925 = vector.broadcast %add3A_924 : i32 to vector<16xi32>
      %add3A_926 = arith.addi %add3A_925, %mul3A_204 : vector<16xi32>
      %gather3A = tpu.vector_load_idx %arg4[%add3A_926] : memref<32768xf32, #tpu.memory_space<vmem>>[vector<16xi32>], vector<16xf32>,
      %add3A_927 = arith.constant 256 : i32
      %add3A_928 = vector.broadcast %add3A_927 : i32 to vector<16xi32>
      %add3A_929 = arith.addi %add3A_926, %add3A_928 : vector<16xi32>
      %gather3A_930 = tpu.vector_load_idx %arg4[%add3A_929] : memref<32768xf32, #tpu.memory_space<vmem>>[vector<16xi32>], vector<16xf32>,
      %masked_sort3A_931 = arith.constant dense<true> : vector<16xi1>
      %masked_sort3A_932, %masked_sort3A_933, %masked_sort3A_934 = tpu.sort %gather3A, %gather3A masked %masked_sort3A_931 {descending = true} : (vector<16xf32>, vector<16xf32>, vector<16xi1>) -> (vector<16xi1>, vector<16xf32>, vector<16xf32>)
      %masked_sort3A_935 = arith.constant dense<true> : vector<16xi1>
      %masked_sort3A_936, %masked_sort3A_937, %masked_sort3A_938 = tpu.sort %gather3A_930, %gather3A_930 masked %masked_sort3A_935 {descending = true} : (vector<16xf32>, vector<16xf32>, vector<16xi1>) -> (vector<16xi1>, vector<16xf32>, vector<16xf32>)
      %rev3A_939 = arith.constant 15 : i32
      %rev3A_940 = vector.broadcast %rev3A_939 : i32 to vector<16xi32>
      %rev3A_941 = tpu.iota {dimensions = array<i32: 0>} : vector<16xi32>
      %rev3A_942 = arith.subi %rev3A_940, %rev3A_941 : vector<16xi32>
      %rev3A_943 = tpu.dynamic_gather %masked_sort3A_937[%rev3A_942] in [0] : vector<16xf32>, vector<16xi32> -> vector<16xf32>
      %max3A_944 = arith.maximumf %masked_sort3A_933, %rev3A_943 : vector<16xf32>
      %masked_sort3A_945 = arith.constant dense<true> : vector<16xi1>
      %masked_sort3A_946, %masked_sort3A_947, %masked_sort3A_948 = tpu.sort %max3A_944, %max3A_944 masked %masked_sort3A_945 {descending = true} : (vector<16xf32>, vector<16xf32>, vector<16xi1>) -> (vector<16xi1>, vector<16xf32>, vector<16xf32>)
      %rev3A_949 = arith.constant 15 : i32
      %rev3A_950 = vector.broadcast %rev3A_949 : i32 to vector<16xi32>
      %rev3A_951 = tpu.iota {dimensions = array<i32: 0>} : vector<16xi32>
      %rev3A_952 = arith.subi %rev3A_950, %rev3A_951 : vector<16xi32>
      %rev3A_953 = tpu.dynamic_gather %masked_sort3A_947[%rev3A_952] in [0] : vector<16xf32>, vector<16xi32> -> vector<16xf32>
      %max3A_954 = arith.maximumf %while3A_897, %rev3A_953 : vector<16xf32>
      %masked_sort3A_955 = arith.constant dense<true> : vector<16xi1>
      %masked_sort3A_956, %masked_sort3A_957, %masked_sort3A_958 = tpu.sort %max3A_954, %max3A_954 masked %masked_sort3A_955 {descending = true} : (vector<16xf32>, vector<16xf32>, vector<16xi1>) -> (vector<16xi1>, vector<16xf32>, vector<16xf32>)
      scf.yield %masked_sort3A_957 : vector<16xf32>
    }
    %swap3A = arith.constant 0 : index
    %swap3A_216 = tpu.vector_load %arg10[%swap3A] {strides = array<i32>} : memref<64xf32, #tpu.memory_space<vmem>>, vector<16xf32>,
    tpu.vector_store %arg10[%swap3A], %while3A_215 {strides = array<i32>} : memref<64xf32, #tpu.memory_space<vmem>>, vector<16xf32>,
    %add3A_217 = arith.constant 1 : i32
    %add3A_218 = arith.addi %mul3A_2, %add3A_217 : i32
    %dma_wait3A_219 = arith.constant 0 : i32
    %dma_wait3A_220 = tpu.memref_slice %arg2[%add3A_218, %dma_wait3A_219] : memref<128x32768xf32, #tpu.memory_space<hbm>> -> memref<1x32768xf32, #tpu.memory_space<hbm>>
    %dma_wait3A_221 = tpu.memref_squeeze %dma_wait3A_220 : memref<1x32768xf32, #tpu.memory_space<hbm>> -> memref<32768xf32, #tpu.memory_space<hbm>>
    %dma_wait3A_222 = arith.constant 0 : i32
    %dma_wait3A_223 = tpu.memref_slice %arg2[%add3A_218, %dma_wait3A_222] : memref<128x32768xf32, #tpu.memory_space<hbm>> -> memref<1x32768xf32, #tpu.memory_space<hbm>>
    %dma_wait3A_224 = tpu.memref_squeeze %dma_wait3A_223 : memref<1x32768xf32, #tpu.memory_space<hbm>> -> memref<32768xf32, #tpu.memory_space<hbm>>
    tpu.wait_dma2 semaphore(%arg12 : memref<!tpu.dma_semaphore, #tpu.memory_space<semaphore_mem>>) src(%dma_wait3A_224 : memref<32768xf32, #tpu.memory_space<hbm>>) dst(%arg5 : memref<32768xf32, #tpu.memory_space<vmem>>)
    %add3A_225 = arith.constant 1 : i32
    %add3A_226 = arith.addi %mul3A_2, %add3A_225 : i32
    %add3A_227 = arith.constant 1 : i32
    %add3A_228 = arith.addi %add3A_226, %add3A_227 : i32
    %dma_start3A_229 = arith.constant 0 : i32
    %dma_start3A_230 = tpu.memref_slice %arg2[%add3A_228, %dma_start3A_229] : memref<128x32768xf32, #tpu.memory_space<hbm>> -> memref<1x32768xf32, #tpu.memory_space<hbm>>
    %dma_start3A_231 = tpu.memref_squeeze %dma_start3A_230 : memref<1x32768xf32, #tpu.memory_space<hbm>> -> memref<32768xf32, #tpu.memory_space<hbm>>
    %dma_start3A_232 = arith.constant 0 : i32
    %dma_start3A_233 = tpu.memref_slice %arg2[%add3A_228, %dma_start3A_232] : memref<128x32768xf32, #tpu.memory_space<hbm>> -> memref<1x32768xf32, #tpu.memory_space<hbm>>
    %dma_start3A_234 = tpu.memref_squeeze %dma_start3A_233 : memref<1x32768xf32, #tpu.memory_space<hbm>> -> memref<32768xf32, #tpu.memory_space<hbm>>
    tpu.enqueue_dma source(%dma_start3A_234 : memref<32768xf32, #tpu.memory_space<hbm>>) target(%arg4 : memref<32768xf32, #tpu.memory_space<vmem>>) target_semaphore(%arg11 : memref<!tpu.dma_semaphore, #tpu.memory_space<semaphore_mem>>)
    %iota3A_235 = tpu.iota {dimensions = array<i32: 0>} : vector<16xi32>
    %eq3A_236 = arith.constant 0 : i32
    %eq3A_237 = vector.broadcast %eq3A_236 : i32 to vector<16xi32>
    %eq3A_238 = arith.cmpi eq, %iota3A_235, %eq3A_237 : vector<16xi32>
    %scan3A_239 = arith.constant 0 : i32
    %scan3A_240 = arith.constant 0 : i32
    %scan3A_241 = arith.constant 64 : i32
    %scan3A_242 = arith.addi %scan3A_240, %scan3A_241 : i32
    %scan3A_243 = arith.constant 2 : i32
    scf.for %scan3A_896 = %scan3A_240 to %scan3A_242 step %scan3A_243  : i32 {
      %mul3A_897 = arith.constant 512 : i32
      %mul3A_898 = arith.muli %scan3A_896, %mul3A_897 : i32
      %get3A_899 = arith.index_cast %mul3A_898 : i32 to index
      %get3A_900 = tpu.vector_load %arg5[%get3A_899] {strides = array<i32>} : memref<32768xf32, #tpu.memory_space<vmem>>, vector<16xf32>,
      %add3A_901 = arith.constant 16 : i32
      %add3A_902 = arith.addi %mul3A_898, %add3A_901 : i32
      %get3A_903 = arith.index_cast %add3A_902 : i32 to index
      %get3A_904 = tpu.vector_load %arg5[%get3A_903] {strides = array<i32>} : memref<32768xf32, #tpu.memory_space<vmem>>, vector<16xf32>,
      %add3A_905 = arith.constant 32 : i32
      %add3A_906 = arith.addi %mul3A_898, %add3A_905 : i32
      %get3A_907 = arith.index_cast %add3A_906 : i32 to index
      %get3A_908 = tpu.vector_load %arg5[%get3A_907] {strides = array<i32>} : memref<32768xf32, #tpu.memory_space<vmem>>, vector<16xf32>,
      %add3A_909 = arith.constant 48 : i32
      %add3A_910 = arith.addi %mul3A_898, %add3A_909 : i32
      %get3A_911 = arith.index_cast %add3A_910 : i32 to index
      %get3A_912 = tpu.vector_load %arg5[%get3A_911] {strides = array<i32>} : memref<32768xf32, #tpu.memory_space<vmem>>, vector<16xf32>,
      %add3A_913 = arith.constant 64 : i32
      %add3A_914 = arith.addi %mul3A_898, %add3A_913 : i32
      %get3A_915 = arith.index_cast %add3A_914 : i32 to index
      %get3A_916 = tpu.vector_load %arg5[%get3A_915] {strides = array<i32>} : memref<32768xf32, #tpu.memory_space<vmem>>, vector<16xf32>,
      %max3A_917 = arith.maximumf %get3A_900, %get3A_916 : vector<16xf32>
      %add3A_918 = arith.constant 80 : i32
      %add3A_919 = arith.addi %mul3A_898, %add3A_918 : i32
      %get3A_920 = arith.index_cast %add3A_919 : i32 to index
      %get3A_921 = tpu.vector_load %arg5[%get3A_920] {strides = array<i32>} : memref<32768xf32, #tpu.memory_space<vmem>>, vector<16xf32>,
      %max3A_922 = arith.maximumf %get3A_904, %get3A_921 : vector<16xf32>
      %add3A_923 = arith.constant 96 : i32
      %add3A_924 = arith.addi %mul3A_898, %add3A_923 : i32
      %get3A_925 = arith.index_cast %add3A_924 : i32 to index
      %get3A_926 = tpu.vector_load %arg5[%get3A_925] {strides = array<i32>} : memref<32768xf32, #tpu.memory_space<vmem>>, vector<16xf32>,
      %max3A_927 = arith.maximumf %get3A_908, %get3A_926 : vector<16xf32>
      %add3A_928 = arith.constant 112 : i32
      %add3A_929 = arith.addi %mul3A_898, %add3A_928 : i32
      %get3A_930 = arith.index_cast %add3A_929 : i32 to index
      %get3A_931 = tpu.vector_load %arg5[%get3A_930] {strides = array<i32>} : memref<32768xf32, #tpu.memory_space<vmem>>, vector<16xf32>,
      %max3A_932 = arith.maximumf %get3A_912, %get3A_931 : vector<16xf32>
      %add3A_933 = arith.constant 128 : i32
      %add3A_934 = arith.addi %mul3A_898, %add3A_933 : i32
      %get3A_935 = arith.index_cast %add3A_934 : i32 to index
      %get3A_936 = tpu.vector_load %arg5[%get3A_935] {strides = array<i32>} : memref<32768xf32, #tpu.memory_space<vmem>>, vector<16xf32>,
      %max3A_937 = arith.maximumf %max3A_917, %get3A_936 : vector<16xf32>
      %add3A_938 = arith.constant 144 : i32
      %add3A_939 = arith.addi %mul3A_898, %add3A_938 : i32
      %get3A_940 = arith.index_cast %add3A_939 : i32 to index
      %get3A_941 = tpu.vector_load %arg5[%get3A_940] {strides = array<i32>} : memref<32768xf32, #tpu.memory_space<vmem>>, vector<16xf32>,
      %max3A_942 = arith.maximumf %max3A_922, %get3A_941 : vector<16xf32>
      %add3A_943 = arith.constant 160 : i32
      %add3A_944 = arith.addi %mul3A_898, %add3A_943 : i32
      %get3A_945 = arith.index_cast %add3A_944 : i32 to index
      %get3A_946 = tpu.vector_load %arg5[%get3A_945] {strides = array<i32>} : memref<32768xf32, #tpu.memory_space<vmem>>, vector<16xf32>,
      %max3A_947 = arith.maximumf %max3A_927, %get3A_946 : vector<16xf32>
      %add3A_948 = arith.constant 176 : i32
      %add3A_949 = arith.addi %mul3A_898, %add3A_948 : i32
      %get3A_950 = arith.index_cast %add3A_949 : i32 to index
      %get3A_951 = tpu.vector_load %arg5[%get3A_950] {strides = array<i32>} : memref<32768xf32, #tpu.memory_space<vmem>>, vector<16xf32>,
      %max3A_952 = arith.maximumf %max3A_932, %get3A_951 : vector<16xf32>
      %add3A_953 = arith.constant 192 : i32
      %add3A_954 = arith.addi %mul3A_898, %add3A_953 : i32
      %get3A_955 = arith.index_cast %add3A_954 : i32 to index
      %get3A_956 = tpu.vector_load %arg5[%get3A_955] {strides = array<i32>} : memref<32768xf32, #tpu.memory_space<vmem>>, vector<16xf32>,
      %max3A_957 = arith.maximumf %max3A_937, %get3A_956 : vector<16xf32>
      %add3A_958 = arith.constant 208 : i32
      %add3A_959 = arith.addi %mul3A_898, %add3A_958 : i32
      %get3A_960 = arith.index_cast %add3A_959 : i32 to index
      %get3A_961 = tpu.vector_load %arg5[%get3A_960] {strides = array<i32>} : memref<32768xf32, #tpu.memory_space<vmem>>, vector<16xf32>,
      %max3A_962 = arith.maximumf %max3A_942, %get3A_961 : vector<16xf32>
      %add3A_963 = arith.constant 224 : i32
      %add3A_964 = arith.addi %mul3A_898, %add3A_963 : i32
      %get3A_965 = arith.index_cast %add3A_964 : i32 to index
      %get3A_966 = tpu.vector_load %arg5[%get3A_965] {strides = array<i32>} : memref<32768xf32, #tpu.memory_space<vmem>>, vector<16xf32>,
      %max3A_967 = arith.maximumf %max3A_947, %get3A_966 : vector<16xf32>
      %add3A_968 = arith.constant 240 : i32
      %add3A_969 = arith.addi %mul3A_898, %add3A_968 : i32
      %get3A_970 = arith.index_cast %add3A_969 : i32 to index
      %get3A_971 = tpu.vector_load %arg5[%get3A_970] {strides = array<i32>} : memref<32768xf32, #tpu.memory_space<vmem>>, vector<16xf32>,
      %max3A_972 = arith.maximumf %max3A_952, %get3A_971 : vector<16xf32>
      %add3A_973 = arith.constant 256 : i32
      %add3A_974 = arith.addi %mul3A_898, %add3A_973 : i32
      %get3A_975 = arith.index_cast %add3A_974 : i32 to index
      %get3A_976 = tpu.vector_load %arg5[%get3A_975] {strides = array<i32>} : memref<32768xf32, #tpu.memory_space<vmem>>, vector<16xf32>,
      %max3A_977 = arith.maximumf %max3A_957, %get3A_976 : vector<16xf32>
      %add3A_978 = arith.constant 272 : i32
      %add3A_979 = arith.addi %mul3A_898, %add3A_978 : i32
      %get3A_980 = arith.index_cast %add3A_979 : i32 to index
      %get3A_981 = tpu.vector_load %arg5[%get3A_980] {strides = array<i32>} : memref<32768xf32, #tpu.memory_space<vmem>>, vector<16xf32>,
      %max3A_982 = arith.maximumf %max3A_962, %get3A_981 : vector<16xf32>
      %add3A_983 = arith.constant 288 : i32
      %add3A_984 = arith.addi %mul3A_898, %add3A_983 : i32
      %get3A_985 = arith.index_cast %add3A_984 : i32 to index
      %get3A_986 = tpu.vector_load %arg5[%get3A_985] {strides = array<i32>} : memref<32768xf32, #tpu.memory_space<vmem>>, vector<16xf32>,
      %max3A_987 = arith.maximumf %max3A_967, %get3A_986 : vector<16xf32>
      %add3A_988 = arith.constant 304 : i32
      %add3A_989 = arith.addi %mul3A_898, %add3A_988 : i32
      %get3A_990 = arith.index_cast %add3A_989 : i32 to index
      %get3A_991 = tpu.vector_load %arg5[%get3A_990] {strides = array<i32>} : memref<32768xf32, #tpu.memory_space<vmem>>, vector<16xf32>,
      %max3A_992 = arith.maximumf %max3A_972, %get3A_991 : vector<16xf32>
      %add3A_993 = arith.constant 320 : i32
      %add3A_994 = arith.addi %mul3A_898, %add3A_993 : i32
      %get3A_995 = arith.index_cast %add3A_994 : i32 to index
      %get3A_996 = tpu.vector_load %arg5[%get3A_995] {strides = array<i32>} : memref<32768xf32, #tpu.memory_space<vmem>>, vector<16xf32>,
      %max3A_997 = arith.maximumf %max3A_977, %get3A_996 : vector<16xf32>
      %add3A_998 = arith.constant 336 : i32
      %add3A_999 = arith.addi %mul3A_898, %add3A_998 : i32
      %get3A_1000 = arith.index_cast %add3A_999 : i32 to index
      %get3A_1001 = tpu.vector_load %arg5[%get3A_1000] {strides = array<i32>} : memref<32768xf32, #tpu.memory_space<vmem>>, vector<16xf32>,
      %max3A_1002 = arith.maximumf %max3A_982, %get3A_1001 : vector<16xf32>
      %add3A_1003 = arith.constant 352 : i32
      %add3A_1004 = arith.addi %mul3A_898, %add3A_1003 : i32
      %get3A_1005 = arith.index_cast %add3A_1004 : i32 to index
      %get3A_1006 = tpu.vector_load %arg5[%get3A_1005] {strides = array<i32>} : memref<32768xf32, #tpu.memory_space<vmem>>, vector<16xf32>,
      %max3A_1007 = arith.maximumf %max3A_987, %get3A_1006 : vector<16xf32>
      %add3A_1008 = arith.constant 368 : i32
      %add3A_1009 = arith.addi %mul3A_898, %add3A_1008 : i32
      %get3A_1010 = arith.index_cast %add3A_1009 : i32 to index
      %get3A_1011 = tpu.vector_load %arg5[%get3A_1010] {strides = array<i32>} : memref<32768xf32, #tpu.memory_space<vmem>>, vector<16xf32>,
      %max3A_1012 = arith.maximumf %max3A_992, %get3A_1011 : vector<16xf32>
      %add3A_1013 = arith.constant 384 : i32
      %add3A_1014 = arith.addi %mul3A_898, %add3A_1013 : i32
      %get3A_1015 = arith.index_cast %add3A_1014 : i32 to index
      %get3A_1016 = tpu.vector_load %arg5[%get3A_1015] {strides = array<i32>} : memref<32768xf32, #tpu.memory_space<vmem>>, vector<16xf32>,
      %max3A_1017 = arith.maximumf %max3A_997, %get3A_1016 : vector<16xf32>
      %add3A_1018 = arith.constant 400 : i32
      %add3A_1019 = arith.addi %mul3A_898, %add3A_1018 : i32
      %get3A_1020 = arith.index_cast %add3A_1019 : i32 to index
      %get3A_1021 = tpu.vector_load %arg5[%get3A_1020] {strides = array<i32>} : memref<32768xf32, #tpu.memory_space<vmem>>, vector<16xf32>,
      %max3A_1022 = arith.maximumf %max3A_1002, %get3A_1021 : vector<16xf32>
      %add3A_1023 = arith.constant 416 : i32
      %add3A_1024 = arith.addi %mul3A_898, %add3A_1023 : i32
      %get3A_1025 = arith.index_cast %add3A_1024 : i32 to index
      %get3A_1026 = tpu.vector_load %arg5[%get3A_1025] {strides = array<i32>} : memref<32768xf32, #tpu.memory_space<vmem>>, vector<16xf32>,
      %max3A_1027 = arith.maximumf %max3A_1007, %get3A_1026 : vector<16xf32>
      %add3A_1028 = arith.constant 432 : i32
      %add3A_1029 = arith.addi %mul3A_898, %add3A_1028 : i32
      %get3A_1030 = arith.index_cast %add3A_1029 : i32 to index
      %get3A_1031 = tpu.vector_load %arg5[%get3A_1030] {strides = array<i32>} : memref<32768xf32, #tpu.memory_space<vmem>>, vector<16xf32>,
      %max3A_1032 = arith.maximumf %max3A_1012, %get3A_1031 : vector<16xf32>
      %add3A_1033 = arith.constant 448 : i32
      %add3A_1034 = arith.addi %mul3A_898, %add3A_1033 : i32
      %get3A_1035 = arith.index_cast %add3A_1034 : i32 to index
      %get3A_1036 = tpu.vector_load %arg5[%get3A_1035] {strides = array<i32>} : memref<32768xf32, #tpu.memory_space<vmem>>, vector<16xf32>,
      %max3A_1037 = arith.maximumf %max3A_1017, %get3A_1036 : vector<16xf32>
      %add3A_1038 = arith.constant 464 : i32
      %add3A_1039 = arith.addi %mul3A_898, %add3A_1038 : i32
      %get3A_1040 = arith.index_cast %add3A_1039 : i32 to index
      %get3A_1041 = tpu.vector_load %arg5[%get3A_1040] {strides = array<i32>} : memref<32768xf32, #tpu.memory_space<vmem>>, vector<16xf32>,
      %max3A_1042 = arith.maximumf %max3A_1022, %get3A_1041 : vector<16xf32>
      %add3A_1043 = arith.constant 480 : i32
      %add3A_1044 = arith.addi %mul3A_898, %add3A_1043 : i32
      %get3A_1045 = arith.index_cast %add3A_1044 : i32 to index
      %get3A_1046 = tpu.vector_load %arg5[%get3A_1045] {strides = array<i32>} : memref<32768xf32, #tpu.memory_space<vmem>>, vector<16xf32>,
      %max3A_1047 = arith.maximumf %max3A_1027, %get3A_1046 : vector<16xf32>
      %add3A_1048 = arith.constant 496 : i32
      %add3A_1049 = arith.addi %mul3A_898, %add3A_1048 : i32
      %get3A_1050 = arith.index_cast %add3A_1049 : i32 to index
      %get3A_1051 = tpu.vector_load %arg5[%get3A_1050] {strides = array<i32>} : memref<32768xf32, #tpu.memory_space<vmem>>, vector<16xf32>,
      %max3A_1052 = arith.maximumf %max3A_1032, %get3A_1051 : vector<16xf32>
      %max3A_1053 = arith.maximumf %max3A_1037, %max3A_1042 : vector<16xf32>
      %max3A_1054 = arith.maximumf %max3A_1047, %max3A_1052 : vector<16xf32>
      %max3A_1055 = arith.maximumf %max3A_1053, %max3A_1054 : vector<16xf32>
      %mul3A_1056 = arith.constant 16 : i32
      %mul3A_1057 = arith.muli %scan3A_896, %mul3A_1056 : i32
      %swap3A_1058 = arith.index_cast %mul3A_1057 : i32 to index
      %swap3A_1059 = tpu.vector_load %arg6[%swap3A_1058] {strides = array<i32>} : memref<1024xf32, #tpu.memory_space<vmem>>, vector<16xf32>,
      tpu.vector_store %arg6[%swap3A_1058], %max3A_1055 {strides = array<i32>} : memref<1024xf32, #tpu.memory_space<vmem>>, vector<16xf32>,
      %masked_sort3A_1060 = arith.constant dense<true> : vector<16xi1>
      %masked_sort3A_1061, %masked_sort3A_1062, %masked_sort3A_1063 = tpu.sort %max3A_1055, %max3A_1055 masked %masked_sort3A_1060 {descending = true} : (vector<16xf32>, vector<16xf32>, vector<16xi1>) -> (vector<16xi1>, vector<16xf32>, vector<16xf32>)
      %broadcast_in_dim3A_1064 = vector.broadcast %scan3A_896 : i32 to vector<16xi32>
      tpu.vector_store_idx %arg7[%broadcast_in_dim3A_1064], %masked_sort3A_1062 masked %eq3A_238 : memref<64xf32, #tpu.memory_space<vmem>>[vector<16xi32>], vector<16xf32>, vector<16xi1>
      %scan3A_1065 = arith.constant 1 : i32
      %scan3A_1066 = arith.addi %scan3A_896, %scan3A_1065 : i32
      %mul3A_1067 = arith.constant 512 : i32
      %mul3A_1068 = arith.muli %scan3A_1066, %mul3A_1067 : i32
      %get3A_1069 = arith.index_cast %mul3A_1068 : i32 to index
      %get3A_1070 = tpu.vector_load %arg5[%get3A_1069] {strides = array<i32>} : memref<32768xf32, #tpu.memory_space<vmem>>, vector<16xf32>,
      %add3A_1071 = arith.constant 16 : i32
      %add3A_1072 = arith.addi %mul3A_1068, %add3A_1071 : i32
      %get3A_1073 = arith.index_cast %add3A_1072 : i32 to index
      %get3A_1074 = tpu.vector_load %arg5[%get3A_1073] {strides = array<i32>} : memref<32768xf32, #tpu.memory_space<vmem>>, vector<16xf32>,
      %add3A_1075 = arith.constant 32 : i32
      %add3A_1076 = arith.addi %mul3A_1068, %add3A_1075 : i32
      %get3A_1077 = arith.index_cast %add3A_1076 : i32 to index
      %get3A_1078 = tpu.vector_load %arg5[%get3A_1077] {strides = array<i32>} : memref<32768xf32, #tpu.memory_space<vmem>>, vector<16xf32>,
      %add3A_1079 = arith.constant 48 : i32
      %add3A_1080 = arith.addi %mul3A_1068, %add3A_1079 : i32
      %get3A_1081 = arith.index_cast %add3A_1080 : i32 to index
      %get3A_1082 = tpu.vector_load %arg5[%get3A_1081] {strides = array<i32>} : memref<32768xf32, #tpu.memory_space<vmem>>, vector<16xf32>,
      %add3A_1083 = arith.constant 64 : i32
      %add3A_1084 = arith.addi %mul3A_1068, %add3A_1083 : i32
      %get3A_1085 = arith.index_cast %add3A_1084 : i32 to index
      %get3A_1086 = tpu.vector_load %arg5[%get3A_1085] {strides = array<i32>} : memref<32768xf32, #tpu.memory_space<vmem>>, vector<16xf32>,
      %max3A_1087 = arith.maximumf %get3A_1070, %get3A_1086 : vector<16xf32>
      %add3A_1088 = arith.constant 80 : i32
      %add3A_1089 = arith.addi %mul3A_1068, %add3A_1088 : i32
      %get3A_1090 = arith.index_cast %add3A_1089 : i32 to index
      %get3A_1091 = tpu.vector_load %arg5[%get3A_1090] {strides = array<i32>} : memref<32768xf32, #tpu.memory_space<vmem>>, vector<16xf32>,
      %max3A_1092 = arith.maximumf %get3A_1074, %get3A_1091 : vector<16xf32>
      %add3A_1093 = arith.constant 96 : i32
      %add3A_1094 = arith.addi %mul3A_1068, %add3A_1093 : i32
      %get3A_1095 = arith.index_cast %add3A_1094 : i32 to index
      %get3A_1096 = tpu.vector_load %arg5[%get3A_1095] {strides = array<i32>} : memref<32768xf32, #tpu.memory_space<vmem>>, vector<16xf32>,
      %max3A_1097 = arith.maximumf %get3A_1078, %get3A_1096 : vector<16xf32>
      %add3A_1098 = arith.constant 112 : i32
      %add3A_1099 = arith.addi %mul3A_1068, %add3A_1098 : i32
      %get3A_1100 = arith.index_cast %add3A_1099 : i32 to index
      %get3A_1101 = tpu.vector_load %arg5[%get3A_1100] {strides = array<i32>} : memref<32768xf32, #tpu.memory_space<vmem>>, vector<16xf32>,
      %max3A_1102 = arith.maximumf %get3A_1082, %get3A_1101 : vector<16xf32>
      %add3A_1103 = arith.constant 128 : i32
      %add3A_1104 = arith.addi %mul3A_1068, %add3A_1103 : i32
      %get3A_1105 = arith.index_cast %add3A_1104 : i32 to index
      %get3A_1106 = tpu.vector_load %arg5[%get3A_1105] {strides = array<i32>} : memref<32768xf32, #tpu.memory_space<vmem>>, vector<16xf32>,
      %max3A_1107 = arith.maximumf %max3A_1087, %get3A_1106 : vector<16xf32>
      %add3A_1108 = arith.constant 144 : i32
      %add3A_1109 = arith.addi %mul3A_1068, %add3A_1108 : i32
      %get3A_1110 = arith.index_cast %add3A_1109 : i32 to index
      %get3A_1111 = tpu.vector_load %arg5[%get3A_1110] {strides = array<i32>} : memref<32768xf32, #tpu.memory_space<vmem>>, vector<16xf32>,
      %max3A_1112 = arith.maximumf %max3A_1092, %get3A_1111 : vector<16xf32>
      %add3A_1113 = arith.constant 160 : i32
      %add3A_1114 = arith.addi %mul3A_1068, %add3A_1113 : i32
      %get3A_1115 = arith.index_cast %add3A_1114 : i32 to index
      %get3A_1116 = tpu.vector_load %arg5[%get3A_1115] {strides = array<i32>} : memref<32768xf32, #tpu.memory_space<vmem>>, vector<16xf32>,
      %max3A_1117 = arith.maximumf %max3A_1097, %get3A_1116 : vector<16xf32>
      %add3A_1118 = arith.constant 176 : i32
      %add3A_1119 = arith.addi %mul3A_1068, %add3A_1118 : i32
      %get3A_1120 = arith.index_cast %add3A_1119 : i32 to index
      %get3A_1121 = tpu.vector_load %arg5[%get3A_1120] {strides = array<i32>} : memref<32768xf32, #tpu.memory_space<vmem>>, vector<16xf32>,
      %max3A_1122 = arith.maximumf %max3A_1102, %get3A_1121 : vector<16xf32>
      %add3A_1123 = arith.constant 192 : i32
      %add3A_1124 = arith.addi %mul3A_1068, %add3A_1123 : i32
      %get3A_1125 = arith.index_cast %add3A_1124 : i32 to index
      %get3A_1126 = tpu.vector_load %arg5[%get3A_1125] {strides = array<i32>} : memref<32768xf32, #tpu.memory_space<vmem>>, vector<16xf32>,
      %max3A_1127 = arith.maximumf %max3A_1107, %get3A_1126 : vector<16xf32>
      %add3A_1128 = arith.constant 208 : i32
      %add3A_1129 = arith.addi %mul3A_1068, %add3A_1128 : i32
      %get3A_1130 = arith.index_cast %add3A_1129 : i32 to index
      %get3A_1131 = tpu.vector_load %arg5[%get3A_1130] {strides = array<i32>} : memref<32768xf32, #tpu.memory_space<vmem>>, vector<16xf32>,
      %max3A_1132 = arith.maximumf %max3A_1112, %get3A_1131 : vector<16xf32>
      %add3A_1133 = arith.constant 224 : i32
      %add3A_1134 = arith.addi %mul3A_1068, %add3A_1133 : i32
      %get3A_1135 = arith.index_cast %add3A_1134 : i32 to index
      %get3A_1136 = tpu.vector_load %arg5[%get3A_1135] {strides = array<i32>} : memref<32768xf32, #tpu.memory_space<vmem>>, vector<16xf32>,
      %max3A_1137 = arith.maximumf %max3A_1117, %get3A_1136 : vector<16xf32>
      %add3A_1138 = arith.constant 240 : i32
      %add3A_1139 = arith.addi %mul3A_1068, %add3A_1138 : i32
      %get3A_1140 = arith.index_cast %add3A_1139 : i32 to index
      %get3A_1141 = tpu.vector_load %arg5[%get3A_1140] {strides = array<i32>} : memref<32768xf32, #tpu.memory_space<vmem>>, vector<16xf32>,
      %max3A_1142 = arith.maximumf %max3A_1122, %get3A_1141 : vector<16xf32>
      %add3A_1143 = arith.constant 256 : i32
      %add3A_1144 = arith.addi %mul3A_1068, %add3A_1143 : i32
      %get3A_1145 = arith.index_cast %add3A_1144 : i32 to index
      %get3A_1146 = tpu.vector_load %arg5[%get3A_1145] {strides = array<i32>} : memref<32768xf32, #tpu.memory_space<vmem>>, vector<16xf32>,
      %max3A_1147 = arith.maximumf %max3A_1127, %get3A_1146 : vector<16xf32>
      %add3A_1148 = arith.constant 272 : i32
      %add3A_1149 = arith.addi %mul3A_1068, %add3A_1148 : i32
      %get3A_1150 = arith.index_cast %add3A_1149 : i32 to index
      %get3A_1151 = tpu.vector_load %arg5[%get3A_1150] {strides = array<i32>} : memref<32768xf32, #tpu.memory_space<vmem>>, vector<16xf32>,
      %max3A_1152 = arith.maximumf %max3A_1132, %get3A_1151 : vector<16xf32>
      %add3A_1153 = arith.constant 288 : i32
      %add3A_1154 = arith.addi %mul3A_1068, %add3A_1153 : i32
      %get3A_1155 = arith.index_cast %add3A_1154 : i32 to index
      %get3A_1156 = tpu.vector_load %arg5[%get3A_1155] {strides = array<i32>} : memref<32768xf32, #tpu.memory_space<vmem>>, vector<16xf32>,
      %max3A_1157 = arith.maximumf %max3A_1137, %get3A_1156 : vector<16xf32>
      %add3A_1158 = arith.constant 304 : i32
      %add3A_1159 = arith.addi %mul3A_1068, %add3A_1158 : i32
      %get3A_1160 = arith.index_cast %add3A_1159 : i32 to index
      %get3A_1161 = tpu.vector_load %arg5[%get3A_1160] {strides = array<i32>} : memref<32768xf32, #tpu.memory_space<vmem>>, vector<16xf32>,
      %max3A_1162 = arith.maximumf %max3A_1142, %get3A_1161 : vector<16xf32>
      %add3A_1163 = arith.constant 320 : i32
      %add3A_1164 = arith.addi %mul3A_1068, %add3A_1163 : i32
      %get3A_1165 = arith.index_cast %add3A_1164 : i32 to index
      %get3A_1166 = tpu.vector_load %arg5[%get3A_1165] {strides = array<i32>} : memref<32768xf32, #tpu.memory_space<vmem>>, vector<16xf32>,
      %max3A_1167 = arith.maximumf %max3A_1147, %get3A_1166 : vector<16xf32>
      %add3A_1168 = arith.constant 336 : i32
      %add3A_1169 = arith.addi %mul3A_1068, %add3A_1168 : i32
      %get3A_1170 = arith.index_cast %add3A_1169 : i32 to index
      %get3A_1171 = tpu.vector_load %arg5[%get3A_1170] {strides = array<i32>} : memref<32768xf32, #tpu.memory_space<vmem>>, vector<16xf32>,
      %max3A_1172 = arith.maximumf %max3A_1152, %get3A_1171 : vector<16xf32>
      %add3A_1173 = arith.constant 352 : i32
      %add3A_1174 = arith.addi %mul3A_1068, %add3A_1173 : i32
      %get3A_1175 = arith.index_cast %add3A_1174 : i32 to index
      %get3A_1176 = tpu.vector_load %arg5[%get3A_1175] {strides = array<i32>} : memref<32768xf32, #tpu.memory_space<vmem>>, vector<16xf32>,
      %max3A_1177 = arith.maximumf %max3A_1157, %get3A_1176 : vector<16xf32>
      %add3A_1178 = arith.constant 368 : i32
      %add3A_1179 = arith.addi %mul3A_1068, %add3A_1178 : i32
      %get3A_1180 = arith.index_cast %add3A_1179 : i32 to index
      %get3A_1181 = tpu.vector_load %arg5[%get3A_1180] {strides = array<i32>} : memref<32768xf32, #tpu.memory_space<vmem>>, vector<16xf32>,
      %max3A_1182 = arith.maximumf %max3A_1162, %get3A_1181 : vector<16xf32>
      %add3A_1183 = arith.constant 384 : i32
      %add3A_1184 = arith.addi %mul3A_1068, %add3A_1183 : i32
      %get3A_1185 = arith.index_cast %add3A_1184 : i32 to index
      %get3A_1186 = tpu.vector_load %arg5[%get3A_1185] {strides = array<i32>} : memref<32768xf32, #tpu.memory_space<vmem>>, vector<16xf32>,
      %max3A_1187 = arith.maximumf %max3A_1167, %get3A_1186 : vector<16xf32>
      %add3A_1188 = arith.constant 400 : i32
      %add3A_1189 = arith.addi %mul3A_1068, %add3A_1188 : i32
      %get3A_1190 = arith.index_cast %add3A_1189 : i32 to index
      %get3A_1191 = tpu.vector_load %arg5[%get3A_1190] {strides = array<i32>} : memref<32768xf32, #tpu.memory_space<vmem>>, vector<16xf32>,
      %max3A_1192 = arith.maximumf %max3A_1172, %get3A_1191 : vector<16xf32>
      %add3A_1193 = arith.constant 416 : i32
      %add3A_1194 = arith.addi %mul3A_1068, %add3A_1193 : i32
      %get3A_1195 = arith.index_cast %add3A_1194 : i32 to index
      %get3A_1196 = tpu.vector_load %arg5[%get3A_1195] {strides = array<i32>} : memref<32768xf32, #tpu.memory_space<vmem>>, vector<16xf32>,
      %max3A_1197 = arith.maximumf %max3A_1177, %get3A_1196 : vector<16xf32>
      %add3A_1198 = arith.constant 432 : i32
      %add3A_1199 = arith.addi %mul3A_1068, %add3A_1198 : i32
      %get3A_1200 = arith.index_cast %add3A_1199 : i32 to index
      %get3A_1201 = tpu.vector_load %arg5[%get3A_1200] {strides = array<i32>} : memref<32768xf32, #tpu.memory_space<vmem>>, vector<16xf32>,
      %max3A_1202 = arith.maximumf %max3A_1182, %get3A_1201 : vector<16xf32>
      %add3A_1203 = arith.constant 448 : i32
      %add3A_1204 = arith.addi %mul3A_1068, %add3A_1203 : i32
      %get3A_1205 = arith.index_cast %add3A_1204 : i32 to index
      %get3A_1206 = tpu.vector_load %arg5[%get3A_1205] {strides = array<i32>} : memref<32768xf32, #tpu.memory_space<vmem>>, vector<16xf32>,
      %max3A_1207 = arith.maximumf %max3A_1187, %get3A_1206 : vector<16xf32>
      %add3A_1208 = arith.constant 464 : i32
      %add3A_1209 = arith.addi %mul3A_1068, %add3A_1208 : i32
      %get3A_1210 = arith.index_cast %add3A_1209 : i32 to index
      %get3A_1211 = tpu.vector_load %arg5[%get3A_1210] {strides = array<i32>} : memref<32768xf32, #tpu.memory_space<vmem>>, vector<16xf32>,
      %max3A_1212 = arith.maximumf %max3A_1192, %get3A_1211 : vector<16xf32>
      %add3A_1213 = arith.constant 480 : i32
      %add3A_1214 = arith.addi %mul3A_1068, %add3A_1213 : i32
      %get3A_1215 = arith.index_cast %add3A_1214 : i32 to index
      %get3A_1216 = tpu.vector_load %arg5[%get3A_1215] {strides = array<i32>} : memref<32768xf32, #tpu.memory_space<vmem>>, vector<16xf32>,
      %max3A_1217 = arith.maximumf %max3A_1197, %get3A_1216 : vector<16xf32>
      %add3A_1218 = arith.constant 496 : i32
      %add3A_1219 = arith.addi %mul3A_1068, %add3A_1218 : i32
      %get3A_1220 = arith.index_cast %add3A_1219 : i32 to index
      %get3A_1221 = tpu.vector_load %arg5[%get3A_1220] {strides = array<i32>} : memref<32768xf32, #tpu.memory_space<vmem>>, vector<16xf32>,
      %max3A_1222 = arith.maximumf %max3A_1202, %get3A_1221 : vector<16xf32>
      %max3A_1223 = arith.maximumf %max3A_1207, %max3A_1212 : vector<16xf32>
      %max3A_1224 = arith.maximumf %max3A_1217, %max3A_1222 : vector<16xf32>
      %max3A_1225 = arith.maximumf %max3A_1223, %max3A_1224 : vector<16xf32>
      %mul3A_1226 = arith.constant 16 : i32
      %mul3A_1227 = arith.muli %scan3A_1066, %mul3A_1226 : i32
      %swap3A_1228 = arith.index_cast %mul3A_1227 : i32 to index
      %swap3A_1229 = tpu.vector_load %arg6[%swap3A_1228] {strides = array<i32>} : memref<1024xf32, #tpu.memory_space<vmem>>, vector<16xf32>,
      tpu.vector_store %arg6[%swap3A_1228], %max3A_1225 {strides = array<i32>} : memref<1024xf32, #tpu.memory_space<vmem>>, vector<16xf32>,
      %masked_sort3A_1230 = arith.constant dense<true> : vector<16xi1>
      %masked_sort3A_1231, %masked_sort3A_1232, %masked_sort3A_1233 = tpu.sort %max3A_1225, %max3A_1225 masked %masked_sort3A_1230 {descending = true} : (vector<16xf32>, vector<16xf32>, vector<16xi1>) -> (vector<16xi1>, vector<16xf32>, vector<16xf32>)
      %broadcast_in_dim3A_1234 = vector.broadcast %scan3A_1066 : i32 to vector<16xi32>
      tpu.vector_store_idx %arg7[%broadcast_in_dim3A_1234], %masked_sort3A_1232 masked %eq3A_238 : memref<64xf32, #tpu.memory_space<vmem>>[vector<16xi32>], vector<16xf32>, vector<16xi1>
    }
    %scan3A_244 = arith.constant 64 : i32
    %get3A_245 = arith.constant 0 : index
    %get3A_246 = tpu.vector_load %arg7[%get3A_245] {strides = array<i32>} : memref<64xf32, #tpu.memory_space<vmem>>, vector<16xf32>,
    %masked_sort3A_247 = arith.constant dense<true> : vector<16xi1>
    %masked_sort3A_248, %masked_sort3A_249, %masked_sort3A_250 = tpu.sort %get3A_246, %get3A_246 masked %masked_sort3A_247 {descending = true} : (vector<16xf32>, vector<16xf32>, vector<16xi1>) -> (vector<16xi1>, vector<16xf32>, vector<16xf32>)
    %get3A_251 = arith.constant 16 : index
    %get3A_252 = tpu.vector_load %arg7[%get3A_251] {strides = array<i32>} : memref<64xf32, #tpu.memory_space<vmem>>, vector<16xf32>,
    %masked_sort3A_253 = arith.constant dense<true> : vector<16xi1>
    %masked_sort3A_254, %masked_sort3A_255, %masked_sort3A_256 = tpu.sort %get3A_252, %get3A_252 masked %masked_sort3A_253 {descending = true} : (vector<16xf32>, vector<16xf32>, vector<16xi1>) -> (vector<16xi1>, vector<16xf32>, vector<16xf32>)
    %get3A_257 = arith.constant 32 : index
    %get3A_258 = tpu.vector_load %arg7[%get3A_257] {strides = array<i32>} : memref<64xf32, #tpu.memory_space<vmem>>, vector<16xf32>,
    %masked_sort3A_259 = arith.constant dense<true> : vector<16xi1>
    %masked_sort3A_260, %masked_sort3A_261, %masked_sort3A_262 = tpu.sort %get3A_258, %get3A_258 masked %masked_sort3A_259 {descending = true} : (vector<16xf32>, vector<16xf32>, vector<16xi1>) -> (vector<16xi1>, vector<16xf32>, vector<16xf32>)
    %get3A_263 = arith.constant 48 : index
    %get3A_264 = tpu.vector_load %arg7[%get3A_263] {strides = array<i32>} : memref<64xf32, #tpu.memory_space<vmem>>, vector<16xf32>,
    %masked_sort3A_265 = arith.constant dense<true> : vector<16xi1>
    %masked_sort3A_266, %masked_sort3A_267, %masked_sort3A_268 = tpu.sort %get3A_264, %get3A_264 masked %masked_sort3A_265 {descending = true} : (vector<16xf32>, vector<16xf32>, vector<16xi1>) -> (vector<16xi1>, vector<16xf32>, vector<16xf32>)
    %rev3A_269 = arith.constant 15 : i32
    %rev3A_270 = vector.broadcast %rev3A_269 : i32 to vector<16xi32>
    %rev3A_271 = tpu.iota {dimensions = array<i32: 0>} : vector<16xi32>
    %rev3A_272 = arith.subi %rev3A_270, %rev3A_271 : vector<16xi32>
    %rev3A_273 = tpu.dynamic_gather %masked_sort3A_255[%rev3A_272] in [0] : vector<16xf32>, vector<16xi32> -> vector<16xf32>
    %max3A_274 = arith.maximumf %masked_sort3A_249, %rev3A_273 : vector<16xf32>
    %masked_sort3A_275 = arith.constant dense<true> : vector<16xi1>
    %masked_sort3A_276, %masked_sort3A_277, %masked_sort3A_278 = tpu.sort %max3A_274, %max3A_274 masked %masked_sort3A_275 {descending = true} : (vector<16xf32>, vector<16xf32>, vector<16xi1>) -> (vector<16xi1>, vector<16xf32>, vector<16xf32>)
    %rev3A_279 = arith.constant 15 : i32
    %rev3A_280 = vector.broadcast %rev3A_279 : i32 to vector<16xi32>
    %rev3A_281 = tpu.iota {dimensions = array<i32: 0>} : vector<16xi32>
    %rev3A_282 = arith.subi %rev3A_280, %rev3A_281 : vector<16xi32>
    %rev3A_283 = tpu.dynamic_gather %masked_sort3A_267[%rev3A_282] in [0] : vector<16xf32>, vector<16xi32> -> vector<16xf32>
    %max3A_284 = arith.maximumf %masked_sort3A_261, %rev3A_283 : vector<16xf32>
    %masked_sort3A_285 = arith.constant dense<true> : vector<16xi1>
    %masked_sort3A_286, %masked_sort3A_287, %masked_sort3A_288 = tpu.sort %max3A_284, %max3A_284 masked %masked_sort3A_285 {descending = true} : (vector<16xf32>, vector<16xf32>, vector<16xi1>) -> (vector<16xi1>, vector<16xf32>, vector<16xf32>)
    %rev3A_289 = arith.constant 15 : i32
    %rev3A_290 = vector.broadcast %rev3A_289 : i32 to vector<16xi32>
    %rev3A_291 = tpu.iota {dimensions = array<i32: 0>} : vector<16xi32>
    %rev3A_292 = arith.subi %rev3A_290, %rev3A_291 : vector<16xi32>
    %rev3A_293 = tpu.dynamic_gather %masked_sort3A_287[%rev3A_292] in [0] : vector<16xf32>, vector<16xi32> -> vector<16xf32>
    %max3A_294 = arith.maximumf %masked_sort3A_277, %rev3A_293 : vector<16xf32>
    %masked_sort3A_295 = arith.constant dense<true> : vector<16xi1>
    %masked_sort3A_296, %masked_sort3A_297, %masked_sort3A_298 = tpu.sort %max3A_294, %max3A_294 masked %masked_sort3A_295 {descending = true} : (vector<16xf32>, vector<16xf32>, vector<16xi1>) -> (vector<16xi1>, vector<16xf32>, vector<16xf32>)
    %reduce_min3A_299 = arith.constant true
    %reduce_min3A_300 = vector.broadcast %reduce_min3A_299 : i1 to vector<16xi1>
    %reduce_min3A_301 = tpu.scan <min>, %masked_sort3A_297 masked %reduce_min3A_300 : vector<16xf32>, vector<16xi1> -> vector<16xf32>
    %reduce_min3A_302 = vector.extract %reduce_min3A_301[15] : f32 from vector<16xf32>
    %broadcast_in_dim3A_303 = arith.constant 0 : i32
    %broadcast_in_dim3A_304 = vector.broadcast %broadcast_in_dim3A_303 : i32 to vector<16xi32>
    %scan3A_305 = arith.constant 0 : i32
    %mul3A_306 = arith.constant 16 : i32
    %mul3A_307 = arith.muli %scan3A_305, %mul3A_306 : i32
    %get3A_308 = arith.index_cast %mul3A_307 : i32 to index
    %get3A_309 = tpu.vector_load %arg7[%get3A_308] {strides = array<i32>} : memref<64xf32, #tpu.memory_space<vmem>>, vector<16xf32>,
    %gt3A_310 = vector.broadcast %reduce_min3A_302 : f32 to vector<16xf32>
    %gt3A_311 = arith.cmpf ogt, %get3A_309, %gt3A_310 : vector<16xf32>
    %all_reduce_population_count3A_312 = tpu.all_reduce %gt3A_311 {dim = 0 : i64, kind = #tpu.reduction_kind<sum>} : vector<16xi1> -> vector<16xi32>
    %convert_element_type3A_313 = arith.extui %gt3A_311 : vector<16xi1> to vector<16xi32>
    %broadcast_in_dim3A_314 = arith.constant true
    %broadcast_in_dim3A_315 = vector.broadcast %broadcast_in_dim3A_314 : i1 to vector<16xi1>
    %masked_cumsum3A_316 = tpu.scan <sum>, %convert_element_type3A_313 masked %broadcast_in_dim3A_315 : vector<16xi32>, vector<16xi1> -> vector<16xi32>
    %add3A_317 = arith.addi %broadcast_in_dim3A_304, %masked_cumsum3A_316 : vector<16xi32>
    %sub3A_318 = arith.constant 1 : i32
    %sub3A_319 = vector.broadcast %sub3A_318 : i32 to vector<16xi32>
    %sub3A_320 = arith.subi %add3A_317, %sub3A_319 : vector<16xi32>
    %jit3A_321 = arith.constant 31 : i32
    %broadcast_in_dim3A_322 = vector.broadcast %jit3A_321 : i32 to vector<16xi32>
    %select_n3A_323 = arith.select %gt3A_311, %sub3A_320, %broadcast_in_dim3A_322 : vector<16xi1>, vector<16xi32>
    %mul3A_324 = arith.constant 16 : i32
    %mul3A_325 = arith.muli %scan3A_305, %mul3A_324 : i32
    %add3A_326 = vector.broadcast %mul3A_325 : i32 to vector<16xi32>
    %add3A_327 = arith.addi %add3A_326, %iota3A_235 : vector<16xi32>
    tpu.vector_store_idx %arg8[%select_n3A_323], %add3A_327 masked %gt3A_311 : memref<32xi32, #tpu.memory_space<vmem>>[vector<16xi32>], vector<16xi32>, vector<16xi1>
    %add3A_328 = arith.addi %broadcast_in_dim3A_304, %all_reduce_population_count3A_312 : vector<16xi32>
    %scan3A_329 = arith.constant 1 : i32
    %mul3A_330 = arith.constant 16 : i32
    %mul3A_331 = arith.muli %scan3A_329, %mul3A_330 : i32
    %get3A_332 = arith.index_cast %mul3A_331 : i32 to index
    %get3A_333 = tpu.vector_load %arg7[%get3A_332] {strides = array<i32>} : memref<64xf32, #tpu.memory_space<vmem>>, vector<16xf32>,
    %gt3A_334 = vector.broadcast %reduce_min3A_302 : f32 to vector<16xf32>
    %gt3A_335 = arith.cmpf ogt, %get3A_333, %gt3A_334 : vector<16xf32>
    %all_reduce_population_count3A_336 = tpu.all_reduce %gt3A_335 {dim = 0 : i64, kind = #tpu.reduction_kind<sum>} : vector<16xi1> -> vector<16xi32>
    %convert_element_type3A_337 = arith.extui %gt3A_335 : vector<16xi1> to vector<16xi32>
    %broadcast_in_dim3A_338 = arith.constant true
    %broadcast_in_dim3A_339 = vector.broadcast %broadcast_in_dim3A_338 : i1 to vector<16xi1>
    %masked_cumsum3A_340 = tpu.scan <sum>, %convert_element_type3A_337 masked %broadcast_in_dim3A_339 : vector<16xi32>, vector<16xi1> -> vector<16xi32>
    %add3A_341 = arith.addi %add3A_328, %masked_cumsum3A_340 : vector<16xi32>
    %sub3A_342 = arith.constant 1 : i32
    %sub3A_343 = vector.broadcast %sub3A_342 : i32 to vector<16xi32>
    %sub3A_344 = arith.subi %add3A_341, %sub3A_343 : vector<16xi32>
    %jit3A_345 = arith.constant 31 : i32
    %broadcast_in_dim3A_346 = vector.broadcast %jit3A_345 : i32 to vector<16xi32>
    %select_n3A_347 = arith.select %gt3A_335, %sub3A_344, %broadcast_in_dim3A_346 : vector<16xi1>, vector<16xi32>
    %mul3A_348 = arith.constant 16 : i32
    %mul3A_349 = arith.muli %scan3A_329, %mul3A_348 : i32
    %add3A_350 = vector.broadcast %mul3A_349 : i32 to vector<16xi32>
    %add3A_351 = arith.addi %add3A_350, %iota3A_235 : vector<16xi32>
    tpu.vector_store_idx %arg8[%select_n3A_347], %add3A_351 masked %gt3A_335 : memref<32xi32, #tpu.memory_space<vmem>>[vector<16xi32>], vector<16xi32>, vector<16xi1>
    %add3A_352 = arith.addi %add3A_328, %all_reduce_population_count3A_336 : vector<16xi32>
    %scan3A_353 = arith.constant 2 : i32
    %mul3A_354 = arith.constant 16 : i32
    %mul3A_355 = arith.muli %scan3A_353, %mul3A_354 : i32
    %get3A_356 = arith.index_cast %mul3A_355 : i32 to index
    %get3A_357 = tpu.vector_load %arg7[%get3A_356] {strides = array<i32>} : memref<64xf32, #tpu.memory_space<vmem>>, vector<16xf32>,
    %gt3A_358 = vector.broadcast %reduce_min3A_302 : f32 to vector<16xf32>
    %gt3A_359 = arith.cmpf ogt, %get3A_357, %gt3A_358 : vector<16xf32>
    %all_reduce_population_count3A_360 = tpu.all_reduce %gt3A_359 {dim = 0 : i64, kind = #tpu.reduction_kind<sum>} : vector<16xi1> -> vector<16xi32>
    %convert_element_type3A_361 = arith.extui %gt3A_359 : vector<16xi1> to vector<16xi32>
    %broadcast_in_dim3A_362 = arith.constant true
    %broadcast_in_dim3A_363 = vector.broadcast %broadcast_in_dim3A_362 : i1 to vector<16xi1>
    %masked_cumsum3A_364 = tpu.scan <sum>, %convert_element_type3A_361 masked %broadcast_in_dim3A_363 : vector<16xi32>, vector<16xi1> -> vector<16xi32>
    %add3A_365 = arith.addi %add3A_352, %masked_cumsum3A_364 : vector<16xi32>
    %sub3A_366 = arith.constant 1 : i32
    %sub3A_367 = vector.broadcast %sub3A_366 : i32 to vector<16xi32>
    %sub3A_368 = arith.subi %add3A_365, %sub3A_367 : vector<16xi32>
    %jit3A_369 = arith.constant 31 : i32
    %broadcast_in_dim3A_370 = vector.broadcast %jit3A_369 : i32 to vector<16xi32>
    %select_n3A_371 = arith.select %gt3A_359, %sub3A_368, %broadcast_in_dim3A_370 : vector<16xi1>, vector<16xi32>
    %mul3A_372 = arith.constant 16 : i32
    %mul3A_373 = arith.muli %scan3A_353, %mul3A_372 : i32
    %add3A_374 = vector.broadcast %mul3A_373 : i32 to vector<16xi32>
    %add3A_375 = arith.addi %add3A_374, %iota3A_235 : vector<16xi32>
    tpu.vector_store_idx %arg8[%select_n3A_371], %add3A_375 masked %gt3A_359 : memref<32xi32, #tpu.memory_space<vmem>>[vector<16xi32>], vector<16xi32>, vector<16xi1>
    %add3A_376 = arith.addi %add3A_352, %all_reduce_population_count3A_360 : vector<16xi32>
    %scan3A_377 = arith.constant 3 : i32
    %mul3A_378 = arith.constant 16 : i32
    %mul3A_379 = arith.muli %scan3A_377, %mul3A_378 : i32
    %get3A_380 = arith.index_cast %mul3A_379 : i32 to index
    %get3A_381 = tpu.vector_load %arg7[%get3A_380] {strides = array<i32>} : memref<64xf32, #tpu.memory_space<vmem>>, vector<16xf32>,
    %gt3A_382 = vector.broadcast %reduce_min3A_302 : f32 to vector<16xf32>
    %gt3A_383 = arith.cmpf ogt, %get3A_381, %gt3A_382 : vector<16xf32>
    %all_reduce_population_count3A_384 = tpu.all_reduce %gt3A_383 {dim = 0 : i64, kind = #tpu.reduction_kind<sum>} : vector<16xi1> -> vector<16xi32>
    %convert_element_type3A_385 = arith.extui %gt3A_383 : vector<16xi1> to vector<16xi32>
    %broadcast_in_dim3A_386 = arith.constant true
    %broadcast_in_dim3A_387 = vector.broadcast %broadcast_in_dim3A_386 : i1 to vector<16xi1>
    %masked_cumsum3A_388 = tpu.scan <sum>, %convert_element_type3A_385 masked %broadcast_in_dim3A_387 : vector<16xi32>, vector<16xi1> -> vector<16xi32>
    %add3A_389 = arith.addi %add3A_376, %masked_cumsum3A_388 : vector<16xi32>
    %sub3A_390 = arith.constant 1 : i32
    %sub3A_391 = vector.broadcast %sub3A_390 : i32 to vector<16xi32>
    %sub3A_392 = arith.subi %add3A_389, %sub3A_391 : vector<16xi32>
    %jit3A_393 = arith.constant 31 : i32
    %broadcast_in_dim3A_394 = vector.broadcast %jit3A_393 : i32 to vector<16xi32>
    %select_n3A_395 = arith.select %gt3A_383, %sub3A_392, %broadcast_in_dim3A_394 : vector<16xi1>, vector<16xi32>
    %mul3A_396 = arith.constant 16 : i32
    %mul3A_397 = arith.muli %scan3A_377, %mul3A_396 : i32
    %add3A_398 = vector.broadcast %mul3A_397 : i32 to vector<16xi32>
    %add3A_399 = arith.addi %add3A_398, %iota3A_235 : vector<16xi32>
    tpu.vector_store_idx %arg8[%select_n3A_395], %add3A_399 masked %gt3A_383 : memref<32xi32, #tpu.memory_space<vmem>>[vector<16xi32>], vector<16xi32>, vector<16xi1>
    %add3A_400 = arith.addi %add3A_376, %all_reduce_population_count3A_384 : vector<16xi32>
    %scan3A_401 = arith.constant 4 : i32
    %reduce_max3A_402 = arith.constant true
    %reduce_max3A_403 = vector.broadcast %reduce_max3A_402 : i1 to vector<16xi1>
    %reduce_max3A_404 = arith.constant -2147483648 : i32
    %reduce_max3A_405 = vector.broadcast %reduce_max3A_404 : i32 to vector<16xi32>
    %reduce_max3A_406 = arith.xori %add3A_400, %reduce_max3A_405 : vector<16xi32>
    %reduce_max3A_407 = tpu.scan <max>, %reduce_max3A_406 masked %reduce_max3A_403 : vector<16xi32>, vector<16xi1> -> vector<16xi32>
    %reduce_max3A_408 = arith.xori %reduce_max3A_407, %reduce_max3A_405 : vector<16xi32>
    %reduce_max3A_409 = vector.extract %reduce_max3A_408[15] : i32 from vector<16xi32>
    %while3A_410 = arith.constant 0 : i32
    %while3A_411 = arith.subi %reduce_max3A_409, %while3A_410 : i32
    %while3A_412 = arith.addi %while3A_410, %while3A_411 : i32
    %while3A_413 = arith.constant 1 : i32
    %while3A_414 = arith.divsi %while3A_411, %while3A_413 : i32
    %while3A_415 = arith.muli %while3A_414, %while3A_413 : i32
    %while3A_416 = arith.addi %while3A_410, %while3A_415 : i32
    %while3A_417 = arith.constant 1 : i32
    %while3A_418 = scf.for %while3A_896 = %while3A_410 to %while3A_416 step %while3A_417 iter_args(%while3A_897 = %broadcast_in_dim3A_304) -> (vector<16xi32>)  : i32 {
      %get3A_898 = arith.index_cast %while3A_896 : i32 to index
      %get3A_899 = tpu.vector_load %arg8[%get3A_898] {strides = array<i32>} : memref<32xi32, #tpu.memory_space<vmem>>, vector<16xi32>,
      %slice3A = vector.extract_strided_slice %get3A_899 {offsets = [0], sizes = [1], strides = [1]} : vector<16xi32> to vector<1xi32>
      %squeeze3A = vector.extract %slice3A[0] : i32 from vector<1xi32>
      %mul3A_900 = arith.constant 16 : i32
      %mul3A_901 = arith.muli %squeeze3A, %mul3A_900 : i32
      %get3A_902 = arith.index_cast %mul3A_901 : i32 to index
      %get3A_903 = tpu.vector_load %arg6[%get3A_902] {strides = array<i32>} : memref<1024xf32, #tpu.memory_space<vmem>>, vector<16xf32>,
      %gt3A_904 = vector.broadcast %reduce_min3A_302 : f32 to vector<16xf32>
      %gt3A_905 = arith.cmpf ogt, %get3A_903, %gt3A_904 : vector<16xf32>
      %all_reduce_population_count3A_906 = tpu.all_reduce %gt3A_905 {dim = 0 : i64, kind = #tpu.reduction_kind<sum>} : vector<16xi1> -> vector<16xi32>
      %convert_element_type3A_907 = arith.extui %gt3A_905 : vector<16xi1> to vector<16xi32>
      %broadcast_in_dim3A_908 = arith.constant true
      %broadcast_in_dim3A_909 = vector.broadcast %broadcast_in_dim3A_908 : i1 to vector<16xi1>
      %masked_cumsum3A_910 = tpu.scan <sum>, %convert_element_type3A_907 masked %broadcast_in_dim3A_909 : vector<16xi32>, vector<16xi1> -> vector<16xi32>
      %add3A_911 = arith.addi %while3A_897, %masked_cumsum3A_910 : vector<16xi32>
      %sub3A_912 = arith.constant 1 : i32
      %sub3A_913 = vector.broadcast %sub3A_912 : i32 to vector<16xi32>
      %sub3A_914 = arith.subi %add3A_911, %sub3A_913 : vector<16xi32>
      %jit3A_915 = arith.constant 255 : i32
      %broadcast_in_dim3A_916 = vector.broadcast %jit3A_915 : i32 to vector<16xi32>
      %select_n3A_917 = arith.select %gt3A_905, %sub3A_914, %broadcast_in_dim3A_916 : vector<16xi1>, vector<16xi32>
      %mul3A_918 = arith.constant 16 : i32
      %mul3A_919 = arith.muli %squeeze3A, %mul3A_918 : i32
      %add3A_920 = vector.broadcast %mul3A_919 : i32 to vector<16xi32>
      %add3A_921 = arith.addi %add3A_920, %iota3A_235 : vector<16xi32>
      tpu.vector_store_idx %arg9[%select_n3A_917], %add3A_921 masked %gt3A_905 : memref<256xi32, #tpu.memory_space<vmem>>[vector<16xi32>], vector<16xi32>, vector<16xi1>
      %add3A_922 = arith.addi %while3A_897, %all_reduce_population_count3A_906 : vector<16xi32>
      scf.yield %add3A_922 : vector<16xi32>
    }
    %while3A_419 = arith.constant 1 : i32
    %while3A_420 = scf.for %while3A_896 = %while3A_416 to %while3A_412 step %while3A_419 iter_args(%while3A_897 = %while3A_418) -> (vector<16xi32>)  : i32 {
      %get3A_898 = arith.index_cast %while3A_896 : i32 to index
      %get3A_899 = tpu.vector_load %arg8[%get3A_898] {strides = array<i32>} : memref<32xi32, #tpu.memory_space<vmem>>, vector<16xi32>,
      %slice3A = vector.extract_strided_slice %get3A_899 {offsets = [0], sizes = [1], strides = [1]} : vector<16xi32> to vector<1xi32>
      %squeeze3A = vector.extract %slice3A[0] : i32 from vector<1xi32>
      %mul3A_900 = arith.constant 16 : i32
      %mul3A_901 = arith.muli %squeeze3A, %mul3A_900 : i32
      %get3A_902 = arith.index_cast %mul3A_901 : i32 to index
      %get3A_903 = tpu.vector_load %arg6[%get3A_902] {strides = array<i32>} : memref<1024xf32, #tpu.memory_space<vmem>>, vector<16xf32>,
      %gt3A_904 = vector.broadcast %reduce_min3A_302 : f32 to vector<16xf32>
      %gt3A_905 = arith.cmpf ogt, %get3A_903, %gt3A_904 : vector<16xf32>
      %all_reduce_population_count3A_906 = tpu.all_reduce %gt3A_905 {dim = 0 : i64, kind = #tpu.reduction_kind<sum>} : vector<16xi1> -> vector<16xi32>
      %convert_element_type3A_907 = arith.extui %gt3A_905 : vector<16xi1> to vector<16xi32>
      %broadcast_in_dim3A_908 = arith.constant true
      %broadcast_in_dim3A_909 = vector.broadcast %broadcast_in_dim3A_908 : i1 to vector<16xi1>
      %masked_cumsum3A_910 = tpu.scan <sum>, %convert_element_type3A_907 masked %broadcast_in_dim3A_909 : vector<16xi32>, vector<16xi1> -> vector<16xi32>
      %add3A_911 = arith.addi %while3A_897, %masked_cumsum3A_910 : vector<16xi32>
      %sub3A_912 = arith.constant 1 : i32
      %sub3A_913 = vector.broadcast %sub3A_912 : i32 to vector<16xi32>
      %sub3A_914 = arith.subi %add3A_911, %sub3A_913 : vector<16xi32>
      %jit3A_915 = arith.constant 255 : i32
      %broadcast_in_dim3A_916 = vector.broadcast %jit3A_915 : i32 to vector<16xi32>
      %select_n3A_917 = arith.select %gt3A_905, %sub3A_914, %broadcast_in_dim3A_916 : vector<16xi1>, vector<16xi32>
      %mul3A_918 = arith.constant 16 : i32
      %mul3A_919 = arith.muli %squeeze3A, %mul3A_918 : i32
      %add3A_920 = vector.broadcast %mul3A_919 : i32 to vector<16xi32>
      %add3A_921 = arith.addi %add3A_920, %iota3A_235 : vector<16xi32>
      tpu.vector_store_idx %arg9[%select_n3A_917], %add3A_921 masked %gt3A_905 : memref<256xi32, #tpu.memory_space<vmem>>[vector<16xi32>], vector<16xi32>, vector<16xi1>
      %add3A_922 = arith.addi %while3A_897, %all_reduce_population_count3A_906 : vector<16xi32>
      scf.yield %add3A_922 : vector<16xi32>
    }
    %reduce_max3A_421 = arith.constant true
    %reduce_max3A_422 = vector.broadcast %reduce_max3A_421 : i1 to vector<16xi1>
    %reduce_max3A_423 = arith.constant -2147483648 : i32
    %reduce_max3A_424 = vector.broadcast %reduce_max3A_423 : i32 to vector<16xi32>
    %reduce_max3A_425 = arith.xori %while3A_420, %reduce_max3A_424 : vector<16xi32>
    %reduce_max3A_426 = tpu.scan <max>, %reduce_max3A_425 masked %reduce_max3A_422 : vector<16xi32>, vector<16xi1> -> vector<16xi32>
    %reduce_max3A_427 = arith.xori %reduce_max3A_426, %reduce_max3A_424 : vector<16xi32>
    %reduce_max3A_428 = vector.extract %reduce_max3A_427[15] : i32 from vector<16xi32>
    %broadcast_in_dim3A_429 = vector.broadcast %reduce_min3A_302 : f32 to vector<16xf32>
    %mul3A_430 = arith.constant 16 : i32
    %mul3A_431 = vector.broadcast %mul3A_430 : i32 to vector<16xi32>
    %mul3A_432 = arith.muli %iota3A_235, %mul3A_431 : vector<16xi32>
    %while3A_433 = arith.constant 0 : i32
    %while3A_434 = arith.subi %reduce_max3A_428, %while3A_433 : i32
    %while3A_435 = arith.addi %while3A_433, %while3A_434 : i32
    %while3A_436 = arith.constant 1 : i32
    %while3A_437 = arith.divsi %while3A_434, %while3A_436 : i32
    %while3A_438 = arith.muli %while3A_437, %while3A_436 : i32
    %while3A_439 = arith.addi %while3A_433, %while3A_438 : i32
    %while3A_440 = arith.constant 1 : i32
    %while3A_441 = scf.for %while3A_896 = %while3A_433 to %while3A_439 step %while3A_440 iter_args(%while3A_897 = %broadcast_in_dim3A_429) -> (vector<16xf32>)  : i32 {
      %get3A_898 = arith.index_cast %while3A_896 : i32 to index
      %get3A_899 = tpu.vector_load %arg9[%get3A_898] {strides = array<i32>} : memref<256xi32, #tpu.memory_space<vmem>>, vector<16xi32>,
      %slice3A = vector.extract_strided_slice %get3A_899 {offsets = [0], sizes = [1], strides = [1]} : vector<16xi32> to vector<1xi32>
      %squeeze3A = vector.extract %slice3A[0] : i32 from vector<1xi32>
      %jit3A_900 = arith.constant 16 : i32
      %div3A = arith.divsi %squeeze3A, %jit3A_900 : i32
      %sign3A = arith.constant 0 : i32
      %sign3A_901 = arith.cmpi sgt, %squeeze3A, %sign3A : i32
      %sign3A_902 = arith.extui %sign3A_901 : i1 to i32
      %sign3A_903 = arith.constant 0 : i32
      %sign3A_904 = arith.cmpi slt, %squeeze3A, %sign3A_903 : i32
      %sign3A_905 = arith.extui %sign3A_904 : i1 to i32
      %sign3A_906 = arith.subi %sign3A_902, %sign3A_905 : i32
      %sign3A_907 = arith.constant 0 : i32
      %sign3A_908 = arith.cmpi sgt, %jit3A_900, %sign3A_907 : i32
      %sign3A_909 = arith.extui %sign3A_908 : i1 to i32
      %sign3A_910 = arith.constant 0 : i32
      %sign3A_911 = arith.cmpi slt, %jit3A_900, %sign3A_910 : i32
      %sign3A_912 = arith.extui %sign3A_911 : i1 to i32
      %sign3A_913 = arith.subi %sign3A_909, %sign3A_912 : i32
      %ne3A = arith.cmpi ne, %sign3A_906, %sign3A_913 : i32
      %rem3A = arith.remsi %squeeze3A, %jit3A_900 : i32
      %ne3A_914 = arith.constant 0 : i32
      %ne3A_915 = arith.cmpi ne, %rem3A, %ne3A_914 : i32
      %and3A = arith.andi %ne3A, %ne3A_915 : i1
      %sub3A_916 = arith.constant 1 : i32
      %sub3A_917 = arith.subi %div3A, %sub3A_916 : i32
      %select_n3A_918 = arith.select %and3A, %sub3A_917, %div3A : i32
      %mul3A_919 = arith.constant 16 : i32
      %mul3A_920 = arith.muli %select_n3A_918, %mul3A_919 : i32
      %sub3A_921 = arith.subi %squeeze3A, %mul3A_920 : i32
      %mul3A_922 = arith.constant 512 : i32
      %mul3A_923 = arith.muli %select_n3A_918, %mul3A_922 : i32
      %add3A_924 = arith.addi %mul3A_923, %sub3A_921 : i32
      %add3A_925 = vector.broadcast %add3A_924 : i32 to vector<16xi32>
      %add3A_926 = arith.addi %add3A_925, %mul3A_432 : vector<16xi32>
      %gather3A = tpu.vector_load_idx %arg5[%add3A_926] : memref<32768xf32, #tpu.memory_space<vmem>>[vector<16xi32>], vector<16xf32>,
      %add3A_927 = arith.constant 256 : i32
      %add3A_928 = vector.broadcast %add3A_927 : i32 to vector<16xi32>
      %add3A_929 = arith.addi %add3A_926, %add3A_928 : vector<16xi32>
      %gather3A_930 = tpu.vector_load_idx %arg5[%add3A_929] : memref<32768xf32, #tpu.memory_space<vmem>>[vector<16xi32>], vector<16xf32>,
      %masked_sort3A_931 = arith.constant dense<true> : vector<16xi1>
      %masked_sort3A_932, %masked_sort3A_933, %masked_sort3A_934 = tpu.sort %gather3A, %gather3A masked %masked_sort3A_931 {descending = true} : (vector<16xf32>, vector<16xf32>, vector<16xi1>) -> (vector<16xi1>, vector<16xf32>, vector<16xf32>)
      %masked_sort3A_935 = arith.constant dense<true> : vector<16xi1>
      %masked_sort3A_936, %masked_sort3A_937, %masked_sort3A_938 = tpu.sort %gather3A_930, %gather3A_930 masked %masked_sort3A_935 {descending = true} : (vector<16xf32>, vector<16xf32>, vector<16xi1>) -> (vector<16xi1>, vector<16xf32>, vector<16xf32>)
      %rev3A_939 = arith.constant 15 : i32
      %rev3A_940 = vector.broadcast %rev3A_939 : i32 to vector<16xi32>
      %rev3A_941 = tpu.iota {dimensions = array<i32: 0>} : vector<16xi32>
      %rev3A_942 = arith.subi %rev3A_940, %rev3A_941 : vector<16xi32>
      %rev3A_943 = tpu.dynamic_gather %masked_sort3A_937[%rev3A_942] in [0] : vector<16xf32>, vector<16xi32> -> vector<16xf32>
      %max3A_944 = arith.maximumf %masked_sort3A_933, %rev3A_943 : vector<16xf32>
      %masked_sort3A_945 = arith.constant dense<true> : vector<16xi1>
      %masked_sort3A_946, %masked_sort3A_947, %masked_sort3A_948 = tpu.sort %max3A_944, %max3A_944 masked %masked_sort3A_945 {descending = true} : (vector<16xf32>, vector<16xf32>, vector<16xi1>) -> (vector<16xi1>, vector<16xf32>, vector<16xf32>)
      %rev3A_949 = arith.constant 15 : i32
      %rev3A_950 = vector.broadcast %rev3A_949 : i32 to vector<16xi32>
      %rev3A_951 = tpu.iota {dimensions = array<i32: 0>} : vector<16xi32>
      %rev3A_952 = arith.subi %rev3A_950, %rev3A_951 : vector<16xi32>
      %rev3A_953 = tpu.dynamic_gather %masked_sort3A_947[%rev3A_952] in [0] : vector<16xf32>, vector<16xi32> -> vector<16xf32>
      %max3A_954 = arith.maximumf %while3A_897, %rev3A_953 : vector<16xf32>
      %masked_sort3A_955 = arith.constant dense<true> : vector<16xi1>
      %masked_sort3A_956, %masked_sort3A_957, %masked_sort3A_958 = tpu.sort %max3A_954, %max3A_954 masked %masked_sort3A_955 {descending = true} : (vector<16xf32>, vector<16xf32>, vector<16xi1>) -> (vector<16xi1>, vector<16xf32>, vector<16xf32>)
      scf.yield %masked_sort3A_957 : vector<16xf32>
    }
    %while3A_442 = arith.constant 1 : i32
    %while3A_443 = scf.for %while3A_896 = %while3A_439 to %while3A_435 step %while3A_442 iter_args(%while3A_897 = %while3A_441) -> (vector<16xf32>)  : i32 {
      %get3A_898 = arith.index_cast %while3A_896 : i32 to index
      %get3A_899 = tpu.vector_load %arg9[%get3A_898] {strides = array<i32>} : memref<256xi32, #tpu.memory_space<vmem>>, vector<16xi32>,
      %slice3A = vector.extract_strided_slice %get3A_899 {offsets = [0], sizes = [1], strides = [1]} : vector<16xi32> to vector<1xi32>
      %squeeze3A = vector.extract %slice3A[0] : i32 from vector<1xi32>
      %jit3A_900 = arith.constant 16 : i32
      %div3A = arith.divsi %squeeze3A, %jit3A_900 : i32
      %sign3A = arith.constant 0 : i32
      %sign3A_901 = arith.cmpi sgt, %squeeze3A, %sign3A : i32
      %sign3A_902 = arith.extui %sign3A_901 : i1 to i32
      %sign3A_903 = arith.constant 0 : i32
      %sign3A_904 = arith.cmpi slt, %squeeze3A, %sign3A_903 : i32
      %sign3A_905 = arith.extui %sign3A_904 : i1 to i32
      %sign3A_906 = arith.subi %sign3A_902, %sign3A_905 : i32
      %sign3A_907 = arith.constant 0 : i32
      %sign3A_908 = arith.cmpi sgt, %jit3A_900, %sign3A_907 : i32
      %sign3A_909 = arith.extui %sign3A_908 : i1 to i32
      %sign3A_910 = arith.constant 0 : i32
      %sign3A_911 = arith.cmpi slt, %jit3A_900, %sign3A_910 : i32
      %sign3A_912 = arith.extui %sign3A_911 : i1 to i32
      %sign3A_913 = arith.subi %sign3A_909, %sign3A_912 : i32
      %ne3A = arith.cmpi ne, %sign3A_906, %sign3A_913 : i32
      %rem3A = arith.remsi %squeeze3A, %jit3A_900 : i32
      %ne3A_914 = arith.constant 0 : i32
      %ne3A_915 = arith.cmpi ne, %rem3A, %ne3A_914 : i32
      %and3A = arith.andi %ne3A, %ne3A_915 : i1
      %sub3A_916 = arith.constant 1 : i32
      %sub3A_917 = arith.subi %div3A, %sub3A_916 : i32
      %select_n3A_918 = arith.select %and3A, %sub3A_917, %div3A : i32
      %mul3A_919 = arith.constant 16 : i32
      %mul3A_920 = arith.muli %select_n3A_918, %mul3A_919 : i32
      %sub3A_921 = arith.subi %squeeze3A, %mul3A_920 : i32
      %mul3A_922 = arith.constant 512 : i32
      %mul3A_923 = arith.muli %select_n3A_918, %mul3A_922 : i32
      %add3A_924 = arith.addi %mul3A_923, %sub3A_921 : i32
      %add3A_925 = vector.broadcast %add3A_924 : i32 to vector<16xi32>
      %add3A_926 = arith.addi %add3A_925, %mul3A_432 : vector<16xi32>
      %gather3A = tpu.vector_load_idx %arg5[%add3A_926] : memref<32768xf32, #tpu.memory_space<vmem>>[vector<16xi32>], vector<16xf32>,
      %add3A_927 = arith.constant 256 : i32
      %add3A_928 = vector.broadcast %add3A_927 : i32 to vector<16xi32>
      %add3A_929 = arith.addi %add3A_926, %add3A_928 : vector<16xi32>
      %gather3A_930 = tpu.vector_load_idx %arg5[%add3A_929] : memref<32768xf32, #tpu.memory_space<vmem>>[vector<16xi32>], vector<16xf32>,
      %masked_sort3A_931 = arith.constant dense<true> : vector<16xi1>
      %masked_sort3A_932, %masked_sort3A_933, %masked_sort3A_934 = tpu.sort %gather3A, %gather3A masked %masked_sort3A_931 {descending = true} : (vector<16xf32>, vector<16xf32>, vector<16xi1>) -> (vector<16xi1>, vector<16xf32>, vector<16xf32>)
      %masked_sort3A_935 = arith.constant dense<true> : vector<16xi1>
      %masked_sort3A_936, %masked_sort3A_937, %masked_sort3A_938 = tpu.sort %gather3A_930, %gather3A_930 masked %masked_sort3A_935 {descending = true} : (vector<16xf32>, vector<16xf32>, vector<16xi1>) -> (vector<16xi1>, vector<16xf32>, vector<16xf32>)
      %rev3A_939 = arith.constant 15 : i32
      %rev3A_940 = vector.broadcast %rev3A_939 : i32 to vector<16xi32>
      %rev3A_941 = tpu.iota {dimensions = array<i32: 0>} : vector<16xi32>
      %rev3A_942 = arith.subi %rev3A_940, %rev3A_941 : vector<16xi32>
      %rev3A_943 = tpu.dynamic_gather %masked_sort3A_937[%rev3A_942] in [0] : vector<16xf32>, vector<16xi32> -> vector<16xf32>
      %max3A_944 = arith.maximumf %masked_sort3A_933, %rev3A_943 : vector<16xf32>
      %masked_sort3A_945 = arith.constant dense<true> : vector<16xi1>
      %masked_sort3A_946, %masked_sort3A_947, %masked_sort3A_948 = tpu.sort %max3A_944, %max3A_944 masked %masked_sort3A_945 {descending = true} : (vector<16xf32>, vector<16xf32>, vector<16xi1>) -> (vector<16xi1>, vector<16xf32>, vector<16xf32>)
      %rev3A_949 = arith.constant 15 : i32
      %rev3A_950 = vector.broadcast %rev3A_949 : i32 to vector<16xi32>
      %rev3A_951 = tpu.iota {dimensions = array<i32: 0>} : vector<16xi32>
      %rev3A_952 = arith.subi %rev3A_950, %rev3A_951 : vector<16xi32>
      %rev3A_953 = tpu.dynamic_gather %masked_sort3A_947[%rev3A_952] in [0] : vector<16xf32>, vector<16xi32> -> vector<16xf32>
      %max3A_954 = arith.maximumf %while3A_897, %rev3A_953 : vector<16xf32>
      %masked_sort3A_955 = arith.constant dense<true> : vector<16xi1>
      %masked_sort3A_956, %masked_sort3A_957, %masked_sort3A_958 = tpu.sort %max3A_954, %max3A_954 masked %masked_sort3A_955 {descending = true} : (vector<16xf32>, vector<16xf32>, vector<16xi1>) -> (vector<16xi1>, vector<16xf32>, vector<16xf32>)
      scf.yield %masked_sort3A_957 : vector<16xf32>
    }
    %swap3A_444 = arith.constant 16 : index
    %swap3A_445 = tpu.vector_load %arg10[%swap3A_444] {strides = array<i32>} : memref<64xf32, #tpu.memory_space<vmem>>, vector<16xf32>,
    tpu.vector_store %arg10[%swap3A_444], %while3A_443 {strides = array<i32>} : memref<64xf32, #tpu.memory_space<vmem>>, vector<16xf32>,
    %add3A_446 = arith.constant 2 : i32
    %add3A_447 = arith.addi %mul3A_2, %add3A_446 : i32
    %dma_wait3A_448 = arith.constant 0 : i32
    %dma_wait3A_449 = tpu.memref_slice %arg2[%add3A_447, %dma_wait3A_448] : memref<128x32768xf32, #tpu.memory_space<hbm>> -> memref<1x32768xf32, #tpu.memory_space<hbm>>
    %dma_wait3A_450 = tpu.memref_squeeze %dma_wait3A_449 : memref<1x32768xf32, #tpu.memory_space<hbm>> -> memref<32768xf32, #tpu.memory_space<hbm>>
    %dma_wait3A_451 = arith.constant 0 : i32
    %dma_wait3A_452 = tpu.memref_slice %arg2[%add3A_447, %dma_wait3A_451] : memref<128x32768xf32, #tpu.memory_space<hbm>> -> memref<1x32768xf32, #tpu.memory_space<hbm>>
    %dma_wait3A_453 = tpu.memref_squeeze %dma_wait3A_452 : memref<1x32768xf32, #tpu.memory_space<hbm>> -> memref<32768xf32, #tpu.memory_space<hbm>>
    tpu.wait_dma2 semaphore(%arg11 : memref<!tpu.dma_semaphore, #tpu.memory_space<semaphore_mem>>) src(%dma_wait3A_453 : memref<32768xf32, #tpu.memory_space<hbm>>) dst(%arg4 : memref<32768xf32, #tpu.memory_space<vmem>>)
    %add3A_454 = arith.constant 2 : i32
    %add3A_455 = arith.addi %mul3A_2, %add3A_454 : i32
    %add3A_456 = arith.constant 1 : i32
    %add3A_457 = arith.addi %add3A_455, %add3A_456 : i32
    %dma_start3A_458 = arith.constant 0 : i32
    %dma_start3A_459 = tpu.memref_slice %arg2[%add3A_457, %dma_start3A_458] : memref<128x32768xf32, #tpu.memory_space<hbm>> -> memref<1x32768xf32, #tpu.memory_space<hbm>>
    %dma_start3A_460 = tpu.memref_squeeze %dma_start3A_459 : memref<1x32768xf32, #tpu.memory_space<hbm>> -> memref<32768xf32, #tpu.memory_space<hbm>>
    %dma_start3A_461 = arith.constant 0 : i32
    %dma_start3A_462 = tpu.memref_slice %arg2[%add3A_457, %dma_start3A_461] : memref<128x32768xf32, #tpu.memory_space<hbm>> -> memref<1x32768xf32, #tpu.memory_space<hbm>>
    %dma_start3A_463 = tpu.memref_squeeze %dma_start3A_462 : memref<1x32768xf32, #tpu.memory_space<hbm>> -> memref<32768xf32, #tpu.memory_space<hbm>>
    tpu.enqueue_dma source(%dma_start3A_463 : memref<32768xf32, #tpu.memory_space<hbm>>) target(%arg5 : memref<32768xf32, #tpu.memory_space<vmem>>) target_semaphore(%arg12 : memref<!tpu.dma_semaphore, #tpu.memory_space<semaphore_mem>>)
    %iota3A_464 = tpu.iota {dimensions = array<i32: 0>} : vector<16xi32>
    %eq3A_465 = arith.constant 0 : i32
    %eq3A_466 = vector.broadcast %eq3A_465 : i32 to vector<16xi32>
    %eq3A_467 = arith.cmpi eq, %iota3A_464, %eq3A_466 : vector<16xi32>
    %scan3A_468 = arith.constant 0 : i32
    %scan3A_469 = arith.constant 0 : i32
    %scan3A_470 = arith.constant 64 : i32
    %scan3A_471 = arith.addi %scan3A_469, %scan3A_470 : i32
    %scan3A_472 = arith.constant 2 : i32
    scf.for %scan3A_896 = %scan3A_469 to %scan3A_471 step %scan3A_472  : i32 {
      %mul3A_897 = arith.constant 512 : i32
      %mul3A_898 = arith.muli %scan3A_896, %mul3A_897 : i32
      %get3A_899 = arith.index_cast %mul3A_898 : i32 to index
      %get3A_900 = tpu.vector_load %arg4[%get3A_899] {strides = array<i32>} : memref<32768xf32, #tpu.memory_space<vmem>>, vector<16xf32>,
      %add3A_901 = arith.constant 16 : i32
      %add3A_902 = arith.addi %mul3A_898, %add3A_901 : i32
      %get3A_903 = arith.index_cast %add3A_902 : i32 to index
      %get3A_904 = tpu.vector_load %arg4[%get3A_903] {strides = array<i32>} : memref<32768xf32, #tpu.memory_space<vmem>>, vector<16xf32>,
      %add3A_905 = arith.constant 32 : i32
      %add3A_906 = arith.addi %mul3A_898, %add3A_905 : i32
      %get3A_907 = arith.index_cast %add3A_906 : i32 to index
      %get3A_908 = tpu.vector_load %arg4[%get3A_907] {strides = array<i32>} : memref<32768xf32, #tpu.memory_space<vmem>>, vector<16xf32>,
      %add3A_909 = arith.constant 48 : i32
      %add3A_910 = arith.addi %mul3A_898, %add3A_909 : i32
      %get3A_911 = arith.index_cast %add3A_910 : i32 to index
      %get3A_912 = tpu.vector_load %arg4[%get3A_911] {strides = array<i32>} : memref<32768xf32, #tpu.memory_space<vmem>>, vector<16xf32>,
      %add3A_913 = arith.constant 64 : i32
      %add3A_914 = arith.addi %mul3A_898, %add3A_913 : i32
      %get3A_915 = arith.index_cast %add3A_914 : i32 to index
      %get3A_916 = tpu.vector_load %arg4[%get3A_915] {strides = array<i32>} : memref<32768xf32, #tpu.memory_space<vmem>>, vector<16xf32>,
      %max3A_917 = arith.maximumf %get3A_900, %get3A_916 : vector<16xf32>
      %add3A_918 = arith.constant 80 : i32
      %add3A_919 = arith.addi %mul3A_898, %add3A_918 : i32
      %get3A_920 = arith.index_cast %add3A_919 : i32 to index
      %get3A_921 = tpu.vector_load %arg4[%get3A_920] {strides = array<i32>} : memref<32768xf32, #tpu.memory_space<vmem>>, vector<16xf32>,
      %max3A_922 = arith.maximumf %get3A_904, %get3A_921 : vector<16xf32>
      %add3A_923 = arith.constant 96 : i32
      %add3A_924 = arith.addi %mul3A_898, %add3A_923 : i32
      %get3A_925 = arith.index_cast %add3A_924 : i32 to index
      %get3A_926 = tpu.vector_load %arg4[%get3A_925] {strides = array<i32>} : memref<32768xf32, #tpu.memory_space<vmem>>, vector<16xf32>,
      %max3A_927 = arith.maximumf %get3A_908, %get3A_926 : vector<16xf32>
      %add3A_928 = arith.constant 112 : i32
      %add3A_929 = arith.addi %mul3A_898, %add3A_928 : i32
      %get3A_930 = arith.index_cast %add3A_929 : i32 to index
      %get3A_931 = tpu.vector_load %arg4[%get3A_930] {strides = array<i32>} : memref<32768xf32, #tpu.memory_space<vmem>>, vector<16xf32>,
      %max3A_932 = arith.maximumf %get3A_912, %get3A_931 : vector<16xf32>
      %add3A_933 = arith.constant 128 : i32
      %add3A_934 = arith.addi %mul3A_898, %add3A_933 : i32
      %get3A_935 = arith.index_cast %add3A_934 : i32 to index
      %get3A_936 = tpu.vector_load %arg4[%get3A_935] {strides = array<i32>} : memref<32768xf32, #tpu.memory_space<vmem>>, vector<16xf32>,
      %max3A_937 = arith.maximumf %max3A_917, %get3A_936 : vector<16xf32>
      %add3A_938 = arith.constant 144 : i32
      %add3A_939 = arith.addi %mul3A_898, %add3A_938 : i32
      %get3A_940 = arith.index_cast %add3A_939 : i32 to index
      %get3A_941 = tpu.vector_load %arg4[%get3A_940] {strides = array<i32>} : memref<32768xf32, #tpu.memory_space<vmem>>, vector<16xf32>,
      %max3A_942 = arith.maximumf %max3A_922, %get3A_941 : vector<16xf32>
      %add3A_943 = arith.constant 160 : i32
      %add3A_944 = arith.addi %mul3A_898, %add3A_943 : i32
      %get3A_945 = arith.index_cast %add3A_944 : i32 to index
      %get3A_946 = tpu.vector_load %arg4[%get3A_945] {strides = array<i32>} : memref<32768xf32, #tpu.memory_space<vmem>>, vector<16xf32>,
      %max3A_947 = arith.maximumf %max3A_927, %get3A_946 : vector<16xf32>
      %add3A_948 = arith.constant 176 : i32
      %add3A_949 = arith.addi %mul3A_898, %add3A_948 : i32
      %get3A_950 = arith.index_cast %add3A_949 : i32 to index
      %get3A_951 = tpu.vector_load %arg4[%get3A_950] {strides = array<i32>} : memref<32768xf32, #tpu.memory_space<vmem>>, vector<16xf32>,
      %max3A_952 = arith.maximumf %max3A_932, %get3A_951 : vector<16xf32>
      %add3A_953 = arith.constant 192 : i32
      %add3A_954 = arith.addi %mul3A_898, %add3A_953 : i32
      %get3A_955 = arith.index_cast %add3A_954 : i32 to index
      %get3A_956 = tpu.vector_load %arg4[%get3A_955] {strides = array<i32>} : memref<32768xf32, #tpu.memory_space<vmem>>, vector<16xf32>,
      %max3A_957 = arith.maximumf %max3A_937, %get3A_956 : vector<16xf32>
      %add3A_958 = arith.constant 208 : i32
      %add3A_959 = arith.addi %mul3A_898, %add3A_958 : i32
      %get3A_960 = arith.index_cast %add3A_959 : i32 to index
      %get3A_961 = tpu.vector_load %arg4[%get3A_960] {strides = array<i32>} : memref<32768xf32, #tpu.memory_space<vmem>>, vector<16xf32>,
      %max3A_962 = arith.maximumf %max3A_942, %get3A_961 : vector<16xf32>
      %add3A_963 = arith.constant 224 : i32
      %add3A_964 = arith.addi %mul3A_898, %add3A_963 : i32
      %get3A_965 = arith.index_cast %add3A_964 : i32 to index
      %get3A_966 = tpu.vector_load %arg4[%get3A_965] {strides = array<i32>} : memref<32768xf32, #tpu.memory_space<vmem>>, vector<16xf32>,
      %max3A_967 = arith.maximumf %max3A_947, %get3A_966 : vector<16xf32>
      %add3A_968 = arith.constant 240 : i32
      %add3A_969 = arith.addi %mul3A_898, %add3A_968 : i32
      %get3A_970 = arith.index_cast %add3A_969 : i32 to index
      %get3A_971 = tpu.vector_load %arg4[%get3A_970] {strides = array<i32>} : memref<32768xf32, #tpu.memory_space<vmem>>, vector<16xf32>,
      %max3A_972 = arith.maximumf %max3A_952, %get3A_971 : vector<16xf32>
      %add3A_973 = arith.constant 256 : i32
      %add3A_974 = arith.addi %mul3A_898, %add3A_973 : i32
      %get3A_975 = arith.index_cast %add3A_974 : i32 to index
      %get3A_976 = tpu.vector_load %arg4[%get3A_975] {strides = array<i32>} : memref<32768xf32, #tpu.memory_space<vmem>>, vector<16xf32>,
      %max3A_977 = arith.maximumf %max3A_957, %get3A_976 : vector<16xf32>
      %add3A_978 = arith.constant 272 : i32
      %add3A_979 = arith.addi %mul3A_898, %add3A_978 : i32
      %get3A_980 = arith.index_cast %add3A_979 : i32 to index
      %get3A_981 = tpu.vector_load %arg4[%get3A_980] {strides = array<i32>} : memref<32768xf32, #tpu.memory_space<vmem>>, vector<16xf32>,
      %max3A_982 = arith.maximumf %max3A_962, %get3A_981 : vector<16xf32>
      %add3A_983 = arith.constant 288 : i32
      %add3A_984 = arith.addi %mul3A_898, %add3A_983 : i32
      %get3A_985 = arith.index_cast %add3A_984 : i32 to index
      %get3A_986 = tpu.vector_load %arg4[%get3A_985] {strides = array<i32>} : memref<32768xf32, #tpu.memory_space<vmem>>, vector<16xf32>,
      %max3A_987 = arith.maximumf %max3A_967, %get3A_986 : vector<16xf32>
      %add3A_988 = arith.constant 304 : i32
      %add3A_989 = arith.addi %mul3A_898, %add3A_988 : i32
      %get3A_990 = arith.index_cast %add3A_989 : i32 to index
      %get3A_991 = tpu.vector_load %arg4[%get3A_990] {strides = array<i32>} : memref<32768xf32, #tpu.memory_space<vmem>>, vector<16xf32>,
      %max3A_992 = arith.maximumf %max3A_972, %get3A_991 : vector<16xf32>
      %add3A_993 = arith.constant 320 : i32
      %add3A_994 = arith.addi %mul3A_898, %add3A_993 : i32
      %get3A_995 = arith.index_cast %add3A_994 : i32 to index
      %get3A_996 = tpu.vector_load %arg4[%get3A_995] {strides = array<i32>} : memref<32768xf32, #tpu.memory_space<vmem>>, vector<16xf32>,
      %max3A_997 = arith.maximumf %max3A_977, %get3A_996 : vector<16xf32>
      %add3A_998 = arith.constant 336 : i32
      %add3A_999 = arith.addi %mul3A_898, %add3A_998 : i32
      %get3A_1000 = arith.index_cast %add3A_999 : i32 to index
      %get3A_1001 = tpu.vector_load %arg4[%get3A_1000] {strides = array<i32>} : memref<32768xf32, #tpu.memory_space<vmem>>, vector<16xf32>,
      %max3A_1002 = arith.maximumf %max3A_982, %get3A_1001 : vector<16xf32>
      %add3A_1003 = arith.constant 352 : i32
      %add3A_1004 = arith.addi %mul3A_898, %add3A_1003 : i32
      %get3A_1005 = arith.index_cast %add3A_1004 : i32 to index
      %get3A_1006 = tpu.vector_load %arg4[%get3A_1005] {strides = array<i32>} : memref<32768xf32, #tpu.memory_space<vmem>>, vector<16xf32>,
      %max3A_1007 = arith.maximumf %max3A_987, %get3A_1006 : vector<16xf32>
      %add3A_1008 = arith.constant 368 : i32
      %add3A_1009 = arith.addi %mul3A_898, %add3A_1008 : i32
      %get3A_1010 = arith.index_cast %add3A_1009 : i32 to index
      %get3A_1011 = tpu.vector_load %arg4[%get3A_1010] {strides = array<i32>} : memref<32768xf32, #tpu.memory_space<vmem>>, vector<16xf32>,
      %max3A_1012 = arith.maximumf %max3A_992, %get3A_1011 : vector<16xf32>
      %add3A_1013 = arith.constant 384 : i32
      %add3A_1014 = arith.addi %mul3A_898, %add3A_1013 : i32
      %get3A_1015 = arith.index_cast %add3A_1014 : i32 to index
      %get3A_1016 = tpu.vector_load %arg4[%get3A_1015] {strides = array<i32>} : memref<32768xf32, #tpu.memory_space<vmem>>, vector<16xf32>,
      %max3A_1017 = arith.maximumf %max3A_997, %get3A_1016 : vector<16xf32>
      %add3A_1018 = arith.constant 400 : i32
      %add3A_1019 = arith.addi %mul3A_898, %add3A_1018 : i32
      %get3A_1020 = arith.index_cast %add3A_1019 : i32 to index
      %get3A_1021 = tpu.vector_load %arg4[%get3A_1020] {strides = array<i32>} : memref<32768xf32, #tpu.memory_space<vmem>>, vector<16xf32>,
      %max3A_1022 = arith.maximumf %max3A_1002, %get3A_1021 : vector<16xf32>
      %add3A_1023 = arith.constant 416 : i32
      %add3A_1024 = arith.addi %mul3A_898, %add3A_1023 : i32
      %get3A_1025 = arith.index_cast %add3A_1024 : i32 to index
      %get3A_1026 = tpu.vector_load %arg4[%get3A_1025] {strides = array<i32>} : memref<32768xf32, #tpu.memory_space<vmem>>, vector<16xf32>,
      %max3A_1027 = arith.maximumf %max3A_1007, %get3A_1026 : vector<16xf32>
      %add3A_1028 = arith.constant 432 : i32
      %add3A_1029 = arith.addi %mul3A_898, %add3A_1028 : i32
      %get3A_1030 = arith.index_cast %add3A_1029 : i32 to index
      %get3A_1031 = tpu.vector_load %arg4[%get3A_1030] {strides = array<i32>} : memref<32768xf32, #tpu.memory_space<vmem>>, vector<16xf32>,
      %max3A_1032 = arith.maximumf %max3A_1012, %get3A_1031 : vector<16xf32>
      %add3A_1033 = arith.constant 448 : i32
      %add3A_1034 = arith.addi %mul3A_898, %add3A_1033 : i32
      %get3A_1035 = arith.index_cast %add3A_1034 : i32 to index
      %get3A_1036 = tpu.vector_load %arg4[%get3A_1035] {strides = array<i32>} : memref<32768xf32, #tpu.memory_space<vmem>>, vector<16xf32>,
      %max3A_1037 = arith.maximumf %max3A_1017, %get3A_1036 : vector<16xf32>
      %add3A_1038 = arith.constant 464 : i32
      %add3A_1039 = arith.addi %mul3A_898, %add3A_1038 : i32
      %get3A_1040 = arith.index_cast %add3A_1039 : i32 to index
      %get3A_1041 = tpu.vector_load %arg4[%get3A_1040] {strides = array<i32>} : memref<32768xf32, #tpu.memory_space<vmem>>, vector<16xf32>,
      %max3A_1042 = arith.maximumf %max3A_1022, %get3A_1041 : vector<16xf32>
      %add3A_1043 = arith.constant 480 : i32
      %add3A_1044 = arith.addi %mul3A_898, %add3A_1043 : i32
      %get3A_1045 = arith.index_cast %add3A_1044 : i32 to index
      %get3A_1046 = tpu.vector_load %arg4[%get3A_1045] {strides = array<i32>} : memref<32768xf32, #tpu.memory_space<vmem>>, vector<16xf32>,
      %max3A_1047 = arith.maximumf %max3A_1027, %get3A_1046 : vector<16xf32>
      %add3A_1048 = arith.constant 496 : i32
      %add3A_1049 = arith.addi %mul3A_898, %add3A_1048 : i32
      %get3A_1050 = arith.index_cast %add3A_1049 : i32 to index
      %get3A_1051 = tpu.vector_load %arg4[%get3A_1050] {strides = array<i32>} : memref<32768xf32, #tpu.memory_space<vmem>>, vector<16xf32>,
      %max3A_1052 = arith.maximumf %max3A_1032, %get3A_1051 : vector<16xf32>
      %max3A_1053 = arith.maximumf %max3A_1037, %max3A_1042 : vector<16xf32>
      %max3A_1054 = arith.maximumf %max3A_1047, %max3A_1052 : vector<16xf32>
      %max3A_1055 = arith.maximumf %max3A_1053, %max3A_1054 : vector<16xf32>
      %mul3A_1056 = arith.constant 16 : i32
      %mul3A_1057 = arith.muli %scan3A_896, %mul3A_1056 : i32
      %swap3A_1058 = arith.index_cast %mul3A_1057 : i32 to index
      %swap3A_1059 = tpu.vector_load %arg6[%swap3A_1058] {strides = array<i32>} : memref<1024xf32, #tpu.memory_space<vmem>>, vector<16xf32>,
      tpu.vector_store %arg6[%swap3A_1058], %max3A_1055 {strides = array<i32>} : memref<1024xf32, #tpu.memory_space<vmem>>, vector<16xf32>,
      %masked_sort3A_1060 = arith.constant dense<true> : vector<16xi1>
      %masked_sort3A_1061, %masked_sort3A_1062, %masked_sort3A_1063 = tpu.sort %max3A_1055, %max3A_1055 masked %masked_sort3A_1060 {descending = true} : (vector<16xf32>, vector<16xf32>, vector<16xi1>) -> (vector<16xi1>, vector<16xf32>, vector<16xf32>)
      %broadcast_in_dim3A_1064 = vector.broadcast %scan3A_896 : i32 to vector<16xi32>
      tpu.vector_store_idx %arg7[%broadcast_in_dim3A_1064], %masked_sort3A_1062 masked %eq3A_467 : memref<64xf32, #tpu.memory_space<vmem>>[vector<16xi32>], vector<16xf32>, vector<16xi1>
      %scan3A_1065 = arith.constant 1 : i32
      %scan3A_1066 = arith.addi %scan3A_896, %scan3A_1065 : i32
      %mul3A_1067 = arith.constant 512 : i32
      %mul3A_1068 = arith.muli %scan3A_1066, %mul3A_1067 : i32
      %get3A_1069 = arith.index_cast %mul3A_1068 : i32 to index
      %get3A_1070 = tpu.vector_load %arg4[%get3A_1069] {strides = array<i32>} : memref<32768xf32, #tpu.memory_space<vmem>>, vector<16xf32>,
      %add3A_1071 = arith.constant 16 : i32
      %add3A_1072 = arith.addi %mul3A_1068, %add3A_1071 : i32
      %get3A_1073 = arith.index_cast %add3A_1072 : i32 to index
      %get3A_1074 = tpu.vector_load %arg4[%get3A_1073] {strides = array<i32>} : memref<32768xf32, #tpu.memory_space<vmem>>, vector<16xf32>,
      %add3A_1075 = arith.constant 32 : i32
      %add3A_1076 = arith.addi %mul3A_1068, %add3A_1075 : i32
      %get3A_1077 = arith.index_cast %add3A_1076 : i32 to index
      %get3A_1078 = tpu.vector_load %arg4[%get3A_1077] {strides = array<i32>} : memref<32768xf32, #tpu.memory_space<vmem>>, vector<16xf32>,
      %add3A_1079 = arith.constant 48 : i32
      %add3A_1080 = arith.addi %mul3A_1068, %add3A_1079 : i32
      %get3A_1081 = arith.index_cast %add3A_1080 : i32 to index
      %get3A_1082 = tpu.vector_load %arg4[%get3A_1081] {strides = array<i32>} : memref<32768xf32, #tpu.memory_space<vmem>>, vector<16xf32>,
      %add3A_1083 = arith.constant 64 : i32
      %add3A_1084 = arith.addi %mul3A_1068, %add3A_1083 : i32
      %get3A_1085 = arith.index_cast %add3A_1084 : i32 to index
      %get3A_1086 = tpu.vector_load %arg4[%get3A_1085] {strides = array<i32>} : memref<32768xf32, #tpu.memory_space<vmem>>, vector<16xf32>,
      %max3A_1087 = arith.maximumf %get3A_1070, %get3A_1086 : vector<16xf32>
      %add3A_1088 = arith.constant 80 : i32
      %add3A_1089 = arith.addi %mul3A_1068, %add3A_1088 : i32
      %get3A_1090 = arith.index_cast %add3A_1089 : i32 to index
      %get3A_1091 = tpu.vector_load %arg4[%get3A_1090] {strides = array<i32>} : memref<32768xf32, #tpu.memory_space<vmem>>, vector<16xf32>,
      %max3A_1092 = arith.maximumf %get3A_1074, %get3A_1091 : vector<16xf32>
      %add3A_1093 = arith.constant 96 : i32
      %add3A_1094 = arith.addi %mul3A_1068, %add3A_1093 : i32
      %get3A_1095 = arith.index_cast %add3A_1094 : i32 to index
      %get3A_1096 = tpu.vector_load %arg4[%get3A_1095] {strides = array<i32>} : memref<32768xf32, #tpu.memory_space<vmem>>, vector<16xf32>,
      %max3A_1097 = arith.maximumf %get3A_1078, %get3A_1096 : vector<16xf32>
      %add3A_1098 = arith.constant 112 : i32
      %add3A_1099 = arith.addi %mul3A_1068, %add3A_1098 : i32
      %get3A_1100 = arith.index_cast %add3A_1099 : i32 to index
      %get3A_1101 = tpu.vector_load %arg4[%get3A_1100] {strides = array<i32>} : memref<32768xf32, #tpu.memory_space<vmem>>, vector<16xf32>,
      %max3A_1102 = arith.maximumf %get3A_1082, %get3A_1101 : vector<16xf32>
      %add3A_1103 = arith.constant 128 : i32
      %add3A_1104 = arith.addi %mul3A_1068, %add3A_1103 : i32
      %get3A_1105 = arith.index_cast %add3A_1104 : i32 to index
      %get3A_1106 = tpu.vector_load %arg4[%get3A_1105] {strides = array<i32>} : memref<32768xf32, #tpu.memory_space<vmem>>, vector<16xf32>,
      %max3A_1107 = arith.maximumf %max3A_1087, %get3A_1106 : vector<16xf32>
      %add3A_1108 = arith.constant 144 : i32
      %add3A_1109 = arith.addi %mul3A_1068, %add3A_1108 : i32
      %get3A_1110 = arith.index_cast %add3A_1109 : i32 to index
      %get3A_1111 = tpu.vector_load %arg4[%get3A_1110] {strides = array<i32>} : memref<32768xf32, #tpu.memory_space<vmem>>, vector<16xf32>,
      %max3A_1112 = arith.maximumf %max3A_1092, %get3A_1111 : vector<16xf32>
      %add3A_1113 = arith.constant 160 : i32
      %add3A_1114 = arith.addi %mul3A_1068, %add3A_1113 : i32
      %get3A_1115 = arith.index_cast %add3A_1114 : i32 to index
      %get3A_1116 = tpu.vector_load %arg4[%get3A_1115] {strides = array<i32>} : memref<32768xf32, #tpu.memory_space<vmem>>, vector<16xf32>,
      %max3A_1117 = arith.maximumf %max3A_1097, %get3A_1116 : vector<16xf32>
      %add3A_1118 = arith.constant 176 : i32
      %add3A_1119 = arith.addi %mul3A_1068, %add3A_1118 : i32
      %get3A_1120 = arith.index_cast %add3A_1119 : i32 to index
      %get3A_1121 = tpu.vector_load %arg4[%get3A_1120] {strides = array<i32>} : memref<32768xf32, #tpu.memory_space<vmem>>, vector<16xf32>,
      %max3A_1122 = arith.maximumf %max3A_1102, %get3A_1121 : vector<16xf32>
      %add3A_1123 = arith.constant 192 : i32
      %add3A_1124 = arith.addi %mul3A_1068, %add3A_1123 : i32
      %get3A_1125 = arith.index_cast %add3A_1124 : i32 to index
      %get3A_1126 = tpu.vector_load %arg4[%get3A_1125] {strides = array<i32>} : memref<32768xf32, #tpu.memory_space<vmem>>, vector<16xf32>,
      %max3A_1127 = arith.maximumf %max3A_1107, %get3A_1126 : vector<16xf32>
      %add3A_1128 = arith.constant 208 : i32
      %add3A_1129 = arith.addi %mul3A_1068, %add3A_1128 : i32
      %get3A_1130 = arith.index_cast %add3A_1129 : i32 to index
      %get3A_1131 = tpu.vector_load %arg4[%get3A_1130] {strides = array<i32>} : memref<32768xf32, #tpu.memory_space<vmem>>, vector<16xf32>,
      %max3A_1132 = arith.maximumf %max3A_1112, %get3A_1131 : vector<16xf32>
      %add3A_1133 = arith.constant 224 : i32
      %add3A_1134 = arith.addi %mul3A_1068, %add3A_1133 : i32
      %get3A_1135 = arith.index_cast %add3A_1134 : i32 to index
      %get3A_1136 = tpu.vector_load %arg4[%get3A_1135] {strides = array<i32>} : memref<32768xf32, #tpu.memory_space<vmem>>, vector<16xf32>,
      %max3A_1137 = arith.maximumf %max3A_1117, %get3A_1136 : vector<16xf32>
      %add3A_1138 = arith.constant 240 : i32
      %add3A_1139 = arith.addi %mul3A_1068, %add3A_1138 : i32
      %get3A_1140 = arith.index_cast %add3A_1139 : i32 to index
      %get3A_1141 = tpu.vector_load %arg4[%get3A_1140] {strides = array<i32>} : memref<32768xf32, #tpu.memory_space<vmem>>, vector<16xf32>,
      %max3A_1142 = arith.maximumf %max3A_1122, %get3A_1141 : vector<16xf32>
      %add3A_1143 = arith.constant 256 : i32
      %add3A_1144 = arith.addi %mul3A_1068, %add3A_1143 : i32
      %get3A_1145 = arith.index_cast %add3A_1144 : i32 to index
      %get3A_1146 = tpu.vector_load %arg4[%get3A_1145] {strides = array<i32>} : memref<32768xf32, #tpu.memory_space<vmem>>, vector<16xf32>,
      %max3A_1147 = arith.maximumf %max3A_1127, %get3A_1146 : vector<16xf32>
      %add3A_1148 = arith.constant 272 : i32
      %add3A_1149 = arith.addi %mul3A_1068, %add3A_1148 : i32
      %get3A_1150 = arith.index_cast %add3A_1149 : i32 to index
      %get3A_1151 = tpu.vector_load %arg4[%get3A_1150] {strides = array<i32>} : memref<32768xf32, #tpu.memory_space<vmem>>, vector<16xf32>,
      %max3A_1152 = arith.maximumf %max3A_1132, %get3A_1151 : vector<16xf32>
      %add3A_1153 = arith.constant 288 : i32
      %add3A_1154 = arith.addi %mul3A_1068, %add3A_1153 : i32
      %get3A_1155 = arith.index_cast %add3A_1154 : i32 to index
      %get3A_1156 = tpu.vector_load %arg4[%get3A_1155] {strides = array<i32>} : memref<32768xf32, #tpu.memory_space<vmem>>, vector<16xf32>,
      %max3A_1157 = arith.maximumf %max3A_1137, %get3A_1156 : vector<16xf32>
      %add3A_1158 = arith.constant 304 : i32
      %add3A_1159 = arith.addi %mul3A_1068, %add3A_1158 : i32
      %get3A_1160 = arith.index_cast %add3A_1159 : i32 to index
      %get3A_1161 = tpu.vector_load %arg4[%get3A_1160] {strides = array<i32>} : memref<32768xf32, #tpu.memory_space<vmem>>, vector<16xf32>,
      %max3A_1162 = arith.maximumf %max3A_1142, %get3A_1161 : vector<16xf32>
      %add3A_1163 = arith.constant 320 : i32
      %add3A_1164 = arith.addi %mul3A_1068, %add3A_1163 : i32
      %get3A_1165 = arith.index_cast %add3A_1164 : i32 to index
      %get3A_1166 = tpu.vector_load %arg4[%get3A_1165] {strides = array<i32>} : memref<32768xf32, #tpu.memory_space<vmem>>, vector<16xf32>,
      %max3A_1167 = arith.maximumf %max3A_1147, %get3A_1166 : vector<16xf32>
      %add3A_1168 = arith.constant 336 : i32
      %add3A_1169 = arith.addi %mul3A_1068, %add3A_1168 : i32
      %get3A_1170 = arith.index_cast %add3A_1169 : i32 to index
      %get3A_1171 = tpu.vector_load %arg4[%get3A_1170] {strides = array<i32>} : memref<32768xf32, #tpu.memory_space<vmem>>, vector<16xf32>,
      %max3A_1172 = arith.maximumf %max3A_1152, %get3A_1171 : vector<16xf32>
      %add3A_1173 = arith.constant 352 : i32
      %add3A_1174 = arith.addi %mul3A_1068, %add3A_1173 : i32
      %get3A_1175 = arith.index_cast %add3A_1174 : i32 to index
      %get3A_1176 = tpu.vector_load %arg4[%get3A_1175] {strides = array<i32>} : memref<32768xf32, #tpu.memory_space<vmem>>, vector<16xf32>,
      %max3A_1177 = arith.maximumf %max3A_1157, %get3A_1176 : vector<16xf32>
      %add3A_1178 = arith.constant 368 : i32
      %add3A_1179 = arith.addi %mul3A_1068, %add3A_1178 : i32
      %get3A_1180 = arith.index_cast %add3A_1179 : i32 to index
      %get3A_1181 = tpu.vector_load %arg4[%get3A_1180] {strides = array<i32>} : memref<32768xf32, #tpu.memory_space<vmem>>, vector<16xf32>,
      %max3A_1182 = arith.maximumf %max3A_1162, %get3A_1181 : vector<16xf32>
      %add3A_1183 = arith.constant 384 : i32
      %add3A_1184 = arith.addi %mul3A_1068, %add3A_1183 : i32
      %get3A_1185 = arith.index_cast %add3A_1184 : i32 to index
      %get3A_1186 = tpu.vector_load %arg4[%get3A_1185] {strides = array<i32>} : memref<32768xf32, #tpu.memory_space<vmem>>, vector<16xf32>,
      %max3A_1187 = arith.maximumf %max3A_1167, %get3A_1186 : vector<16xf32>
      %add3A_1188 = arith.constant 400 : i32
      %add3A_1189 = arith.addi %mul3A_1068, %add3A_1188 : i32
      %get3A_1190 = arith.index_cast %add3A_1189 : i32 to index
      %get3A_1191 = tpu.vector_load %arg4[%get3A_1190] {strides = array<i32>} : memref<32768xf32, #tpu.memory_space<vmem>>, vector<16xf32>,
      %max3A_1192 = arith.maximumf %max3A_1172, %get3A_1191 : vector<16xf32>
      %add3A_1193 = arith.constant 416 : i32
      %add3A_1194 = arith.addi %mul3A_1068, %add3A_1193 : i32
      %get3A_1195 = arith.index_cast %add3A_1194 : i32 to index
      %get3A_1196 = tpu.vector_load %arg4[%get3A_1195] {strides = array<i32>} : memref<32768xf32, #tpu.memory_space<vmem>>, vector<16xf32>,
      %max3A_1197 = arith.maximumf %max3A_1177, %get3A_1196 : vector<16xf32>
      %add3A_1198 = arith.constant 432 : i32
      %add3A_1199 = arith.addi %mul3A_1068, %add3A_1198 : i32
      %get3A_1200 = arith.index_cast %add3A_1199 : i32 to index
      %get3A_1201 = tpu.vector_load %arg4[%get3A_1200] {strides = array<i32>} : memref<32768xf32, #tpu.memory_space<vmem>>, vector<16xf32>,
      %max3A_1202 = arith.maximumf %max3A_1182, %get3A_1201 : vector<16xf32>
      %add3A_1203 = arith.constant 448 : i32
      %add3A_1204 = arith.addi %mul3A_1068, %add3A_1203 : i32
      %get3A_1205 = arith.index_cast %add3A_1204 : i32 to index
      %get3A_1206 = tpu.vector_load %arg4[%get3A_1205] {strides = array<i32>} : memref<32768xf32, #tpu.memory_space<vmem>>, vector<16xf32>,
      %max3A_1207 = arith.maximumf %max3A_1187, %get3A_1206 : vector<16xf32>
      %add3A_1208 = arith.constant 464 : i32
      %add3A_1209 = arith.addi %mul3A_1068, %add3A_1208 : i32
      %get3A_1210 = arith.index_cast %add3A_1209 : i32 to index
      %get3A_1211 = tpu.vector_load %arg4[%get3A_1210] {strides = array<i32>} : memref<32768xf32, #tpu.memory_space<vmem>>, vector<16xf32>,
      %max3A_1212 = arith.maximumf %max3A_1192, %get3A_1211 : vector<16xf32>
      %add3A_1213 = arith.constant 480 : i32
      %add3A_1214 = arith.addi %mul3A_1068, %add3A_1213 : i32
      %get3A_1215 = arith.index_cast %add3A_1214 : i32 to index
      %get3A_1216 = tpu.vector_load %arg4[%get3A_1215] {strides = array<i32>} : memref<32768xf32, #tpu.memory_space<vmem>>, vector<16xf32>,
      %max3A_1217 = arith.maximumf %max3A_1197, %get3A_1216 : vector<16xf32>
      %add3A_1218 = arith.constant 496 : i32
      %add3A_1219 = arith.addi %mul3A_1068, %add3A_1218 : i32
      %get3A_1220 = arith.index_cast %add3A_1219 : i32 to index
      %get3A_1221 = tpu.vector_load %arg4[%get3A_1220] {strides = array<i32>} : memref<32768xf32, #tpu.memory_space<vmem>>, vector<16xf32>,
      %max3A_1222 = arith.maximumf %max3A_1202, %get3A_1221 : vector<16xf32>
      %max3A_1223 = arith.maximumf %max3A_1207, %max3A_1212 : vector<16xf32>
      %max3A_1224 = arith.maximumf %max3A_1217, %max3A_1222 : vector<16xf32>
      %max3A_1225 = arith.maximumf %max3A_1223, %max3A_1224 : vector<16xf32>
      %mul3A_1226 = arith.constant 16 : i32
      %mul3A_1227 = arith.muli %scan3A_1066, %mul3A_1226 : i32
      %swap3A_1228 = arith.index_cast %mul3A_1227 : i32 to index
      %swap3A_1229 = tpu.vector_load %arg6[%swap3A_1228] {strides = array<i32>} : memref<1024xf32, #tpu.memory_space<vmem>>, vector<16xf32>,
      tpu.vector_store %arg6[%swap3A_1228], %max3A_1225 {strides = array<i32>} : memref<1024xf32, #tpu.memory_space<vmem>>, vector<16xf32>,
      %masked_sort3A_1230 = arith.constant dense<true> : vector<16xi1>
      %masked_sort3A_1231, %masked_sort3A_1232, %masked_sort3A_1233 = tpu.sort %max3A_1225, %max3A_1225 masked %masked_sort3A_1230 {descending = true} : (vector<16xf32>, vector<16xf32>, vector<16xi1>) -> (vector<16xi1>, vector<16xf32>, vector<16xf32>)
      %broadcast_in_dim3A_1234 = vector.broadcast %scan3A_1066 : i32 to vector<16xi32>
      tpu.vector_store_idx %arg7[%broadcast_in_dim3A_1234], %masked_sort3A_1232 masked %eq3A_467 : memref<64xf32, #tpu.memory_space<vmem>>[vector<16xi32>], vector<16xf32>, vector<16xi1>
    }
    %scan3A_473 = arith.constant 64 : i32
    %get3A_474 = arith.constant 0 : index
    %get3A_475 = tpu.vector_load %arg7[%get3A_474] {strides = array<i32>} : memref<64xf32, #tpu.memory_space<vmem>>, vector<16xf32>,
    %masked_sort3A_476 = arith.constant dense<true> : vector<16xi1>
    %masked_sort3A_477, %masked_sort3A_478, %masked_sort3A_479 = tpu.sort %get3A_475, %get3A_475 masked %masked_sort3A_476 {descending = true} : (vector<16xf32>, vector<16xf32>, vector<16xi1>) -> (vector<16xi1>, vector<16xf32>, vector<16xf32>)
    %get3A_480 = arith.constant 16 : index
    %get3A_481 = tpu.vector_load %arg7[%get3A_480] {strides = array<i32>} : memref<64xf32, #tpu.memory_space<vmem>>, vector<16xf32>,
    %masked_sort3A_482 = arith.constant dense<true> : vector<16xi1>
    %masked_sort3A_483, %masked_sort3A_484, %masked_sort3A_485 = tpu.sort %get3A_481, %get3A_481 masked %masked_sort3A_482 {descending = true} : (vector<16xf32>, vector<16xf32>, vector<16xi1>) -> (vector<16xi1>, vector<16xf32>, vector<16xf32>)
    %get3A_486 = arith.constant 32 : index
    %get3A_487 = tpu.vector_load %arg7[%get3A_486] {strides = array<i32>} : memref<64xf32, #tpu.memory_space<vmem>>, vector<16xf32>,
    %masked_sort3A_488 = arith.constant dense<true> : vector<16xi1>
    %masked_sort3A_489, %masked_sort3A_490, %masked_sort3A_491 = tpu.sort %get3A_487, %get3A_487 masked %masked_sort3A_488 {descending = true} : (vector<16xf32>, vector<16xf32>, vector<16xi1>) -> (vector<16xi1>, vector<16xf32>, vector<16xf32>)
    %get3A_492 = arith.constant 48 : index
    %get3A_493 = tpu.vector_load %arg7[%get3A_492] {strides = array<i32>} : memref<64xf32, #tpu.memory_space<vmem>>, vector<16xf32>,
    %masked_sort3A_494 = arith.constant dense<true> : vector<16xi1>
    %masked_sort3A_495, %masked_sort3A_496, %masked_sort3A_497 = tpu.sort %get3A_493, %get3A_493 masked %masked_sort3A_494 {descending = true} : (vector<16xf32>, vector<16xf32>, vector<16xi1>) -> (vector<16xi1>, vector<16xf32>, vector<16xf32>)
    %rev3A_498 = arith.constant 15 : i32
    %rev3A_499 = vector.broadcast %rev3A_498 : i32 to vector<16xi32>
    %rev3A_500 = tpu.iota {dimensions = array<i32: 0>} : vector<16xi32>
    %rev3A_501 = arith.subi %rev3A_499, %rev3A_500 : vector<16xi32>
    %rev3A_502 = tpu.dynamic_gather %masked_sort3A_484[%rev3A_501] in [0] : vector<16xf32>, vector<16xi32> -> vector<16xf32>
    %max3A_503 = arith.maximumf %masked_sort3A_478, %rev3A_502 : vector<16xf32>
    %masked_sort3A_504 = arith.constant dense<true> : vector<16xi1>
    %masked_sort3A_505, %masked_sort3A_506, %masked_sort3A_507 = tpu.sort %max3A_503, %max3A_503 masked %masked_sort3A_504 {descending = true} : (vector<16xf32>, vector<16xf32>, vector<16xi1>) -> (vector<16xi1>, vector<16xf32>, vector<16xf32>)
    %rev3A_508 = arith.constant 15 : i32
    %rev3A_509 = vector.broadcast %rev3A_508 : i32 to vector<16xi32>
    %rev3A_510 = tpu.iota {dimensions = array<i32: 0>} : vector<16xi32>
    %rev3A_511 = arith.subi %rev3A_509, %rev3A_510 : vector<16xi32>
    %rev3A_512 = tpu.dynamic_gather %masked_sort3A_496[%rev3A_511] in [0] : vector<16xf32>, vector<16xi32> -> vector<16xf32>
    %max3A_513 = arith.maximumf %masked_sort3A_490, %rev3A_512 : vector<16xf32>
    %masked_sort3A_514 = arith.constant dense<true> : vector<16xi1>
    %masked_sort3A_515, %masked_sort3A_516, %masked_sort3A_517 = tpu.sort %max3A_513, %max3A_513 masked %masked_sort3A_514 {descending = true} : (vector<16xf32>, vector<16xf32>, vector<16xi1>) -> (vector<16xi1>, vector<16xf32>, vector<16xf32>)
    %rev3A_518 = arith.constant 15 : i32
    %rev3A_519 = vector.broadcast %rev3A_518 : i32 to vector<16xi32>
    %rev3A_520 = tpu.iota {dimensions = array<i32: 0>} : vector<16xi32>
    %rev3A_521 = arith.subi %rev3A_519, %rev3A_520 : vector<16xi32>
    %rev3A_522 = tpu.dynamic_gather %masked_sort3A_516[%rev3A_521] in [0] : vector<16xf32>, vector<16xi32> -> vector<16xf32>
    %max3A_523 = arith.maximumf %masked_sort3A_506, %rev3A_522 : vector<16xf32>
    %masked_sort3A_524 = arith.constant dense<true> : vector<16xi1>
    %masked_sort3A_525, %masked_sort3A_526, %masked_sort3A_527 = tpu.sort %max3A_523, %max3A_523 masked %masked_sort3A_524 {descending = true} : (vector<16xf32>, vector<16xf32>, vector<16xi1>) -> (vector<16xi1>, vector<16xf32>, vector<16xf32>)
    %reduce_min3A_528 = arith.constant true
    %reduce_min3A_529 = vector.broadcast %reduce_min3A_528 : i1 to vector<16xi1>
    %reduce_min3A_530 = tpu.scan <min>, %masked_sort3A_526 masked %reduce_min3A_529 : vector<16xf32>, vector<16xi1> -> vector<16xf32>
    %reduce_min3A_531 = vector.extract %reduce_min3A_530[15] : f32 from vector<16xf32>
    %broadcast_in_dim3A_532 = arith.constant 0 : i32
    %broadcast_in_dim3A_533 = vector.broadcast %broadcast_in_dim3A_532 : i32 to vector<16xi32>
    %scan3A_534 = arith.constant 0 : i32
    %mul3A_535 = arith.constant 16 : i32
    %mul3A_536 = arith.muli %scan3A_534, %mul3A_535 : i32
    %get3A_537 = arith.index_cast %mul3A_536 : i32 to index
    %get3A_538 = tpu.vector_load %arg7[%get3A_537] {strides = array<i32>} : memref<64xf32, #tpu.memory_space<vmem>>, vector<16xf32>,
    %gt3A_539 = vector.broadcast %reduce_min3A_531 : f32 to vector<16xf32>
    %gt3A_540 = arith.cmpf ogt, %get3A_538, %gt3A_539 : vector<16xf32>
    %all_reduce_population_count3A_541 = tpu.all_reduce %gt3A_540 {dim = 0 : i64, kind = #tpu.reduction_kind<sum>} : vector<16xi1> -> vector<16xi32>
    %convert_element_type3A_542 = arith.extui %gt3A_540 : vector<16xi1> to vector<16xi32>
    %broadcast_in_dim3A_543 = arith.constant true
    %broadcast_in_dim3A_544 = vector.broadcast %broadcast_in_dim3A_543 : i1 to vector<16xi1>
    %masked_cumsum3A_545 = tpu.scan <sum>, %convert_element_type3A_542 masked %broadcast_in_dim3A_544 : vector<16xi32>, vector<16xi1> -> vector<16xi32>
    %add3A_546 = arith.addi %broadcast_in_dim3A_533, %masked_cumsum3A_545 : vector<16xi32>
    %sub3A_547 = arith.constant 1 : i32
    %sub3A_548 = vector.broadcast %sub3A_547 : i32 to vector<16xi32>
    %sub3A_549 = arith.subi %add3A_546, %sub3A_548 : vector<16xi32>
    %jit3A_550 = arith.constant 31 : i32
    %broadcast_in_dim3A_551 = vector.broadcast %jit3A_550 : i32 to vector<16xi32>
    %select_n3A_552 = arith.select %gt3A_540, %sub3A_549, %broadcast_in_dim3A_551 : vector<16xi1>, vector<16xi32>
    %mul3A_553 = arith.constant 16 : i32
    %mul3A_554 = arith.muli %scan3A_534, %mul3A_553 : i32
    %add3A_555 = vector.broadcast %mul3A_554 : i32 to vector<16xi32>
    %add3A_556 = arith.addi %add3A_555, %iota3A_464 : vector<16xi32>
    tpu.vector_store_idx %arg8[%select_n3A_552], %add3A_556 masked %gt3A_540 : memref<32xi32, #tpu.memory_space<vmem>>[vector<16xi32>], vector<16xi32>, vector<16xi1>
    %add3A_557 = arith.addi %broadcast_in_dim3A_533, %all_reduce_population_count3A_541 : vector<16xi32>
    %scan3A_558 = arith.constant 1 : i32
    %mul3A_559 = arith.constant 16 : i32
    %mul3A_560 = arith.muli %scan3A_558, %mul3A_559 : i32
    %get3A_561 = arith.index_cast %mul3A_560 : i32 to index
    %get3A_562 = tpu.vector_load %arg7[%get3A_561] {strides = array<i32>} : memref<64xf32, #tpu.memory_space<vmem>>, vector<16xf32>,
    %gt3A_563 = vector.broadcast %reduce_min3A_531 : f32 to vector<16xf32>
    %gt3A_564 = arith.cmpf ogt, %get3A_562, %gt3A_563 : vector<16xf32>
    %all_reduce_population_count3A_565 = tpu.all_reduce %gt3A_564 {dim = 0 : i64, kind = #tpu.reduction_kind<sum>} : vector<16xi1> -> vector<16xi32>
    %convert_element_type3A_566 = arith.extui %gt3A_564 : vector<16xi1> to vector<16xi32>
    %broadcast_in_dim3A_567 = arith.constant true
    %broadcast_in_dim3A_568 = vector.broadcast %broadcast_in_dim3A_567 : i1 to vector<16xi1>
    %masked_cumsum3A_569 = tpu.scan <sum>, %convert_element_type3A_566 masked %broadcast_in_dim3A_568 : vector<16xi32>, vector<16xi1> -> vector<16xi32>
    %add3A_570 = arith.addi %add3A_557, %masked_cumsum3A_569 : vector<16xi32>
    %sub3A_571 = arith.constant 1 : i32
    %sub3A_572 = vector.broadcast %sub3A_571 : i32 to vector<16xi32>
    %sub3A_573 = arith.subi %add3A_570, %sub3A_572 : vector<16xi32>
    %jit3A_574 = arith.constant 31 : i32
    %broadcast_in_dim3A_575 = vector.broadcast %jit3A_574 : i32 to vector<16xi32>
    %select_n3A_576 = arith.select %gt3A_564, %sub3A_573, %broadcast_in_dim3A_575 : vector<16xi1>, vector<16xi32>
    %mul3A_577 = arith.constant 16 : i32
    %mul3A_578 = arith.muli %scan3A_558, %mul3A_577 : i32
    %add3A_579 = vector.broadcast %mul3A_578 : i32 to vector<16xi32>
    %add3A_580 = arith.addi %add3A_579, %iota3A_464 : vector<16xi32>
    tpu.vector_store_idx %arg8[%select_n3A_576], %add3A_580 masked %gt3A_564 : memref<32xi32, #tpu.memory_space<vmem>>[vector<16xi32>], vector<16xi32>, vector<16xi1>
    %add3A_581 = arith.addi %add3A_557, %all_reduce_population_count3A_565 : vector<16xi32>
    %scan3A_582 = arith.constant 2 : i32
    %mul3A_583 = arith.constant 16 : i32
    %mul3A_584 = arith.muli %scan3A_582, %mul3A_583 : i32
    %get3A_585 = arith.index_cast %mul3A_584 : i32 to index
    %get3A_586 = tpu.vector_load %arg7[%get3A_585] {strides = array<i32>} : memref<64xf32, #tpu.memory_space<vmem>>, vector<16xf32>,
    %gt3A_587 = vector.broadcast %reduce_min3A_531 : f32 to vector<16xf32>
    %gt3A_588 = arith.cmpf ogt, %get3A_586, %gt3A_587 : vector<16xf32>
    %all_reduce_population_count3A_589 = tpu.all_reduce %gt3A_588 {dim = 0 : i64, kind = #tpu.reduction_kind<sum>} : vector<16xi1> -> vector<16xi32>
    %convert_element_type3A_590 = arith.extui %gt3A_588 : vector<16xi1> to vector<16xi32>
    %broadcast_in_dim3A_591 = arith.constant true
    %broadcast_in_dim3A_592 = vector.broadcast %broadcast_in_dim3A_591 : i1 to vector<16xi1>
    %masked_cumsum3A_593 = tpu.scan <sum>, %convert_element_type3A_590 masked %broadcast_in_dim3A_592 : vector<16xi32>, vector<16xi1> -> vector<16xi32>
    %add3A_594 = arith.addi %add3A_581, %masked_cumsum3A_593 : vector<16xi32>
    %sub3A_595 = arith.constant 1 : i32
    %sub3A_596 = vector.broadcast %sub3A_595 : i32 to vector<16xi32>
    %sub3A_597 = arith.subi %add3A_594, %sub3A_596 : vector<16xi32>
    %jit3A_598 = arith.constant 31 : i32
    %broadcast_in_dim3A_599 = vector.broadcast %jit3A_598 : i32 to vector<16xi32>
    %select_n3A_600 = arith.select %gt3A_588, %sub3A_597, %broadcast_in_dim3A_599 : vector<16xi1>, vector<16xi32>
    %mul3A_601 = arith.constant 16 : i32
    %mul3A_602 = arith.muli %scan3A_582, %mul3A_601 : i32
    %add3A_603 = vector.broadcast %mul3A_602 : i32 to vector<16xi32>
    %add3A_604 = arith.addi %add3A_603, %iota3A_464 : vector<16xi32>
    tpu.vector_store_idx %arg8[%select_n3A_600], %add3A_604 masked %gt3A_588 : memref<32xi32, #tpu.memory_space<vmem>>[vector<16xi32>], vector<16xi32>, vector<16xi1>
    %add3A_605 = arith.addi %add3A_581, %all_reduce_population_count3A_589 : vector<16xi32>
    %scan3A_606 = arith.constant 3 : i32
    %mul3A_607 = arith.constant 16 : i32
    %mul3A_608 = arith.muli %scan3A_606, %mul3A_607 : i32
    %get3A_609 = arith.index_cast %mul3A_608 : i32 to index
    %get3A_610 = tpu.vector_load %arg7[%get3A_609] {strides = array<i32>} : memref<64xf32, #tpu.memory_space<vmem>>, vector<16xf32>,
    %gt3A_611 = vector.broadcast %reduce_min3A_531 : f32 to vector<16xf32>
    %gt3A_612 = arith.cmpf ogt, %get3A_610, %gt3A_611 : vector<16xf32>
    %all_reduce_population_count3A_613 = tpu.all_reduce %gt3A_612 {dim = 0 : i64, kind = #tpu.reduction_kind<sum>} : vector<16xi1> -> vector<16xi32>
    %convert_element_type3A_614 = arith.extui %gt3A_612 : vector<16xi1> to vector<16xi32>
    %broadcast_in_dim3A_615 = arith.constant true
    %broadcast_in_dim3A_616 = vector.broadcast %broadcast_in_dim3A_615 : i1 to vector<16xi1>
    %masked_cumsum3A_617 = tpu.scan <sum>, %convert_element_type3A_614 masked %broadcast_in_dim3A_616 : vector<16xi32>, vector<16xi1> -> vector<16xi32>
    %add3A_618 = arith.addi %add3A_605, %masked_cumsum3A_617 : vector<16xi32>
    %sub3A_619 = arith.constant 1 : i32
    %sub3A_620 = vector.broadcast %sub3A_619 : i32 to vector<16xi32>
    %sub3A_621 = arith.subi %add3A_618, %sub3A_620 : vector<16xi32>
    %jit3A_622 = arith.constant 31 : i32
    %broadcast_in_dim3A_623 = vector.broadcast %jit3A_622 : i32 to vector<16xi32>
    %select_n3A_624 = arith.select %gt3A_612, %sub3A_621, %broadcast_in_dim3A_623 : vector<16xi1>, vector<16xi32>
    %mul3A_625 = arith.constant 16 : i32
    %mul3A_626 = arith.muli %scan3A_606, %mul3A_625 : i32
    %add3A_627 = vector.broadcast %mul3A_626 : i32 to vector<16xi32>
    %add3A_628 = arith.addi %add3A_627, %iota3A_464 : vector<16xi32>
    tpu.vector_store_idx %arg8[%select_n3A_624], %add3A_628 masked %gt3A_612 : memref<32xi32, #tpu.memory_space<vmem>>[vector<16xi32>], vector<16xi32>, vector<16xi1>
    %add3A_629 = arith.addi %add3A_605, %all_reduce_population_count3A_613 : vector<16xi32>
    %scan3A_630 = arith.constant 4 : i32
    %reduce_max3A_631 = arith.constant true
    %reduce_max3A_632 = vector.broadcast %reduce_max3A_631 : i1 to vector<16xi1>
    %reduce_max3A_633 = arith.constant -2147483648 : i32
    %reduce_max3A_634 = vector.broadcast %reduce_max3A_633 : i32 to vector<16xi32>
    %reduce_max3A_635 = arith.xori %add3A_629, %reduce_max3A_634 : vector<16xi32>
    %reduce_max3A_636 = tpu.scan <max>, %reduce_max3A_635 masked %reduce_max3A_632 : vector<16xi32>, vector<16xi1> -> vector<16xi32>
    %reduce_max3A_637 = arith.xori %reduce_max3A_636, %reduce_max3A_634 : vector<16xi32>
    %reduce_max3A_638 = vector.extract %reduce_max3A_637[15] : i32 from vector<16xi32>
    %while3A_639 = arith.constant 0 : i32
    %while3A_640 = arith.subi %reduce_max3A_638, %while3A_639 : i32
    %while3A_641 = arith.addi %while3A_639, %while3A_640 : i32
    %while3A_642 = arith.constant 1 : i32
    %while3A_643 = arith.divsi %while3A_640, %while3A_642 : i32
    %while3A_644 = arith.muli %while3A_643, %while3A_642 : i32
    %while3A_645 = arith.addi %while3A_639, %while3A_644 : i32
    %while3A_646 = arith.constant 1 : i32
    %while3A_647 = scf.for %while3A_896 = %while3A_639 to %while3A_645 step %while3A_646 iter_args(%while3A_897 = %broadcast_in_dim3A_533) -> (vector<16xi32>)  : i32 {
      %get3A_898 = arith.index_cast %while3A_896 : i32 to index
      %get3A_899 = tpu.vector_load %arg8[%get3A_898] {strides = array<i32>} : memref<32xi32, #tpu.memory_space<vmem>>, vector<16xi32>,
      %slice3A = vector.extract_strided_slice %get3A_899 {offsets = [0], sizes = [1], strides = [1]} : vector<16xi32> to vector<1xi32>
      %squeeze3A = vector.extract %slice3A[0] : i32 from vector<1xi32>
      %mul3A_900 = arith.constant 16 : i32
      %mul3A_901 = arith.muli %squeeze3A, %mul3A_900 : i32
      %get3A_902 = arith.index_cast %mul3A_901 : i32 to index
      %get3A_903 = tpu.vector_load %arg6[%get3A_902] {strides = array<i32>} : memref<1024xf32, #tpu.memory_space<vmem>>, vector<16xf32>,
      %gt3A_904 = vector.broadcast %reduce_min3A_531 : f32 to vector<16xf32>
      %gt3A_905 = arith.cmpf ogt, %get3A_903, %gt3A_904 : vector<16xf32>
      %all_reduce_population_count3A_906 = tpu.all_reduce %gt3A_905 {dim = 0 : i64, kind = #tpu.reduction_kind<sum>} : vector<16xi1> -> vector<16xi32>
      %convert_element_type3A_907 = arith.extui %gt3A_905 : vector<16xi1> to vector<16xi32>
      %broadcast_in_dim3A_908 = arith.constant true
      %broadcast_in_dim3A_909 = vector.broadcast %broadcast_in_dim3A_908 : i1 to vector<16xi1>
      %masked_cumsum3A_910 = tpu.scan <sum>, %convert_element_type3A_907 masked %broadcast_in_dim3A_909 : vector<16xi32>, vector<16xi1> -> vector<16xi32>
      %add3A_911 = arith.addi %while3A_897, %masked_cumsum3A_910 : vector<16xi32>
      %sub3A_912 = arith.constant 1 : i32
      %sub3A_913 = vector.broadcast %sub3A_912 : i32 to vector<16xi32>
      %sub3A_914 = arith.subi %add3A_911, %sub3A_913 : vector<16xi32>
      %jit3A_915 = arith.constant 255 : i32
      %broadcast_in_dim3A_916 = vector.broadcast %jit3A_915 : i32 to vector<16xi32>
      %select_n3A_917 = arith.select %gt3A_905, %sub3A_914, %broadcast_in_dim3A_916 : vector<16xi1>, vector<16xi32>
      %mul3A_918 = arith.constant 16 : i32
      %mul3A_919 = arith.muli %squeeze3A, %mul3A_918 : i32
      %add3A_920 = vector.broadcast %mul3A_919 : i32 to vector<16xi32>
      %add3A_921 = arith.addi %add3A_920, %iota3A_464 : vector<16xi32>
      tpu.vector_store_idx %arg9[%select_n3A_917], %add3A_921 masked %gt3A_905 : memref<256xi32, #tpu.memory_space<vmem>>[vector<16xi32>], vector<16xi32>, vector<16xi1>
      %add3A_922 = arith.addi %while3A_897, %all_reduce_population_count3A_906 : vector<16xi32>
      scf.yield %add3A_922 : vector<16xi32>
    }
    %while3A_648 = arith.constant 1 : i32
    %while3A_649 = scf.for %while3A_896 = %while3A_645 to %while3A_641 step %while3A_648 iter_args(%while3A_897 = %while3A_647) -> (vector<16xi32>)  : i32 {
      %get3A_898 = arith.index_cast %while3A_896 : i32 to index
      %get3A_899 = tpu.vector_load %arg8[%get3A_898] {strides = array<i32>} : memref<32xi32, #tpu.memory_space<vmem>>, vector<16xi32>,
      %slice3A = vector.extract_strided_slice %get3A_899 {offsets = [0], sizes = [1], strides = [1]} : vector<16xi32> to vector<1xi32>
      %squeeze3A = vector.extract %slice3A[0] : i32 from vector<1xi32>
      %mul3A_900 = arith.constant 16 : i32
      %mul3A_901 = arith.muli %squeeze3A, %mul3A_900 : i32
      %get3A_902 = arith.index_cast %mul3A_901 : i32 to index
      %get3A_903 = tpu.vector_load %arg6[%get3A_902] {strides = array<i32>} : memref<1024xf32, #tpu.memory_space<vmem>>, vector<16xf32>,
      %gt3A_904 = vector.broadcast %reduce_min3A_531 : f32 to vector<16xf32>
      %gt3A_905 = arith.cmpf ogt, %get3A_903, %gt3A_904 : vector<16xf32>
      %all_reduce_population_count3A_906 = tpu.all_reduce %gt3A_905 {dim = 0 : i64, kind = #tpu.reduction_kind<sum>} : vector<16xi1> -> vector<16xi32>
      %convert_element_type3A_907 = arith.extui %gt3A_905 : vector<16xi1> to vector<16xi32>
      %broadcast_in_dim3A_908 = arith.constant true
      %broadcast_in_dim3A_909 = vector.broadcast %broadcast_in_dim3A_908 : i1 to vector<16xi1>
      %masked_cumsum3A_910 = tpu.scan <sum>, %convert_element_type3A_907 masked %broadcast_in_dim3A_909 : vector<16xi32>, vector<16xi1> -> vector<16xi32>
      %add3A_911 = arith.addi %while3A_897, %masked_cumsum3A_910 : vector<16xi32>
      %sub3A_912 = arith.constant 1 : i32
      %sub3A_913 = vector.broadcast %sub3A_912 : i32 to vector<16xi32>
      %sub3A_914 = arith.subi %add3A_911, %sub3A_913 : vector<16xi32>
      %jit3A_915 = arith.constant 255 : i32
      %broadcast_in_dim3A_916 = vector.broadcast %jit3A_915 : i32 to vector<16xi32>
      %select_n3A_917 = arith.select %gt3A_905, %sub3A_914, %broadcast_in_dim3A_916 : vector<16xi1>, vector<16xi32>
      %mul3A_918 = arith.constant 16 : i32
      %mul3A_919 = arith.muli %squeeze3A, %mul3A_918 : i32
      %add3A_920 = vector.broadcast %mul3A_919 : i32 to vector<16xi32>
      %add3A_921 = arith.addi %add3A_920, %iota3A_464 : vector<16xi32>
      tpu.vector_store_idx %arg9[%select_n3A_917], %add3A_921 masked %gt3A_905 : memref<256xi32, #tpu.memory_space<vmem>>[vector<16xi32>], vector<16xi32>, vector<16xi1>
      %add3A_922 = arith.addi %while3A_897, %all_reduce_population_count3A_906 : vector<16xi32>
      scf.yield %add3A_922 : vector<16xi32>
    }
    %reduce_max3A_650 = arith.constant true
    %reduce_max3A_651 = vector.broadcast %reduce_max3A_650 : i1 to vector<16xi1>
    %reduce_max3A_652 = arith.constant -2147483648 : i32
    %reduce_max3A_653 = vector.broadcast %reduce_max3A_652 : i32 to vector<16xi32>
    %reduce_max3A_654 = arith.xori %while3A_649, %reduce_max3A_653 : vector<16xi32>
    %reduce_max3A_655 = tpu.scan <max>, %reduce_max3A_654 masked %reduce_max3A_651 : vector<16xi32>, vector<16xi1> -> vector<16xi32>
    %reduce_max3A_656 = arith.xori %reduce_max3A_655, %reduce_max3A_653 : vector<16xi32>
    %reduce_max3A_657 = vector.extract %reduce_max3A_656[15] : i32 from vector<16xi32>
    %broadcast_in_dim3A_658 = vector.broadcast %reduce_min3A_531 : f32 to vector<16xf32>
    %mul3A_659 = arith.constant 16 : i32
    %mul3A_660 = vector.broadcast %mul3A_659 : i32 to vector<16xi32>
    %mul3A_661 = arith.muli %iota3A_464, %mul3A_660 : vector<16xi32>
    %while3A_662 = arith.constant 0 : i32
    %while3A_663 = arith.subi %reduce_max3A_657, %while3A_662 : i32
    %while3A_664 = arith.addi %while3A_662, %while3A_663 : i32
    %while3A_665 = arith.constant 1 : i32
    %while3A_666 = arith.divsi %while3A_663, %while3A_665 : i32
    %while3A_667 = arith.muli %while3A_666, %while3A_665 : i32
    %while3A_668 = arith.addi %while3A_662, %while3A_667 : i32
    %while3A_669 = arith.constant 1 : i32
    %while3A_670 = scf.for %while3A_896 = %while3A_662 to %while3A_668 step %while3A_669 iter_args(%while3A_897 = %broadcast_in_dim3A_658) -> (vector<16xf32>)  : i32 {
      %get3A_898 = arith.index_cast %while3A_896 : i32 to index
      %get3A_899 = tpu.vector_load %arg9[%get3A_898] {strides = array<i32>} : memref<256xi32, #tpu.memory_space<vmem>>, vector<16xi32>,
      %slice3A = vector.extract_strided_slice %get3A_899 {offsets = [0], sizes = [1], strides = [1]} : vector<16xi32> to vector<1xi32>
      %squeeze3A = vector.extract %slice3A[0] : i32 from vector<1xi32>
      %jit3A_900 = arith.constant 16 : i32
      %div3A = arith.divsi %squeeze3A, %jit3A_900 : i32
      %sign3A = arith.constant 0 : i32
      %sign3A_901 = arith.cmpi sgt, %squeeze3A, %sign3A : i32
      %sign3A_902 = arith.extui %sign3A_901 : i1 to i32
      %sign3A_903 = arith.constant 0 : i32
      %sign3A_904 = arith.cmpi slt, %squeeze3A, %sign3A_903 : i32
      %sign3A_905 = arith.extui %sign3A_904 : i1 to i32
      %sign3A_906 = arith.subi %sign3A_902, %sign3A_905 : i32
      %sign3A_907 = arith.constant 0 : i32
      %sign3A_908 = arith.cmpi sgt, %jit3A_900, %sign3A_907 : i32
      %sign3A_909 = arith.extui %sign3A_908 : i1 to i32
      %sign3A_910 = arith.constant 0 : i32
      %sign3A_911 = arith.cmpi slt, %jit3A_900, %sign3A_910 : i32
      %sign3A_912 = arith.extui %sign3A_911 : i1 to i32
      %sign3A_913 = arith.subi %sign3A_909, %sign3A_912 : i32
      %ne3A = arith.cmpi ne, %sign3A_906, %sign3A_913 : i32
      %rem3A = arith.remsi %squeeze3A, %jit3A_900 : i32
      %ne3A_914 = arith.constant 0 : i32
      %ne3A_915 = arith.cmpi ne, %rem3A, %ne3A_914 : i32
      %and3A = arith.andi %ne3A, %ne3A_915 : i1
      %sub3A_916 = arith.constant 1 : i32
      %sub3A_917 = arith.subi %div3A, %sub3A_916 : i32
      %select_n3A_918 = arith.select %and3A, %sub3A_917, %div3A : i32
      %mul3A_919 = arith.constant 16 : i32
      %mul3A_920 = arith.muli %select_n3A_918, %mul3A_919 : i32
      %sub3A_921 = arith.subi %squeeze3A, %mul3A_920 : i32
      %mul3A_922 = arith.constant 512 : i32
      %mul3A_923 = arith.muli %select_n3A_918, %mul3A_922 : i32
      %add3A_924 = arith.addi %mul3A_923, %sub3A_921 : i32
      %add3A_925 = vector.broadcast %add3A_924 : i32 to vector<16xi32>
      %add3A_926 = arith.addi %add3A_925, %mul3A_661 : vector<16xi32>
      %gather3A = tpu.vector_load_idx %arg4[%add3A_926] : memref<32768xf32, #tpu.memory_space<vmem>>[vector<16xi32>], vector<16xf32>,
      %add3A_927 = arith.constant 256 : i32
      %add3A_928 = vector.broadcast %add3A_927 : i32 to vector<16xi32>
      %add3A_929 = arith.addi %add3A_926, %add3A_928 : vector<16xi32>
      %gather3A_930 = tpu.vector_load_idx %arg4[%add3A_929] : memref<32768xf32, #tpu.memory_space<vmem>>[vector<16xi32>], vector<16xf32>,
      %masked_sort3A_931 = arith.constant dense<true> : vector<16xi1>
      %masked_sort3A_932, %masked_sort3A_933, %masked_sort3A_934 = tpu.sort %gather3A, %gather3A masked %masked_sort3A_931 {descending = true} : (vector<16xf32>, vector<16xf32>, vector<16xi1>) -> (vector<16xi1>, vector<16xf32>, vector<16xf32>)
      %masked_sort3A_935 = arith.constant dense<true> : vector<16xi1>
      %masked_sort3A_936, %masked_sort3A_937, %masked_sort3A_938 = tpu.sort %gather3A_930, %gather3A_930 masked %masked_sort3A_935 {descending = true} : (vector<16xf32>, vector<16xf32>, vector<16xi1>) -> (vector<16xi1>, vector<16xf32>, vector<16xf32>)
      %rev3A_939 = arith.constant 15 : i32
      %rev3A_940 = vector.broadcast %rev3A_939 : i32 to vector<16xi32>
      %rev3A_941 = tpu.iota {dimensions = array<i32: 0>} : vector<16xi32>
      %rev3A_942 = arith.subi %rev3A_940, %rev3A_941 : vector<16xi32>
      %rev3A_943 = tpu.dynamic_gather %masked_sort3A_937[%rev3A_942] in [0] : vector<16xf32>, vector<16xi32> -> vector<16xf32>
      %max3A_944 = arith.maximumf %masked_sort3A_933, %rev3A_943 : vector<16xf32>
      %masked_sort3A_945 = arith.constant dense<true> : vector<16xi1>
      %masked_sort3A_946, %masked_sort3A_947, %masked_sort3A_948 = tpu.sort %max3A_944, %max3A_944 masked %masked_sort3A_945 {descending = true} : (vector<16xf32>, vector<16xf32>, vector<16xi1>) -> (vector<16xi1>, vector<16xf32>, vector<16xf32>)
      %rev3A_949 = arith.constant 15 : i32
      %rev3A_950 = vector.broadcast %rev3A_949 : i32 to vector<16xi32>
      %rev3A_951 = tpu.iota {dimensions = array<i32: 0>} : vector<16xi32>
      %rev3A_952 = arith.subi %rev3A_950, %rev3A_951 : vector<16xi32>
      %rev3A_953 = tpu.dynamic_gather %masked_sort3A_947[%rev3A_952] in [0] : vector<16xf32>, vector<16xi32> -> vector<16xf32>
      %max3A_954 = arith.maximumf %while3A_897, %rev3A_953 : vector<16xf32>
      %masked_sort3A_955 = arith.constant dense<true> : vector<16xi1>
      %masked_sort3A_956, %masked_sort3A_957, %masked_sort3A_958 = tpu.sort %max3A_954, %max3A_954 masked %masked_sort3A_955 {descending = true} : (vector<16xf32>, vector<16xf32>, vector<16xi1>) -> (vector<16xi1>, vector<16xf32>, vector<16xf32>)
      scf.yield %masked_sort3A_957 : vector<16xf32>
    }
    %while3A_671 = arith.constant 1 : i32
    %while3A_672 = scf.for %while3A_896 = %while3A_668 to %while3A_664 step %while3A_671 iter_args(%while3A_897 = %while3A_670) -> (vector<16xf32>)  : i32 {
      %get3A_898 = arith.index_cast %while3A_896 : i32 to index
      %get3A_899 = tpu.vector_load %arg9[%get3A_898] {strides = array<i32>} : memref<256xi32, #tpu.memory_space<vmem>>, vector<16xi32>,
      %slice3A = vector.extract_strided_slice %get3A_899 {offsets = [0], sizes = [1], strides = [1]} : vector<16xi32> to vector<1xi32>
      %squeeze3A = vector.extract %slice3A[0] : i32 from vector<1xi32>
      %jit3A_900 = arith.constant 16 : i32
      %div3A = arith.divsi %squeeze3A, %jit3A_900 : i32
      %sign3A = arith.constant 0 : i32
      %sign3A_901 = arith.cmpi sgt, %squeeze3A, %sign3A : i32
      %sign3A_902 = arith.extui %sign3A_901 : i1 to i32
      %sign3A_903 = arith.constant 0 : i32
      %sign3A_904 = arith.cmpi slt, %squeeze3A, %sign3A_903 : i32
      %sign3A_905 = arith.extui %sign3A_904 : i1 to i32
      %sign3A_906 = arith.subi %sign3A_902, %sign3A_905 : i32
      %sign3A_907 = arith.constant 0 : i32
      %sign3A_908 = arith.cmpi sgt, %jit3A_900, %sign3A_907 : i32
      %sign3A_909 = arith.extui %sign3A_908 : i1 to i32
      %sign3A_910 = arith.constant 0 : i32
      %sign3A_911 = arith.cmpi slt, %jit3A_900, %sign3A_910 : i32
      %sign3A_912 = arith.extui %sign3A_911 : i1 to i32
      %sign3A_913 = arith.subi %sign3A_909, %sign3A_912 : i32
      %ne3A = arith.cmpi ne, %sign3A_906, %sign3A_913 : i32
      %rem3A = arith.remsi %squeeze3A, %jit3A_900 : i32
      %ne3A_914 = arith.constant 0 : i32
      %ne3A_915 = arith.cmpi ne, %rem3A, %ne3A_914 : i32
      %and3A = arith.andi %ne3A, %ne3A_915 : i1
      %sub3A_916 = arith.constant 1 : i32
      %sub3A_917 = arith.subi %div3A, %sub3A_916 : i32
      %select_n3A_918 = arith.select %and3A, %sub3A_917, %div3A : i32
      %mul3A_919 = arith.constant 16 : i32
      %mul3A_920 = arith.muli %select_n3A_918, %mul3A_919 : i32
      %sub3A_921 = arith.subi %squeeze3A, %mul3A_920 : i32
      %mul3A_922 = arith.constant 512 : i32
      %mul3A_923 = arith.muli %select_n3A_918, %mul3A_922 : i32
      %add3A_924 = arith.addi %mul3A_923, %sub3A_921 : i32
      %add3A_925 = vector.broadcast %add3A_924 : i32 to vector<16xi32>
      %add3A_926 = arith.addi %add3A_925, %mul3A_661 : vector<16xi32>
      %gather3A = tpu.vector_load_idx %arg4[%add3A_926] : memref<32768xf32, #tpu.memory_space<vmem>>[vector<16xi32>], vector<16xf32>,
      %add3A_927 = arith.constant 256 : i32
      %add3A_928 = vector.broadcast %add3A_927 : i32 to vector<16xi32>
      %add3A_929 = arith.addi %add3A_926, %add3A_928 : vector<16xi32>
      %gather3A_930 = tpu.vector_load_idx %arg4[%add3A_929] : memref<32768xf32, #tpu.memory_space<vmem>>[vector<16xi32>], vector<16xf32>,
      %masked_sort3A_931 = arith.constant dense<true> : vector<16xi1>
      %masked_sort3A_932, %masked_sort3A_933, %masked_sort3A_934 = tpu.sort %gather3A, %gather3A masked %masked_sort3A_931 {descending = true} : (vector<16xf32>, vector<16xf32>, vector<16xi1>) -> (vector<16xi1>, vector<16xf32>, vector<16xf32>)
      %masked_sort3A_935 = arith.constant dense<true> : vector<16xi1>
      %masked_sort3A_936, %masked_sort3A_937, %masked_sort3A_938 = tpu.sort %gather3A_930, %gather3A_930 masked %masked_sort3A_935 {descending = true} : (vector<16xf32>, vector<16xf32>, vector<16xi1>) -> (vector<16xi1>, vector<16xf32>, vector<16xf32>)
      %rev3A_939 = arith.constant 15 : i32
      %rev3A_940 = vector.broadcast %rev3A_939 : i32 to vector<16xi32>
      %rev3A_941 = tpu.iota {dimensions = array<i32: 0>} : vector<16xi32>
      %rev3A_942 = arith.subi %rev3A_940, %rev3A_941 : vector<16xi32>
      %rev3A_943 = tpu.dynamic_gather %masked_sort3A_937[%rev3A_942] in [0] : vector<16xf32>, vector<16xi32> -> vector<16xf32>
      %max3A_944 = arith.maximumf %masked_sort3A_933, %rev3A_943 : vector<16xf32>
      %masked_sort3A_945 = arith.constant dense<true> : vector<16xi1>
      %masked_sort3A_946, %masked_sort3A_947, %masked_sort3A_948 = tpu.sort %max3A_944, %max3A_944 masked %masked_sort3A_945 {descending = true} : (vector<16xf32>, vector<16xf32>, vector<16xi1>) -> (vector<16xi1>, vector<16xf32>, vector<16xf32>)
      %rev3A_949 = arith.constant 15 : i32
      %rev3A_950 = vector.broadcast %rev3A_949 : i32 to vector<16xi32>
      %rev3A_951 = tpu.iota {dimensions = array<i32: 0>} : vector<16xi32>
      %rev3A_952 = arith.subi %rev3A_950, %rev3A_951 : vector<16xi32>
      %rev3A_953 = tpu.dynamic_gather %masked_sort3A_947[%rev3A_952] in [0] : vector<16xf32>, vector<16xi32> -> vector<16xf32>
      %max3A_954 = arith.maximumf %while3A_897, %rev3A_953 : vector<16xf32>
      %masked_sort3A_955 = arith.constant dense<true> : vector<16xi1>
      %masked_sort3A_956, %masked_sort3A_957, %masked_sort3A_958 = tpu.sort %max3A_954, %max3A_954 masked %masked_sort3A_955 {descending = true} : (vector<16xf32>, vector<16xf32>, vector<16xi1>) -> (vector<16xi1>, vector<16xf32>, vector<16xf32>)
      scf.yield %masked_sort3A_957 : vector<16xf32>
    }
    %swap3A_673 = arith.constant 32 : index
    %swap3A_674 = tpu.vector_load %arg10[%swap3A_673] {strides = array<i32>} : memref<64xf32, #tpu.memory_space<vmem>>, vector<16xf32>,
    tpu.vector_store %arg10[%swap3A_673], %while3A_672 {strides = array<i32>} : memref<64xf32, #tpu.memory_space<vmem>>, vector<16xf32>,
    %add3A_675 = arith.constant 3 : i32
    %add3A_676 = arith.addi %mul3A_2, %add3A_675 : i32
    %dma_wait3A_677 = arith.constant 0 : i32
    %dma_wait3A_678 = tpu.memref_slice %arg2[%add3A_676, %dma_wait3A_677] : memref<128x32768xf32, #tpu.memory_space<hbm>> -> memref<1x32768xf32, #tpu.memory_space<hbm>>
    %dma_wait3A_679 = tpu.memref_squeeze %dma_wait3A_678 : memref<1x32768xf32, #tpu.memory_space<hbm>> -> memref<32768xf32, #tpu.memory_space<hbm>>
    %dma_wait3A_680 = arith.constant 0 : i32
    %dma_wait3A_681 = tpu.memref_slice %arg2[%add3A_676, %dma_wait3A_680] : memref<128x32768xf32, #tpu.memory_space<hbm>> -> memref<1x32768xf32, #tpu.memory_space<hbm>>
    %dma_wait3A_682 = tpu.memref_squeeze %dma_wait3A_681 : memref<1x32768xf32, #tpu.memory_space<hbm>> -> memref<32768xf32, #tpu.memory_space<hbm>>
    tpu.wait_dma2 semaphore(%arg12 : memref<!tpu.dma_semaphore, #tpu.memory_space<semaphore_mem>>) src(%dma_wait3A_682 : memref<32768xf32, #tpu.memory_space<hbm>>) dst(%arg5 : memref<32768xf32, #tpu.memory_space<vmem>>)
    %iota3A_683 = tpu.iota {dimensions = array<i32: 0>} : vector<16xi32>
    %eq3A_684 = arith.constant 0 : i32
    %eq3A_685 = vector.broadcast %eq3A_684 : i32 to vector<16xi32>
    %eq3A_686 = arith.cmpi eq, %iota3A_683, %eq3A_685 : vector<16xi32>
    %scan3A_687 = arith.constant 0 : i32
    %scan3A_688 = arith.constant 0 : i32
    %scan3A_689 = arith.constant 64 : i32
    %scan3A_690 = arith.addi %scan3A_688, %scan3A_689 : i32
    %scan3A_691 = arith.constant 2 : i32
    scf.for %scan3A_896 = %scan3A_688 to %scan3A_690 step %scan3A_691  : i32 {
      %mul3A_897 = arith.constant 512 : i32
      %mul3A_898 = arith.muli %scan3A_896, %mul3A_897 : i32
      %get3A_899 = arith.index_cast %mul3A_898 : i32 to index
      %get3A_900 = tpu.vector_load %arg5[%get3A_899] {strides = array<i32>} : memref<32768xf32, #tpu.memory_space<vmem>>, vector<16xf32>,
      %add3A_901 = arith.constant 16 : i32
      %add3A_902 = arith.addi %mul3A_898, %add3A_901 : i32
      %get3A_903 = arith.index_cast %add3A_902 : i32 to index
      %get3A_904 = tpu.vector_load %arg5[%get3A_903] {strides = array<i32>} : memref<32768xf32, #tpu.memory_space<vmem>>, vector<16xf32>,
      %add3A_905 = arith.constant 32 : i32
      %add3A_906 = arith.addi %mul3A_898, %add3A_905 : i32
      %get3A_907 = arith.index_cast %add3A_906 : i32 to index
      %get3A_908 = tpu.vector_load %arg5[%get3A_907] {strides = array<i32>} : memref<32768xf32, #tpu.memory_space<vmem>>, vector<16xf32>,
      %add3A_909 = arith.constant 48 : i32
      %add3A_910 = arith.addi %mul3A_898, %add3A_909 : i32
      %get3A_911 = arith.index_cast %add3A_910 : i32 to index
      %get3A_912 = tpu.vector_load %arg5[%get3A_911] {strides = array<i32>} : memref<32768xf32, #tpu.memory_space<vmem>>, vector<16xf32>,
      %add3A_913 = arith.constant 64 : i32
      %add3A_914 = arith.addi %mul3A_898, %add3A_913 : i32
      %get3A_915 = arith.index_cast %add3A_914 : i32 to index
      %get3A_916 = tpu.vector_load %arg5[%get3A_915] {strides = array<i32>} : memref<32768xf32, #tpu.memory_space<vmem>>, vector<16xf32>,
      %max3A_917 = arith.maximumf %get3A_900, %get3A_916 : vector<16xf32>
      %add3A_918 = arith.constant 80 : i32
      %add3A_919 = arith.addi %mul3A_898, %add3A_918 : i32
      %get3A_920 = arith.index_cast %add3A_919 : i32 to index
      %get3A_921 = tpu.vector_load %arg5[%get3A_920] {strides = array<i32>} : memref<32768xf32, #tpu.memory_space<vmem>>, vector<16xf32>,
      %max3A_922 = arith.maximumf %get3A_904, %get3A_921 : vector<16xf32>
      %add3A_923 = arith.constant 96 : i32
      %add3A_924 = arith.addi %mul3A_898, %add3A_923 : i32
      %get3A_925 = arith.index_cast %add3A_924 : i32 to index
      %get3A_926 = tpu.vector_load %arg5[%get3A_925] {strides = array<i32>} : memref<32768xf32, #tpu.memory_space<vmem>>, vector<16xf32>,
      %max3A_927 = arith.maximumf %get3A_908, %get3A_926 : vector<16xf32>
      %add3A_928 = arith.constant 112 : i32
      %add3A_929 = arith.addi %mul3A_898, %add3A_928 : i32
      %get3A_930 = arith.index_cast %add3A_929 : i32 to index
      %get3A_931 = tpu.vector_load %arg5[%get3A_930] {strides = array<i32>} : memref<32768xf32, #tpu.memory_space<vmem>>, vector<16xf32>,
      %max3A_932 = arith.maximumf %get3A_912, %get3A_931 : vector<16xf32>
      %add3A_933 = arith.constant 128 : i32
      %add3A_934 = arith.addi %mul3A_898, %add3A_933 : i32
      %get3A_935 = arith.index_cast %add3A_934 : i32 to index
      %get3A_936 = tpu.vector_load %arg5[%get3A_935] {strides = array<i32>} : memref<32768xf32, #tpu.memory_space<vmem>>, vector<16xf32>,
      %max3A_937 = arith.maximumf %max3A_917, %get3A_936 : vector<16xf32>
      %add3A_938 = arith.constant 144 : i32
      %add3A_939 = arith.addi %mul3A_898, %add3A_938 : i32
      %get3A_940 = arith.index_cast %add3A_939 : i32 to index
      %get3A_941 = tpu.vector_load %arg5[%get3A_940] {strides = array<i32>} : memref<32768xf32, #tpu.memory_space<vmem>>, vector<16xf32>,
      %max3A_942 = arith.maximumf %max3A_922, %get3A_941 : vector<16xf32>
      %add3A_943 = arith.constant 160 : i32
      %add3A_944 = arith.addi %mul3A_898, %add3A_943 : i32
      %get3A_945 = arith.index_cast %add3A_944 : i32 to index
      %get3A_946 = tpu.vector_load %arg5[%get3A_945] {strides = array<i32>} : memref<32768xf32, #tpu.memory_space<vmem>>, vector<16xf32>,
      %max3A_947 = arith.maximumf %max3A_927, %get3A_946 : vector<16xf32>
      %add3A_948 = arith.constant 176 : i32
      %add3A_949 = arith.addi %mul3A_898, %add3A_948 : i32
      %get3A_950 = arith.index_cast %add3A_949 : i32 to index
      %get3A_951 = tpu.vector_load %arg5[%get3A_950] {strides = array<i32>} : memref<32768xf32, #tpu.memory_space<vmem>>, vector<16xf32>,
      %max3A_952 = arith.maximumf %max3A_932, %get3A_951 : vector<16xf32>
      %add3A_953 = arith.constant 192 : i32
      %add3A_954 = arith.addi %mul3A_898, %add3A_953 : i32
      %get3A_955 = arith.index_cast %add3A_954 : i32 to index
      %get3A_956 = tpu.vector_load %arg5[%get3A_955] {strides = array<i32>} : memref<32768xf32, #tpu.memory_space<vmem>>, vector<16xf32>,
      %max3A_957 = arith.maximumf %max3A_937, %get3A_956 : vector<16xf32>
      %add3A_958 = arith.constant 208 : i32
      %add3A_959 = arith.addi %mul3A_898, %add3A_958 : i32
      %get3A_960 = arith.index_cast %add3A_959 : i32 to index
      %get3A_961 = tpu.vector_load %arg5[%get3A_960] {strides = array<i32>} : memref<32768xf32, #tpu.memory_space<vmem>>, vector<16xf32>,
      %max3A_962 = arith.maximumf %max3A_942, %get3A_961 : vector<16xf32>
      %add3A_963 = arith.constant 224 : i32
      %add3A_964 = arith.addi %mul3A_898, %add3A_963 : i32
      %get3A_965 = arith.index_cast %add3A_964 : i32 to index
      %get3A_966 = tpu.vector_load %arg5[%get3A_965] {strides = array<i32>} : memref<32768xf32, #tpu.memory_space<vmem>>, vector<16xf32>,
      %max3A_967 = arith.maximumf %max3A_947, %get3A_966 : vector<16xf32>
      %add3A_968 = arith.constant 240 : i32
      %add3A_969 = arith.addi %mul3A_898, %add3A_968 : i32
      %get3A_970 = arith.index_cast %add3A_969 : i32 to index
      %get3A_971 = tpu.vector_load %arg5[%get3A_970] {strides = array<i32>} : memref<32768xf32, #tpu.memory_space<vmem>>, vector<16xf32>,
      %max3A_972 = arith.maximumf %max3A_952, %get3A_971 : vector<16xf32>
      %add3A_973 = arith.constant 256 : i32
      %add3A_974 = arith.addi %mul3A_898, %add3A_973 : i32
      %get3A_975 = arith.index_cast %add3A_974 : i32 to index
      %get3A_976 = tpu.vector_load %arg5[%get3A_975] {strides = array<i32>} : memref<32768xf32, #tpu.memory_space<vmem>>, vector<16xf32>,
      %max3A_977 = arith.maximumf %max3A_957, %get3A_976 : vector<16xf32>
      %add3A_978 = arith.constant 272 : i32
      %add3A_979 = arith.addi %mul3A_898, %add3A_978 : i32
      %get3A_980 = arith.index_cast %add3A_979 : i32 to index
      %get3A_981 = tpu.vector_load %arg5[%get3A_980] {strides = array<i32>} : memref<32768xf32, #tpu.memory_space<vmem>>, vector<16xf32>,
      %max3A_982 = arith.maximumf %max3A_962, %get3A_981 : vector<16xf32>
      %add3A_983 = arith.constant 288 : i32
      %add3A_984 = arith.addi %mul3A_898, %add3A_983 : i32
      %get3A_985 = arith.index_cast %add3A_984 : i32 to index
      %get3A_986 = tpu.vector_load %arg5[%get3A_985] {strides = array<i32>} : memref<32768xf32, #tpu.memory_space<vmem>>, vector<16xf32>,
      %max3A_987 = arith.maximumf %max3A_967, %get3A_986 : vector<16xf32>
      %add3A_988 = arith.constant 304 : i32
      %add3A_989 = arith.addi %mul3A_898, %add3A_988 : i32
      %get3A_990 = arith.index_cast %add3A_989 : i32 to index
      %get3A_991 = tpu.vector_load %arg5[%get3A_990] {strides = array<i32>} : memref<32768xf32, #tpu.memory_space<vmem>>, vector<16xf32>,
      %max3A_992 = arith.maximumf %max3A_972, %get3A_991 : vector<16xf32>
      %add3A_993 = arith.constant 320 : i32
      %add3A_994 = arith.addi %mul3A_898, %add3A_993 : i32
      %get3A_995 = arith.index_cast %add3A_994 : i32 to index
      %get3A_996 = tpu.vector_load %arg5[%get3A_995] {strides = array<i32>} : memref<32768xf32, #tpu.memory_space<vmem>>, vector<16xf32>,
      %max3A_997 = arith.maximumf %max3A_977, %get3A_996 : vector<16xf32>
      %add3A_998 = arith.constant 336 : i32
      %add3A_999 = arith.addi %mul3A_898, %add3A_998 : i32
      %get3A_1000 = arith.index_cast %add3A_999 : i32 to index
      %get3A_1001 = tpu.vector_load %arg5[%get3A_1000] {strides = array<i32>} : memref<32768xf32, #tpu.memory_space<vmem>>, vector<16xf32>,
      %max3A_1002 = arith.maximumf %max3A_982, %get3A_1001 : vector<16xf32>
      %add3A_1003 = arith.constant 352 : i32
      %add3A_1004 = arith.addi %mul3A_898, %add3A_1003 : i32
      %get3A_1005 = arith.index_cast %add3A_1004 : i32 to index
      %get3A_1006 = tpu.vector_load %arg5[%get3A_1005] {strides = array<i32>} : memref<32768xf32, #tpu.memory_space<vmem>>, vector<16xf32>,
      %max3A_1007 = arith.maximumf %max3A_987, %get3A_1006 : vector<16xf32>
      %add3A_1008 = arith.constant 368 : i32
      %add3A_1009 = arith.addi %mul3A_898, %add3A_1008 : i32
      %get3A_1010 = arith.index_cast %add3A_1009 : i32 to index
      %get3A_1011 = tpu.vector_load %arg5[%get3A_1010] {strides = array<i32>} : memref<32768xf32, #tpu.memory_space<vmem>>, vector<16xf32>,
      %max3A_1012 = arith.maximumf %max3A_992, %get3A_1011 : vector<16xf32>
      %add3A_1013 = arith.constant 384 : i32
      %add3A_1014 = arith.addi %mul3A_898, %add3A_1013 : i32
      %get3A_1015 = arith.index_cast %add3A_1014 : i32 to index
      %get3A_1016 = tpu.vector_load %arg5[%get3A_1015] {strides = array<i32>} : memref<32768xf32, #tpu.memory_space<vmem>>, vector<16xf32>,
      %max3A_1017 = arith.maximumf %max3A_997, %get3A_1016 : vector<16xf32>
      %add3A_1018 = arith.constant 400 : i32
      %add3A_1019 = arith.addi %mul3A_898, %add3A_1018 : i32
      %get3A_1020 = arith.index_cast %add3A_1019 : i32 to index
      %get3A_1021 = tpu.vector_load %arg5[%get3A_1020] {strides = array<i32>} : memref<32768xf32, #tpu.memory_space<vmem>>, vector<16xf32>,
      %max3A_1022 = arith.maximumf %max3A_1002, %get3A_1021 : vector<16xf32>
      %add3A_1023 = arith.constant 416 : i32
      %add3A_1024 = arith.addi %mul3A_898, %add3A_1023 : i32
      %get3A_1025 = arith.index_cast %add3A_1024 : i32 to index
      %get3A_1026 = tpu.vector_load %arg5[%get3A_1025] {strides = array<i32>} : memref<32768xf32, #tpu.memory_space<vmem>>, vector<16xf32>,
      %max3A_1027 = arith.maximumf %max3A_1007, %get3A_1026 : vector<16xf32>
      %add3A_1028 = arith.constant 432 : i32
      %add3A_1029 = arith.addi %mul3A_898, %add3A_1028 : i32
      %get3A_1030 = arith.index_cast %add3A_1029 : i32 to index
      %get3A_1031 = tpu.vector_load %arg5[%get3A_1030] {strides = array<i32>} : memref<32768xf32, #tpu.memory_space<vmem>>, vector<16xf32>,
      %max3A_1032 = arith.maximumf %max3A_1012, %get3A_1031 : vector<16xf32>
      %add3A_1033 = arith.constant 448 : i32
      %add3A_1034 = arith.addi %mul3A_898, %add3A_1033 : i32
      %get3A_1035 = arith.index_cast %add3A_1034 : i32 to index
      %get3A_1036 = tpu.vector_load %arg5[%get3A_1035] {strides = array<i32>} : memref<32768xf32, #tpu.memory_space<vmem>>, vector<16xf32>,
      %max3A_1037 = arith.maximumf %max3A_1017, %get3A_1036 : vector<16xf32>
      %add3A_1038 = arith.constant 464 : i32
      %add3A_1039 = arith.addi %mul3A_898, %add3A_1038 : i32
      %get3A_1040 = arith.index_cast %add3A_1039 : i32 to index
      %get3A_1041 = tpu.vector_load %arg5[%get3A_1040] {strides = array<i32>} : memref<32768xf32, #tpu.memory_space<vmem>>, vector<16xf32>,
      %max3A_1042 = arith.maximumf %max3A_1022, %get3A_1041 : vector<16xf32>
      %add3A_1043 = arith.constant 480 : i32
      %add3A_1044 = arith.addi %mul3A_898, %add3A_1043 : i32
      %get3A_1045 = arith.index_cast %add3A_1044 : i32 to index
      %get3A_1046 = tpu.vector_load %arg5[%get3A_1045] {strides = array<i32>} : memref<32768xf32, #tpu.memory_space<vmem>>, vector<16xf32>,
      %max3A_1047 = arith.maximumf %max3A_1027, %get3A_1046 : vector<16xf32>
      %add3A_1048 = arith.constant 496 : i32
      %add3A_1049 = arith.addi %mul3A_898, %add3A_1048 : i32
      %get3A_1050 = arith.index_cast %add3A_1049 : i32 to index
      %get3A_1051 = tpu.vector_load %arg5[%get3A_1050] {strides = array<i32>} : memref<32768xf32, #tpu.memory_space<vmem>>, vector<16xf32>,
      %max3A_1052 = arith.maximumf %max3A_1032, %get3A_1051 : vector<16xf32>
      %max3A_1053 = arith.maximumf %max3A_1037, %max3A_1042 : vector<16xf32>
      %max3A_1054 = arith.maximumf %max3A_1047, %max3A_1052 : vector<16xf32>
      %max3A_1055 = arith.maximumf %max3A_1053, %max3A_1054 : vector<16xf32>
      %mul3A_1056 = arith.constant 16 : i32
      %mul3A_1057 = arith.muli %scan3A_896, %mul3A_1056 : i32
      %swap3A_1058 = arith.index_cast %mul3A_1057 : i32 to index
      %swap3A_1059 = tpu.vector_load %arg6[%swap3A_1058] {strides = array<i32>} : memref<1024xf32, #tpu.memory_space<vmem>>, vector<16xf32>,
      tpu.vector_store %arg6[%swap3A_1058], %max3A_1055 {strides = array<i32>} : memref<1024xf32, #tpu.memory_space<vmem>>, vector<16xf32>,
      %masked_sort3A_1060 = arith.constant dense<true> : vector<16xi1>
      %masked_sort3A_1061, %masked_sort3A_1062, %masked_sort3A_1063 = tpu.sort %max3A_1055, %max3A_1055 masked %masked_sort3A_1060 {descending = true} : (vector<16xf32>, vector<16xf32>, vector<16xi1>) -> (vector<16xi1>, vector<16xf32>, vector<16xf32>)
      %broadcast_in_dim3A_1064 = vector.broadcast %scan3A_896 : i32 to vector<16xi32>
      tpu.vector_store_idx %arg7[%broadcast_in_dim3A_1064], %masked_sort3A_1062 masked %eq3A_686 : memref<64xf32, #tpu.memory_space<vmem>>[vector<16xi32>], vector<16xf32>, vector<16xi1>
      %scan3A_1065 = arith.constant 1 : i32
      %scan3A_1066 = arith.addi %scan3A_896, %scan3A_1065 : i32
      %mul3A_1067 = arith.constant 512 : i32
      %mul3A_1068 = arith.muli %scan3A_1066, %mul3A_1067 : i32
      %get3A_1069 = arith.index_cast %mul3A_1068 : i32 to index
      %get3A_1070 = tpu.vector_load %arg5[%get3A_1069] {strides = array<i32>} : memref<32768xf32, #tpu.memory_space<vmem>>, vector<16xf32>,
      %add3A_1071 = arith.constant 16 : i32
      %add3A_1072 = arith.addi %mul3A_1068, %add3A_1071 : i32
      %get3A_1073 = arith.index_cast %add3A_1072 : i32 to index
      %get3A_1074 = tpu.vector_load %arg5[%get3A_1073] {strides = array<i32>} : memref<32768xf32, #tpu.memory_space<vmem>>, vector<16xf32>,
      %add3A_1075 = arith.constant 32 : i32
      %add3A_1076 = arith.addi %mul3A_1068, %add3A_1075 : i32
      %get3A_1077 = arith.index_cast %add3A_1076 : i32 to index
      %get3A_1078 = tpu.vector_load %arg5[%get3A_1077] {strides = array<i32>} : memref<32768xf32, #tpu.memory_space<vmem>>, vector<16xf32>,
      %add3A_1079 = arith.constant 48 : i32
      %add3A_1080 = arith.addi %mul3A_1068, %add3A_1079 : i32
      %get3A_1081 = arith.index_cast %add3A_1080 : i32 to index
      %get3A_1082 = tpu.vector_load %arg5[%get3A_1081] {strides = array<i32>} : memref<32768xf32, #tpu.memory_space<vmem>>, vector<16xf32>,
      %add3A_1083 = arith.constant 64 : i32
      %add3A_1084 = arith.addi %mul3A_1068, %add3A_1083 : i32
      %get3A_1085 = arith.index_cast %add3A_1084 : i32 to index
      %get3A_1086 = tpu.vector_load %arg5[%get3A_1085] {strides = array<i32>} : memref<32768xf32, #tpu.memory_space<vmem>>, vector<16xf32>,
      %max3A_1087 = arith.maximumf %get3A_1070, %get3A_1086 : vector<16xf32>
      %add3A_1088 = arith.constant 80 : i32
      %add3A_1089 = arith.addi %mul3A_1068, %add3A_1088 : i32
      %get3A_1090 = arith.index_cast %add3A_1089 : i32 to index
      %get3A_1091 = tpu.vector_load %arg5[%get3A_1090] {strides = array<i32>} : memref<32768xf32, #tpu.memory_space<vmem>>, vector<16xf32>,
      %max3A_1092 = arith.maximumf %get3A_1074, %get3A_1091 : vector<16xf32>
      %add3A_1093 = arith.constant 96 : i32
      %add3A_1094 = arith.addi %mul3A_1068, %add3A_1093 : i32
      %get3A_1095 = arith.index_cast %add3A_1094 : i32 to index
      %get3A_1096 = tpu.vector_load %arg5[%get3A_1095] {strides = array<i32>} : memref<32768xf32, #tpu.memory_space<vmem>>, vector<16xf32>,
      %max3A_1097 = arith.maximumf %get3A_1078, %get3A_1096 : vector<16xf32>
      %add3A_1098 = arith.constant 112 : i32
      %add3A_1099 = arith.addi %mul3A_1068, %add3A_1098 : i32
      %get3A_1100 = arith.index_cast %add3A_1099 : i32 to index
      %get3A_1101 = tpu.vector_load %arg5[%get3A_1100] {strides = array<i32>} : memref<32768xf32, #tpu.memory_space<vmem>>, vector<16xf32>,
      %max3A_1102 = arith.maximumf %get3A_1082, %get3A_1101 : vector<16xf32>
      %add3A_1103 = arith.constant 128 : i32
      %add3A_1104 = arith.addi %mul3A_1068, %add3A_1103 : i32
      %get3A_1105 = arith.index_cast %add3A_1104 : i32 to index
      %get3A_1106 = tpu.vector_load %arg5[%get3A_1105] {strides = array<i32>} : memref<32768xf32, #tpu.memory_space<vmem>>, vector<16xf32>,
      %max3A_1107 = arith.maximumf %max3A_1087, %get3A_1106 : vector<16xf32>
      %add3A_1108 = arith.constant 144 : i32
      %add3A_1109 = arith.addi %mul3A_1068, %add3A_1108 : i32
      %get3A_1110 = arith.index_cast %add3A_1109 : i32 to index
      %get3A_1111 = tpu.vector_load %arg5[%get3A_1110] {strides = array<i32>} : memref<32768xf32, #tpu.memory_space<vmem>>, vector<16xf32>,
      %max3A_1112 = arith.maximumf %max3A_1092, %get3A_1111 : vector<16xf32>
      %add3A_1113 = arith.constant 160 : i32
      %add3A_1114 = arith.addi %mul3A_1068, %add3A_1113 : i32
      %get3A_1115 = arith.index_cast %add3A_1114 : i32 to index
      %get3A_1116 = tpu.vector_load %arg5[%get3A_1115] {strides = array<i32>} : memref<32768xf32, #tpu.memory_space<vmem>>, vector<16xf32>,
      %max3A_1117 = arith.maximumf %max3A_1097, %get3A_1116 : vector<16xf32>
      %add3A_1118 = arith.constant 176 : i32
      %add3A_1119 = arith.addi %mul3A_1068, %add3A_1118 : i32
      %get3A_1120 = arith.index_cast %add3A_1119 : i32 to index
      %get3A_1121 = tpu.vector_load %arg5[%get3A_1120] {strides = array<i32>} : memref<32768xf32, #tpu.memory_space<vmem>>, vector<16xf32>,
      %max3A_1122 = arith.maximumf %max3A_1102, %get3A_1121 : vector<16xf32>
      %add3A_1123 = arith.constant 192 : i32
      %add3A_1124 = arith.addi %mul3A_1068, %add3A_1123 : i32
      %get3A_1125 = arith.index_cast %add3A_1124 : i32 to index
      %get3A_1126 = tpu.vector_load %arg5[%get3A_1125] {strides = array<i32>} : memref<32768xf32, #tpu.memory_space<vmem>>, vector<16xf32>,
      %max3A_1127 = arith.maximumf %max3A_1107, %get3A_1126 : vector<16xf32>
      %add3A_1128 = arith.constant 208 : i32
      %add3A_1129 = arith.addi %mul3A_1068, %add3A_1128 : i32
      %get3A_1130 = arith.index_cast %add3A_1129 : i32 to index
      %get3A_1131 = tpu.vector_load %arg5[%get3A_1130] {strides = array<i32>} : memref<32768xf32, #tpu.memory_space<vmem>>, vector<16xf32>,
      %max3A_1132 = arith.maximumf %max3A_1112, %get3A_1131 : vector<16xf32>
      %add3A_1133 = arith.constant 224 : i32
      %add3A_1134 = arith.addi %mul3A_1068, %add3A_1133 : i32
      %get3A_1135 = arith.index_cast %add3A_1134 : i32 to index
      %get3A_1136 = tpu.vector_load %arg5[%get3A_1135] {strides = array<i32>} : memref<32768xf32, #tpu.memory_space<vmem>>, vector<16xf32>,
      %max3A_1137 = arith.maximumf %max3A_1117, %get3A_1136 : vector<16xf32>
      %add3A_1138 = arith.constant 240 : i32
      %add3A_1139 = arith.addi %mul3A_1068, %add3A_1138 : i32
      %get3A_1140 = arith.index_cast %add3A_1139 : i32 to index
      %get3A_1141 = tpu.vector_load %arg5[%get3A_1140] {strides = array<i32>} : memref<32768xf32, #tpu.memory_space<vmem>>, vector<16xf32>,
      %max3A_1142 = arith.maximumf %max3A_1122, %get3A_1141 : vector<16xf32>
      %add3A_1143 = arith.constant 256 : i32
      %add3A_1144 = arith.addi %mul3A_1068, %add3A_1143 : i32
      %get3A_1145 = arith.index_cast %add3A_1144 : i32 to index
      %get3A_1146 = tpu.vector_load %arg5[%get3A_1145] {strides = array<i32>} : memref<32768xf32, #tpu.memory_space<vmem>>, vector<16xf32>,
      %max3A_1147 = arith.maximumf %max3A_1127, %get3A_1146 : vector<16xf32>
      %add3A_1148 = arith.constant 272 : i32
      %add3A_1149 = arith.addi %mul3A_1068, %add3A_1148 : i32
      %get3A_1150 = arith.index_cast %add3A_1149 : i32 to index
      %get3A_1151 = tpu.vector_load %arg5[%get3A_1150] {strides = array<i32>} : memref<32768xf32, #tpu.memory_space<vmem>>, vector<16xf32>,
      %max3A_1152 = arith.maximumf %max3A_1132, %get3A_1151 : vector<16xf32>
      %add3A_1153 = arith.constant 288 : i32
      %add3A_1154 = arith.addi %mul3A_1068, %add3A_1153 : i32
      %get3A_1155 = arith.index_cast %add3A_1154 : i32 to index
      %get3A_1156 = tpu.vector_load %arg5[%get3A_1155] {strides = array<i32>} : memref<32768xf32, #tpu.memory_space<vmem>>, vector<16xf32>,
      %max3A_1157 = arith.maximumf %max3A_1137, %get3A_1156 : vector<16xf32>
      %add3A_1158 = arith.constant 304 : i32
      %add3A_1159 = arith.addi %mul3A_1068, %add3A_1158 : i32
      %get3A_1160 = arith.index_cast %add3A_1159 : i32 to index
      %get3A_1161 = tpu.vector_load %arg5[%get3A_1160] {strides = array<i32>} : memref<32768xf32, #tpu.memory_space<vmem>>, vector<16xf32>,
      %max3A_1162 = arith.maximumf %max3A_1142, %get3A_1161 : vector<16xf32>
      %add3A_1163 = arith.constant 320 : i32
      %add3A_1164 = arith.addi %mul3A_1068, %add3A_1163 : i32
      %get3A_1165 = arith.index_cast %add3A_1164 : i32 to index
      %get3A_1166 = tpu.vector_load %arg5[%get3A_1165] {strides = array<i32>} : memref<32768xf32, #tpu.memory_space<vmem>>, vector<16xf32>,
      %max3A_1167 = arith.maximumf %max3A_1147, %get3A_1166 : vector<16xf32>
      %add3A_1168 = arith.constant 336 : i32
      %add3A_1169 = arith.addi %mul3A_1068, %add3A_1168 : i32
      %get3A_1170 = arith.index_cast %add3A_1169 : i32 to index
      %get3A_1171 = tpu.vector_load %arg5[%get3A_1170] {strides = array<i32>} : memref<32768xf32, #tpu.memory_space<vmem>>, vector<16xf32>,
      %max3A_1172 = arith.maximumf %max3A_1152, %get3A_1171 : vector<16xf32>
      %add3A_1173 = arith.constant 352 : i32
      %add3A_1174 = arith.addi %mul3A_1068, %add3A_1173 : i32
      %get3A_1175 = arith.index_cast %add3A_1174 : i32 to index
      %get3A_1176 = tpu.vector_load %arg5[%get3A_1175] {strides = array<i32>} : memref<32768xf32, #tpu.memory_space<vmem>>, vector<16xf32>,
      %max3A_1177 = arith.maximumf %max3A_1157, %get3A_1176 : vector<16xf32>
      %add3A_1178 = arith.constant 368 : i32
      %add3A_1179 = arith.addi %mul3A_1068, %add3A_1178 : i32
      %get3A_1180 = arith.index_cast %add3A_1179 : i32 to index
      %get3A_1181 = tpu.vector_load %arg5[%get3A_1180] {strides = array<i32>} : memref<32768xf32, #tpu.memory_space<vmem>>, vector<16xf32>,
      %max3A_1182 = arith.maximumf %max3A_1162, %get3A_1181 : vector<16xf32>
      %add3A_1183 = arith.constant 384 : i32
      %add3A_1184 = arith.addi %mul3A_1068, %add3A_1183 : i32
      %get3A_1185 = arith.index_cast %add3A_1184 : i32 to index
      %get3A_1186 = tpu.vector_load %arg5[%get3A_1185] {strides = array<i32>} : memref<32768xf32, #tpu.memory_space<vmem>>, vector<16xf32>,
      %max3A_1187 = arith.maximumf %max3A_1167, %get3A_1186 : vector<16xf32>
      %add3A_1188 = arith.constant 400 : i32
      %add3A_1189 = arith.addi %mul3A_1068, %add3A_1188 : i32
      %get3A_1190 = arith.index_cast %add3A_1189 : i32 to index
      %get3A_1191 = tpu.vector_load %arg5[%get3A_1190] {strides = array<i32>} : memref<32768xf32, #tpu.memory_space<vmem>>, vector<16xf32>,
      %max3A_1192 = arith.maximumf %max3A_1172, %get3A_1191 : vector<16xf32>
      %add3A_1193 = arith.constant 416 : i32
      %add3A_1194 = arith.addi %mul3A_1068, %add3A_1193 : i32
      %get3A_1195 = arith.index_cast %add3A_1194 : i32 to index
      %get3A_1196 = tpu.vector_load %arg5[%get3A_1195] {strides = array<i32>} : memref<32768xf32, #tpu.memory_space<vmem>>, vector<16xf32>,
      %max3A_1197 = arith.maximumf %max3A_1177, %get3A_1196 : vector<16xf32>
      %add3A_1198 = arith.constant 432 : i32
      %add3A_1199 = arith.addi %mul3A_1068, %add3A_1198 : i32
      %get3A_1200 = arith.index_cast %add3A_1199 : i32 to index
      %get3A_1201 = tpu.vector_load %arg5[%get3A_1200] {strides = array<i32>} : memref<32768xf32, #tpu.memory_space<vmem>>, vector<16xf32>,
      %max3A_1202 = arith.maximumf %max3A_1182, %get3A_1201 : vector<16xf32>
      %add3A_1203 = arith.constant 448 : i32
      %add3A_1204 = arith.addi %mul3A_1068, %add3A_1203 : i32
      %get3A_1205 = arith.index_cast %add3A_1204 : i32 to index
      %get3A_1206 = tpu.vector_load %arg5[%get3A_1205] {strides = array<i32>} : memref<32768xf32, #tpu.memory_space<vmem>>, vector<16xf32>,
      %max3A_1207 = arith.maximumf %max3A_1187, %get3A_1206 : vector<16xf32>
      %add3A_1208 = arith.constant 464 : i32
      %add3A_1209 = arith.addi %mul3A_1068, %add3A_1208 : i32
      %get3A_1210 = arith.index_cast %add3A_1209 : i32 to index
      %get3A_1211 = tpu.vector_load %arg5[%get3A_1210] {strides = array<i32>} : memref<32768xf32, #tpu.memory_space<vmem>>, vector<16xf32>,
      %max3A_1212 = arith.maximumf %max3A_1192, %get3A_1211 : vector<16xf32>
      %add3A_1213 = arith.constant 480 : i32
      %add3A_1214 = arith.addi %mul3A_1068, %add3A_1213 : i32
      %get3A_1215 = arith.index_cast %add3A_1214 : i32 to index
      %get3A_1216 = tpu.vector_load %arg5[%get3A_1215] {strides = array<i32>} : memref<32768xf32, #tpu.memory_space<vmem>>, vector<16xf32>,
      %max3A_1217 = arith.maximumf %max3A_1197, %get3A_1216 : vector<16xf32>
      %add3A_1218 = arith.constant 496 : i32
      %add3A_1219 = arith.addi %mul3A_1068, %add3A_1218 : i32
      %get3A_1220 = arith.index_cast %add3A_1219 : i32 to index
      %get3A_1221 = tpu.vector_load %arg5[%get3A_1220] {strides = array<i32>} : memref<32768xf32, #tpu.memory_space<vmem>>, vector<16xf32>,
      %max3A_1222 = arith.maximumf %max3A_1202, %get3A_1221 : vector<16xf32>
      %max3A_1223 = arith.maximumf %max3A_1207, %max3A_1212 : vector<16xf32>
      %max3A_1224 = arith.maximumf %max3A_1217, %max3A_1222 : vector<16xf32>
      %max3A_1225 = arith.maximumf %max3A_1223, %max3A_1224 : vector<16xf32>
      %mul3A_1226 = arith.constant 16 : i32
      %mul3A_1227 = arith.muli %scan3A_1066, %mul3A_1226 : i32
      %swap3A_1228 = arith.index_cast %mul3A_1227 : i32 to index
      %swap3A_1229 = tpu.vector_load %arg6[%swap3A_1228] {strides = array<i32>} : memref<1024xf32, #tpu.memory_space<vmem>>, vector<16xf32>,
      tpu.vector_store %arg6[%swap3A_1228], %max3A_1225 {strides = array<i32>} : memref<1024xf32, #tpu.memory_space<vmem>>, vector<16xf32>,
      %masked_sort3A_1230 = arith.constant dense<true> : vector<16xi1>
      %masked_sort3A_1231, %masked_sort3A_1232, %masked_sort3A_1233 = tpu.sort %max3A_1225, %max3A_1225 masked %masked_sort3A_1230 {descending = true} : (vector<16xf32>, vector<16xf32>, vector<16xi1>) -> (vector<16xi1>, vector<16xf32>, vector<16xf32>)
      %broadcast_in_dim3A_1234 = vector.broadcast %scan3A_1066 : i32 to vector<16xi32>
      tpu.vector_store_idx %arg7[%broadcast_in_dim3A_1234], %masked_sort3A_1232 masked %eq3A_686 : memref<64xf32, #tpu.memory_space<vmem>>[vector<16xi32>], vector<16xf32>, vector<16xi1>
    }
    %scan3A_692 = arith.constant 64 : i32
    %get3A_693 = arith.constant 0 : index
    %get3A_694 = tpu.vector_load %arg7[%get3A_693] {strides = array<i32>} : memref<64xf32, #tpu.memory_space<vmem>>, vector<16xf32>,
    %masked_sort3A_695 = arith.constant dense<true> : vector<16xi1>
    %masked_sort3A_696, %masked_sort3A_697, %masked_sort3A_698 = tpu.sort %get3A_694, %get3A_694 masked %masked_sort3A_695 {descending = true} : (vector<16xf32>, vector<16xf32>, vector<16xi1>) -> (vector<16xi1>, vector<16xf32>, vector<16xf32>)
    %get3A_699 = arith.constant 16 : index
    %get3A_700 = tpu.vector_load %arg7[%get3A_699] {strides = array<i32>} : memref<64xf32, #tpu.memory_space<vmem>>, vector<16xf32>,
    %masked_sort3A_701 = arith.constant dense<true> : vector<16xi1>
    %masked_sort3A_702, %masked_sort3A_703, %masked_sort3A_704 = tpu.sort %get3A_700, %get3A_700 masked %masked_sort3A_701 {descending = true} : (vector<16xf32>, vector<16xf32>, vector<16xi1>) -> (vector<16xi1>, vector<16xf32>, vector<16xf32>)
    %get3A_705 = arith.constant 32 : index
    %get3A_706 = tpu.vector_load %arg7[%get3A_705] {strides = array<i32>} : memref<64xf32, #tpu.memory_space<vmem>>, vector<16xf32>,
    %masked_sort3A_707 = arith.constant dense<true> : vector<16xi1>
    %masked_sort3A_708, %masked_sort3A_709, %masked_sort3A_710 = tpu.sort %get3A_706, %get3A_706 masked %masked_sort3A_707 {descending = true} : (vector<16xf32>, vector<16xf32>, vector<16xi1>) -> (vector<16xi1>, vector<16xf32>, vector<16xf32>)
    %get3A_711 = arith.constant 48 : index
    %get3A_712 = tpu.vector_load %arg7[%get3A_711] {strides = array<i32>} : memref<64xf32, #tpu.memory_space<vmem>>, vector<16xf32>,
    %masked_sort3A_713 = arith.constant dense<true> : vector<16xi1>
    %masked_sort3A_714, %masked_sort3A_715, %masked_sort3A_716 = tpu.sort %get3A_712, %get3A_712 masked %masked_sort3A_713 {descending = true} : (vector<16xf32>, vector<16xf32>, vector<16xi1>) -> (vector<16xi1>, vector<16xf32>, vector<16xf32>)
    %rev3A_717 = arith.constant 15 : i32
    %rev3A_718 = vector.broadcast %rev3A_717 : i32 to vector<16xi32>
    %rev3A_719 = tpu.iota {dimensions = array<i32: 0>} : vector<16xi32>
    %rev3A_720 = arith.subi %rev3A_718, %rev3A_719 : vector<16xi32>
    %rev3A_721 = tpu.dynamic_gather %masked_sort3A_703[%rev3A_720] in [0] : vector<16xf32>, vector<16xi32> -> vector<16xf32>
    %max3A_722 = arith.maximumf %masked_sort3A_697, %rev3A_721 : vector<16xf32>
    %masked_sort3A_723 = arith.constant dense<true> : vector<16xi1>
    %masked_sort3A_724, %masked_sort3A_725, %masked_sort3A_726 = tpu.sort %max3A_722, %max3A_722 masked %masked_sort3A_723 {descending = true} : (vector<16xf32>, vector<16xf32>, vector<16xi1>) -> (vector<16xi1>, vector<16xf32>, vector<16xf32>)
    %rev3A_727 = arith.constant 15 : i32
    %rev3A_728 = vector.broadcast %rev3A_727 : i32 to vector<16xi32>
    %rev3A_729 = tpu.iota {dimensions = array<i32: 0>} : vector<16xi32>
    %rev3A_730 = arith.subi %rev3A_728, %rev3A_729 : vector<16xi32>
    %rev3A_731 = tpu.dynamic_gather %masked_sort3A_715[%rev3A_730] in [0] : vector<16xf32>, vector<16xi32> -> vector<16xf32>
    %max3A_732 = arith.maximumf %masked_sort3A_709, %rev3A_731 : vector<16xf32>
    %masked_sort3A_733 = arith.constant dense<true> : vector<16xi1>
    %masked_sort3A_734, %masked_sort3A_735, %masked_sort3A_736 = tpu.sort %max3A_732, %max3A_732 masked %masked_sort3A_733 {descending = true} : (vector<16xf32>, vector<16xf32>, vector<16xi1>) -> (vector<16xi1>, vector<16xf32>, vector<16xf32>)
    %rev3A_737 = arith.constant 15 : i32
    %rev3A_738 = vector.broadcast %rev3A_737 : i32 to vector<16xi32>
    %rev3A_739 = tpu.iota {dimensions = array<i32: 0>} : vector<16xi32>
    %rev3A_740 = arith.subi %rev3A_738, %rev3A_739 : vector<16xi32>
    %rev3A_741 = tpu.dynamic_gather %masked_sort3A_735[%rev3A_740] in [0] : vector<16xf32>, vector<16xi32> -> vector<16xf32>
    %max3A_742 = arith.maximumf %masked_sort3A_725, %rev3A_741 : vector<16xf32>
    %masked_sort3A_743 = arith.constant dense<true> : vector<16xi1>
    %masked_sort3A_744, %masked_sort3A_745, %masked_sort3A_746 = tpu.sort %max3A_742, %max3A_742 masked %masked_sort3A_743 {descending = true} : (vector<16xf32>, vector<16xf32>, vector<16xi1>) -> (vector<16xi1>, vector<16xf32>, vector<16xf32>)
    %reduce_min3A_747 = arith.constant true
    %reduce_min3A_748 = vector.broadcast %reduce_min3A_747 : i1 to vector<16xi1>
    %reduce_min3A_749 = tpu.scan <min>, %masked_sort3A_745 masked %reduce_min3A_748 : vector<16xf32>, vector<16xi1> -> vector<16xf32>
    %reduce_min3A_750 = vector.extract %reduce_min3A_749[15] : f32 from vector<16xf32>
    %broadcast_in_dim3A_751 = arith.constant 0 : i32
    %broadcast_in_dim3A_752 = vector.broadcast %broadcast_in_dim3A_751 : i32 to vector<16xi32>
    %scan3A_753 = arith.constant 0 : i32
    %mul3A_754 = arith.constant 16 : i32
    %mul3A_755 = arith.muli %scan3A_753, %mul3A_754 : i32
    %get3A_756 = arith.index_cast %mul3A_755 : i32 to index
    %get3A_757 = tpu.vector_load %arg7[%get3A_756] {strides = array<i32>} : memref<64xf32, #tpu.memory_space<vmem>>, vector<16xf32>,
    %gt3A_758 = vector.broadcast %reduce_min3A_750 : f32 to vector<16xf32>
    %gt3A_759 = arith.cmpf ogt, %get3A_757, %gt3A_758 : vector<16xf32>
    %all_reduce_population_count3A_760 = tpu.all_reduce %gt3A_759 {dim = 0 : i64, kind = #tpu.reduction_kind<sum>} : vector<16xi1> -> vector<16xi32>
    %convert_element_type3A_761 = arith.extui %gt3A_759 : vector<16xi1> to vector<16xi32>
    %broadcast_in_dim3A_762 = arith.constant true
    %broadcast_in_dim3A_763 = vector.broadcast %broadcast_in_dim3A_762 : i1 to vector<16xi1>
    %masked_cumsum3A_764 = tpu.scan <sum>, %convert_element_type3A_761 masked %broadcast_in_dim3A_763 : vector<16xi32>, vector<16xi1> -> vector<16xi32>
    %add3A_765 = arith.addi %broadcast_in_dim3A_752, %masked_cumsum3A_764 : vector<16xi32>
    %sub3A_766 = arith.constant 1 : i32
    %sub3A_767 = vector.broadcast %sub3A_766 : i32 to vector<16xi32>
    %sub3A_768 = arith.subi %add3A_765, %sub3A_767 : vector<16xi32>
    %jit3A_769 = arith.constant 31 : i32
    %broadcast_in_dim3A_770 = vector.broadcast %jit3A_769 : i32 to vector<16xi32>
    %select_n3A_771 = arith.select %gt3A_759, %sub3A_768, %broadcast_in_dim3A_770 : vector<16xi1>, vector<16xi32>
    %mul3A_772 = arith.constant 16 : i32
    %mul3A_773 = arith.muli %scan3A_753, %mul3A_772 : i32
    %add3A_774 = vector.broadcast %mul3A_773 : i32 to vector<16xi32>
    %add3A_775 = arith.addi %add3A_774, %iota3A_683 : vector<16xi32>
    tpu.vector_store_idx %arg8[%select_n3A_771], %add3A_775 masked %gt3A_759 : memref<32xi32, #tpu.memory_space<vmem>>[vector<16xi32>], vector<16xi32>, vector<16xi1>
    %add3A_776 = arith.addi %broadcast_in_dim3A_752, %all_reduce_population_count3A_760 : vector<16xi32>
    %scan3A_777 = arith.constant 1 : i32
    %mul3A_778 = arith.constant 16 : i32
    %mul3A_779 = arith.muli %scan3A_777, %mul3A_778 : i32
    %get3A_780 = arith.index_cast %mul3A_779 : i32 to index
    %get3A_781 = tpu.vector_load %arg7[%get3A_780] {strides = array<i32>} : memref<64xf32, #tpu.memory_space<vmem>>, vector<16xf32>,
    %gt3A_782 = vector.broadcast %reduce_min3A_750 : f32 to vector<16xf32>
    %gt3A_783 = arith.cmpf ogt, %get3A_781, %gt3A_782 : vector<16xf32>
    %all_reduce_population_count3A_784 = tpu.all_reduce %gt3A_783 {dim = 0 : i64, kind = #tpu.reduction_kind<sum>} : vector<16xi1> -> vector<16xi32>
    %convert_element_type3A_785 = arith.extui %gt3A_783 : vector<16xi1> to vector<16xi32>
    %broadcast_in_dim3A_786 = arith.constant true
    %broadcast_in_dim3A_787 = vector.broadcast %broadcast_in_dim3A_786 : i1 to vector<16xi1>
    %masked_cumsum3A_788 = tpu.scan <sum>, %convert_element_type3A_785 masked %broadcast_in_dim3A_787 : vector<16xi32>, vector<16xi1> -> vector<16xi32>
    %add3A_789 = arith.addi %add3A_776, %masked_cumsum3A_788 : vector<16xi32>
    %sub3A_790 = arith.constant 1 : i32
    %sub3A_791 = vector.broadcast %sub3A_790 : i32 to vector<16xi32>
    %sub3A_792 = arith.subi %add3A_789, %sub3A_791 : vector<16xi32>
    %jit3A_793 = arith.constant 31 : i32
    %broadcast_in_dim3A_794 = vector.broadcast %jit3A_793 : i32 to vector<16xi32>
    %select_n3A_795 = arith.select %gt3A_783, %sub3A_792, %broadcast_in_dim3A_794 : vector<16xi1>, vector<16xi32>
    %mul3A_796 = arith.constant 16 : i32
    %mul3A_797 = arith.muli %scan3A_777, %mul3A_796 : i32
    %add3A_798 = vector.broadcast %mul3A_797 : i32 to vector<16xi32>
    %add3A_799 = arith.addi %add3A_798, %iota3A_683 : vector<16xi32>
    tpu.vector_store_idx %arg8[%select_n3A_795], %add3A_799 masked %gt3A_783 : memref<32xi32, #tpu.memory_space<vmem>>[vector<16xi32>], vector<16xi32>, vector<16xi1>
    %add3A_800 = arith.addi %add3A_776, %all_reduce_population_count3A_784 : vector<16xi32>
    %scan3A_801 = arith.constant 2 : i32
    %mul3A_802 = arith.constant 16 : i32
    %mul3A_803 = arith.muli %scan3A_801, %mul3A_802 : i32
    %get3A_804 = arith.index_cast %mul3A_803 : i32 to index
    %get3A_805 = tpu.vector_load %arg7[%get3A_804] {strides = array<i32>} : memref<64xf32, #tpu.memory_space<vmem>>, vector<16xf32>,
    %gt3A_806 = vector.broadcast %reduce_min3A_750 : f32 to vector<16xf32>
    %gt3A_807 = arith.cmpf ogt, %get3A_805, %gt3A_806 : vector<16xf32>
    %all_reduce_population_count3A_808 = tpu.all_reduce %gt3A_807 {dim = 0 : i64, kind = #tpu.reduction_kind<sum>} : vector<16xi1> -> vector<16xi32>
    %convert_element_type3A_809 = arith.extui %gt3A_807 : vector<16xi1> to vector<16xi32>
    %broadcast_in_dim3A_810 = arith.constant true
    %broadcast_in_dim3A_811 = vector.broadcast %broadcast_in_dim3A_810 : i1 to vector<16xi1>
    %masked_cumsum3A_812 = tpu.scan <sum>, %convert_element_type3A_809 masked %broadcast_in_dim3A_811 : vector<16xi32>, vector<16xi1> -> vector<16xi32>
    %add3A_813 = arith.addi %add3A_800, %masked_cumsum3A_812 : vector<16xi32>
    %sub3A_814 = arith.constant 1 : i32
    %sub3A_815 = vector.broadcast %sub3A_814 : i32 to vector<16xi32>
    %sub3A_816 = arith.subi %add3A_813, %sub3A_815 : vector<16xi32>
    %jit3A_817 = arith.constant 31 : i32
    %broadcast_in_dim3A_818 = vector.broadcast %jit3A_817 : i32 to vector<16xi32>
    %select_n3A_819 = arith.select %gt3A_807, %sub3A_816, %broadcast_in_dim3A_818 : vector<16xi1>, vector<16xi32>
    %mul3A_820 = arith.constant 16 : i32
    %mul3A_821 = arith.muli %scan3A_801, %mul3A_820 : i32
    %add3A_822 = vector.broadcast %mul3A_821 : i32 to vector<16xi32>
    %add3A_823 = arith.addi %add3A_822, %iota3A_683 : vector<16xi32>
    tpu.vector_store_idx %arg8[%select_n3A_819], %add3A_823 masked %gt3A_807 : memref<32xi32, #tpu.memory_space<vmem>>[vector<16xi32>], vector<16xi32>, vector<16xi1>
    %add3A_824 = arith.addi %add3A_800, %all_reduce_population_count3A_808 : vector<16xi32>
    %scan3A_825 = arith.constant 3 : i32
    %mul3A_826 = arith.constant 16 : i32
    %mul3A_827 = arith.muli %scan3A_825, %mul3A_826 : i32
    %get3A_828 = arith.index_cast %mul3A_827 : i32 to index
    %get3A_829 = tpu.vector_load %arg7[%get3A_828] {strides = array<i32>} : memref<64xf32, #tpu.memory_space<vmem>>, vector<16xf32>,
    %gt3A_830 = vector.broadcast %reduce_min3A_750 : f32 to vector<16xf32>
    %gt3A_831 = arith.cmpf ogt, %get3A_829, %gt3A_830 : vector<16xf32>
    %all_reduce_population_count3A_832 = tpu.all_reduce %gt3A_831 {dim = 0 : i64, kind = #tpu.reduction_kind<sum>} : vector<16xi1> -> vector<16xi32>
    %convert_element_type3A_833 = arith.extui %gt3A_831 : vector<16xi1> to vector<16xi32>
    %broadcast_in_dim3A_834 = arith.constant true
    %broadcast_in_dim3A_835 = vector.broadcast %broadcast_in_dim3A_834 : i1 to vector<16xi1>
    %masked_cumsum3A_836 = tpu.scan <sum>, %convert_element_type3A_833 masked %broadcast_in_dim3A_835 : vector<16xi32>, vector<16xi1> -> vector<16xi32>
    %add3A_837 = arith.addi %add3A_824, %masked_cumsum3A_836 : vector<16xi32>
    %sub3A_838 = arith.constant 1 : i32
    %sub3A_839 = vector.broadcast %sub3A_838 : i32 to vector<16xi32>
    %sub3A_840 = arith.subi %add3A_837, %sub3A_839 : vector<16xi32>
    %jit3A_841 = arith.constant 31 : i32
    %broadcast_in_dim3A_842 = vector.broadcast %jit3A_841 : i32 to vector<16xi32>
    %select_n3A_843 = arith.select %gt3A_831, %sub3A_840, %broadcast_in_dim3A_842 : vector<16xi1>, vector<16xi32>
    %mul3A_844 = arith.constant 16 : i32
    %mul3A_845 = arith.muli %scan3A_825, %mul3A_844 : i32
    %add3A_846 = vector.broadcast %mul3A_845 : i32 to vector<16xi32>
    %add3A_847 = arith.addi %add3A_846, %iota3A_683 : vector<16xi32>
    tpu.vector_store_idx %arg8[%select_n3A_843], %add3A_847 masked %gt3A_831 : memref<32xi32, #tpu.memory_space<vmem>>[vector<16xi32>], vector<16xi32>, vector<16xi1>
    %add3A_848 = arith.addi %add3A_824, %all_reduce_population_count3A_832 : vector<16xi32>
    %scan3A_849 = arith.constant 4 : i32
    %reduce_max3A_850 = arith.constant true
    %reduce_max3A_851 = vector.broadcast %reduce_max3A_850 : i1 to vector<16xi1>
    %reduce_max3A_852 = arith.constant -2147483648 : i32
    %reduce_max3A_853 = vector.broadcast %reduce_max3A_852 : i32 to vector<16xi32>
    %reduce_max3A_854 = arith.xori %add3A_848, %reduce_max3A_853 : vector<16xi32>
    %reduce_max3A_855 = tpu.scan <max>, %reduce_max3A_854 masked %reduce_max3A_851 : vector<16xi32>, vector<16xi1> -> vector<16xi32>
    %reduce_max3A_856 = arith.xori %reduce_max3A_855, %reduce_max3A_853 : vector<16xi32>
    %reduce_max3A_857 = vector.extract %reduce_max3A_856[15] : i32 from vector<16xi32>
    %while3A_858 = arith.constant 0 : i32
    %while3A_859 = arith.subi %reduce_max3A_857, %while3A_858 : i32
    %while3A_860 = arith.addi %while3A_858, %while3A_859 : i32
    %while3A_861 = arith.constant 1 : i32
    %while3A_862 = arith.divsi %while3A_859, %while3A_861 : i32
    %while3A_863 = arith.muli %while3A_862, %while3A_861 : i32
    %while3A_864 = arith.addi %while3A_858, %while3A_863 : i32
    %while3A_865 = arith.constant 1 : i32
    %while3A_866 = scf.for %while3A_896 = %while3A_858 to %while3A_864 step %while3A_865 iter_args(%while3A_897 = %broadcast_in_dim3A_752) -> (vector<16xi32>)  : i32 {
      %get3A_898 = arith.index_cast %while3A_896 : i32 to index
      %get3A_899 = tpu.vector_load %arg8[%get3A_898] {strides = array<i32>} : memref<32xi32, #tpu.memory_space<vmem>>, vector<16xi32>,
      %slice3A = vector.extract_strided_slice %get3A_899 {offsets = [0], sizes = [1], strides = [1]} : vector<16xi32> to vector<1xi32>
      %squeeze3A = vector.extract %slice3A[0] : i32 from vector<1xi32>
      %mul3A_900 = arith.constant 16 : i32
      %mul3A_901 = arith.muli %squeeze3A, %mul3A_900 : i32
      %get3A_902 = arith.index_cast %mul3A_901 : i32 to index
      %get3A_903 = tpu.vector_load %arg6[%get3A_902] {strides = array<i32>} : memref<1024xf32, #tpu.memory_space<vmem>>, vector<16xf32>,
      %gt3A_904 = vector.broadcast %reduce_min3A_750 : f32 to vector<16xf32>
      %gt3A_905 = arith.cmpf ogt, %get3A_903, %gt3A_904 : vector<16xf32>
      %all_reduce_population_count3A_906 = tpu.all_reduce %gt3A_905 {dim = 0 : i64, kind = #tpu.reduction_kind<sum>} : vector<16xi1> -> vector<16xi32>
      %convert_element_type3A_907 = arith.extui %gt3A_905 : vector<16xi1> to vector<16xi32>
      %broadcast_in_dim3A_908 = arith.constant true
      %broadcast_in_dim3A_909 = vector.broadcast %broadcast_in_dim3A_908 : i1 to vector<16xi1>
      %masked_cumsum3A_910 = tpu.scan <sum>, %convert_element_type3A_907 masked %broadcast_in_dim3A_909 : vector<16xi32>, vector<16xi1> -> vector<16xi32>
      %add3A_911 = arith.addi %while3A_897, %masked_cumsum3A_910 : vector<16xi32>
      %sub3A_912 = arith.constant 1 : i32
      %sub3A_913 = vector.broadcast %sub3A_912 : i32 to vector<16xi32>
      %sub3A_914 = arith.subi %add3A_911, %sub3A_913 : vector<16xi32>
      %jit3A_915 = arith.constant 255 : i32
      %broadcast_in_dim3A_916 = vector.broadcast %jit3A_915 : i32 to vector<16xi32>
      %select_n3A_917 = arith.select %gt3A_905, %sub3A_914, %broadcast_in_dim3A_916 : vector<16xi1>, vector<16xi32>
      %mul3A_918 = arith.constant 16 : i32
      %mul3A_919 = arith.muli %squeeze3A, %mul3A_918 : i32
      %add3A_920 = vector.broadcast %mul3A_919 : i32 to vector<16xi32>
      %add3A_921 = arith.addi %add3A_920, %iota3A_683 : vector<16xi32>
      tpu.vector_store_idx %arg9[%select_n3A_917], %add3A_921 masked %gt3A_905 : memref<256xi32, #tpu.memory_space<vmem>>[vector<16xi32>], vector<16xi32>, vector<16xi1>
      %add3A_922 = arith.addi %while3A_897, %all_reduce_population_count3A_906 : vector<16xi32>
      scf.yield %add3A_922 : vector<16xi32>
    }
    %while3A_867 = arith.constant 1 : i32
    %while3A_868 = scf.for %while3A_896 = %while3A_864 to %while3A_860 step %while3A_867 iter_args(%while3A_897 = %while3A_866) -> (vector<16xi32>)  : i32 {
      %get3A_898 = arith.index_cast %while3A_896 : i32 to index
      %get3A_899 = tpu.vector_load %arg8[%get3A_898] {strides = array<i32>} : memref<32xi32, #tpu.memory_space<vmem>>, vector<16xi32>,
      %slice3A = vector.extract_strided_slice %get3A_899 {offsets = [0], sizes = [1], strides = [1]} : vector<16xi32> to vector<1xi32>
      %squeeze3A = vector.extract %slice3A[0] : i32 from vector<1xi32>
      %mul3A_900 = arith.constant 16 : i32
      %mul3A_901 = arith.muli %squeeze3A, %mul3A_900 : i32
      %get3A_902 = arith.index_cast %mul3A_901 : i32 to index
      %get3A_903 = tpu.vector_load %arg6[%get3A_902] {strides = array<i32>} : memref<1024xf32, #tpu.memory_space<vmem>>, vector<16xf32>,
      %gt3A_904 = vector.broadcast %reduce_min3A_750 : f32 to vector<16xf32>
      %gt3A_905 = arith.cmpf ogt, %get3A_903, %gt3A_904 : vector<16xf32>
      %all_reduce_population_count3A_906 = tpu.all_reduce %gt3A_905 {dim = 0 : i64, kind = #tpu.reduction_kind<sum>} : vector<16xi1> -> vector<16xi32>
      %convert_element_type3A_907 = arith.extui %gt3A_905 : vector<16xi1> to vector<16xi32>
      %broadcast_in_dim3A_908 = arith.constant true
      %broadcast_in_dim3A_909 = vector.broadcast %broadcast_in_dim3A_908 : i1 to vector<16xi1>
      %masked_cumsum3A_910 = tpu.scan <sum>, %convert_element_type3A_907 masked %broadcast_in_dim3A_909 : vector<16xi32>, vector<16xi1> -> vector<16xi32>
      %add3A_911 = arith.addi %while3A_897, %masked_cumsum3A_910 : vector<16xi32>
      %sub3A_912 = arith.constant 1 : i32
      %sub3A_913 = vector.broadcast %sub3A_912 : i32 to vector<16xi32>
      %sub3A_914 = arith.subi %add3A_911, %sub3A_913 : vector<16xi32>
      %jit3A_915 = arith.constant 255 : i32
      %broadcast_in_dim3A_916 = vector.broadcast %jit3A_915 : i32 to vector<16xi32>
      %select_n3A_917 = arith.select %gt3A_905, %sub3A_914, %broadcast_in_dim3A_916 : vector<16xi1>, vector<16xi32>
      %mul3A_918 = arith.constant 16 : i32
      %mul3A_919 = arith.muli %squeeze3A, %mul3A_918 : i32
      %add3A_920 = vector.broadcast %mul3A_919 : i32 to vector<16xi32>
      %add3A_921 = arith.addi %add3A_920, %iota3A_683 : vector<16xi32>
      tpu.vector_store_idx %arg9[%select_n3A_917], %add3A_921 masked %gt3A_905 : memref<256xi32, #tpu.memory_space<vmem>>[vector<16xi32>], vector<16xi32>, vector<16xi1>
      %add3A_922 = arith.addi %while3A_897, %all_reduce_population_count3A_906 : vector<16xi32>
      scf.yield %add3A_922 : vector<16xi32>
    }
    %reduce_max3A_869 = arith.constant true
    %reduce_max3A_870 = vector.broadcast %reduce_max3A_869 : i1 to vector<16xi1>
    %reduce_max3A_871 = arith.constant -2147483648 : i32
    %reduce_max3A_872 = vector.broadcast %reduce_max3A_871 : i32 to vector<16xi32>
    %reduce_max3A_873 = arith.xori %while3A_868, %reduce_max3A_872 : vector<16xi32>
    %reduce_max3A_874 = tpu.scan <max>, %reduce_max3A_873 masked %reduce_max3A_870 : vector<16xi32>, vector<16xi1> -> vector<16xi32>
    %reduce_max3A_875 = arith.xori %reduce_max3A_874, %reduce_max3A_872 : vector<16xi32>
    %reduce_max3A_876 = vector.extract %reduce_max3A_875[15] : i32 from vector<16xi32>
    %broadcast_in_dim3A_877 = vector.broadcast %reduce_min3A_750 : f32 to vector<16xf32>
    %mul3A_878 = arith.constant 16 : i32
    %mul3A_879 = vector.broadcast %mul3A_878 : i32 to vector<16xi32>
    %mul3A_880 = arith.muli %iota3A_683, %mul3A_879 : vector<16xi32>
    %while3A_881 = arith.constant 0 : i32
    %while3A_882 = arith.subi %reduce_max3A_876, %while3A_881 : i32
    %while3A_883 = arith.addi %while3A_881, %while3A_882 : i32
    %while3A_884 = arith.constant 1 : i32
    %while3A_885 = arith.divsi %while3A_882, %while3A_884 : i32
    %while3A_886 = arith.muli %while3A_885, %while3A_884 : i32
    %while3A_887 = arith.addi %while3A_881, %while3A_886 : i32
    %while3A_888 = arith.constant 1 : i32
    %while3A_889 = scf.for %while3A_896 = %while3A_881 to %while3A_887 step %while3A_888 iter_args(%while3A_897 = %broadcast_in_dim3A_877) -> (vector<16xf32>)  : i32 {
      %get3A_898 = arith.index_cast %while3A_896 : i32 to index
      %get3A_899 = tpu.vector_load %arg9[%get3A_898] {strides = array<i32>} : memref<256xi32, #tpu.memory_space<vmem>>, vector<16xi32>,
      %slice3A = vector.extract_strided_slice %get3A_899 {offsets = [0], sizes = [1], strides = [1]} : vector<16xi32> to vector<1xi32>
      %squeeze3A = vector.extract %slice3A[0] : i32 from vector<1xi32>
      %jit3A_900 = arith.constant 16 : i32
      %div3A = arith.divsi %squeeze3A, %jit3A_900 : i32
      %sign3A = arith.constant 0 : i32
      %sign3A_901 = arith.cmpi sgt, %squeeze3A, %sign3A : i32
      %sign3A_902 = arith.extui %sign3A_901 : i1 to i32
      %sign3A_903 = arith.constant 0 : i32
      %sign3A_904 = arith.cmpi slt, %squeeze3A, %sign3A_903 : i32
      %sign3A_905 = arith.extui %sign3A_904 : i1 to i32
      %sign3A_906 = arith.subi %sign3A_902, %sign3A_905 : i32
      %sign3A_907 = arith.constant 0 : i32
      %sign3A_908 = arith.cmpi sgt, %jit3A_900, %sign3A_907 : i32
      %sign3A_909 = arith.extui %sign3A_908 : i1 to i32
      %sign3A_910 = arith.constant 0 : i32
      %sign3A_911 = arith.cmpi slt, %jit3A_900, %sign3A_910 : i32
      %sign3A_912 = arith.extui %sign3A_911 : i1 to i32
      %sign3A_913 = arith.subi %sign3A_909, %sign3A_912 : i32
      %ne3A = arith.cmpi ne, %sign3A_906, %sign3A_913 : i32
      %rem3A = arith.remsi %squeeze3A, %jit3A_900 : i32
      %ne3A_914 = arith.constant 0 : i32
      %ne3A_915 = arith.cmpi ne, %rem3A, %ne3A_914 : i32
      %and3A = arith.andi %ne3A, %ne3A_915 : i1
      %sub3A_916 = arith.constant 1 : i32
      %sub3A_917 = arith.subi %div3A, %sub3A_916 : i32
      %select_n3A_918 = arith.select %and3A, %sub3A_917, %div3A : i32
      %mul3A_919 = arith.constant 16 : i32
      %mul3A_920 = arith.muli %select_n3A_918, %mul3A_919 : i32
      %sub3A_921 = arith.subi %squeeze3A, %mul3A_920 : i32
      %mul3A_922 = arith.constant 512 : i32
      %mul3A_923 = arith.muli %select_n3A_918, %mul3A_922 : i32
      %add3A_924 = arith.addi %mul3A_923, %sub3A_921 : i32
      %add3A_925 = vector.broadcast %add3A_924 : i32 to vector<16xi32>
      %add3A_926 = arith.addi %add3A_925, %mul3A_880 : vector<16xi32>
      %gather3A = tpu.vector_load_idx %arg5[%add3A_926] : memref<32768xf32, #tpu.memory_space<vmem>>[vector<16xi32>], vector<16xf32>,
      %add3A_927 = arith.constant 256 : i32
      %add3A_928 = vector.broadcast %add3A_927 : i32 to vector<16xi32>
      %add3A_929 = arith.addi %add3A_926, %add3A_928 : vector<16xi32>
      %gather3A_930 = tpu.vector_load_idx %arg5[%add3A_929] : memref<32768xf32, #tpu.memory_space<vmem>>[vector<16xi32>], vector<16xf32>,
      %masked_sort3A_931 = arith.constant dense<true> : vector<16xi1>
      %masked_sort3A_932, %masked_sort3A_933, %masked_sort3A_934 = tpu.sort %gather3A, %gather3A masked %masked_sort3A_931 {descending = true} : (vector<16xf32>, vector<16xf32>, vector<16xi1>) -> (vector<16xi1>, vector<16xf32>, vector<16xf32>)
      %masked_sort3A_935 = arith.constant dense<true> : vector<16xi1>
      %masked_sort3A_936, %masked_sort3A_937, %masked_sort3A_938 = tpu.sort %gather3A_930, %gather3A_930 masked %masked_sort3A_935 {descending = true} : (vector<16xf32>, vector<16xf32>, vector<16xi1>) -> (vector<16xi1>, vector<16xf32>, vector<16xf32>)
      %rev3A_939 = arith.constant 15 : i32
      %rev3A_940 = vector.broadcast %rev3A_939 : i32 to vector<16xi32>
      %rev3A_941 = tpu.iota {dimensions = array<i32: 0>} : vector<16xi32>
      %rev3A_942 = arith.subi %rev3A_940, %rev3A_941 : vector<16xi32>
      %rev3A_943 = tpu.dynamic_gather %masked_sort3A_937[%rev3A_942] in [0] : vector<16xf32>, vector<16xi32> -> vector<16xf32>
      %max3A_944 = arith.maximumf %masked_sort3A_933, %rev3A_943 : vector<16xf32>
      %masked_sort3A_945 = arith.constant dense<true> : vector<16xi1>
      %masked_sort3A_946, %masked_sort3A_947, %masked_sort3A_948 = tpu.sort %max3A_944, %max3A_944 masked %masked_sort3A_945 {descending = true} : (vector<16xf32>, vector<16xf32>, vector<16xi1>) -> (vector<16xi1>, vector<16xf32>, vector<16xf32>)
      %rev3A_949 = arith.constant 15 : i32
      %rev3A_950 = vector.broadcast %rev3A_949 : i32 to vector<16xi32>
      %rev3A_951 = tpu.iota {dimensions = array<i32: 0>} : vector<16xi32>
      %rev3A_952 = arith.subi %rev3A_950, %rev3A_951 : vector<16xi32>
      %rev3A_953 = tpu.dynamic_gather %masked_sort3A_947[%rev3A_952] in [0] : vector<16xf32>, vector<16xi32> -> vector<16xf32>
      %max3A_954 = arith.maximumf %while3A_897, %rev3A_953 : vector<16xf32>
      %masked_sort3A_955 = arith.constant dense<true> : vector<16xi1>
      %masked_sort3A_956, %masked_sort3A_957, %masked_sort3A_958 = tpu.sort %max3A_954, %max3A_954 masked %masked_sort3A_955 {descending = true} : (vector<16xf32>, vector<16xf32>, vector<16xi1>) -> (vector<16xi1>, vector<16xf32>, vector<16xf32>)
      scf.yield %masked_sort3A_957 : vector<16xf32>
    }
    %while3A_890 = arith.constant 1 : i32
    %while3A_891 = scf.for %while3A_896 = %while3A_887 to %while3A_883 step %while3A_890 iter_args(%while3A_897 = %while3A_889) -> (vector<16xf32>)  : i32 {
      %get3A_898 = arith.index_cast %while3A_896 : i32 to index
      %get3A_899 = tpu.vector_load %arg9[%get3A_898] {strides = array<i32>} : memref<256xi32, #tpu.memory_space<vmem>>, vector<16xi32>,
      %slice3A = vector.extract_strided_slice %get3A_899 {offsets = [0], sizes = [1], strides = [1]} : vector<16xi32> to vector<1xi32>
      %squeeze3A = vector.extract %slice3A[0] : i32 from vector<1xi32>
      %jit3A_900 = arith.constant 16 : i32
      %div3A = arith.divsi %squeeze3A, %jit3A_900 : i32
      %sign3A = arith.constant 0 : i32
      %sign3A_901 = arith.cmpi sgt, %squeeze3A, %sign3A : i32
      %sign3A_902 = arith.extui %sign3A_901 : i1 to i32
      %sign3A_903 = arith.constant 0 : i32
      %sign3A_904 = arith.cmpi slt, %squeeze3A, %sign3A_903 : i32
      %sign3A_905 = arith.extui %sign3A_904 : i1 to i32
      %sign3A_906 = arith.subi %sign3A_902, %sign3A_905 : i32
      %sign3A_907 = arith.constant 0 : i32
      %sign3A_908 = arith.cmpi sgt, %jit3A_900, %sign3A_907 : i32
      %sign3A_909 = arith.extui %sign3A_908 : i1 to i32
      %sign3A_910 = arith.constant 0 : i32
      %sign3A_911 = arith.cmpi slt, %jit3A_900, %sign3A_910 : i32
      %sign3A_912 = arith.extui %sign3A_911 : i1 to i32
      %sign3A_913 = arith.subi %sign3A_909, %sign3A_912 : i32
      %ne3A = arith.cmpi ne, %sign3A_906, %sign3A_913 : i32
      %rem3A = arith.remsi %squeeze3A, %jit3A_900 : i32
      %ne3A_914 = arith.constant 0 : i32
      %ne3A_915 = arith.cmpi ne, %rem3A, %ne3A_914 : i32
      %and3A = arith.andi %ne3A, %ne3A_915 : i1
      %sub3A_916 = arith.constant 1 : i32
      %sub3A_917 = arith.subi %div3A, %sub3A_916 : i32
      %select_n3A_918 = arith.select %and3A, %sub3A_917, %div3A : i32
      %mul3A_919 = arith.constant 16 : i32
      %mul3A_920 = arith.muli %select_n3A_918, %mul3A_919 : i32
      %sub3A_921 = arith.subi %squeeze3A, %mul3A_920 : i32
      %mul3A_922 = arith.constant 512 : i32
      %mul3A_923 = arith.muli %select_n3A_918, %mul3A_922 : i32
      %add3A_924 = arith.addi %mul3A_923, %sub3A_921 : i32
      %add3A_925 = vector.broadcast %add3A_924 : i32 to vector<16xi32>
      %add3A_926 = arith.addi %add3A_925, %mul3A_880 : vector<16xi32>
      %gather3A = tpu.vector_load_idx %arg5[%add3A_926] : memref<32768xf32, #tpu.memory_space<vmem>>[vector<16xi32>], vector<16xf32>,
      %add3A_927 = arith.constant 256 : i32
      %add3A_928 = vector.broadcast %add3A_927 : i32 to vector<16xi32>
      %add3A_929 = arith.addi %add3A_926, %add3A_928 : vector<16xi32>
      %gather3A_930 = tpu.vector_load_idx %arg5[%add3A_929] : memref<32768xf32, #tpu.memory_space<vmem>>[vector<16xi32>], vector<16xf32>,
      %masked_sort3A_931 = arith.constant dense<true> : vector<16xi1>
      %masked_sort3A_932, %masked_sort3A_933, %masked_sort3A_934 = tpu.sort %gather3A, %gather3A masked %masked_sort3A_931 {descending = true} : (vector<16xf32>, vector<16xf32>, vector<16xi1>) -> (vector<16xi1>, vector<16xf32>, vector<16xf32>)
      %masked_sort3A_935 = arith.constant dense<true> : vector<16xi1>
      %masked_sort3A_936, %masked_sort3A_937, %masked_sort3A_938 = tpu.sort %gather3A_930, %gather3A_930 masked %masked_sort3A_935 {descending = true} : (vector<16xf32>, vector<16xf32>, vector<16xi1>) -> (vector<16xi1>, vector<16xf32>, vector<16xf32>)
      %rev3A_939 = arith.constant 15 : i32
      %rev3A_940 = vector.broadcast %rev3A_939 : i32 to vector<16xi32>
      %rev3A_941 = tpu.iota {dimensions = array<i32: 0>} : vector<16xi32>
      %rev3A_942 = arith.subi %rev3A_940, %rev3A_941 : vector<16xi32>
      %rev3A_943 = tpu.dynamic_gather %masked_sort3A_937[%rev3A_942] in [0] : vector<16xf32>, vector<16xi32> -> vector<16xf32>
      %max3A_944 = arith.maximumf %masked_sort3A_933, %rev3A_943 : vector<16xf32>
      %masked_sort3A_945 = arith.constant dense<true> : vector<16xi1>
      %masked_sort3A_946, %masked_sort3A_947, %masked_sort3A_948 = tpu.sort %max3A_944, %max3A_944 masked %masked_sort3A_945 {descending = true} : (vector<16xf32>, vector<16xf32>, vector<16xi1>) -> (vector<16xi1>, vector<16xf32>, vector<16xf32>)
      %rev3A_949 = arith.constant 15 : i32
      %rev3A_950 = vector.broadcast %rev3A_949 : i32 to vector<16xi32>
      %rev3A_951 = tpu.iota {dimensions = array<i32: 0>} : vector<16xi32>
      %rev3A_952 = arith.subi %rev3A_950, %rev3A_951 : vector<16xi32>
      %rev3A_953 = tpu.dynamic_gather %masked_sort3A_947[%rev3A_952] in [0] : vector<16xf32>, vector<16xi32> -> vector<16xf32>
      %max3A_954 = arith.maximumf %while3A_897, %rev3A_953 : vector<16xf32>
      %masked_sort3A_955 = arith.constant dense<true> : vector<16xi1>
      %masked_sort3A_956, %masked_sort3A_957, %masked_sort3A_958 = tpu.sort %max3A_954, %max3A_954 masked %masked_sort3A_955 {descending = true} : (vector<16xf32>, vector<16xf32>, vector<16xi1>) -> (vector<16xi1>, vector<16xf32>, vector<16xf32>)
      scf.yield %masked_sort3A_957 : vector<16xf32>
    }
    %swap3A_892 = arith.constant 48 : index
    %swap3A_893 = tpu.vector_load %arg10[%swap3A_892] {strides = array<i32>} : memref<64xf32, #tpu.memory_space<vmem>>, vector<16xf32>,
    tpu.vector_store %arg10[%swap3A_892], %while3A_891 {strides = array<i32>} : memref<64xf32, #tpu.memory_space<vmem>>, vector<16xf32>,
    %mul3A_894 = arith.constant 16 : i32
    %mul3A_895 = arith.muli %mul3A_2, %mul3A_894 : i32
    "tpu.region"() ({
      %run_scoped3A = tpu.sem_alloc : memref<!tpu.dma_semaphore, #tpu.memory_space<semaphore_mem>>
      %dma_start3A_896 = tpu.memref_slice %arg3[%mul3A_895] : memref<2048xf32, #tpu.memory_space<hbm>> -> memref<64xf32, #tpu.memory_space<hbm>>
      %dma_start3A_897 = tpu.memref_slice %arg3[%mul3A_895] : memref<2048xf32, #tpu.memory_space<hbm>> -> memref<64xf32, #tpu.memory_space<hbm>>
      tpu.enqueue_dma source(%arg10 : memref<64xf32, #tpu.memory_space<vmem>>) target(%dma_start3A_897 : memref<64xf32, #tpu.memory_space<hbm>>) target_semaphore(%run_scoped3A : memref<!tpu.dma_semaphore, #tpu.memory_space<semaphore_mem>>)
      %dma_wait3A_898 = tpu.memref_slice %arg3[%mul3A_895] : memref<2048xf32, #tpu.memory_space<hbm>> -> memref<64xf32, #tpu.memory_space<hbm>>
      %dma_wait3A_899 = tpu.memref_slice %arg3[%mul3A_895] : memref<2048xf32, #tpu.memory_space<hbm>> -> memref<64xf32, #tpu.memory_space<hbm>>
      tpu.wait_dma2 semaphore(%run_scoped3A : memref<!tpu.dma_semaphore, #tpu.memory_space<semaphore_mem>>) src(%arg10 : memref<64xf32, #tpu.memory_space<vmem>>) dst(%dma_wait3A_899 : memref<64xf32, #tpu.memory_space<hbm>>)
      tpu.yield
    }) : () -> ()
    return
  }
}

</mosaic_0001>

<sc_bundles>
// kernel: kernel.3.cloned.1.call-start
scs
__scs_entry_jumppad:
0x0: {  	(pc) =	sbr.rel $0x88, $3  }
0x1: {  	(tag) =	ssettag $0x0;
	lr =	simm.s32 $0x1  }
0x2: {  	[smem:$0x3FA0] =	sst lr;
	_ =	strace $0xD0000000  }
0x3: {  	_ = 	snop  }
0x4: {  	_ = 	snop  }
0x5: {  	_ = 	snop  }
0x6: {  	_ = 	snop  }
0x7: {  	_ = 	snop  }
__scs_overlays_trampoline_lowered:
0x8: {  	[smem:$0x3FAF] =	sst s0  }
0x9: {  	[smem:$0x3FB0] =	sst s1  }
0xa: {  	[smem:$0x3FB1] =	sst s2  }
0xb: {  	[smem:$0x3FB2] =	sst s3  }
0xc: {  	[smem:$0x3FB3] =	sst s4  }
0xd: {  	[smem:$0x3FB4] =	sst s5  }
0xe: {  	[smem:$0x3FB5] =	sst s6  }
0xf: {  	[smem:$0x3FB6] =	sst s7  }
0x10: {  	[smem:$0x3FB7] =	sst s8  }
0x11: {  	[smem:$0x3FB8] =	sst s9;
	s0 =	simm.s32 @!p0 $0x0  }
0x12: {  	s1 =	sld [smem:$0x3F9E];
	s0 =	simm.s32 @p0 $0x1  }
0x13: {  	[smem:$0x3FB9] =	sst s0;
	s0 =	simm.s32 @!p1 $0x0  }
0x14: {  	s2 =	sld [smem:$0x3F9D];
	s0 =	simm.s32 @p1 $0x1  }
0x15: {  	[smem:$0x3FBA] =	sst s0;
	s0 =	simm.s32 @!p2 $0x0  }
0x16: {  	s3 =	sld [smem:$0x3FDB];
	s0 =	simm.s32 @p2 $0x1  }
0x17: {  	s4 =	simm.s32 $0x1BF5;
	[smem:$0x3FBC] =	sst s0  }
0x18: {  	s0 =	sld [smem:$0x3F9F];
	_ =	swait.ge [sflag:s4], $0x0  }
0x19: {  	s7 =	sld [smem:$0x3FA0]  }
0x1a: {  	s8 =	sadd.s32 $0xFFFFE003, lr  }
0x1b: {  	s9 =	sadd.s32 $0xFFFFFEF7, lr;
	s5 =	simm.s32 $0xFFFFFFFF;
	p2 =	slt.u32 s8, $0xFFFFF086  }
0x1c: {  	p1 =	slt.u32 s9, $0xF7A;
	s5 =	simm.s32 @!p2 $0x0  }
0x1d: {  	s5 =	simm.s32 @p1 $0x1;
	p0 =	seq.s32 s7, s2  }
0x1e: {  	s7 =	smul.u32 @!p0 $0xF7A, s2;
	p2 =	seq.s32 @!p0 s5, $0x0  }
0x1f: {  	s9 =	smul.u32 $0xF7A, s1;
	s8 =	simm.s32 @!p0 $0x1BF5;
	p2 =	por !p2, p0  }
0x20: {  	[sflag:s8] =	ssyncset.s32 @!p0 $0xFFFFF086;
	s6 =	sadd.s32 @!p0 s3, s7;
	s7 =	simm.s32 @!p0 $0x108  }
0x21: {  	s3 =	sadd.s32 s3, s9;
	s6 =	sadd.s32 @!p0 $0x88, s6;
	s7 =	simm.s32 @p2 $0x1082  }
0x22: {  	[simem:s7], [sflag:s8] =	dma.local @!p0 [hbm:s6], $0xF7A  }
0x23: {  	s9 =	sor.u32 $0xD0000000, s2;
	s6 =	simm.s32 $0x108;
	_ =	swait.ge @!p0 [sflag:s8], $0x0  }
0x24: {  	s3 =	sadd.s32 $0x88, s3;
	s6 =	simm.s32 @!p1 $0x1082;
	[sflag:s4] =	ssyncset.s32 $0xFFFFF086  }
0x25: {  	[simem:s6], [sflag:s4] =	dma.local [hbm:s3], $0xF7A  }
0x26: {  	[smem:$0x3FA0] =	sst s1;
	(tag) =	ssettag s2;
	_ =	strace s9  }
0x27: {  	s1 =	sld [smem:$0x3FB0]  }
0x28: {  	s2 =	sld [smem:$0x3FB1]  }
0x29: {  	s4 =	sld [smem:$0x3FB3]  }
0x2a: {  	p0 =	seq.s32 s5, $0x0;
	s5 =	sld [smem:$0x3FB4]  }
0x2b: {  	s6 =	sld [smem:$0x3FB5]  }
0x2c: {  	s7 =	sld [smem:$0x3FB6]  }
0x2d: {  	s3 =	simm.s32 $0x108;
	s8 =	sld [smem:$0x3FB7]  }
0x2e: {  	s3 =	simm.s32 @!p0 $0x1082;
	s9 =	sld [smem:$0x3FB8]  }
0x2f: {  	lr =	sadd.s32 s0, s3;
	s0 =	sld [smem:$0x3FAF]  }
0x30: {  	s3 =	sld [smem:$0x3FB2]  }
0x31: {  	[smem:$0x3FBB] =	sst s10  }
0x32: {  	s10 =	sld [smem:$0x3FB9];
	_ =	sdelay $0x3  }
0x33: {  	p0 =	seq.s32 s10, $0x1;
	s10 =	sld [smem:$0x3FBB];
	_ =	sdelay $0x3  }
0x34: {  	[smem:$0x3FBB] =	sst s10  }
0x35: {  	s10 =	sld [smem:$0x3FBA];
	_ =	sdelay $0x3  }
0x36: {  	p1 =	seq.s32 s10, $0x1;
	s10 =	sld [smem:$0x3FBB];
	_ =	sdelay $0x3  }
0x37: {  	[smem:$0x3FBB] =	sst s10  }
0x38: {  	s10 =	sld [smem:$0x3FBC]  }
0x39: {  	_ = 	snop;
	(pc) =	sbr.ind lr, $3  }
0x3a: {  	_ = 	snop  }
0x3b: {  	_ = 	snop  }
0x3c: {  	p2 =	seq.s32 s10, $0x1;
	s10 =	sld [smem:$0x3FBB]  }
0x3d: {  	_ =	shalt  }
0x3e: {  	_ =	shalt  }
0x3f: {  	_ =	shalt  }
0x40: {  	_ =	shalt  }
0x41: {  	_ =	shalt  }
0x42: {  	_ =	shalt  }
0x43: {  	_ =	shalt  }
0x44: {  	_ =	shalt  }
0x45: {  	_ =	shalt  }
0x46: {  	_ =	shalt  }
0x47: {  	_ =	shalt  }
0x48: {  	_ =	shalt  }
0x49: {  	_ =	shalt  }
0x4a: {  	_ =	shalt  }
0x4b: {  	_ =	shalt  }
0x4c: {  	_ =	shalt  }
0x4d: {  	_ =	shalt  }
0x4e: {  	_ =	shalt  }
0x4f: {  	_ =	shalt  }
0x50: {  	_ =	shalt  }
0x51: {  	_ =	shalt  }
0x52: {  	_ =	shalt  }
0x53: {  	_ =	shalt  }
0x54: {  	_ =	shalt  }
0x55: {  	_ =	shalt  }
0x56: {  	_ =	shalt  }
0x57: {  	_ =	shalt  }
0x58: {  	_ =	shalt  }
0x59: {  	_ =	shalt  }
0x5a: {  	_ =	shalt  }
0x5b: {  	_ =	shalt  }
0x5c: {  	_ =	shalt  }
0x5d: {  	_ =	shalt  }
0x5e: {  	_ =	shalt  }
0x5f: {  	_ =	shalt  }
0x60: {  	_ =	shalt  }
0x61: {  	_ =	shalt  }
0x62: {  	_ =	shalt  }
0x63: {  	_ =	shalt  }
0x64: {  	_ =	shalt  }
0x65: {  	_ =	shalt  }
0x66: {  	_ =	shalt  }
0x67: {  	_ =	shalt  }
0x68: {  	_ =	shalt  }
0x69: {  	_ =	shalt  }
0x6a: {  	_ =	shalt  }
0x6b: {  	_ =	shalt  }
0x6c: {  	_ =	shalt  }
0x6d: {  	_ =	shalt  }
0x6e: {  	_ =	shalt  }
0x6f: {  	_ =	shalt  }
0x70: {  	_ =	shalt  }
0x71: {  	_ =	shalt  }
0x72: {  	_ =	shalt  }
0x73: {  	_ =	shalt  }
0x74: {  	_ =	shalt  }
0x75: {  	_ =	shalt  }
0x76: {  	_ =	shalt  }
0x77: {  	_ =	shalt  }
0x78: {  	_ =	shalt  }
0x79: {  	_ =	shalt  }
0x7a: {  	_ =	shalt  }
0x7b: {  	_ =	shalt  }
0x7c: {  	_ =	shalt  }
0x7d: {  	_ =	shalt  }
0x7e: {  	_ =	shalt  }
0x7f: {  	_ =	shalt  }
0x80: {  	_ =	shalt  }
0x81: {  	_ =	shalt  }
0x82: {  	_ =	shalt  }
0x83: {  	_ =	shalt  }
0x84: {  	_ =	shalt  }
0x85: {  	_ =	shalt  }
0x86: {  	_ =	shalt  }
0x87: {  	_ =	shalt  }
.Lfunc_end0:
.L_simem_size_0:
called_computation_lowered:
.L_overlay_start_0:
0x88: {  	s2 =	sld [smem:$0x3FD9]  }
0x89: {  	s3 =	sld [smem:$0x3FFE];
	_ =	sdelay $0x1  }
0x8a: {  	s1 =	srdreg.scid  }
0x8b: {  	s0 =	sand.u32 $0x1, s1  }
0x8c: {  	s18 =	sshll.u32 s0, $0xA;
	s2 =	sadd.s32 s3, s2  }
0x8d: {  	s2 =	sadd.s32 s2, s18  }
0x8e: {  	[smem:$0x3FC7] =	sst s2  }
0x8f: {  	_ = 	snop  }
0x90: {  	s2 =	sld [smem:$0x3FC9]  }
0x91: {  	s19 =	sld [smem:$0x3FD0];
	(tm) =	ssettm $0x1  }
0x92: {  	s4 =	sld [smem:$0x3FFB];
	_ =	sdelay $0x3  }
0x93: {  	_ =	strace s4  }
0x94: {  	s4 =	sld [smem:$0x3FFC];
	_ =	sdelay $0x3  }
0x95: {  	_ =	strace s4  }
0x96: {  	s4 =	sld [smem:$0x3FFD];
	_ =	sdelay $0x3  }
0x97: {  	_ =	strace s4  }
0x98: {  	_ =	strace $0x8FFFFFFF  }
0x99: {  	s20 =	sld [smem:$0x3FDB];
	_ =	sdelay $0x1  }
0x9a: {  	s5 =	simm.s32 $_scs_section_size  }
0x9b: {  	s6 =	simm.s32 $_size__tile_overlayer_lowered;
	s7 =	simm.s32 $_tile_overlayer_lowered  }
0x9c: {  	s23 =	simm.s32 $0x1BFF;
	s22 =	sshll.u32 s7, $0x1;
	s4 =	sadd.s32 s5, s20  }
0x9d: {  	s8 =	simm.s32 $0x0;
	s21 =	sshll.u32 s6, $0x1;
	s6 =	sadd.s32 s22, s4  }
0x9e: {  	[timem:s8], [sflag:s23] =	dma.local [hbm:s6], s21  }
0x9f: {  	_ =	swait.ge [sflag:s23], s21  }
0xa0: {  	s5 =	ssub.s32 $0x0, s21;
	[sflag:s23] =	ssyncset.done $0x0  }
0xa1: {  	[sflag:s23] =	ssyncadd.s32 s5;
	_ =	sdelay $0x1  }
0xa2: {  	s24 =	simm.s32 $0x1B8B  }
0xa3: {  	_ =	swait.ge [sflag:s24], $0x1  }
0xa4: {  	[sflag:s24] =	ssyncset.done $0x0  }
0xa5: {  	s25 =	simm.s32 $0x1B8E;
	[sflag:s24] =	ssyncadd.s32 $0xFFFFFFFF  }
0xa6: {  	s26 =	simm.s32 $execute0_lowered;
	[smem:$0x3FD2] =	sst s25  }
0xa7: {  	s5 =	sshll.u32 s26, $0x1;
	_ =	strace $0x80000046;
	[dreg:$0x1] =	wrdreg $0xFFFFFFFF  }
0xa8: {  	s28 =	simm.s32 $_size_execute0_lowered;
	s4 =	sadd.s32 s4, s5;
	[dreg:$0x0] =	wrdreg $0x0  }
0xa9: {  	s5 =	sshll.u32 s28, $0x1;
	[dreg:$0x2] =	wrdreg s4  }
0xaa: {  	[dreg:$0x3] =	wrdreg s5  }
0xab: {  	[dreg:$0x4] =	wrdreg $0xC0  }
0xac: {  	_ =	task [dreg:s8], $0x5FFFF  }
0xad: {  	[dreg:$0x1] =	wrdreg $0xFFFFFFFF  }
0xae: {  	[dreg:$0x0] =	wrdreg $0x60  }
0xaf: {  	[dreg:$0x2] =	wrdreg s2  }
0xb0: {  	[dreg:$0x3] =	wrdreg s19  }
0xb1: {  	[dreg:$0x4] =	wrdreg $0x9  }
0xb2: {  	_ =	task.clear_ibuf [dreg:s8], $0x5FFFF;
	_ =	strace $0x90000046  }
0xb3: {  	s29 =	simm.s32 $0x9;
	_ =	strace $0x80000048  }
0xb4: {  	_ =	swait.ge [sflag:s29], $0x1  }
0xb5: {  	[sflag:s29] =	ssyncadd.s32 $0xFFFFFFFF  }
0xb6: {  	_ =	strace $0x90000048  }
0xb7: {  	_ =	sfence  }
0xb8: {  	s30 =	sld [smem:$0x0];
	_ =	sdelay $0x2  }
0xb9: {  	s31 =	sshll.u32 s1, $0xD;
	s1 =	sshrl.u32 s1, $0x2  }
0xba: {  	s3 =	sand.u32 $0x4000, s31;
	s1 =	sadd.s32 s1, s30  }
0xbb: {  	s0 =	sor.u32 s3, s0;
	s1 =	sshll.u32 s1, $0x11  }
0xbc: {  	s0 =	sor.u32 s1, s0  }
0xbd: {  	s0 =	sadd.s32 $0x8F2B, s0  }
0xbe: {  	[sflag:s0] =	ssyncadd.remote.s32 $0x1  }
0xbf: {  	_ =	sfence.sel $0xFFFF  }
0xc0: {  	[dreg:$0x0] =	wrdreg $0xFFFFFFFF;
	(pc) =	sbr.abs _section_cstart, $3  }
0xc1: {  	[dreg:$0x1] =	wrdreg $0xFFFFFFFF  }
0xc2: {  	_ =	task.clear_ibuf [dreg:s8], $0x2FFFF;
	_ =	strace $0x9FFFFFFF  }
0xc3: {  	(tm) =	ssettm $0x7FFFFFFF  }
tec
execute0_lowered:
.L_overlay_start_1:
0x0: {  	(tag) =	ssettag $0x1  }
0x1: {  	s3 =	rddreg [dreg:$0x0]  }
0x2: {  	s7 =	rddreg [dreg:$0x1]  }
0x3: {  	s0 =	rddreg [dreg:$0x2];
	s4 =	srdreg.scid;
	s2 =	simm.s32 $0x0  }
0x4: {  	s1 =	stileid.u32;
	s11 =	simm.s32 $0x1;
	s12 =	simm.s32 $0x8000  }
0x5: {  	s13 =	simm.s32 $0x10400;
	s14 =	simm.s32 $0x10500;
	s15 =	simm.s32 $0x2  }
0x6: {  	s16 =	simm.s32 $0x10600;
	s17 =	simm.s32 $0x3;
	s18 =	simm.s32 $0x0  }
0x7: {  	s6 =	sand.u32 $0x1, s4;
	s8 =	sshll.u32 s1, $0xF;
	[smem:$0x7FF] =	sst s2  }
0x8: {  	s10 =	sshll.u32 s1, $0x4;
	s4 =	ssub.s32 $0x2, s6;
	s5 =	sshll.u32 s6, $0x6  }
.Ltmp0:
0x9: {  	_ =	strace $0x80000047;
	s31 =	sshll.u32 s6, $0x3;
	(pc) =	sbr.rel .LBB2_1-.Ltmp0, $4  }
0xa: {  	v0 =	vlaneseq.u32;
	s9 =	sshrl.u32 s4, $0x1;
	s5 =	sor.u32 s5, s8;
	s7 =	sadd.s32 s7, s31  }
0xb: {  	v2 =	vmul.u32 $0xFFFFFFFF, v0;
	v1 =	vmul.u32 $0x10, v0;
	s30 =	ssub.s32 s4, s9;
	s3 =	sadd.s32 s3, s5;
	s7 =	sadd.s32 s10, s7  }
0xc: {  	v3 =	vimm.s32 $0x0;
	v4 =	vor.u32 $0x10, v0;
	v5 =	vor.u32 $0x20, v0;
	s9 =	simm.s32 $0x80;
	s10 =	simm.s32 $0x400;
	s4 =	sadd.s32 $0x10, s3  }
0xd: {  	v6 =	vor.u32 $0x30, v0;
	v2 =	vadd.s32 $0xF, v2;
	v7 =	vor.u32 $0x100, v1;
	s5 =	sadd.s32 $0x20, s3;
	s6 =	sadd.s32 $0x30, s3;
	s8 =	smax.u32 s30, $0x1  }
.LBB2_79:
0xe: {  	_ = 	snop  }
.LBB2_92:
0xf: {  	_ =	sdelay $0x3  }
0x10: {  	v13 =	vld.idx.msk @p1 [tilespmem:v13+s12+$0x0], $0xffff;
	s19 =	spop @p0 (v2sf)  }
0x11: {  	v12 =	vld.idx.msk @p1 [tilespmem:v12+s12+$0x0], $0xffff;
	s20 =	sand.u32 @p0 $0xF, s19  }
0x12: {  	p4 =	slt.s32 @p0 s19, $0x1;
	p5 =	sne.s32 @p0 s20, $0x0;
	v14, _, _ =	vpop @p2 (xrf1)  }
0x13: {  	s20 =	sshra.s32 @p0 s19, $0x1F;
	p4 =	por @p0 !p4, !p5;
	v15, _, _ =	vpop @p2 (xrf1)  }
0x14: {  	(v2sf) =	vpush v9, $0x0;
	s20 =	sshrl.u32 @p0 s20, $0x1C;
	p4 =	por @p0 !p4, !p4;
	v9 =	vperm.xlane @p2 v14, v2;
	v14, _, _ =	vpop @p3 (xrf1)  }
0x15: {  	s21 =	simm.s32 $0x1;
	(xrf1) =	vsort.dscd.msk.f32 @p1 $0xffff, v13, v13;
	s20 =	sadd.s32 @p0 s20, s19;
	p4 =	por !p4, !p0;
	v13 =	vperm.xlane @p3 v14, v2;
	v14, _, _ =	vpop @p6 (xrf1)  }
0x16: {  	(xrf1) =	vsort.dscd.msk.f32 @p1 $0xffff, v12, v12;
	s20 =	sshra.s32 @p0 s20, $0x4;
	s21 =	simm.s32 @p4 $0x0;
	v9 =	vmax.f32 @p2 v15, v9;
	v12 =	vpsel p6, v14, v8  }
0x17: {  	s20 =	ssub.s32 @p0 s20, s21;
	(xrf1) =	vsort.dscd.msk.f32 @p2 $0xffff, v9, v9;
	v9 =	vmax.f32 @p3 v12, v13  }
0x18: {  	s21 =	sshll.u32 @p0 s20, $0x4;
	(xrf1) =	vsort.dscd.msk.f32 @p3 $0xffff, v9, v9  }
0x19: {  	s20 =	sshll.u32 @p0 s20, $0x9;
	s19 =	ssub.s32 @p0 s19, s21  }
0x1a: {  	s19 =	sadd.s32 @p0 s20, s19  }
0x1b: {  	v9 =	vadd.s32 @p0 s19, v7  }
0x1c: {  	v12 =	vadd.s32 @p0 s19, v1;
	v9 =	vpsel p0, v9, v10  }
0x1d: {  	v10 =	vpsel p0, v12, v11;
	_ =	sdelay $0x3  }
0x1e: {  	v9 =	vld.idx.msk @p0 [tilespmem:v9+s12+$0x0], $0xffff  }
0x1f: {  	v10 =	vld.idx.msk @p0 [tilespmem:v10+s12+$0x0], $0xffff  }
0x20: {  	s28 =	spop (v2sf);
	v11, _, _ =	vpop @p1 (xrf1)  }
0x21: {  	s29 =	sand.u32 $0xF, s28;
	v12, _, _ =	vpop @p1 (xrf1)  }
0x22: {  	s30 =	sshra.s32 s28, $0x1F;
	p5 =	slt.s32 s28, $0x1;
	p6 =	sne.s32 s29, $0x0;
	v11 =	vperm.xlane @p1 v11, v2;
	v13, _, _ =	vpop @p2 (xrf1)  }
0x23: {  	s31 =	sshrl.u32 s30, $0x1C;
	p4 =	por !p5, !p6;
	(xrf1) =	vsort.dscd.msk.f32 @p0 $0xffff, v9, v9;
	v9 =	vperm.xlane @p2 v13, v2;
	v13, _, _ =	vpop @p3 (xrf1)  }
0x24: {  	s21 =	simm.s32 $0x1;
	s20 =	sadd.s32 s31, s28;
	p4 =	por !p4, !p4;
	(xrf1) =	vsort.dscd.msk.f32 @p0 $0xffff, v10, v10;
	v10 =	vmax.f32 @p1 v12, v11;
	v11 =	vpsel p3, v13, v8  }
0x25: {  	s20 =	sshra.s32 s20, $0x4;
	s21 =	simm.s32 @!p4 $0x0;
	(xrf1) =	vsort.dscd.msk.f32 @p1 $0xffff, v10, v10;
	v9 =	vmax.f32 @p2 v11, v9  }
0x26: {  	s20 =	ssub.s32 s20, s21;
	(xrf1) =	vsort.dscd.msk.f32 @p2 $0xffff, v9, v9  }
0x27: {  	s21 =	sshll.u32 s20, $0x4  }
0x28: {  	s20 =	sshll.u32 s20, $0x9;
	s19 =	ssub.s32 s28, s21  }
0x29: {  	s19 =	sadd.s32 s20, s19  }
0x2a: {  	v9 =	vadd.s32 s19, v7  }
0x2b: {  	v10 =	vadd.s32 s19, v1;
	_ =	sdelay $0x3  }
0x2c: {  	v9 =	vld.idx.msk [tilespmem:v9+s12+$0x0], $0xffff  }
0x2d: {  	v10 =	vld.idx.msk [tilespmem:v10+s12+$0x0], $0xffff  }
0x2e: {  	v11, _, _ =	vpop @p0 (xrf1)  }
0x2f: {  	v12, _, _ =	vpop @p0 (xrf1)  }
0x30: {  	v11 =	vperm.xlane @p0 v11, v2;
	v13, _, _ =	vpop @p1 (xrf1)  }
0x31: {  	(xrf1) =	vsort.dscd.msk.f32 $0xffff, v9, v9;
	v9 =	vperm.xlane @p1 v13, v2;
	v13, _, _ =	vpop @p2 (xrf1)  }
0x32: {  	(xrf1) =	vsort.dscd.msk.f32 $0xffff, v10, v10;
	v10 =	vmax.f32 @p0 v12, v11;
	v11 =	vpsel p2, v13, v8  }
0x33: {  	(xrf1) =	vsort.dscd.msk.f32 @p0 $0xffff, v10, v10;
	v9 =	vmax.f32 @p1 v11, v9  }
0x34: {  	(xrf1) =	vsort.dscd.msk.f32 @p1 $0xffff, v9, v9;
	_ =	sdelay $0xa  }
0x35: {  	v9, _, _ =	vpop (xrf1)  }
0x36: {  	v10, _, _ =	vpop (xrf1)  }
0x37: {  	v9 =	vperm.xlane v9, v2;
	v11, _, _ =	vpop @p0 (xrf1)  }
0x38: {  	v11 =	vperm.xlane @p0 v11, v2;
	v12, _, _ =	vpop @p1 (xrf1)  }
0x39: {  	v9 =	vmax.f32 v10, v9;
	v10 =	vpsel p1, v12, v8  }
0x3a: {  	(xrf1) =	vsort.dscd.msk.f32 $0xffff, v9, v9;
	v9 =	vmax.f32 @p0 v10, v11  }
0x3b: {  	(xrf1) =	vsort.dscd.msk.f32 @p0 $0xffff, v9, v9;
	_ =	sdelay $0xc  }
0x3c: {  	v9, _, _ =	vpop (xrf1)  }
0x3d: {  	v9 =	vperm.xlane v9, v2;
	v10, _, _ =	vpop @p0 (xrf1)  }
0x3e: {  	v8 =	vpsel p0, v10, v8  }
0x3f: {  	v8 =	vmax.f32 v8, v9  }
0x40: {  	(xrf1) =	vsort.dscd.msk.f32 $0xffff, v8, v8;
	_ =	sdelay $0xd  }
0x41: {  	v8, _, _ =	vpop (xrf1)  }
.LBB2_93:
0x42: {  	s18 =	sadd.s32 $0x1, s18  }
0x43: {  	p0 =	sne.s32 s18, s8  }
.Ltmp1:
0x44: {  	[tilespmem:$0x10630] =	vst v8;
	(pc) =	sbr.rel @!p0 .LBB2_94-.Ltmp1, $4  }
0x45: {  	[hbm4b:s7+s2] =	stream.linear.scatter [tilespmem:s16], [sflag:$0x3], $0x40, $0x38;
	[tilespmem:$0x10680] =	vst v63  }
0x46: {  	_ =	swait.ge [sflag:s17], $0x40  }
0x47: {  	[sflag:s17] =	ssyncset.done $0x0  }
0x48: {  	[sflag:s17] =	ssyncadd.s32 $0xFFFFFFC0  }
.LBB2_1:
0x49: {  	[tilespmem:s2], [sflag:$0x1] =	stream.strided.gather [hbm4b:s3+s9], $0x8000, s10, s9, $0x38;
	[tilespmem:$0x10680] =	vst v63  }
0x4a: {  	_ =	swait.ge [sflag:s11], $0x8000  }
0x4b: {  	[sflag:s11] =	ssyncset.done $0x0  }
0x4c: {  	s19 =	simm.s32 $0x200;
	[sflag:s11] =	ssyncadd.s32 $0xFFFF8000  }
0x4d: {  	[tilespmem:s12], [sflag:$0x2] =	stream.strided.gather [hbm4b:s4+s9], $0x8000, s10, s9, $0x38;
	[tilespmem:$0x10680] =	vst v63  }
0x4e: {  	v8 =	vld [tilespmem:s19+$0xFFFFFFD0]  }
0x4f: {  	v9 =	vld [tilespmem:s19+$0xFFFFFFC0]  }
0x50: {  	v10 =	vld [tilespmem:s19+$0xFFFFFF90]  }
0x51: {  	v11 =	vld [tilespmem:s19+$0xFFFFFF80]  }
0x52: {  	v12 =	vld [tilespmem:s19+$0xFFFFFFF0]  }
0x53: {  	v13 =	vld [tilespmem:s19+$0xFFFFFF50]  }
0x54: {  	v14 =	vld [tilespmem:s19+$0xFFFFFFB0]  }
0x55: {  	v15 =	vld [tilespmem:s19+$0xFFFFFF10]  }
0x56: {  	v16 =	vld [tilespmem:s19+$0xFFFFFF70]  }
0x57: {  	v17 =	vld [tilespmem:s19+$0xFFFFFF40]  }
0x58: {  	v18 =	vld [tilespmem:s19+$0xFFFFFF30]  }
0x59: {  	v19 =	vld [tilespmem:s19+$0xFFFFFEA0]  }
0x5a: {  	v20 =	vld [tilespmem:s19+$0xFFFFFF00]  }
0x5b: {  	v21 =	vld [tilespmem:s19+$0xFFFFFEF0]  }
0x5c: {  	v22 =	vld [tilespmem:s19+$0xFFFFFEC0]  }
0x5d: {  	v23 =	vld [tilespmem:s19+$0xFFFFFEB0]  }
0x5e: {  	v24 =	vld [tilespmem:s19+$0xFFFFFE60]  }
0x5f: {  	v25 =	vld [tilespmem:s19+$0xFFFFFE80]  }
0x60: {  	v26 =	vld [tilespmem:s19+$0xFFFFFE00]  }
0x61: {  	v27 =	vld [tilespmem:s19+$0xFFFFFE70]  }
0x62: {  	v28 =	vld [tilespmem:s19+$0xFFFFFE50]  }
0x63: {  	v29 =	vld [tilespmem:s19+$0xFFFFFE40]  }
0x64: {  	v30 =	vld [tilespmem:s19+$0xFFFFFE30]  }
0x65: {  	v31 =	vld [tilespmem:s19+$0xFFFFFE20]  }
0x66: {  	v32 =	vld [tilespmem:s19+$0xFFFFFE10]  }
0x67: {  	v33 =	vld [tilespmem:s19+$0xFFFFFE90]  }
0x68: {  	v34 =	vld [tilespmem:s19+$0xFFFFFED0]  }
0x69: {  	v26 =	vmax.f32 v26, v29;
	v29 =	vld [tilespmem:s19+$0xFFFFFEE0]  }
0x6a: {  	v27 =	vmax.f32 v30, v27;
	v24 =	vmax.f32 v31, v24;
	v25 =	vmax.f32 v26, v25;
	v26 =	vld [tilespmem:s19+$0xFFFFFF20]  }
0x6b: {  	v23 =	vmax.f32 v27, v23;
	v27 =	vld [tilespmem:s19+$0xFFFFFF60];
	v22 =	vmax.f32 v25, v22;
	v25 =	vmax.f32 v32, v28  }
0x6c: {  	v21 =	vmax.f32 v23, v21;
	v23 =	vld [tilespmem:s19+$0xFFFFFFA0];
	v20 =	vmax.f32 v22, v20;
	v22 =	vmax.f32 v25, v33  }
0x6d: {  	v19 =	vmax.f32 v24, v19;
	v18 =	vmax.f32 v21, v18;
	v21 =	vmax.f32 v22, v34;
	v22 =	vld [tilespmem:s19+$0xFFFFFFE0]  }
0x6e: {  	v17 =	vmax.f32 v20, v17;
	v16 =	vmax.f32 v18, v16;
	v18 =	vmax.f32 v19, v29  }
0x6f: {  	v15 =	vmax.f32 v21, v15;
	v14 =	vmax.f32 v16, v14;
	v16 =	vmax.f32 v18, v26  }
0x70: {  	v13 =	vmax.f32 v15, v13;
	v12 =	vmax.f32 v14, v12;
	v14 =	vmax.f32 v16, v27  }
0x71: {  	v11 =	vmax.f32 v17, v11;
	v10 =	vmax.f32 v13, v10;
	v13 =	vmax.f32 v14, v23  }
0x72: {  	v9 =	vmax.f32 v11, v9;
	v8 =	vmax.f32 v10, v8;
	v10 =	vmax.f32 v13, v22  }
0x73: {  	v8 =	vmax.f32 v9, v8;
	v9 =	vmax.f32 v10, v12  }
0x74: {  	v8 =	vmax.f32 v8, v9  }
0x75: {  	(xrf1) =	vsort.dscd.msk.f32 $0xffff, v8, v8;
	_ =	sdelay $0x6  }
0x76: {  	v9 =	vmov s2  }
0x77: {  	v9 =	vand.u32 $0xFFFFFFFE, v9  }
0x78: {  	v9 =	vbroadcast v9, $0x0;
	_ =	sdelay $0x3  }
0x79: {  	s20 =	simm.s32 $0x10010  }
0x7a: {  	[tilespmem:s20+$0xFFFFFFF0] =	vst v8;
	v8, _, _ =	vpop (xrf1)  }
0x7b: {  	[tilespmem:v9+s13+$0x0] =	vst.idx.msk $0x1, v8  }
0x7c: {  	v8 =	vld [tilespmem:s19+$0x1F0]  }
0x7d: {  	v9 =	vld [tilespmem:s19+$0x1E0]  }
0x7e: {  	v22 =	vld [tilespmem:s19+$0x20]  }
0x7f: {  	v10 =	vld [tilespmem:s19+$0x180]  }
0x80: {  	v11 =	vld [tilespmem:s19+$0x1A0]  }
0x81: {  	v12 =	vld [tilespmem:s19+$0x170]  }
0x82: {  	v13 =	vld [tilespmem:s19+$0x160]  }
0x83: {  	v14 =	vld [tilespmem:s19+$0x130]  }
0x84: {  	v15 =	vld [tilespmem:s19+$0x120]  }
0x85: {  	v23 =	vld [tilespmem:s19+$0xA0]  }
0x86: {  	v17 =	vld [tilespmem:s19+$0xE0]  }
0x87: {  	v29 =	vld [tilespmem:s19+$0xD0]  }
0x88: {  	v19 =	vld [tilespmem:s19+$0x80]  }
0x89: {  	v27 =	vld [tilespmem:s19+$0x40]  }
0x8a: {  	v18 =	vld [tilespmem:s19+$0xF0]  }
0x8b: {  	v24 =	vld [tilespmem:s19+$0x50]  }
0x8c: {  	v28 =	vld [tilespmem:s19+$0x90]  }
0x8d: {  	v21 =	vld [tilespmem:s19+$0x70]  }
0x8e: {  	v20 =	vld [tilespmem:s19+$0x110]  }
0x8f: {  	v16 =	vld [tilespmem:s19+$0x150]  }
0x90: {  	v30 =	vld [tilespmem:s19+$0x10]  }
0x91: {  	v31 =	vld [tilespmem:s19+$0x60]  }
0x92: {  	v63 =	vld [tilespmem:s19+$0x0]  }
0x93: {  	v26 =	vld [tilespmem:s19+$0x30]  }
0x94: {  	v25 =	vld [tilespmem:s19+$0xB0]  }
0x95: {  	v30 =	vmax.f32 v30, v24;
	v24 =	vld [tilespmem:s19+$0xC0]  }
0x96: {  	s23 =	simm.s32 $0x2;
	v31 =	vmax.f32 v22, v31;
	v22 =	vld [tilespmem:s19+$0x100];
	v30 =	vmax.f32 v30, v28  }
0x97: {  	s24 =	simm.s32 $0x200;
	s21 =	simm.s32 $0x10010;
	s22 =	simm.s32 $0x0;
	v28 =	vmax.f32 v63, v27;
	v27 =	vmax.f32 v31, v23;
	v23 =	vld [tilespmem:s19+$0x140];
	v29 =	vmax.f32 v30, v29  }
.LBB2_2:
0x98: {  	p0 =	slt.u32 s23, $0x3E;
	v21 =	vmax.f32 v26, v21;
	v26 =	vld [tilespmem:s19+$0x1B0];
	s20 =	sadd.s32 $0x20, s20;
	s24 =	sadd.s32 $0x400, s24  }
0x99: {  	v19 =	vmax.f32 v28, v19;
	v20 =	vmax.f32 v29, v20;
	s25 =	smov.u32 s23;
	s23 =	sadd.s32 $0x2, s23;
	v21 =	vmax.f32 v21, v25;
	v25 =	vld [tilespmem:s19+$0x1C0]  }
0x9a: {  	v17 =	vmax.f32 v27, v17;
	v19 =	vmax.f32 v19, v24;
	v18 =	vmax.f32 v21, v18;
	v21 =	vld [tilespmem:s19+$0x190]  }
0x9b: {  	v15 =	vmax.f32 v17, v15;
	v19 =	vmax.f32 v19, v22;
	v14 =	vmax.f32 v18, v14;
	v17 =	vld [tilespmem:s19+$0x1D0];
	s19 =	smov.u32 s24  }
0x9c: {  	v13 =	vmax.f32 v15, v13;
	v18 =	vmax.f32 v19, v23;
	v12 =	vmax.f32 v14, v12  }
0x9d: {  	v11 =	vmax.f32 v13, v11;
	v10 =	vmax.f32 v18, v10;
	v12 =	vmax.f32 v12, v26  }
0x9e: {  	v13 =	vmax.f32 v20, v16;
	v9 =	vmax.f32 v11, v9;
	v8 =	vmax.f32 v12, v8  }
0x9f: {  	v10 =	vmax.f32 v10, v25;
	v11 =	vmax.f32 v13, v21;
	v8 =	vmax.f32 v9, v8  }
0xa0: {  	v9 =	vmax.f32 v11, v17  }
0xa1: {  	v9 =	vmax.f32 v10, v9  }
0xa2: {  	v8 =	vmax.f32 v9, v8  }
0xa3: {  	[tilespmem:s21+$0x0] =	vst v8;
	(xrf1) =	vsort.dscd.msk.f32 $0xffff, v8, v8;
	s21 =	smov.u32 s20;
	_ =	sdelay $0x7  }
0xa4: {  	s26 =	sadd.s32 $0x1, s22;
	s22 =	smov.u32 s25  }
0xa5: {  	v8 =	vmov s26;
	_ =	sdelay $0x4  }
0xa6: {  	v9, _, _ =	vpop (xrf1)  }
0xa7: {  	[tilespmem:v8+s13+$0x0] =	vst.idx.msk $0x1, v9  }
0xa8: {  	v8 =	vld [tilespmem:s24+$0xFFFFFFD0]  }
0xa9: {  	v9 =	vld [tilespmem:s24+$0xFFFFFFC0]  }
0xaa: {  	v10 =	vld [tilespmem:s24+$0xFFFFFF90]  }
0xab: {  	v11 =	vld [tilespmem:s24+$0xFFFFFF80]  }
0xac: {  	v12 =	vld [tilespmem:s24+$0xFFFFFFF0]  }
0xad: {  	v13 =	vld [tilespmem:s24+$0xFFFFFF50]  }
0xae: {  	v14 =	vld [tilespmem:s24+$0xFFFFFFB0]  }
0xaf: {  	v15 =	vld [tilespmem:s24+$0xFFFFFF10]  }
0xb0: {  	v16 =	vld [tilespmem:s24+$0xFFFFFF70]  }
0xb1: {  	v17 =	vld [tilespmem:s24+$0xFFFFFF40]  }
0xb2: {  	v18 =	vld [tilespmem:s24+$0xFFFFFF30]  }
0xb3: {  	v19 =	vld [tilespmem:s24+$0xFFFFFEA0]  }
0xb4: {  	v20 =	vld [tilespmem:s24+$0xFFFFFF00]  }
0xb5: {  	v21 =	vld [tilespmem:s24+$0xFFFFFEF0]  }
0xb6: {  	v22 =	vld [tilespmem:s24+$0xFFFFFEC0]  }
0xb7: {  	v23 =	vld [tilespmem:s24+$0xFFFFFEB0]  }
0xb8: {  	v24 =	vld [tilespmem:s24+$0xFFFFFE60]  }
0xb9: {  	v25 =	vld [tilespmem:s24+$0xFFFFFE80]  }
0xba: {  	v26 =	vld [tilespmem:s24+$0xFFFFFE00]  }
0xbb: {  	v27 =	vld [tilespmem:s24+$0xFFFFFE70]  }
0xbc: {  	v28 =	vld [tilespmem:s24+$0xFFFFFE50]  }
0xbd: {  	v29 =	vld [tilespmem:s24+$0xFFFFFE40]  }
0xbe: {  	v30 =	vld [tilespmem:s24+$0xFFFFFE30]  }
0xbf: {  	v31 =	vld [tilespmem:s24+$0xFFFFFE20]  }
0xc0: {  	v32 =	vld [tilespmem:s24+$0xFFFFFE10]  }
0xc1: {  	v33 =	vld [tilespmem:s24+$0xFFFFFE90]  }
0xc2: {  	v26 =	vmax.f32 v26, v29;
	v29 =	vld [tilespmem:s24+$0xFFFFFED0]  }
0xc3: {  	v27 =	vmax.f32 v30, v27;
	v25 =	vmax.f32 v26, v25;
	v26 =	vld [tilespmem:s24+$0xFFFFFEE0]  }
0xc4: {  	v24 =	vmax.f32 v31, v24;
	v23 =	vmax.f32 v27, v23;
	v22 =	vmax.f32 v25, v22;
	v25 =	vld [tilespmem:s24+$0xFFFFFF20]  }
0xc5: {  	v27 =	vmax.f32 v32, v28;
	v21 =	vmax.f32 v23, v21;
	v20 =	vmax.f32 v22, v20;
	v22 =	vld [tilespmem:s24+$0xFFFFFF60]  }
0xc6: {  	v19 =	vmax.f32 v24, v19;
	v23 =	vmax.f32 v27, v33;
	v18 =	vmax.f32 v21, v18;
	v21 =	vld [tilespmem:s24+$0xFFFFFFA0]  }
0xc7: {  	v17 =	vmax.f32 v20, v17;
	v23 =	vmax.f32 v23, v29;
	v16 =	vmax.f32 v18, v16;
	v18 =	vld [tilespmem:s24+$0xFFFFFFE0]  }
0xc8: {  	v19 =	vmax.f32 v19, v26;
	v15 =	vmax.f32 v23, v15;
	v14 =	vmax.f32 v16, v14  }
0xc9: {  	v16 =	vmax.f32 v19, v25;
	v13 =	vmax.f32 v15, v13;
	v12 =	vmax.f32 v14, v12  }
0xca: {  	v11 =	vmax.f32 v17, v11;
	v14 =	vmax.f32 v16, v22;
	v10 =	vmax.f32 v13, v10  }
0xcb: {  	v9 =	vmax.f32 v11, v9;
	v13 =	vmax.f32 v14, v21;
	v8 =	vmax.f32 v10, v8  }
0xcc: {  	v10 =	vmax.f32 v13, v18;
	v8 =	vmax.f32 v9, v8  }
0xcd: {  	v9 =	vmax.f32 v10, v12  }
0xce: {  	v8 =	vmax.f32 v8, v9  }
0xcf: {  	[tilespmem:s20+$0xFFFFFFF0] =	vst v8;
	(xrf1) =	vsort.dscd.msk.f32 $0xffff, v8, v8;
	_ =	sdelay $0x6  }
0xd0: {  	v8 =	vmov s22  }
0xd1: {  	v8 =	vand.u32 $0xFFFFFFFE, v8  }
0xd2: {  	v8 =	vbroadcast v8, $0x0;
	_ =	sdelay $0x4  }
0xd3: {  	v9, _, _ =	vpop (xrf1)  }
0xd4: {  	[tilespmem:v8+s13+$0x0] =	vst.idx.msk $0x1, v9  }
0xd5: {  	v8 =	vld [tilespmem:s24+$0x1F0]  }
0xd6: {  	v9 =	vld [tilespmem:s24+$0x1E0]  }
0xd7: {  	v22 =	vld [tilespmem:s24+$0x20]  }
0xd8: {  	v10 =	vld [tilespmem:s24+$0x180]  }
0xd9: {  	v11 =	vld [tilespmem:s24+$0x1A0]  }
0xda: {  	v12 =	vld [tilespmem:s24+$0x170]  }
0xdb: {  	v13 =	vld [tilespmem:s24+$0x160]  }
0xdc: {  	v14 =	vld [tilespmem:s24+$0x130]  }
0xdd: {  	v15 =	vld [tilespmem:s24+$0x120]  }
0xde: {  	v23 =	vld [tilespmem:s24+$0xA0]  }
0xdf: {  	v17 =	vld [tilespmem:s24+$0xE0]  }
0xe0: {  	v29 =	vld [tilespmem:s24+$0xD0]  }
0xe1: {  	v19 =	vld [tilespmem:s24+$0x80]  }
0xe2: {  	v27 =	vld [tilespmem:s24+$0x40]  }
0xe3: {  	v18 =	vld [tilespmem:s24+$0xF0]  }
0xe4: {  	v24 =	vld [tilespmem:s24+$0x50]  }
0xe5: {  	v28 =	vld [tilespmem:s24+$0x90]  }
0xe6: {  	v21 =	vld [tilespmem:s24+$0x70]  }
0xe7: {  	v20 =	vld [tilespmem:s24+$0x110]  }
0xe8: {  	v16 =	vld [tilespmem:s24+$0x150]  }
0xe9: {  	v30 =	vld [tilespmem:s24+$0x10]  }
0xea: {  	v31 =	vld [tilespmem:s24+$0x60]  }
0xeb: {  	v32 =	vld [tilespmem:s24+$0x0]  }
.Ltmp2:
0xec: {  	v26 =	vld [tilespmem:s24+$0x30];
	(pc) =	sbr.rel @p0 .LBB2_2-.Ltmp2, $4  }
0xed: {  	v25 =	vld [tilespmem:s24+$0xB0]  }
0xee: {  	v30 =	vmax.f32 v30, v24;
	v24 =	vld [tilespmem:s24+$0xC0]  }
0xef: {  	v31 =	vmax.f32 v22, v31;
	v30 =	vmax.f32 v30, v28;
	v22 =	vld [tilespmem:s24+$0x100]  }
0xf0: {  	v28 =	vmax.f32 v32, v27;
	v27 =	vmax.f32 v31, v23;
	v29 =	vmax.f32 v30, v29;
	v23 =	vld [tilespmem:s24+$0x140]  }
0xf1: {  	v30 =	vld [tilespmem:s19+$0x1B0]  }
0xf2: {  	v21 =	vmax.f32 v26, v21;
	v58 =	vld [tilespmem:s19+$0x1C0]  }
0xf3: {  	v19 =	vmax.f32 v28, v19;
	v20 =	vmax.f32 v29, v20;
	v59 =	vld [tilespmem:s19+$0x190];
	v17 =	vmax.f32 v27, v17  }
0xf4: {  	v60 =	vld [tilespmem:s19+$0x1D0];
	v21 =	vmax.f32 v21, v25;
	v15 =	vmax.f32 v17, v15;
	v62 =	vmax.f32 v20, v16  }
0xf5: {  	v19 =	vmax.f32 v19, v24;
	v18 =	vmax.f32 v21, v18;
	v13 =	vmax.f32 v15, v13  }
0xf6: {  	v19 =	vmax.f32 v19, v22;
	v14 =	vmax.f32 v18, v14;
	v11 =	vmax.f32 v13, v11  }
0xf7: {  	v61 =	vmax.f32 v19, v23;
	v12 =	vmax.f32 v14, v12;
	v9 =	vmax.f32 v11, v9  }
0xf8: {  	v10 =	vmax.f32 v61, v10;
	v12 =	vmax.f32 v12, v30;
	v11 =	vmax.f32 v62, v59  }
0xf9: {  	v8 =	vmax.f32 v12, v8;
	v10 =	vmax.f32 v10, v58;
	v11 =	vmax.f32 v11, v60  }
0xfa: {  	v8 =	vmax.f32 v9, v8;
	v9 =	vmax.f32 v10, v11  }
0xfb: {  	v8 =	vmax.f32 v9, v8  }
0xfc: {  	(xrf1) =	vsort.dscd.msk.f32 $0xffff, v8, v8;
	_ =	sdelay $0x8  }
0xfd: {  	s31 =	sadd.s32 $0x1, s22  }
0xfe: {  	v9 =	vmov s31;
	_ =	sdelay $0x3  }
0xff: {  	[tilespmem:s21+$0x0] =	vst v8;
	v8, _, _ =	vpop (xrf1)  }
0x100: {  	[tilespmem:v9+s13+$0x0] =	vst.idx.msk $0x1, v8  }
0x101: {  	v9 =	vld [tilespmem:$0x10400]  }
0x102: {  	v8 =	vld [tilespmem:$0x10410]  }
0x103: {  	v10 =	vld [tilespmem:$0x10420]  }
0x104: {  	v11 =	vld [tilespmem:$0x10430];
	_ =	sdelay $0x1  }
0x105: {  	(xrf1) =	vsort.dscd.msk.f32 $0xffff, v9, v9  }
0x106: {  	(xrf1) =	vsort.dscd.msk.f32 $0xffff, v8, v8  }
0x107: {  	(xrf1) =	vsort.dscd.msk.f32 $0xffff, v10, v10  }
0x108: {  	(xrf1) =	vsort.dscd.msk.f32 $0xffff, v11, v11;
	_ =	sdelay $0xa  }
0x109: {  	v8, _, _ =	vpop (xrf1)  }
0x10a: {  	v10, _, _ =	vpop (xrf1)  }
0x10b: {  	v11, _, _ =	vpop (xrf1)  }
0x10c: {  	v10 =	vperm.xlane v10, v2;
	v63, _, _ =	vpop (xrf1)  }
0x10d: {  	v12 =	vperm.xlane v63, v2  }
0x10e: {  	v8 =	vmax.f32 v8, v10  }
0x10f: {  	(xrf1) =	vsort.dscd.msk.f32 $0xffff, v8, v8;
	v8 =	vmax.f32 v11, v12  }
0x110: {  	(xrf1) =	vsort.dscd.msk.f32 $0xffff, v8, v8;
	_ =	sdelay $0xc  }
0x111: {  	v8, _, _ =	vpop (xrf1)  }
0x112: {  	v10, _, _ =	vpop (xrf1)  }
0x113: {  	v10 =	vperm.xlane v10, v2;
	_ =	sdelay $0x1  }
0x114: {  	v8 =	vmax.f32 v8, v10  }
0x115: {  	(xrf1) =	vsort.dscd.msk.f32 $0xffff, v8, v8;
	_ =	sdelay $0xd  }
0x116: {  	v8, _, _ =	vpop (xrf1)  }
0x117: {  	(xrf0) =	vmin.scan.msk.f32 $0xffff, v8;
	_ =	sdelay $0x5  }
0x118: {  	v8, _, _ =	vpop (xrf0)  }
0x119: {  	v8 =	vbroadcast v8, $0xF;
	_ =	sdelay $0x1  }
0x11a: {  	vm0 =	vgt.f32 v9, v8  }
0x11b: {  	v9 =	vsel vm0, $0x1, v3  }
0x11c: {  	(xrf0) =	vadd.scan.msk.s32 $0xffff, v9;
	_ =	sdelay $0x5  }
0x11d: {  	v9, _, _ =	vpop (xrf0)  }
0x11e: {  	v9 =	vadd.s32 $0xFFFFFFFF, v9  }
0x11f: {  	v9 =	vnsel vm0, $0x1F, v9;
	_ =	sdelay $0x3  }
0x120: {  	s19 =	simm.s32 $0x10480  }
0x121: {  	[tilespmem:v9+s19+$0x0] =	vst.idx.msk vm0, v0  }
0x122: {  	v9 =	vld [tilespmem:$0x10410];
	_ =	sdelay $0x4  }
0x123: {  	vm1 =	vgt.f32 v9, v8  }
0x124: {  	v9 =	vsel vm1, $0x1, v3  }
0x125: {  	(xrf0) =	vadd.scan.msk.s32 $0xffff, v9;
	_ =	sdelay $0x4  }
0x126: {  	v9 =	vmpcnt.ones.xlane vm0  }
0x127: {  	v10, _, _ =	vpop (xrf0)  }
0x128: {  	v10 =	vadd.s32 v10, v9  }
0x129: {  	v10 =	vadd.s32 $0xFFFFFFFF, v10  }
0x12a: {  	v10 =	vnsel vm1, $0x1F, v10;
	_ =	sdelay $0x4  }
0x12b: {  	[tilespmem:v10+s19+$0x0] =	vst.idx.msk vm1, v4  }
0x12c: {  	v10 =	vld [tilespmem:$0x10420];
	_ =	sdelay $0x4  }
0x12d: {  	vm14 =	vgt.f32 v10, v8  }
0x12e: {  	v10 =	vsel vm14, $0x1, v3  }
0x12f: {  	(xrf0) =	vadd.scan.msk.s32 $0xffff, v10;
	_ =	sdelay $0x1  }
0x130: {  	v10 =	vmpcnt.ones.xlane vm1;
	_ =	sdelay $0x3  }
0x131: {  	v9 =	vadd.s32 v9, v10;
	v10, _, _ =	vpop (xrf0)  }
0x132: {  	v10 =	vadd.s32 v10, v9  }
0x133: {  	v10 =	vadd.s32 $0xFFFFFFFF, v10  }
0x134: {  	v10 =	vnsel vm14, $0x1F, v10;
	_ =	sdelay $0x4  }
0x135: {  	[tilespmem:v10+s19+$0x0] =	vst.idx.msk vm14, v5  }
0x136: {  	v10 =	vld [tilespmem:$0x10430];
	_ =	sdelay $0x4  }
0x137: {  	v11 =	vmpcnt.ones.xlane vm14;
	vm15 =	vgt.f32 v10, v8  }
0x138: {  	v10 =	vmpcnt.ones.xlane vm15  }
0x139: {  	v9 =	vadd.s32 v9, v11  }
0x13a: {  	v11 =	vsel vm15, $0x1, v3;
	v10 =	vadd.s32 v9, v10  }
0x13b: {  	(xrf0) =	vadd.scan.msk.s32 $0xffff, v11;
	v10 =	vxor.u32 $0x80000000, v10  }
0x13c: {  	(xrf0) =	vmax.scan.msk.u32 $0xffff, v10;
	_ =	sdelay $0x4  }
0x13d: {  	v10, _, _ =	vpop (xrf0)  }
0x13e: {  	v11, _, _ =	vpop (xrf0)  }
0x13f: {  	(v2sf) =	vpush v11, $0xF;
	_ =	sdelay $0xe  }
0x140: {  	v9 =	vadd.s32 v10, v9;
	s20 =	spop (v2sf)  }
0x141: {  	v9 =	vadd.s32 $0xFFFFFFFF, v9;
	s20 =	sxor.u32 $0x80000000, s20  }
0x142: {  	v9 =	vnsel vm15, $0x1F, v9;
	p0 =	slt.s32 s20, $0x1  }
.Ltmp3:
0x143: {  	_ = 	snop;
	(pc) =	sbr.rel @p0 .LBB2_4-.Ltmp3, $2  }
0x144: {  	_ =	sdelay $0x2  }
0x145: {  	[tilespmem:v9+s19+$0x0] =	vst.idx.msk vm15, v6;
	v9 =	vimm.s32 $0x0  }
0x146: {  	p0 =	sne.s32 s20, $0x1  }
.Ltmp4:
0x147: {  	_ = 	snop;
	(pc) =	sbr.rel @!p0 .LBB2_7-.Ltmp4, $2  }
0x148: {  	_ =	sdelay $0x2  }
0x149: {  	v11 =	vld [tilespmem:s19+$0x0];
	s20 =	sadd.s32 $0xFFFFFFFF, s20;
	v10 =	vimm.s32 $0x0  }
.LBB2_6:
0x14a: {  	p0 =	sne.s32 s20, $0x1;
	_ =	sdelay $0x3  }
0x14b: {  	(v2sf) =	vpush v11, $0x0;
	_ =	sdelay $0xe  }
0x14c: {  	s21 =	spop (v2sf)  }
0x14d: {  	s21 =	sshll.u32 s21, $0x4  }
0x14e: {  	v11 =	vld [tilespmem:s21+$0x10000];
	_ =	sdelay $0x4  }
0x14f: {  	vm0 =	vgt.f32 v11, v8  }
0x150: {  	v11 =	vmpcnt.ones.xlane vm0;
	v12 =	vsel vm0, $0x1, v3  }
0x151: {  	(xrf0) =	vadd.scan.msk.s32 $0xffff, v12  }
0x152: {  	v9 =	vadd.s32 v9, v11;
	_ =	sdelay $0x4  }
0x153: {  	v11, _, _ =	vpop (xrf0)  }
0x154: {  	v11 =	vadd.s32 v11, v10;
	v10 =	vmov v9  }
0x155: {  	v11 =	vadd.s32 $0xFFFFFFFF, v11  }
0x156: {  	v11 =	vnsel vm0, $0xFF, v11;
	_ =	sdelay $0x1  }
.Ltmp5:
0x157: {  	(pc) =	sbr.rel @p0 .LBB2_6-.Ltmp5, $4  }
0x158: {  	_ = 	snop  }
0x159: {  	v12 =	vor.u32 s21, v0  }
0x15a: {  	s19 =	sadd.s32 $0x1, s19;
	[tilespmem:v11+s14+$0x0] =	vst.idx.msk vm0, v12  }
0x15b: {  	s20 =	sadd.s32 $0xFFFFFFFF, s20;
	v11 =	vld [tilespmem:s19+$0x0]  }
.LBB2_7:
0x15c: {  	_ =	sdelay $0x3  }
0x15d: {  	(v2sf) =	vpush v11, $0x0;
	_ =	sdelay $0xe  }
0x15e: {  	s19 =	spop (v2sf)  }
0x15f: {  	s19 =	sshll.u32 s19, $0x4  }
0x160: {  	v11 =	vld [tilespmem:s19+$0x10000];
	_ =	sdelay $0x4  }
0x161: {  	vm0 =	vgt.f32 v11, v8  }
0x162: {  	v11 =	vsel vm0, $0x1, v3  }
0x163: {  	(xrf0) =	vadd.scan.msk.s32 $0xffff, v11;
	_ =	sdelay $0x5  }
0x164: {  	v11, _, _ =	vpop (xrf0)  }
0x165: {  	v10 =	vadd.s32 v11, v10  }
0x166: {  	v10 =	vadd.s32 $0xFFFFFFFF, v10  }
0x167: {  	v10 =	vnsel vm0, $0xFF, v10  }
.Ltmp6:
0x168: {  	_ = 	snop;
	(pc) =	sbr.rel .LBB2_8-.Ltmp6, $3  }
0x169: {  	v11 =	vmpcnt.ones.xlane vm0;
	_ =	sdelay $0x1  }
0x16a: {  	v9 =	vadd.s32 v9, v11;
	v11 =	vor.u32 s19, v0  }
0x16b: {  	v9 =	vxor.u32 $0x80000000, v9;
	[tilespmem:v10+s14+$0x0] =	vst.idx.msk vm0, v11  }
.LBB2_4:
0x16c: {  	v9 =	vimm.s32 $0x80000000  }
.LBB2_8:
0x16d: {  	(xrf0) =	vmax.scan.msk.u32 $0xffff, v9;
	_ =	sdelay $0x5  }
0x16e: {  	v9, _, _ =	vpop (xrf0)  }
0x16f: {  	(v2sf) =	vpush v9, $0xF;
	_ =	sdelay $0xe  }
0x170: {  	s19 =	spop (v2sf)  }
0x171: {  	s20 =	sxor.u32 $0x80000000, s19  }
0x172: {  	p0 =	slt.s32 s20, $0x1  }
.Ltmp7:
0x173: {  	_ = 	snop;
	(pc) =	sbr.rel @p0 .LBB2_24-.Ltmp7, $2  }
0x174: {  	_ =	sdelay $0x2  }
0x175: {  	s19 =	simm.s32 $0x10500  }
0x176: {  	p5 =	sne.s32 s20, $0x1  }
.Ltmp8:
0x177: {  	_ = 	snop;
	(pc) =	sbr.rel @!p5 .LBB2_10-.Ltmp8, $3  }
0x178: {  	_ =	sdelay $0x1  }
0x179: {  	s20 =	sadd.s32 $0xFFFFFFFF, s20;
	p0 =	por $0x0, $0x0;
	p1 =	por $0x0, $0x0  }
0x17a: {  	v9 =	vld [tilespmem:s19+$0x0];
	p2 =	por $0x0, $0x0;
	p3 =	por $0x0, $0x0;
	p6 =	por $0x0, $0x0  }
0x17b: {  	p5 =	sne.s32 s20, $0x1  }
.Ltmp9:
0x17c: {  	_ = 	snop;
	(pc) =	sbr.rel @!p5 .LBB2_12-.Ltmp9, $3  }
0x17d: {  	_ =	sdelay $0x1  }
0x17e: {  	s19 =	sadd.s32 $0x1, s19  }
0x17f: {  	s20 =	sadd.s32 $0xFFFFFFFF, s20;
	p0 =	por $0x1, $0x1;
	(v2sf) =	vpush v9, $0x0;
	v9 =	vld [tilespmem:s19+$0x0]  }
0x180: {  	_ =	sdelay $0xd  }
0x181: {  	s21 =	spop (v2sf)  }
0x182: {  	s22 =	sand.u32 $0xF, s21  }
0x183: {  	s23 =	sshra.s32 s21, $0x1F;
	p1 =	slt.s32 s21, $0x1;
	p5 =	sne.s32 s22, $0x0  }
0x184: {  	s31 =	sshrl.u32 s23, $0x1C;
	p1 =	por !p1, !p5  }
0x185: {  	s23 =	simm.s32 $0x1;
	s22 =	sadd.s32 s31, s21;
	p1 =	por !p1, !p1  }
0x186: {  	p5 =	sne.s32 s20, $0x1;
	s22 =	sshra.s32 s22, $0x4;
	s23 =	simm.s32 @!p1 $0x0  }
.Ltmp10:
0x187: {  	s22 =	ssub.s32 s22, s23;
	(pc) =	sbr.rel @!p5 .LBB2_14-.Ltmp10, $4  }
0x188: {  	s23 =	sshll.u32 s22, $0x4  }
0x189: {  	s22 =	sshll.u32 s22, $0x9;
	s21 =	ssub.s32 s21, s23  }
0x18a: {  	s19 =	sadd.s32 $0x1, s19;
	s21 =	sadd.s32 s22, s21  }
0x18b: {  	(v2sf) =	vpush v9, $0x0;
	v9 =	vld [tilespmem:s19+$0x0];
	s20 =	sadd.s32 $0xFFFFFFFF, s20;
	p1 =	por $0x1, $0x1;
	v13 =	vadd.s32 s21, v7;
	v12 =	vadd.s32 s21, v1  }
0x18c: {  	_ =	sdelay $0xd  }
0x18d: {  	s21 =	spop (v2sf)  }
0x18e: {  	s22 =	sand.u32 $0xF, s21  }
0x18f: {  	s23 =	sshra.s32 s21, $0x1F;
	p2 =	slt.s32 s21, $0x1;
	p5 =	sne.s32 s22, $0x0  }
0x190: {  	s31 =	sshrl.u32 s23, $0x1C;
	p2 =	por !p2, !p5  }
0x191: {  	v10 =	vld.idx.msk [tilespmem:v13+s2+$0x0], $0xffff;
	s23 =	simm.s32 $0x1;
	s22 =	sadd.s32 s31, s21;
	p2 =	por !p2, !p2  }
0x192: {  	v11 =	vld.idx.msk [tilespmem:v12+s2+$0x0], $0xffff;
	p5 =	sne.s32 s20, $0x1;
	s22 =	sshra.s32 s22, $0x4;
	s23 =	simm.s32 @!p2 $0x0  }
.Ltmp11:
0x193: {  	s22 =	ssub.s32 s22, s23;
	(pc) =	sbr.rel @!p5 .LBB2_16-.Ltmp11, $4  }
0x194: {  	s23 =	sshll.u32 s22, $0x4  }
0x195: {  	s22 =	sshll.u32 s22, $0x9;
	s21 =	ssub.s32 s21, s23  }
0x196: {  	s19 =	sadd.s32 $0x1, s19;
	(xrf1) =	vsort.dscd.msk.f32 $0xffff, v10, v10;
	s21 =	sadd.s32 s22, s21  }
0x197: {  	(xrf1) =	vsort.dscd.msk.f32 $0xffff, v11, v11;
	(v2sf) =	vpush v9, $0x0;
	v9 =	vld [tilespmem:s19+$0x0];
	s20 =	sadd.s32 $0xFFFFFFFF, s20;
	p2 =	por $0x1, $0x1;
	v13 =	vadd.s32 s21, v7;
	v12 =	vadd.s32 s21, v1  }
0x198: {  	_ =	sdelay $0xd  }
0x199: {  	s21 =	spop (v2sf)  }
0x19a: {  	s22 =	sand.u32 $0xF, s21  }
0x19b: {  	s23 =	sshra.s32 s21, $0x1F;
	p3 =	slt.s32 s21, $0x1;
	p5 =	sne.s32 s22, $0x0  }
0x19c: {  	v10 =	vld.idx.msk [tilespmem:v13+s2+$0x0], $0xffff;
	s31 =	sshrl.u32 s23, $0x1C;
	p3 =	por !p3, !p5  }
0x19d: {  	v11 =	vld.idx.msk [tilespmem:v12+s2+$0x0], $0xffff;
	s23 =	simm.s32 $0x1;
	s22 =	sadd.s32 s31, s21;
	p3 =	por !p3, !p3  }
0x19e: {  	p5 =	sne.s32 s20, $0x1;
	s22 =	sshra.s32 s22, $0x4;
	s23 =	simm.s32 @!p3 $0x0  }
.Ltmp12:
0x19f: {  	v63, _, _ =	vpop (xrf1);
	s22 =	ssub.s32 s22, s23;
	(pc) =	sbr.rel @!p5 .LBB2_18-.Ltmp12, $4  }
0x1a0: {  	v12 =	vperm.xlane v63, v2;
	s23 =	sshll.u32 s22, $0x4  }
0x1a1: {  	(xrf1) =	vsort.dscd.msk.f32 $0xffff, v10, v10;
	v10, _, _ =	vpop (xrf1);
	s22 =	sshll.u32 s22, $0x9;
	s21 =	ssub.s32 s21, s23  }
0x1a2: {  	s19 =	sadd.s32 $0x1, s19;
	(xrf1) =	vsort.dscd.msk.f32 $0xffff, v11, v11;
	(v2sf) =	vpush v9, $0x0;
	v9 =	vmax.f32 v10, v12;
	s21 =	sadd.s32 s22, s21  }
0x1a3: {  	(xrf1) =	vsort.dscd.msk.f32 $0xffff, v9, v9;
	v9 =	vld [tilespmem:s19+$0x0];
	s20 =	sadd.s32 $0xFFFFFFFF, s20;
	p3 =	por $0x1, $0x1;
	v10 =	vadd.s32 s21, v7;
	v11 =	vadd.s32 s21, v1  }
0x1a4: {  	_ =	sdelay $0xc  }
0x1a5: {  	v12 =	vld.idx.msk [tilespmem:v10+s2+$0x0], $0xffff;
	s21 =	spop (v2sf)  }
0x1a6: {  	v13 =	vld.idx.msk [tilespmem:v11+s2+$0x0], $0xffff;
	(v2sf) =	vpush v9, $0x0;
	s22 =	sand.u32 $0xF, s21  }
0x1a7: {  	s23 =	sshra.s32 s21, $0x1F;
	p4 =	slt.s32 s21, $0x1;
	p5 =	sne.s32 s22, $0x0  }
0x1a8: {  	v14, _, _ =	vpop (xrf1);
	s31 =	sshrl.u32 s23, $0x1C;
	p4 =	por !p4, !p5  }
0x1a9: {  	v15, _, _ =	vpop (xrf1);
	v14 =	vperm.xlane v14, v2;
	s23 =	simm.s32 $0x1;
	s22 =	sadd.s32 s31, s21;
	p4 =	por !p4, !p4  }
0x1aa: {  	(xrf1) =	vsort.dscd.msk.f32 $0xffff, v12, v12;
	v16, _, _ =	vpop (xrf1);
	s22 =	sshra.s32 s22, $0x4;
	s23 =	simm.s32 @!p4 $0x0  }
0x1ab: {  	(xrf1) =	vsort.dscd.msk.f32 $0xffff, v13, v13;
	v12 =	vperm.xlane v16, v2;
	v13 =	vmax.f32 v15, v14;
	s22 =	ssub.s32 s22, s23  }
0x1ac: {  	(xrf1) =	vsort.dscd.msk.f32 $0xffff, v13, v13;
	p5 =	sne.s32 s20, $0x1;
	s23 =	sshll.u32 s22, $0x4  }
.Ltmp13:
0x1ad: {  	v9 =	vmax.f32 v8, v12;
	s22 =	sshll.u32 s22, $0x9;
	s21 =	ssub.s32 s21, s23;
	(pc) =	sbr.rel @!p5 .LBB2_20-.Ltmp13, $4  }
0x1ae: {  	(xrf1) =	vsort.dscd.msk.f32 $0xffff, v9, v9;
	s21 =	sadd.s32 s22, s21  }
0x1af: {  	v13 =	vadd.s32 s21, v7  }
0x1b0: {  	s19 =	sadd.s32 $0x1, s19;
	v12 =	vadd.s32 s21, v1  }
0x1b1: {  	s20 =	sadd.s32 $0xFFFFFFFF, s20;
	v9 =	vld [tilespmem:s19+$0x0]  }
.LBB2_21:
0x1b2: {  	p5 =	sne.s32 s20, $0x1;
	_ =	sdelay $0x1  }
0x1b3: {  	v13 =	vld.idx.msk [tilespmem:v13+s2+$0x0], $0xffff  }
0x1b4: {  	s21 =	spop (v2sf);
	v12 =	vld.idx.msk [tilespmem:v12+s2+$0x0], $0xffff  }
0x1b5: {  	(v2sf) =	vpush v9, $0x0;
	s22 =	sand.u32 $0xF, s21  }
0x1b6: {  	s23 =	sshra.s32 s21, $0x1F;
	p6 =	slt.s32 s21, $0x1;
	p4 =	sne.s32 s22, $0x0  }
0x1b7: {  	s22 =	sshrl.u32 s23, $0x1C;
	p4 =	por !p6, !p4;
	v9, _, _ =	vpop (xrf1)  }
0x1b8: {  	s23 =	simm.s32 $0x1;
	s22 =	sadd.s32 s22, s21;
	p4 =	por !p4, !p4;
	v15 =	vperm.xlane v9, v2;
	v14, _, _ =	vpop (xrf1)  }
0x1b9: {  	s22 =	sshra.s32 s22, $0x4;
	s23 =	simm.s32 @!p4 $0x0;
	(xrf1) =	vsort.dscd.msk.f32 $0xffff, v13, v13;
	v13, _, _ =	vpop (xrf1)  }
0x1ba: {  	s22 =	ssub.s32 s22, s23;
	(xrf1) =	vsort.dscd.msk.f32 $0xffff, v12, v12;
	v14 =	vmax.f32 v14, v15;
	v12 =	vperm.xlane v13, v2  }
0x1bb: {  	s23 =	sshll.u32 s22, $0x4;
	(xrf1) =	vsort.dscd.msk.f32 $0xffff, v14, v14;
	v9, _, _ =	vpop (xrf1)  }
.Ltmp14:
0x1bc: {  	s22 =	sshll.u32 s22, $0x9;
	s21 =	ssub.s32 s21, s23;
	v9 =	vmax.f32 v9, v12;
	(pc) =	sbr.rel @p5 .LBB2_21-.Ltmp14, $4  }
0x1bd: {  	s21 =	sadd.s32 s22, s21;
	(xrf1) =	vsort.dscd.msk.f32 $0xffff, v9, v9  }
0x1be: {  	v13 =	vadd.s32 s21, v7  }
0x1bf: {  	s19 =	sadd.s32 $0x1, s19;
	v12 =	vadd.s32 s21, v1  }
0x1c0: {  	s20 =	sadd.s32 $0xFFFFFFFF, s20;
	v9 =	vld [tilespmem:s19+$0x0]  }
0x1c1: {  	p6 =	por $0x1, $0x1  }
.LBB2_23:
0x1c2: {  	_ =	sdelay $0x3  }
0x1c3: {  	v13 =	vld.idx.msk @p1 [tilespmem:v13+s2+$0x0], $0xffff;
	s19 =	spop @p0 (v2sf)  }
0x1c4: {  	v12 =	vld.idx.msk @p1 [tilespmem:v12+s2+$0x0], $0xffff;
	s20 =	sand.u32 @p0 $0xF, s19  }
0x1c5: {  	p4 =	slt.s32 @p0 s19, $0x1;
	p5 =	sne.s32 @p0 s20, $0x0;
	v14, _, _ =	vpop @p2 (xrf1)  }
0x1c6: {  	s20 =	sshra.s32 @p0 s19, $0x1F;
	p4 =	por @p0 !p4, !p5;
	v15, _, _ =	vpop @p2 (xrf1)  }
0x1c7: {  	(v2sf) =	vpush v9, $0x0;
	s20 =	sshrl.u32 @p0 s20, $0x1C;
	p4 =	por @p0 !p4, !p4;
	v9 =	vperm.xlane @p2 v14, v2;
	v14, _, _ =	vpop @p3 (xrf1)  }
0x1c8: {  	s21 =	simm.s32 $0x1;
	(xrf1) =	vsort.dscd.msk.f32 @p1 $0xffff, v13, v13;
	s20 =	sadd.s32 @p0 s20, s19;
	p4 =	por !p4, !p0;
	v13 =	vperm.xlane @p3 v14, v2;
	v14, _, _ =	vpop @p6 (xrf1)  }
0x1c9: {  	(xrf1) =	vsort.dscd.msk.f32 @p1 $0xffff, v12, v12;
	s20 =	sshra.s32 @p0 s20, $0x4;
	s21 =	simm.s32 @p4 $0x0;
	v9 =	vmax.f32 @p2 v15, v9;
	v12 =	vpsel p6, v14, v8  }
0x1ca: {  	s20 =	ssub.s32 @p0 s20, s21;
	(xrf1) =	vsort.dscd.msk.f32 @p2 $0xffff, v9, v9;
	v9 =	vmax.f32 @p3 v12, v13  }
0x1cb: {  	s21 =	sshll.u32 @p0 s20, $0x4;
	(xrf1) =	vsort.dscd.msk.f32 @p3 $0xffff, v9, v9  }
0x1cc: {  	s20 =	sshll.u32 @p0 s20, $0x9;
	s19 =	ssub.s32 @p0 s19, s21  }
0x1cd: {  	s19 =	sadd.s32 @p0 s20, s19  }
0x1ce: {  	v9 =	vadd.s32 @p0 s19, v7  }
0x1cf: {  	v12 =	vadd.s32 @p0 s19, v1;
	v9 =	vpsel p0, v9, v10  }
0x1d0: {  	v10 =	vpsel p0, v12, v11;
	_ =	sdelay $0x3  }
0x1d1: {  	v9 =	vld.idx.msk @p0 [tilespmem:v9+s2+$0x0], $0xffff  }
0x1d2: {  	v10 =	vld.idx.msk @p0 [tilespmem:v10+s2+$0x0], $0xffff  }
0x1d3: {  	s28 =	spop (v2sf);
	v11, _, _ =	vpop @p1 (xrf1)  }
0x1d4: {  	s29 =	sand.u32 $0xF, s28;
	v12, _, _ =	vpop @p1 (xrf1)  }
0x1d5: {  	s30 =	sshra.s32 s28, $0x1F;
	p5 =	slt.s32 s28, $0x1;
	p6 =	sne.s32 s29, $0x0;
	v11 =	vperm.xlane @p1 v11, v2;
	v13, _, _ =	vpop @p2 (xrf1)  }
0x1d6: {  	s31 =	sshrl.u32 s30, $0x1C;
	p4 =	por !p5, !p6;
	(xrf1) =	vsort.dscd.msk.f32 @p0 $0xffff, v9, v9;
	v9 =	vperm.xlane @p2 v13, v2;
	v13, _, _ =	vpop @p3 (xrf1)  }
0x1d7: {  	s21 =	simm.s32 $0x1;
	s20 =	sadd.s32 s31, s28;
	p4 =	por !p4, !p4;
	(xrf1) =	vsort.dscd.msk.f32 @p0 $0xffff, v10, v10;
	v10 =	vmax.f32 @p1 v12, v11;
	v11 =	vpsel p3, v13, v8  }
0x1d8: {  	s20 =	sshra.s32 s20, $0x4;
	s21 =	simm.s32 @!p4 $0x0;
	(xrf1) =	vsort.dscd.msk.f32 @p1 $0xffff, v10, v10;
	v9 =	vmax.f32 @p2 v11, v9  }
0x1d9: {  	s20 =	ssub.s32 s20, s21;
	(xrf1) =	vsort.dscd.msk.f32 @p2 $0xffff, v9, v9  }
0x1da: {  	s21 =	sshll.u32 s20, $0x4  }
0x1db: {  	s20 =	sshll.u32 s20, $0x9;
	s19 =	ssub.s32 s28, s21  }
0x1dc: {  	s19 =	sadd.s32 s20, s19  }
0x1dd: {  	v9 =	vadd.s32 s19, v7  }
0x1de: {  	v10 =	vadd.s32 s19, v1;
	_ =	sdelay $0x3  }
0x1df: {  	v9 =	vld.idx.msk [tilespmem:v9+s2+$0x0], $0xffff  }
0x1e0: {  	v10 =	vld.idx.msk [tilespmem:v10+s2+$0x0], $0xffff  }
0x1e1: {  	v11, _, _ =	vpop @p0 (xrf1)  }
0x1e2: {  	v12, _, _ =	vpop @p0 (xrf1)  }
0x1e3: {  	v11 =	vperm.xlane @p0 v11, v2;
	v13, _, _ =	vpop @p1 (xrf1)  }
0x1e4: {  	(xrf1) =	vsort.dscd.msk.f32 $0xffff, v9, v9;
	v9 =	vperm.xlane @p1 v13, v2;
	v13, _, _ =	vpop @p2 (xrf1)  }
0x1e5: {  	(xrf1) =	vsort.dscd.msk.f32 $0xffff, v10, v10;
	v10 =	vmax.f32 @p0 v12, v11;
	v11 =	vpsel p2, v13, v8  }
0x1e6: {  	(xrf1) =	vsort.dscd.msk.f32 @p0 $0xffff, v10, v10;
	v9 =	vmax.f32 @p1 v11, v9  }
0x1e7: {  	(xrf1) =	vsort.dscd.msk.f32 @p1 $0xffff, v9, v9;
	_ =	sdelay $0xa  }
0x1e8: {  	v9, _, _ =	vpop (xrf1)  }
0x1e9: {  	v10, _, _ =	vpop (xrf1)  }
0x1ea: {  	v9 =	vperm.xlane v9, v2;
	v11, _, _ =	vpop @p0 (xrf1)  }
0x1eb: {  	v11 =	vperm.xlane @p0 v11, v2;
	v12, _, _ =	vpop @p1 (xrf1)  }
0x1ec: {  	v9 =	vmax.f32 v10, v9;
	v10 =	vpsel p1, v12, v8  }
0x1ed: {  	(xrf1) =	vsort.dscd.msk.f32 $0xffff, v9, v9;
	v9 =	vmax.f32 @p0 v10, v11  }
0x1ee: {  	(xrf1) =	vsort.dscd.msk.f32 @p0 $0xffff, v9, v9;
	_ =	sdelay $0xc  }
0x1ef: {  	v9, _, _ =	vpop (xrf1)  }
0x1f0: {  	v9 =	vperm.xlane v9, v2;
	v10, _, _ =	vpop @p0 (xrf1)  }
0x1f1: {  	v8 =	vpsel p0, v10, v8  }
0x1f2: {  	v8 =	vmax.f32 v8, v9  }
0x1f3: {  	(xrf1) =	vsort.dscd.msk.f32 $0xffff, v8, v8;
	_ =	sdelay $0xd  }
0x1f4: {  	v8, _, _ =	vpop (xrf1)  }
.LBB2_24:
0x1f5: {  	[tilespmem:$0x10600] =	vst v8  }
0x1f6: {  	_ =	swait.ge [sflag:s15], $0x8000  }
0x1f7: {  	[sflag:s15] =	ssyncset.done $0x0  }
0x1f8: {  	s19 =	simm.s32 $0x0;
	s20 =	simm.s32 $0x8200;
	[sflag:s15] =	ssyncadd.s32 $0xFFFF8000  }
0x1f9: {  	[tilespmem:s19], [sflag:$0x1] =	stream.strided.gather [hbm4b:s5+s9], $0x8000, s10, s9, $0x38;
	[tilespmem:$0x10680] =	vst v63  }
0x1fa: {  	v8 =	vld [tilespmem:s20+$0xFFFFFFD0]  }
0x1fb: {  	v9 =	vld [tilespmem:s20+$0xFFFFFFC0]  }
0x1fc: {  	v10 =	vld [tilespmem:s20+$0xFFFFFF90]  }
0x1fd: {  	v11 =	vld [tilespmem:s20+$0xFFFFFF80]  }
0x1fe: {  	v12 =	vld [tilespmem:s20+$0xFFFFFFF0]  }
0x1ff: {  	v13 =	vld [tilespmem:s20+$0xFFFFFF50]  }
0x200: {  	v14 =	vld [tilespmem:s20+$0xFFFFFFB0]  }
0x201: {  	v15 =	vld [tilespmem:s20+$0xFFFFFF10]  }
0x202: {  	v16 =	vld [tilespmem:s20+$0xFFFFFF70]  }
0x203: {  	v17 =	vld [tilespmem:s20+$0xFFFFFF40]  }
0x204: {  	v18 =	vld [tilespmem:s20+$0xFFFFFF30]  }
0x205: {  	v19 =	vld [tilespmem:s20+$0xFFFFFEA0]  }
0x206: {  	v20 =	vld [tilespmem:s20+$0xFFFFFF00]  }
0x207: {  	v21 =	vld [tilespmem:s20+$0xFFFFFEF0]  }
0x208: {  	v22 =	vld [tilespmem:s20+$0xFFFFFEC0]  }
0x209: {  	v23 =	vld [tilespmem:s20+$0xFFFFFEB0]  }
0x20a: {  	v24 =	vld [tilespmem:s20+$0xFFFFFE60]  }
0x20b: {  	v25 =	vld [tilespmem:s20+$0xFFFFFE80]  }
0x20c: {  	v26 =	vld [tilespmem:s20+$0xFFFFFE00]  }
0x20d: {  	v27 =	vld [tilespmem:s20+$0xFFFFFE70]  }
0x20e: {  	v28 =	vld [tilespmem:s20+$0xFFFFFE50]  }
0x20f: {  	v29 =	vld [tilespmem:s20+$0xFFFFFE40]  }
0x210: {  	v30 =	vld [tilespmem:s20+$0xFFFFFE30]  }
0x211: {  	v31 =	vld [tilespmem:s20+$0xFFFFFE20]  }
0x212: {  	v32 =	vld [tilespmem:s20+$0xFFFFFE10]  }
0x213: {  	v33 =	vld [tilespmem:s20+$0xFFFFFE90]  }
0x214: {  	v34 =	vld [tilespmem:s20+$0xFFFFFED0]  }
0x215: {  	v26 =	vmax.f32 v26, v29;
	v29 =	vld [tilespmem:s20+$0xFFFFFEE0]  }
0x216: {  	v27 =	vmax.f32 v30, v27;
	v24 =	vmax.f32 v31, v24;
	v25 =	vmax.f32 v26, v25;
	v26 =	vld [tilespmem:s20+$0xFFFFFF20]  }
0x217: {  	v23 =	vmax.f32 v27, v23;
	v27 =	vld [tilespmem:s20+$0xFFFFFF60];
	v22 =	vmax.f32 v25, v22;
	v25 =	vmax.f32 v32, v28  }
0x218: {  	v21 =	vmax.f32 v23, v21;
	v23 =	vld [tilespmem:s20+$0xFFFFFFA0];
	v20 =	vmax.f32 v22, v20;
	v22 =	vmax.f32 v25, v33  }
0x219: {  	v19 =	vmax.f32 v24, v19;
	v18 =	vmax.f32 v21, v18;
	v21 =	vmax.f32 v22, v34;
	v22 =	vld [tilespmem:s20+$0xFFFFFFE0]  }
0x21a: {  	v17 =	vmax.f32 v20, v17;
	v16 =	vmax.f32 v18, v16;
	v18 =	vmax.f32 v19, v29  }
0x21b: {  	v15 =	vmax.f32 v21, v15;
	v14 =	vmax.f32 v16, v14;
	v16 =	vmax.f32 v18, v26  }
0x21c: {  	v13 =	vmax.f32 v15, v13;
	v12 =	vmax.f32 v14, v12;
	v14 =	vmax.f32 v16, v27  }
0x21d: {  	v11 =	vmax.f32 v17, v11;
	v10 =	vmax.f32 v13, v10;
	v13 =	vmax.f32 v14, v23  }
0x21e: {  	v9 =	vmax.f32 v11, v9;
	v8 =	vmax.f32 v10, v8;
	v10 =	vmax.f32 v13, v22  }
0x21f: {  	v8 =	vmax.f32 v9, v8;
	v9 =	vmax.f32 v10, v12  }
0x220: {  	v8 =	vmax.f32 v8, v9  }
0x221: {  	(xrf1) =	vsort.dscd.msk.f32 $0xffff, v8, v8;
	_ =	sdelay $0x6  }
0x222: {  	v9 =	vmov s19  }
0x223: {  	v9 =	vand.u32 $0xFFFFFFFE, v9  }
0x224: {  	v9 =	vbroadcast v9, $0x0;
	_ =	sdelay $0x3  }
0x225: {  	s21 =	simm.s32 $0x10010  }
0x226: {  	[tilespmem:s21+$0xFFFFFFF0] =	vst v8;
	v8, _, _ =	vpop (xrf1)  }
0x227: {  	[tilespmem:v9+s13+$0x0] =	vst.idx.msk $0x1, v8  }
0x228: {  	v8 =	vld [tilespmem:s20+$0x1F0]  }
0x229: {  	v9 =	vld [tilespmem:s20+$0x1E0]  }
0x22a: {  	v22 =	vld [tilespmem:s20+$0x20]  }
0x22b: {  	v10 =	vld [tilespmem:s20+$0x180]  }
0x22c: {  	v11 =	vld [tilespmem:s20+$0x1A0]  }
0x22d: {  	v12 =	vld [tilespmem:s20+$0x170]  }
0x22e: {  	v13 =	vld [tilespmem:s20+$0x160]  }
0x22f: {  	v14 =	vld [tilespmem:s20+$0x130]  }
0x230: {  	v15 =	vld [tilespmem:s20+$0x120]  }
0x231: {  	v23 =	vld [tilespmem:s20+$0xA0]  }
0x232: {  	v17 =	vld [tilespmem:s20+$0xE0]  }
0x233: {  	v29 =	vld [tilespmem:s20+$0xD0]  }
0x234: {  	v19 =	vld [tilespmem:s20+$0x80]  }
0x235: {  	v27 =	vld [tilespmem:s20+$0x40]  }
0x236: {  	v18 =	vld [tilespmem:s20+$0xF0]  }
0x237: {  	v24 =	vld [tilespmem:s20+$0x50]  }
0x238: {  	v28 =	vld [tilespmem:s20+$0x90]  }
0x239: {  	v21 =	vld [tilespmem:s20+$0x70]  }
0x23a: {  	v20 =	vld [tilespmem:s20+$0x110]  }
0x23b: {  	v16 =	vld [tilespmem:s20+$0x150]  }
0x23c: {  	v30 =	vld [tilespmem:s20+$0x10]  }
0x23d: {  	v31 =	vld [tilespmem:s20+$0x60]  }
0x23e: {  	v63 =	vld [tilespmem:s20+$0x0]  }
0x23f: {  	v26 =	vld [tilespmem:s20+$0x30]  }
0x240: {  	v25 =	vld [tilespmem:s20+$0xB0]  }
0x241: {  	v30 =	vmax.f32 v30, v24;
	v24 =	vld [tilespmem:s20+$0xC0]  }
0x242: {  	v31 =	vmax.f32 v22, v31;
	v22 =	vld [tilespmem:s20+$0x100];
	v30 =	vmax.f32 v30, v28  }
0x243: {  	s23 =	simm.s32 $0x2;
	s24 =	simm.s32 $0x8200;
	s22 =	simm.s32 $0x10010;
	v28 =	vmax.f32 v63, v27;
	v27 =	vmax.f32 v31, v23;
	v23 =	vld [tilespmem:s20+$0x140];
	v29 =	vmax.f32 v30, v29  }
.LBB2_25:
0x244: {  	p0 =	slt.u32 s23, $0x3E;
	v21 =	vmax.f32 v26, v21;
	v26 =	vld [tilespmem:s20+$0x1B0];
	s21 =	sadd.s32 $0x20, s21;
	s24 =	sadd.s32 $0x400, s24  }
0x245: {  	v19 =	vmax.f32 v28, v19;
	v20 =	vmax.f32 v29, v20;
	s25 =	smov.u32 s23;
	s23 =	sadd.s32 $0x2, s23;
	v21 =	vmax.f32 v21, v25;
	v25 =	vld [tilespmem:s20+$0x1C0]  }
0x246: {  	v17 =	vmax.f32 v27, v17;
	v19 =	vmax.f32 v19, v24;
	v18 =	vmax.f32 v21, v18;
	v21 =	vld [tilespmem:s20+$0x190]  }
0x247: {  	v15 =	vmax.f32 v17, v15;
	v19 =	vmax.f32 v19, v22;
	v14 =	vmax.f32 v18, v14;
	v17 =	vld [tilespmem:s20+$0x1D0];
	s20 =	smov.u32 s24  }
0x248: {  	v13 =	vmax.f32 v15, v13;
	v18 =	vmax.f32 v19, v23;
	v12 =	vmax.f32 v14, v12  }
0x249: {  	v11 =	vmax.f32 v13, v11;
	v10 =	vmax.f32 v18, v10;
	v12 =	vmax.f32 v12, v26  }
0x24a: {  	v13 =	vmax.f32 v20, v16;
	v9 =	vmax.f32 v11, v9;
	v8 =	vmax.f32 v12, v8  }
0x24b: {  	v10 =	vmax.f32 v10, v25;
	v11 =	vmax.f32 v13, v21;
	v8 =	vmax.f32 v9, v8  }
0x24c: {  	v9 =	vmax.f32 v11, v17  }
0x24d: {  	v9 =	vmax.f32 v10, v9  }
0x24e: {  	v8 =	vmax.f32 v9, v8  }
0x24f: {  	[tilespmem:s22+$0x0] =	vst v8;
	(xrf1) =	vsort.dscd.msk.f32 $0xffff, v8, v8;
	s22 =	smov.u32 s21;
	_ =	sdelay $0x7  }
0x250: {  	s26 =	sadd.s32 $0x1, s19;
	s19 =	smov.u32 s25  }
0x251: {  	v8 =	vmov s26;
	_ =	sdelay $0x4  }
0x252: {  	v9, _, _ =	vpop (xrf1)  }
0x253: {  	[tilespmem:v8+s13+$0x0] =	vst.idx.msk $0x1, v9  }
0x254: {  	v8 =	vld [tilespmem:s24+$0xFFFFFFD0]  }
0x255: {  	v9 =	vld [tilespmem:s24+$0xFFFFFFC0]  }
0x256: {  	v10 =	vld [tilespmem:s24+$0xFFFFFF90]  }
0x257: {  	v11 =	vld [tilespmem:s24+$0xFFFFFF80]  }
0x258: {  	v12 =	vld [tilespmem:s24+$0xFFFFFFF0]  }
0x259: {  	v13 =	vld [tilespmem:s24+$0xFFFFFF50]  }
0x25a: {  	v14 =	vld [tilespmem:s24+$0xFFFFFFB0]  }
0x25b: {  	v15 =	vld [tilespmem:s24+$0xFFFFFF10]  }
0x25c: {  	v16 =	vld [tilespmem:s24+$0xFFFFFF70]  }
0x25d: {  	v17 =	vld [tilespmem:s24+$0xFFFFFF40]  }
0x25e: {  	v18 =	vld [tilespmem:s24+$0xFFFFFF30]  }
0x25f: {  	v19 =	vld [tilespmem:s24+$0xFFFFFEA0]  }
0x260: {  	v20 =	vld [tilespmem:s24+$0xFFFFFF00]  }
0x261: {  	v21 =	vld [tilespmem:s24+$0xFFFFFEF0]  }
0x262: {  	v22 =	vld [tilespmem:s24+$0xFFFFFEC0]  }
0x263: {  	v23 =	vld [tilespmem:s24+$0xFFFFFEB0]  }
0x264: {  	v24 =	vld [tilespmem:s24+$0xFFFFFE60]  }
0x265: {  	v25 =	vld [tilespmem:s24+$0xFFFFFE80]  }
0x266: {  	v26 =	vld [tilespmem:s24+$0xFFFFFE00]  }
0x267: {  	v27 =	vld [tilespmem:s24+$0xFFFFFE70]  }
0x268: {  	v28 =	vld [tilespmem:s24+$0xFFFFFE50]  }
0x269: {  	v29 =	vld [tilespmem:s24+$0xFFFFFE40]  }
0x26a: {  	v30 =	vld [tilespmem:s24+$0xFFFFFE30]  }
0x26b: {  	v31 =	vld [tilespmem:s24+$0xFFFFFE20]  }
0x26c: {  	v32 =	vld [tilespmem:s24+$0xFFFFFE10]  }
0x26d: {  	v33 =	vld [tilespmem:s24+$0xFFFFFE90]  }
0x26e: {  	v26 =	vmax.f32 v26, v29;
	v29 =	vld [tilespmem:s24+$0xFFFFFED0]  }
0x26f: {  	v27 =	vmax.f32 v30, v27;
	v25 =	vmax.f32 v26, v25;
	v26 =	vld [tilespmem:s24+$0xFFFFFEE0]  }
0x270: {  	v24 =	vmax.f32 v31, v24;
	v23 =	vmax.f32 v27, v23;
	v22 =	vmax.f32 v25, v22;
	v25 =	vld [tilespmem:s24+$0xFFFFFF20]  }
0x271: {  	v27 =	vmax.f32 v32, v28;
	v21 =	vmax.f32 v23, v21;
	v20 =	vmax.f32 v22, v20;
	v22 =	vld [tilespmem:s24+$0xFFFFFF60]  }
0x272: {  	v19 =	vmax.f32 v24, v19;
	v23 =	vmax.f32 v27, v33;
	v18 =	vmax.f32 v21, v18;
	v21 =	vld [tilespmem:s24+$0xFFFFFFA0]  }
0x273: {  	v17 =	vmax.f32 v20, v17;
	v23 =	vmax.f32 v23, v29;
	v16 =	vmax.f32 v18, v16;
	v18 =	vld [tilespmem:s24+$0xFFFFFFE0]  }
0x274: {  	v19 =	vmax.f32 v19, v26;
	v15 =	vmax.f32 v23, v15;
	v14 =	vmax.f32 v16, v14  }
0x275: {  	v16 =	vmax.f32 v19, v25;
	v13 =	vmax.f32 v15, v13;
	v12 =	vmax.f32 v14, v12  }
0x276: {  	v11 =	vmax.f32 v17, v11;
	v14 =	vmax.f32 v16, v22;
	v10 =	vmax.f32 v13, v10  }
0x277: {  	v9 =	vmax.f32 v11, v9;
	v13 =	vmax.f32 v14, v21;
	v8 =	vmax.f32 v10, v8  }
0x278: {  	v10 =	vmax.f32 v13, v18;
	v8 =	vmax.f32 v9, v8  }
0x279: {  	v9 =	vmax.f32 v10, v12  }
0x27a: {  	v8 =	vmax.f32 v8, v9  }
0x27b: {  	[tilespmem:s21+$0xFFFFFFF0] =	vst v8;
	(xrf1) =	vsort.dscd.msk.f32 $0xffff, v8, v8;
	_ =	sdelay $0x6  }
0x27c: {  	v8 =	vmov s19  }
0x27d: {  	v8 =	vand.u32 $0xFFFFFFFE, v8  }
0x27e: {  	v8 =	vbroadcast v8, $0x0;
	_ =	sdelay $0x4  }
0x27f: {  	v9, _, _ =	vpop (xrf1)  }
0x280: {  	[tilespmem:v8+s13+$0x0] =	vst.idx.msk $0x1, v9  }
0x281: {  	v8 =	vld [tilespmem:s24+$0x1F0]  }
0x282: {  	v9 =	vld [tilespmem:s24+$0x1E0]  }
0x283: {  	v22 =	vld [tilespmem:s24+$0x20]  }
0x284: {  	v10 =	vld [tilespmem:s24+$0x180]  }
0x285: {  	v11 =	vld [tilespmem:s24+$0x1A0]  }
0x286: {  	v12 =	vld [tilespmem:s24+$0x170]  }
0x287: {  	v13 =	vld [tilespmem:s24+$0x160]  }
0x288: {  	v14 =	vld [tilespmem:s24+$0x130]  }
0x289: {  	v15 =	vld [tilespmem:s24+$0x120]  }
0x28a: {  	v23 =	vld [tilespmem:s24+$0xA0]  }
0x28b: {  	v17 =	vld [tilespmem:s24+$0xE0]  }
0x28c: {  	v29 =	vld [tilespmem:s24+$0xD0]  }
0x28d: {  	v19 =	vld [tilespmem:s24+$0x80]  }
0x28e: {  	v27 =	vld [tilespmem:s24+$0x40]  }
0x28f: {  	v18 =	vld [tilespmem:s24+$0xF0]  }
0x290: {  	v24 =	vld [tilespmem:s24+$0x50]  }
0x291: {  	v28 =	vld [tilespmem:s24+$0x90]  }
0x292: {  	v21 =	vld [tilespmem:s24+$0x70]  }
0x293: {  	v20 =	vld [tilespmem:s24+$0x110]  }
0x294: {  	v16 =	vld [tilespmem:s24+$0x150]  }
0x295: {  	v30 =	vld [tilespmem:s24+$0x10]  }
0x296: {  	v31 =	vld [tilespmem:s24+$0x60]  }
0x297: {  	v32 =	vld [tilespmem:s24+$0x0]  }
.Ltmp15:
0x298: {  	v26 =	vld [tilespmem:s24+$0x30];
	(pc) =	sbr.rel @p0 .LBB2_25-.Ltmp15, $4  }
0x299: {  	v25 =	vld [tilespmem:s24+$0xB0]  }
0x29a: {  	v30 =	vmax.f32 v30, v24;
	v24 =	vld [tilespmem:s24+$0xC0]  }
0x29b: {  	v31 =	vmax.f32 v22, v31;
	v30 =	vmax.f32 v30, v28;
	v22 =	vld [tilespmem:s24+$0x100]  }
0x29c: {  	v28 =	vmax.f32 v32, v27;
	v27 =	vmax.f32 v31, v23;
	v29 =	vmax.f32 v30, v29;
	v23 =	vld [tilespmem:s24+$0x140]  }
0x29d: {  	v30 =	vld [tilespmem:s20+$0x1B0]  }
0x29e: {  	v21 =	vmax.f32 v26, v21;
	v58 =	vld [tilespmem:s20+$0x1C0]  }
0x29f: {  	v19 =	vmax.f32 v28, v19;
	v20 =	vmax.f32 v29, v20;
	v59 =	vld [tilespmem:s20+$0x190];
	v17 =	vmax.f32 v27, v17  }
0x2a0: {  	v60 =	vld [tilespmem:s20+$0x1D0];
	v21 =	vmax.f32 v21, v25;
	v15 =	vmax.f32 v17, v15;
	v62 =	vmax.f32 v20, v16  }
0x2a1: {  	v19 =	vmax.f32 v19, v24;
	v18 =	vmax.f32 v21, v18;
	v13 =	vmax.f32 v15, v13  }
0x2a2: {  	v19 =	vmax.f32 v19, v22;
	v14 =	vmax.f32 v18, v14;
	v11 =	vmax.f32 v13, v11  }
0x2a3: {  	v61 =	vmax.f32 v19, v23;
	v12 =	vmax.f32 v14, v12;
	v9 =	vmax.f32 v11, v9  }
0x2a4: {  	v10 =	vmax.f32 v61, v10;
	v12 =	vmax.f32 v12, v30;
	v11 =	vmax.f32 v62, v59  }
0x2a5: {  	v8 =	vmax.f32 v12, v8;
	v10 =	vmax.f32 v10, v58;
	v11 =	vmax.f32 v11, v60  }
0x2a6: {  	v8 =	vmax.f32 v9, v8;
	v9 =	vmax.f32 v10, v11  }
0x2a7: {  	v8 =	vmax.f32 v9, v8  }
0x2a8: {  	(xrf1) =	vsort.dscd.msk.f32 $0xffff, v8, v8;
	_ =	sdelay $0x8  }
0x2a9: {  	s19 =	sadd.s32 $0x1, s19  }
0x2aa: {  	v9 =	vmov s19;
	_ =	sdelay $0x3  }
0x2ab: {  	[tilespmem:s22+$0x0] =	vst v8;
	v8, _, _ =	vpop (xrf1)  }
0x2ac: {  	[tilespmem:v9+s13+$0x0] =	vst.idx.msk $0x1, v8  }
0x2ad: {  	v9 =	vld [tilespmem:$0x10400]  }
0x2ae: {  	v8 =	vld [tilespmem:$0x10410]  }
0x2af: {  	v10 =	vld [tilespmem:$0x10420]  }
0x2b0: {  	v11 =	vld [tilespmem:$0x10430];
	_ =	sdelay $0x1  }
0x2b1: {  	(xrf1) =	vsort.dscd.msk.f32 $0xffff, v9, v9  }
0x2b2: {  	(xrf1) =	vsort.dscd.msk.f32 $0xffff, v8, v8  }
0x2b3: {  	(xrf1) =	vsort.dscd.msk.f32 $0xffff, v10, v10  }
0x2b4: {  	(xrf1) =	vsort.dscd.msk.f32 $0xffff, v11, v11;
	_ =	sdelay $0xa  }
0x2b5: {  	v8, _, _ =	vpop (xrf1)  }
0x2b6: {  	v10, _, _ =	vpop (xrf1)  }
0x2b7: {  	v11, _, _ =	vpop (xrf1)  }
0x2b8: {  	v10 =	vperm.xlane v10, v2;
	v63, _, _ =	vpop (xrf1)  }
0x2b9: {  	v12 =	vperm.xlane v63, v2  }
0x2ba: {  	v8 =	vmax.f32 v8, v10  }
0x2bb: {  	(xrf1) =	vsort.dscd.msk.f32 $0xffff, v8, v8;
	v8 =	vmax.f32 v11, v12  }
0x2bc: {  	(xrf1) =	vsort.dscd.msk.f32 $0xffff, v8, v8;
	_ =	sdelay $0xc  }
0x2bd: {  	v8, _, _ =	vpop (xrf1)  }
0x2be: {  	v10, _, _ =	vpop (xrf1)  }
0x2bf: {  	v10 =	vperm.xlane v10, v2;
	_ =	sdelay $0x1  }
0x2c0: {  	v8 =	vmax.f32 v8, v10  }
0x2c1: {  	(xrf1) =	vsort.dscd.msk.f32 $0xffff, v8, v8;
	_ =	sdelay $0xd  }
0x2c2: {  	v8, _, _ =	vpop (xrf1)  }
0x2c3: {  	(xrf0) =	vmin.scan.msk.f32 $0xffff, v8;
	_ =	sdelay $0x5  }
0x2c4: {  	v8, _, _ =	vpop (xrf0)  }
0x2c5: {  	v8 =	vbroadcast v8, $0xF;
	_ =	sdelay $0x1  }
0x2c6: {  	vm0 =	vgt.f32 v9, v8  }
0x2c7: {  	v9 =	vsel vm0, $0x1, v3  }
0x2c8: {  	(xrf0) =	vadd.scan.msk.s32 $0xffff, v9;
	_ =	sdelay $0x5  }
0x2c9: {  	v9, _, _ =	vpop (xrf0)  }
0x2ca: {  	v9 =	vadd.s32 $0xFFFFFFFF, v9  }
0x2cb: {  	v9 =	vnsel vm0, $0x1F, v9;
	_ =	sdelay $0x3  }
0x2cc: {  	s19 =	simm.s32 $0x10480  }
0x2cd: {  	[tilespmem:v9+s19+$0x0] =	vst.idx.msk vm0, v0  }
0x2ce: {  	v9 =	vld [tilespmem:$0x10410];
	_ =	sdelay $0x4  }
0x2cf: {  	vm1 =	vgt.f32 v9, v8  }
0x2d0: {  	v9 =	vsel vm1, $0x1, v3  }
0x2d1: {  	(xrf0) =	vadd.scan.msk.s32 $0xffff, v9;
	_ =	sdelay $0x4  }
0x2d2: {  	v9 =	vmpcnt.ones.xlane vm0  }
0x2d3: {  	v10, _, _ =	vpop (xrf0)  }
0x2d4: {  	v10 =	vadd.s32 v10, v9  }
0x2d5: {  	v10 =	vadd.s32 $0xFFFFFFFF, v10  }
0x2d6: {  	v10 =	vnsel vm1, $0x1F, v10;
	_ =	sdelay $0x4  }
0x2d7: {  	[tilespmem:v10+s19+$0x0] =	vst.idx.msk vm1, v4  }
0x2d8: {  	v10 =	vld [tilespmem:$0x10420];
	_ =	sdelay $0x4  }
0x2d9: {  	vm14 =	vgt.f32 v10, v8  }
0x2da: {  	v10 =	vsel vm14, $0x1, v3  }
0x2db: {  	(xrf0) =	vadd.scan.msk.s32 $0xffff, v10;
	_ =	sdelay $0x1  }
0x2dc: {  	v10 =	vmpcnt.ones.xlane vm1;
	_ =	sdelay $0x3  }
0x2dd: {  	v9 =	vadd.s32 v9, v10;
	v10, _, _ =	vpop (xrf0)  }
0x2de: {  	v10 =	vadd.s32 v10, v9  }
0x2df: {  	v10 =	vadd.s32 $0xFFFFFFFF, v10  }
0x2e0: {  	v10 =	vnsel vm14, $0x1F, v10;
	_ =	sdelay $0x4  }
0x2e1: {  	[tilespmem:v10+s19+$0x0] =	vst.idx.msk vm14, v5  }
0x2e2: {  	v10 =	vld [tilespmem:$0x10430];
	_ =	sdelay $0x4  }
0x2e3: {  	v11 =	vmpcnt.ones.xlane vm14;
	vm15 =	vgt.f32 v10, v8  }
0x2e4: {  	v10 =	vmpcnt.ones.xlane vm15  }
0x2e5: {  	v9 =	vadd.s32 v9, v11  }
0x2e6: {  	v11 =	vsel vm15, $0x1, v3;
	v10 =	vadd.s32 v9, v10  }
0x2e7: {  	(xrf0) =	vadd.scan.msk.s32 $0xffff, v11;
	v10 =	vxor.u32 $0x80000000, v10  }
0x2e8: {  	(xrf0) =	vmax.scan.msk.u32 $0xffff, v10;
	_ =	sdelay $0x4  }
0x2e9: {  	v10, _, _ =	vpop (xrf0)  }
0x2ea: {  	v11, _, _ =	vpop (xrf0)  }
0x2eb: {  	(v2sf) =	vpush v11, $0xF;
	_ =	sdelay $0xe  }
0x2ec: {  	v9 =	vadd.s32 v10, v9;
	s31 =	spop (v2sf)  }
0x2ed: {  	v9 =	vadd.s32 $0xFFFFFFFF, v9;
	s20 =	sxor.u32 $0x80000000, s31  }
0x2ee: {  	v9 =	vnsel vm15, $0x1F, v9;
	p0 =	slt.s32 s20, $0x1  }
.Ltmp16:
0x2ef: {  	_ = 	snop;
	(pc) =	sbr.rel @p0 .LBB2_27-.Ltmp16, $2  }
0x2f0: {  	_ =	sdelay $0x2  }
0x2f1: {  	[tilespmem:v9+s19+$0x0] =	vst.idx.msk vm15, v6;
	v9 =	vimm.s32 $0x0  }
0x2f2: {  	p0 =	sne.s32 s20, $0x1  }
.Ltmp17:
0x2f3: {  	_ = 	snop;
	(pc) =	sbr.rel @!p0 .LBB2_30-.Ltmp17, $2  }
0x2f4: {  	_ =	sdelay $0x2  }
0x2f5: {  	v11 =	vld [tilespmem:s19+$0x0];
	s20 =	sadd.s32 $0xFFFFFFFF, s20;
	v10 =	vimm.s32 $0x0  }
.LBB2_29:
0x2f6: {  	p0 =	sne.s32 s20, $0x1;
	_ =	sdelay $0x3  }
0x2f7: {  	(v2sf) =	vpush v11, $0x0;
	_ =	sdelay $0xe  }
0x2f8: {  	s21 =	spop (v2sf)  }
0x2f9: {  	s21 =	sshll.u32 s21, $0x4  }
0x2fa: {  	v11 =	vld [tilespmem:s21+$0x10000];
	_ =	sdelay $0x4  }
0x2fb: {  	vm0 =	vgt.f32 v11, v8  }
0x2fc: {  	v11 =	vmpcnt.ones.xlane vm0;
	v12 =	vsel vm0, $0x1, v3  }
0x2fd: {  	(xrf0) =	vadd.scan.msk.s32 $0xffff, v12  }
0x2fe: {  	v9 =	vadd.s32 v9, v11;
	_ =	sdelay $0x4  }
0x2ff: {  	v11, _, _ =	vpop (xrf0)  }
0x300: {  	v11 =	vadd.s32 v11, v10;
	v10 =	vmov v9  }
0x301: {  	v11 =	vadd.s32 $0xFFFFFFFF, v11  }
0x302: {  	v11 =	vnsel vm0, $0xFF, v11;
	_ =	sdelay $0x1  }
.Ltmp18:
0x303: {  	(pc) =	sbr.rel @p0 .LBB2_29-.Ltmp18, $4  }
0x304: {  	_ = 	snop  }
0x305: {  	v12 =	vor.u32 s21, v0  }
0x306: {  	s19 =	sadd.s32 $0x1, s19;
	[tilespmem:v11+s14+$0x0] =	vst.idx.msk vm0, v12  }
0x307: {  	s20 =	sadd.s32 $0xFFFFFFFF, s20;
	v11 =	vld [tilespmem:s19+$0x0]  }
.LBB2_30:
0x308: {  	_ =	sdelay $0x3  }
0x309: {  	(v2sf) =	vpush v11, $0x0;
	_ =	sdelay $0xe  }
0x30a: {  	s19 =	spop (v2sf)  }
0x30b: {  	s19 =	sshll.u32 s19, $0x4  }
0x30c: {  	v11 =	vld [tilespmem:s19+$0x10000];
	_ =	sdelay $0x4  }
0x30d: {  	vm0 =	vgt.f32 v11, v8  }
0x30e: {  	v11 =	vsel vm0, $0x1, v3  }
0x30f: {  	(xrf0) =	vadd.scan.msk.s32 $0xffff, v11;
	_ =	sdelay $0x5  }
0x310: {  	v11, _, _ =	vpop (xrf0)  }
0x311: {  	v10 =	vadd.s32 v11, v10  }
0x312: {  	v10 =	vadd.s32 $0xFFFFFFFF, v10  }
0x313: {  	v10 =	vnsel vm0, $0xFF, v10  }
.Ltmp19:
0x314: {  	_ = 	snop;
	(pc) =	sbr.rel .LBB2_31-.Ltmp19, $3  }
0x315: {  	v11 =	vmpcnt.ones.xlane vm0;
	_ =	sdelay $0x1  }
0x316: {  	v9 =	vadd.s32 v9, v11;
	v11 =	vor.u32 s19, v0  }
0x317: {  	v9 =	vxor.u32 $0x80000000, v9;
	[tilespmem:v10+s14+$0x0] =	vst.idx.msk vm0, v11  }
.LBB2_27:
0x318: {  	v9 =	vimm.s32 $0x80000000  }
.LBB2_31:
0x319: {  	(xrf0) =	vmax.scan.msk.u32 $0xffff, v9;
	_ =	sdelay $0x5  }
0x31a: {  	v9, _, _ =	vpop (xrf0)  }
0x31b: {  	(v2sf) =	vpush v9, $0xF;
	_ =	sdelay $0xe  }
0x31c: {  	s19 =	spop (v2sf)  }
0x31d: {  	s20 =	sxor.u32 $0x80000000, s19  }
0x31e: {  	p0 =	slt.s32 s20, $0x1  }
.Ltmp20:
0x31f: {  	_ = 	snop;
	(pc) =	sbr.rel @p0 .LBB2_47-.Ltmp20, $2  }
0x320: {  	_ =	sdelay $0x2  }
0x321: {  	s19 =	simm.s32 $0x10500  }
0x322: {  	p5 =	sne.s32 s20, $0x1  }
.Ltmp21:
0x323: {  	_ = 	snop;
	(pc) =	sbr.rel @!p5 .LBB2_33-.Ltmp21, $3  }
0x324: {  	_ =	sdelay $0x1  }
0x325: {  	s20 =	sadd.s32 $0xFFFFFFFF, s20;
	p0 =	por $0x0, $0x0;
	p1 =	por $0x0, $0x0  }
0x326: {  	v9 =	vld [tilespmem:s19+$0x0];
	p2 =	por $0x0, $0x0;
	p3 =	por $0x0, $0x0;
	p6 =	por $0x0, $0x0  }
0x327: {  	p5 =	sne.s32 s20, $0x1  }
.Ltmp22:
0x328: {  	_ = 	snop;
	(pc) =	sbr.rel @!p5 .LBB2_35-.Ltmp22, $3  }
0x329: {  	_ =	sdelay $0x1  }
0x32a: {  	s19 =	sadd.s32 $0x1, s19  }
0x32b: {  	s20 =	sadd.s32 $0xFFFFFFFF, s20;
	p0 =	por $0x1, $0x1;
	(v2sf) =	vpush v9, $0x0;
	v9 =	vld [tilespmem:s19+$0x0]  }
0x32c: {  	_ =	sdelay $0xd  }
0x32d: {  	s21 =	spop (v2sf)  }
0x32e: {  	s22 =	sand.u32 $0xF, s21  }
0x32f: {  	s23 =	sshra.s32 s21, $0x1F;
	p1 =	slt.s32 s21, $0x1;
	p5 =	sne.s32 s22, $0x0  }
0x330: {  	s31 =	sshrl.u32 s23, $0x1C;
	p1 =	por !p1, !p5  }
0x331: {  	s23 =	simm.s32 $0x1;
	s22 =	sadd.s32 s31, s21;
	p1 =	por !p1, !p1  }
0x332: {  	p5 =	sne.s32 s20, $0x1;
	s22 =	sshra.s32 s22, $0x4;
	s23 =	simm.s32 @!p1 $0x0  }
.Ltmp23:
0x333: {  	s22 =	ssub.s32 s22, s23;
	(pc) =	sbr.rel @!p5 .LBB2_37-.Ltmp23, $4  }
0x334: {  	s23 =	sshll.u32 s22, $0x4  }
0x335: {  	s22 =	sshll.u32 s22, $0x9;
	s21 =	ssub.s32 s21, s23  }
0x336: {  	s19 =	sadd.s32 $0x1, s19;
	s21 =	sadd.s32 s22, s21  }
0x337: {  	(v2sf) =	vpush v9, $0x0;
	v9 =	vld [tilespmem:s19+$0x0];
	s20 =	sadd.s32 $0xFFFFFFFF, s20;
	p1 =	por $0x1, $0x1;
	v13 =	vadd.s32 s21, v7;
	v12 =	vadd.s32 s21, v1  }
0x338: {  	_ =	sdelay $0xd  }
0x339: {  	s21 =	spop (v2sf)  }
0x33a: {  	s22 =	sand.u32 $0xF, s21  }
0x33b: {  	s23 =	sshra.s32 s21, $0x1F;
	p2 =	slt.s32 s21, $0x1;
	p5 =	sne.s32 s22, $0x0  }
0x33c: {  	s31 =	sshrl.u32 s23, $0x1C;
	p2 =	por !p2, !p5  }
0x33d: {  	v10 =	vld.idx.msk [tilespmem:v13+s12+$0x0], $0xffff;
	s23 =	simm.s32 $0x1;
	s22 =	sadd.s32 s31, s21;
	p2 =	por !p2, !p2  }
0x33e: {  	v11 =	vld.idx.msk [tilespmem:v12+s12+$0x0], $0xffff;
	p5 =	sne.s32 s20, $0x1;
	s22 =	sshra.s32 s22, $0x4;
	s23 =	simm.s32 @!p2 $0x0  }
.Ltmp24:
0x33f: {  	s22 =	ssub.s32 s22, s23;
	(pc) =	sbr.rel @!p5 .LBB2_39-.Ltmp24, $4  }
0x340: {  	s23 =	sshll.u32 s22, $0x4  }
0x341: {  	s22 =	sshll.u32 s22, $0x9;
	s21 =	ssub.s32 s21, s23  }
0x342: {  	s19 =	sadd.s32 $0x1, s19;
	(xrf1) =	vsort.dscd.msk.f32 $0xffff, v10, v10;
	s21 =	sadd.s32 s22, s21  }
0x343: {  	(xrf1) =	vsort.dscd.msk.f32 $0xffff, v11, v11;
	(v2sf) =	vpush v9, $0x0;
	v9 =	vld [tilespmem:s19+$0x0];
	s20 =	sadd.s32 $0xFFFFFFFF, s20;
	p2 =	por $0x1, $0x1;
	v13 =	vadd.s32 s21, v7;
	v12 =	vadd.s32 s21, v1  }
0x344: {  	_ =	sdelay $0xd  }
0x345: {  	s21 =	spop (v2sf)  }
0x346: {  	s22 =	sand.u32 $0xF, s21  }
0x347: {  	s23 =	sshra.s32 s21, $0x1F;
	p3 =	slt.s32 s21, $0x1;
	p5 =	sne.s32 s22, $0x0  }
0x348: {  	v10 =	vld.idx.msk [tilespmem:v13+s12+$0x0], $0xffff;
	s31 =	sshrl.u32 s23, $0x1C;
	p3 =	por !p3, !p5  }
0x349: {  	v11 =	vld.idx.msk [tilespmem:v12+s12+$0x0], $0xffff;
	s23 =	simm.s32 $0x1;
	s22 =	sadd.s32 s31, s21;
	p3 =	por !p3, !p3  }
0x34a: {  	p5 =	sne.s32 s20, $0x1;
	s22 =	sshra.s32 s22, $0x4;
	s23 =	simm.s32 @!p3 $0x0  }
.Ltmp25:
0x34b: {  	v63, _, _ =	vpop (xrf1);
	s22 =	ssub.s32 s22, s23;
	(pc) =	sbr.rel @!p5 .LBB2_41-.Ltmp25, $4  }
0x34c: {  	v12 =	vperm.xlane v63, v2;
	s23 =	sshll.u32 s22, $0x4  }
0x34d: {  	(xrf1) =	vsort.dscd.msk.f32 $0xffff, v10, v10;
	v10, _, _ =	vpop (xrf1);
	s22 =	sshll.u32 s22, $0x9;
	s21 =	ssub.s32 s21, s23  }
0x34e: {  	s19 =	sadd.s32 $0x1, s19;
	(xrf1) =	vsort.dscd.msk.f32 $0xffff, v11, v11;
	(v2sf) =	vpush v9, $0x0;
	v9 =	vmax.f32 v10, v12;
	s21 =	sadd.s32 s22, s21  }
0x34f: {  	(xrf1) =	vsort.dscd.msk.f32 $0xffff, v9, v9;
	v9 =	vld [tilespmem:s19+$0x0];
	s20 =	sadd.s32 $0xFFFFFFFF, s20;
	p3 =	por $0x1, $0x1;
	v10 =	vadd.s32 s21, v7;
	v11 =	vadd.s32 s21, v1  }
0x350: {  	_ =	sdelay $0xc  }
0x351: {  	v12 =	vld.idx.msk [tilespmem:v10+s12+$0x0], $0xffff;
	s21 =	spop (v2sf)  }
0x352: {  	v13 =	vld.idx.msk [tilespmem:v11+s12+$0x0], $0xffff;
	(v2sf) =	vpush v9, $0x0;
	s22 =	sand.u32 $0xF, s21  }
0x353: {  	s23 =	sshra.s32 s21, $0x1F;
	p4 =	slt.s32 s21, $0x1;
	p5 =	sne.s32 s22, $0x0  }
0x354: {  	v14, _, _ =	vpop (xrf1);
	s31 =	sshrl.u32 s23, $0x1C;
	p4 =	por !p4, !p5  }
0x355: {  	v15, _, _ =	vpop (xrf1);
	v14 =	vperm.xlane v14, v2;
	s23 =	simm.s32 $0x1;
	s22 =	sadd.s32 s31, s21;
	p4 =	por !p4, !p4  }
0x356: {  	(xrf1) =	vsort.dscd.msk.f32 $0xffff, v12, v12;
	v16, _, _ =	vpop (xrf1);
	s22 =	sshra.s32 s22, $0x4;
	s23 =	simm.s32 @!p4 $0x0  }
0x357: {  	(xrf1) =	vsort.dscd.msk.f32 $0xffff, v13, v13;
	v12 =	vperm.xlane v16, v2;
	v13 =	vmax.f32 v15, v14;
	s22 =	ssub.s32 s22, s23  }
0x358: {  	(xrf1) =	vsort.dscd.msk.f32 $0xffff, v13, v13;
	p5 =	sne.s32 s20, $0x1;
	s23 =	sshll.u32 s22, $0x4  }
.Ltmp26:
0x359: {  	v9 =	vmax.f32 v8, v12;
	s22 =	sshll.u32 s22, $0x9;
	s21 =	ssub.s32 s21, s23;
	(pc) =	sbr.rel @!p5 .LBB2_43-.Ltmp26, $4  }
0x35a: {  	(xrf1) =	vsort.dscd.msk.f32 $0xffff, v9, v9;
	s21 =	sadd.s32 s22, s21  }
0x35b: {  	v13 =	vadd.s32 s21, v7  }
0x35c: {  	s19 =	sadd.s32 $0x1, s19;
	v12 =	vadd.s32 s21, v1  }
0x35d: {  	s20 =	sadd.s32 $0xFFFFFFFF, s20;
	v9 =	vld [tilespmem:s19+$0x0]  }
.LBB2_44:
0x35e: {  	p5 =	sne.s32 s20, $0x1;
	_ =	sdelay $0x1  }
0x35f: {  	v13 =	vld.idx.msk [tilespmem:v13+s12+$0x0], $0xffff  }
0x360: {  	s21 =	spop (v2sf);
	v12 =	vld.idx.msk [tilespmem:v12+s12+$0x0], $0xffff  }
0x361: {  	(v2sf) =	vpush v9, $0x0;
	s22 =	sand.u32 $0xF, s21  }
0x362: {  	s23 =	sshra.s32 s21, $0x1F;
	p6 =	slt.s32 s21, $0x1;
	p4 =	sne.s32 s22, $0x0  }
0x363: {  	s22 =	sshrl.u32 s23, $0x1C;
	p4 =	por !p6, !p4;
	v9, _, _ =	vpop (xrf1)  }
0x364: {  	s23 =	simm.s32 $0x1;
	s22 =	sadd.s32 s22, s21;
	p4 =	por !p4, !p4;
	v15 =	vperm.xlane v9, v2;
	v14, _, _ =	vpop (xrf1)  }
0x365: {  	s22 =	sshra.s32 s22, $0x4;
	s23 =	simm.s32 @!p4 $0x0;
	(xrf1) =	vsort.dscd.msk.f32 $0xffff, v13, v13;
	v13, _, _ =	vpop (xrf1)  }
0x366: {  	s22 =	ssub.s32 s22, s23;
	(xrf1) =	vsort.dscd.msk.f32 $0xffff, v12, v12;
	v14 =	vmax.f32 v14, v15;
	v12 =	vperm.xlane v13, v2  }
0x367: {  	s23 =	sshll.u32 s22, $0x4;
	(xrf1) =	vsort.dscd.msk.f32 $0xffff, v14, v14;
	v9, _, _ =	vpop (xrf1)  }
.Ltmp27:
0x368: {  	s22 =	sshll.u32 s22, $0x9;
	s21 =	ssub.s32 s21, s23;
	v9 =	vmax.f32 v9, v12;
	(pc) =	sbr.rel @p5 .LBB2_44-.Ltmp27, $4  }
0x369: {  	s21 =	sadd.s32 s22, s21;
	(xrf1) =	vsort.dscd.msk.f32 $0xffff, v9, v9  }
0x36a: {  	v13 =	vadd.s32 s21, v7  }
0x36b: {  	s19 =	sadd.s32 $0x1, s19;
	v12 =	vadd.s32 s21, v1  }
0x36c: {  	s20 =	sadd.s32 $0xFFFFFFFF, s20;
	v9 =	vld [tilespmem:s19+$0x0]  }
0x36d: {  	p6 =	por $0x1, $0x1  }
.LBB2_46:
0x36e: {  	_ =	sdelay $0x3  }
0x36f: {  	v13 =	vld.idx.msk @p1 [tilespmem:v13+s12+$0x0], $0xffff;
	s19 =	spop @p0 (v2sf)  }
0x370: {  	v12 =	vld.idx.msk @p1 [tilespmem:v12+s12+$0x0], $0xffff;
	s20 =	sand.u32 @p0 $0xF, s19  }
0x371: {  	p4 =	slt.s32 @p0 s19, $0x1;
	p5 =	sne.s32 @p0 s20, $0x0;
	v14, _, _ =	vpop @p2 (xrf1)  }
0x372: {  	s20 =	sshra.s32 @p0 s19, $0x1F;
	p4 =	por @p0 !p4, !p5;
	v15, _, _ =	vpop @p2 (xrf1)  }
0x373: {  	(v2sf) =	vpush v9, $0x0;
	s20 =	sshrl.u32 @p0 s20, $0x1C;
	p4 =	por @p0 !p4, !p4;
	v9 =	vperm.xlane @p2 v14, v2;
	v14, _, _ =	vpop @p3 (xrf1)  }
0x374: {  	s21 =	simm.s32 $0x1;
	(xrf1) =	vsort.dscd.msk.f32 @p1 $0xffff, v13, v13;
	s20 =	sadd.s32 @p0 s20, s19;
	p4 =	por !p4, !p0;
	v13 =	vperm.xlane @p3 v14, v2;
	v14, _, _ =	vpop @p6 (xrf1)  }
0x375: {  	(xrf1) =	vsort.dscd.msk.f32 @p1 $0xffff, v12, v12;
	s20 =	sshra.s32 @p0 s20, $0x4;
	s21 =	simm.s32 @p4 $0x0;
	v9 =	vmax.f32 @p2 v15, v9;
	v12 =	vpsel p6, v14, v8  }
0x376: {  	s20 =	ssub.s32 @p0 s20, s21;
	(xrf1) =	vsort.dscd.msk.f32 @p2 $0xffff, v9, v9;
	v9 =	vmax.f32 @p3 v12, v13  }
0x377: {  	s21 =	sshll.u32 @p0 s20, $0x4;
	(xrf1) =	vsort.dscd.msk.f32 @p3 $0xffff, v9, v9  }
0x378: {  	s20 =	sshll.u32 @p0 s20, $0x9;
	s19 =	ssub.s32 @p0 s19, s21  }
0x379: {  	s19 =	sadd.s32 @p0 s20, s19  }
0x37a: {  	v9 =	vadd.s32 @p0 s19, v7  }
0x37b: {  	v12 =	vadd.s32 @p0 s19, v1;
	v9 =	vpsel p0, v9, v10  }
0x37c: {  	v10 =	vpsel p0, v12, v11;
	_ =	sdelay $0x3  }
0x37d: {  	v9 =	vld.idx.msk @p0 [tilespmem:v9+s12+$0x0], $0xffff  }
0x37e: {  	v10 =	vld.idx.msk @p0 [tilespmem:v10+s12+$0x0], $0xffff  }
0x37f: {  	s28 =	spop (v2sf);
	v11, _, _ =	vpop @p1 (xrf1)  }
0x380: {  	s29 =	sand.u32 $0xF, s28;
	v12, _, _ =	vpop @p1 (xrf1)  }
0x381: {  	s30 =	sshra.s32 s28, $0x1F;
	p5 =	slt.s32 s28, $0x1;
	p6 =	sne.s32 s29, $0x0;
	v11 =	vperm.xlane @p1 v11, v2;
	v13, _, _ =	vpop @p2 (xrf1)  }
0x382: {  	s31 =	sshrl.u32 s30, $0x1C;
	p4 =	por !p5, !p6;
	(xrf1) =	vsort.dscd.msk.f32 @p0 $0xffff, v9, v9;
	v9 =	vperm.xlane @p2 v13, v2;
	v13, _, _ =	vpop @p3 (xrf1)  }
0x383: {  	s21 =	simm.s32 $0x1;
	s20 =	sadd.s32 s31, s28;
	p4 =	por !p4, !p4;
	(xrf1) =	vsort.dscd.msk.f32 @p0 $0xffff, v10, v10;
	v10 =	vmax.f32 @p1 v12, v11;
	v11 =	vpsel p3, v13, v8  }
0x384: {  	s20 =	sshra.s32 s20, $0x4;
	s21 =	simm.s32 @!p4 $0x0;
	(xrf1) =	vsort.dscd.msk.f32 @p1 $0xffff, v10, v10;
	v9 =	vmax.f32 @p2 v11, v9  }
0x385: {  	s20 =	ssub.s32 s20, s21;
	(xrf1) =	vsort.dscd.msk.f32 @p2 $0xffff, v9, v9  }
0x386: {  	s21 =	sshll.u32 s20, $0x4  }
0x387: {  	s20 =	sshll.u32 s20, $0x9;
	s19 =	ssub.s32 s28, s21  }
0x388: {  	s19 =	sadd.s32 s20, s19  }
0x389: {  	v9 =	vadd.s32 s19, v7  }
0x38a: {  	v10 =	vadd.s32 s19, v1;
	_ =	sdelay $0x3  }
0x38b: {  	v9 =	vld.idx.msk [tilespmem:v9+s12+$0x0], $0xffff  }
0x38c: {  	v10 =	vld.idx.msk [tilespmem:v10+s12+$0x0], $0xffff  }
0x38d: {  	v11, _, _ =	vpop @p0 (xrf1)  }
0x38e: {  	v12, _, _ =	vpop @p0 (xrf1)  }
0x38f: {  	v11 =	vperm.xlane @p0 v11, v2;
	v13, _, _ =	vpop @p1 (xrf1)  }
0x390: {  	(xrf1) =	vsort.dscd.msk.f32 $0xffff, v9, v9;
	v9 =	vperm.xlane @p1 v13, v2;
	v13, _, _ =	vpop @p2 (xrf1)  }
0x391: {  	(xrf1) =	vsort.dscd.msk.f32 $0xffff, v10, v10;
	v10 =	vmax.f32 @p0 v12, v11;
	v11 =	vpsel p2, v13, v8  }
0x392: {  	(xrf1) =	vsort.dscd.msk.f32 @p0 $0xffff, v10, v10;
	v9 =	vmax.f32 @p1 v11, v9  }
0x393: {  	(xrf1) =	vsort.dscd.msk.f32 @p1 $0xffff, v9, v9;
	_ =	sdelay $0xa  }
0x394: {  	v9, _, _ =	vpop (xrf1)  }
0x395: {  	v10, _, _ =	vpop (xrf1)  }
0x396: {  	v9 =	vperm.xlane v9, v2;
	v11, _, _ =	vpop @p0 (xrf1)  }
0x397: {  	v11 =	vperm.xlane @p0 v11, v2;
	v12, _, _ =	vpop @p1 (xrf1)  }
0x398: {  	v9 =	vmax.f32 v10, v9;
	v10 =	vpsel p1, v12, v8  }
0x399: {  	(xrf1) =	vsort.dscd.msk.f32 $0xffff, v9, v9;
	v9 =	vmax.f32 @p0 v10, v11  }
0x39a: {  	(xrf1) =	vsort.dscd.msk.f32 @p0 $0xffff, v9, v9;
	_ =	sdelay $0xc  }
0x39b: {  	v9, _, _ =	vpop (xrf1)  }
0x39c: {  	v9 =	vperm.xlane v9, v2;
	v10, _, _ =	vpop @p0 (xrf1)  }
0x39d: {  	v8 =	vpsel p0, v10, v8  }
0x39e: {  	v8 =	vmax.f32 v8, v9  }
0x39f: {  	(xrf1) =	vsort.dscd.msk.f32 $0xffff, v8, v8;
	_ =	sdelay $0xd  }
0x3a0: {  	v8, _, _ =	vpop (xrf1)  }
.LBB2_47:
0x3a1: {  	[tilespmem:$0x10610] =	vst v8  }
0x3a2: {  	_ =	swait.ge [sflag:s11], $0x8000  }
0x3a3: {  	[sflag:s11] =	ssyncset.done $0x0  }
0x3a4: {  	s19 =	simm.s32 $0x200;
	[sflag:s11] =	ssyncadd.s32 $0xFFFF8000  }
0x3a5: {  	[tilespmem:s12], [sflag:$0x2] =	stream.strided.gather [hbm4b:s6+s9], $0x8000, s10, s9, $0x38;
	[tilespmem:$0x10680] =	vst v63  }
0x3a6: {  	v8 =	vld [tilespmem:s19+$0xFFFFFFD0]  }
0x3a7: {  	v9 =	vld [tilespmem:s19+$0xFFFFFFC0]  }
0x3a8: {  	v10 =	vld [tilespmem:s19+$0xFFFFFF90]  }
0x3a9: {  	v11 =	vld [tilespmem:s19+$0xFFFFFF80]  }
0x3aa: {  	v12 =	vld [tilespmem:s19+$0xFFFFFFF0]  }
0x3ab: {  	v13 =	vld [tilespmem:s19+$0xFFFFFF50]  }
0x3ac: {  	v14 =	vld [tilespmem:s19+$0xFFFFFFB0]  }
0x3ad: {  	v15 =	vld [tilespmem:s19+$0xFFFFFF10]  }
0x3ae: {  	v16 =	vld [tilespmem:s19+$0xFFFFFF70]  }
0x3af: {  	v17 =	vld [tilespmem:s19+$0xFFFFFF40]  }
0x3b0: {  	v18 =	vld [tilespmem:s19+$0xFFFFFF30]  }
0x3b1: {  	v19 =	vld [tilespmem:s19+$0xFFFFFEA0]  }
0x3b2: {  	v20 =	vld [tilespmem:s19+$0xFFFFFF00]  }
0x3b3: {  	v21 =	vld [tilespmem:s19+$0xFFFFFEF0]  }
0x3b4: {  	v22 =	vld [tilespmem:s19+$0xFFFFFEC0]  }
0x3b5: {  	v23 =	vld [tilespmem:s19+$0xFFFFFEB0]  }
0x3b6: {  	v24 =	vld [tilespmem:s19+$0xFFFFFE60]  }
0x3b7: {  	v25 =	vld [tilespmem:s19+$0xFFFFFE80]  }
0x3b8: {  	v26 =	vld [tilespmem:s19+$0xFFFFFE00]  }
0x3b9: {  	v27 =	vld [tilespmem:s19+$0xFFFFFE70]  }
0x3ba: {  	v28 =	vld [tilespmem:s19+$0xFFFFFE50]  }
0x3bb: {  	v29 =	vld [tilespmem:s19+$0xFFFFFE40]  }
0x3bc: {  	v30 =	vld [tilespmem:s19+$0xFFFFFE30]  }
0x3bd: {  	v31 =	vld [tilespmem:s19+$0xFFFFFE20]  }
0x3be: {  	v32 =	vld [tilespmem:s19+$0xFFFFFE10]  }
0x3bf: {  	v33 =	vld [tilespmem:s19+$0xFFFFFE90]  }
0x3c0: {  	v34 =	vld [tilespmem:s19+$0xFFFFFED0]  }
0x3c1: {  	v26 =	vmax.f32 v26, v29;
	v29 =	vld [tilespmem:s19+$0xFFFFFEE0]  }
0x3c2: {  	v27 =	vmax.f32 v30, v27;
	v24 =	vmax.f32 v31, v24;
	v25 =	vmax.f32 v26, v25;
	v26 =	vld [tilespmem:s19+$0xFFFFFF20]  }
0x3c3: {  	v23 =	vmax.f32 v27, v23;
	v27 =	vld [tilespmem:s19+$0xFFFFFF60];
	v22 =	vmax.f32 v25, v22;
	v25 =	vmax.f32 v32, v28  }
0x3c4: {  	v21 =	vmax.f32 v23, v21;
	v23 =	vld [tilespmem:s19+$0xFFFFFFA0];
	v20 =	vmax.f32 v22, v20;
	v22 =	vmax.f32 v25, v33  }
0x3c5: {  	v19 =	vmax.f32 v24, v19;
	v18 =	vmax.f32 v21, v18;
	v21 =	vmax.f32 v22, v34;
	v22 =	vld [tilespmem:s19+$0xFFFFFFE0]  }
0x3c6: {  	v17 =	vmax.f32 v20, v17;
	v16 =	vmax.f32 v18, v16;
	v18 =	vmax.f32 v19, v29  }
0x3c7: {  	v15 =	vmax.f32 v21, v15;
	v14 =	vmax.f32 v16, v14;
	v16 =	vmax.f32 v18, v26  }
0x3c8: {  	v13 =	vmax.f32 v15, v13;
	v12 =	vmax.f32 v14, v12;
	v14 =	vmax.f32 v16, v27  }
0x3c9: {  	v11 =	vmax.f32 v17, v11;
	v10 =	vmax.f32 v13, v10;
	v13 =	vmax.f32 v14, v23  }
0x3ca: {  	v9 =	vmax.f32 v11, v9;
	v8 =	vmax.f32 v10, v8;
	v10 =	vmax.f32 v13, v22  }
0x3cb: {  	v8 =	vmax.f32 v9, v8;
	v9 =	vmax.f32 v10, v12  }
0x3cc: {  	v8 =	vmax.f32 v8, v9  }
0x3cd: {  	(xrf1) =	vsort.dscd.msk.f32 $0xffff, v8, v8;
	_ =	sdelay $0x5  }
0x3ce: {  	s20 =	simm.s32 $0x0  }
0x3cf: {  	v9 =	vmov s20  }
0x3d0: {  	v9 =	vand.u32 $0xFFFFFFFE, v9  }
0x3d1: {  	v9 =	vbroadcast v9, $0x0;
	_ =	sdelay $0x3  }
0x3d2: {  	s21 =	simm.s32 $0x10010  }
0x3d3: {  	[tilespmem:s21+$0xFFFFFFF0] =	vst v8;
	v8, _, _ =	vpop (xrf1)  }
0x3d4: {  	[tilespmem:v9+s13+$0x0] =	vst.idx.msk $0x1, v8  }
0x3d5: {  	v8 =	vld [tilespmem:s19+$0x1F0]  }
0x3d6: {  	v9 =	vld [tilespmem:s19+$0x1E0]  }
0x3d7: {  	v22 =	vld [tilespmem:s19+$0x20]  }
0x3d8: {  	v10 =	vld [tilespmem:s19+$0x180]  }
0x3d9: {  	v11 =	vld [tilespmem:s19+$0x1A0]  }
0x3da: {  	v12 =	vld [tilespmem:s19+$0x170]  }
0x3db: {  	v13 =	vld [tilespmem:s19+$0x160]  }
0x3dc: {  	v14 =	vld [tilespmem:s19+$0x130]  }
0x3dd: {  	v15 =	vld [tilespmem:s19+$0x120]  }
0x3de: {  	v23 =	vld [tilespmem:s19+$0xA0]  }
0x3df: {  	v17 =	vld [tilespmem:s19+$0xE0]  }
0x3e0: {  	v29 =	vld [tilespmem:s19+$0xD0]  }
0x3e1: {  	v19 =	vld [tilespmem:s19+$0x80]  }
0x3e2: {  	v27 =	vld [tilespmem:s19+$0x40]  }
0x3e3: {  	v18 =	vld [tilespmem:s19+$0xF0]  }
0x3e4: {  	v24 =	vld [tilespmem:s19+$0x50]  }
0x3e5: {  	v28 =	vld [tilespmem:s19+$0x90]  }
0x3e6: {  	v21 =	vld [tilespmem:s19+$0x70]  }
0x3e7: {  	v20 =	vld [tilespmem:s19+$0x110]  }
0x3e8: {  	v16 =	vld [tilespmem:s19+$0x150]  }
0x3e9: {  	v30 =	vld [tilespmem:s19+$0x10]  }
0x3ea: {  	v31 =	vld [tilespmem:s19+$0x60]  }
0x3eb: {  	v63 =	vld [tilespmem:s19+$0x0]  }
0x3ec: {  	v26 =	vld [tilespmem:s19+$0x30]  }
0x3ed: {  	v25 =	vld [tilespmem:s19+$0xB0]  }
0x3ee: {  	v30 =	vmax.f32 v30, v24;
	v24 =	vld [tilespmem:s19+$0xC0]  }
0x3ef: {  	v31 =	vmax.f32 v22, v31;
	v22 =	vld [tilespmem:s19+$0x100];
	v30 =	vmax.f32 v30, v28  }
0x3f0: {  	s23 =	simm.s32 $0x2;
	s24 =	simm.s32 $0x200;
	s22 =	simm.s32 $0x10010;
	v28 =	vmax.f32 v63, v27;
	v27 =	vmax.f32 v31, v23;
	v23 =	vld [tilespmem:s19+$0x140];
	v29 =	vmax.f32 v30, v29  }
.LBB2_48:
0x3f1: {  	p0 =	slt.u32 s23, $0x3E;
	v21 =	vmax.f32 v26, v21;
	v26 =	vld [tilespmem:s19+$0x1B0];
	s21 =	sadd.s32 $0x20, s21;
	s24 =	sadd.s32 $0x400, s24  }
0x3f2: {  	v19 =	vmax.f32 v28, v19;
	v20 =	vmax.f32 v29, v20;
	s25 =	smov.u32 s23;
	s23 =	sadd.s32 $0x2, s23;
	v21 =	vmax.f32 v21, v25;
	v25 =	vld [tilespmem:s19+$0x1C0]  }
0x3f3: {  	v17 =	vmax.f32 v27, v17;
	v19 =	vmax.f32 v19, v24;
	v18 =	vmax.f32 v21, v18;
	v21 =	vld [tilespmem:s19+$0x190]  }
0x3f4: {  	v15 =	vmax.f32 v17, v15;
	v19 =	vmax.f32 v19, v22;
	v14 =	vmax.f32 v18, v14;
	v17 =	vld [tilespmem:s19+$0x1D0];
	s19 =	smov.u32 s24  }
0x3f5: {  	v13 =	vmax.f32 v15, v13;
	v18 =	vmax.f32 v19, v23;
	v12 =	vmax.f32 v14, v12  }
0x3f6: {  	v11 =	vmax.f32 v13, v11;
	v10 =	vmax.f32 v18, v10;
	v12 =	vmax.f32 v12, v26  }
0x3f7: {  	v13 =	vmax.f32 v20, v16;
	v9 =	vmax.f32 v11, v9;
	v8 =	vmax.f32 v12, v8  }
0x3f8: {  	v10 =	vmax.f32 v10, v25;
	v11 =	vmax.f32 v13, v21;
	v8 =	vmax.f32 v9, v8  }
0x3f9: {  	v9 =	vmax.f32 v11, v17  }
0x3fa: {  	v9 =	vmax.f32 v10, v9  }
0x3fb: {  	v8 =	vmax.f32 v9, v8  }
0x3fc: {  	[tilespmem:s22+$0x0] =	vst v8;
	(xrf1) =	vsort.dscd.msk.f32 $0xffff, v8, v8;
	s22 =	smov.u32 s21;
	_ =	sdelay $0x7  }
0x3fd: {  	s26 =	sadd.s32 $0x1, s20;
	s20 =	smov.u32 s25  }
0x3fe: {  	v8 =	vmov s26;
	_ =	sdelay $0x4  }
0x3ff: {  	v9, _, _ =	vpop (xrf1)  }
0x400: {  	[tilespmem:v8+s13+$0x0] =	vst.idx.msk $0x1, v9  }
0x401: {  	v8 =	vld [tilespmem:s24+$0xFFFFFFD0]  }
0x402: {  	v9 =	vld [tilespmem:s24+$0xFFFFFFC0]  }
0x403: {  	v10 =	vld [tilespmem:s24+$0xFFFFFF90]  }
0x404: {  	v11 =	vld [tilespmem:s24+$0xFFFFFF80]  }
0x405: {  	v12 =	vld [tilespmem:s24+$0xFFFFFFF0]  }
0x406: {  	v13 =	vld [tilespmem:s24+$0xFFFFFF50]  }
0x407: {  	v14 =	vld [tilespmem:s24+$0xFFFFFFB0]  }
0x408: {  	v15 =	vld [tilespmem:s24+$0xFFFFFF10]  }
0x409: {  	v16 =	vld [tilespmem:s24+$0xFFFFFF70]  }
0x40a: {  	v17 =	vld [tilespmem:s24+$0xFFFFFF40]  }
0x40b: {  	v18 =	vld [tilespmem:s24+$0xFFFFFF30]  }
0x40c: {  	v19 =	vld [tilespmem:s24+$0xFFFFFEA0]  }
0x40d: {  	v20 =	vld [tilespmem:s24+$0xFFFFFF00]  }
0x40e: {  	v21 =	vld [tilespmem:s24+$0xFFFFFEF0]  }
0x40f: {  	v22 =	vld [tilespmem:s24+$0xFFFFFEC0]  }
0x410: {  	v23 =	vld [tilespmem:s24+$0xFFFFFEB0]  }
0x411: {  	v24 =	vld [tilespmem:s24+$0xFFFFFE60]  }
0x412: {  	v25 =	vld [tilespmem:s24+$0xFFFFFE80]  }
0x413: {  	v26 =	vld [tilespmem:s24+$0xFFFFFE00]  }
0x414: {  	v27 =	vld [tilespmem:s24+$0xFFFFFE70]  }
0x415: {  	v28 =	vld [tilespmem:s24+$0xFFFFFE50]  }
0x416: {  	v29 =	vld [tilespmem:s24+$0xFFFFFE40]  }
0x417: {  	v30 =	vld [tilespmem:s24+$0xFFFFFE30]  }
0x418: {  	v31 =	vld [tilespmem:s24+$0xFFFFFE20]  }
0x419: {  	v32 =	vld [tilespmem:s24+$0xFFFFFE10]  }
0x41a: {  	v33 =	vld [tilespmem:s24+$0xFFFFFE90]  }
0x41b: {  	v26 =	vmax.f32 v26, v29;
	v29 =	vld [tilespmem:s24+$0xFFFFFED0]  }
0x41c: {  	v27 =	vmax.f32 v30, v27;
	v25 =	vmax.f32 v26, v25;
	v26 =	vld [tilespmem:s24+$0xFFFFFEE0]  }
0x41d: {  	v24 =	vmax.f32 v31, v24;
	v23 =	vmax.f32 v27, v23;
	v22 =	vmax.f32 v25, v22;
	v25 =	vld [tilespmem:s24+$0xFFFFFF20]  }
0x41e: {  	v27 =	vmax.f32 v32, v28;
	v21 =	vmax.f32 v23, v21;
	v20 =	vmax.f32 v22, v20;
	v22 =	vld [tilespmem:s24+$0xFFFFFF60]  }
0x41f: {  	v19 =	vmax.f32 v24, v19;
	v23 =	vmax.f32 v27, v33;
	v18 =	vmax.f32 v21, v18;
	v21 =	vld [tilespmem:s24+$0xFFFFFFA0]  }
0x420: {  	v17 =	vmax.f32 v20, v17;
	v23 =	vmax.f32 v23, v29;
	v16 =	vmax.f32 v18, v16;
	v18 =	vld [tilespmem:s24+$0xFFFFFFE0]  }
0x421: {  	v19 =	vmax.f32 v19, v26;
	v15 =	vmax.f32 v23, v15;
	v14 =	vmax.f32 v16, v14  }
0x422: {  	v16 =	vmax.f32 v19, v25;
	v13 =	vmax.f32 v15, v13;
	v12 =	vmax.f32 v14, v12  }
0x423: {  	v11 =	vmax.f32 v17, v11;
	v14 =	vmax.f32 v16, v22;
	v10 =	vmax.f32 v13, v10  }
0x424: {  	v9 =	vmax.f32 v11, v9;
	v13 =	vmax.f32 v14, v21;
	v8 =	vmax.f32 v10, v8  }
0x425: {  	v10 =	vmax.f32 v13, v18;
	v8 =	vmax.f32 v9, v8  }
0x426: {  	v9 =	vmax.f32 v10, v12  }
0x427: {  	v8 =	vmax.f32 v8, v9  }
0x428: {  	[tilespmem:s21+$0xFFFFFFF0] =	vst v8;
	(xrf1) =	vsort.dscd.msk.f32 $0xffff, v8, v8;
	_ =	sdelay $0x6  }
0x429: {  	v8 =	vmov s20  }
0x42a: {  	v8 =	vand.u32 $0xFFFFFFFE, v8  }
0x42b: {  	v8 =	vbroadcast v8, $0x0;
	_ =	sdelay $0x4  }
0x42c: {  	v9, _, _ =	vpop (xrf1)  }
0x42d: {  	[tilespmem:v8+s13+$0x0] =	vst.idx.msk $0x1, v9  }
0x42e: {  	v8 =	vld [tilespmem:s24+$0x1F0]  }
0x42f: {  	v9 =	vld [tilespmem:s24+$0x1E0]  }
0x430: {  	v22 =	vld [tilespmem:s24+$0x20]  }
0x431: {  	v10 =	vld [tilespmem:s24+$0x180]  }
0x432: {  	v11 =	vld [tilespmem:s24+$0x1A0]  }
0x433: {  	v12 =	vld [tilespmem:s24+$0x170]  }
0x434: {  	v13 =	vld [tilespmem:s24+$0x160]  }
0x435: {  	v14 =	vld [tilespmem:s24+$0x130]  }
0x436: {  	v15 =	vld [tilespmem:s24+$0x120]  }
0x437: {  	v23 =	vld [tilespmem:s24+$0xA0]  }
0x438: {  	v17 =	vld [tilespmem:s24+$0xE0]  }
0x439: {  	v29 =	vld [tilespmem:s24+$0xD0]  }
0x43a: {  	v19 =	vld [tilespmem:s24+$0x80]  }
0x43b: {  	v27 =	vld [tilespmem:s24+$0x40]  }
0x43c: {  	v18 =	vld [tilespmem:s24+$0xF0]  }
0x43d: {  	v24 =	vld [tilespmem:s24+$0x50]  }
0x43e: {  	v28 =	vld [tilespmem:s24+$0x90]  }
0x43f: {  	v21 =	vld [tilespmem:s24+$0x70]  }
0x440: {  	v20 =	vld [tilespmem:s24+$0x110]  }
0x441: {  	v16 =	vld [tilespmem:s24+$0x150]  }
0x442: {  	v30 =	vld [tilespmem:s24+$0x10]  }
0x443: {  	v31 =	vld [tilespmem:s24+$0x60]  }
0x444: {  	v32 =	vld [tilespmem:s24+$0x0]  }
.Ltmp28:
0x445: {  	v26 =	vld [tilespmem:s24+$0x30];
	(pc) =	sbr.rel @p0 .LBB2_48-.Ltmp28, $4  }
0x446: {  	v25 =	vld [tilespmem:s24+$0xB0]  }
0x447: {  	v30 =	vmax.f32 v30, v24;
	v24 =	vld [tilespmem:s24+$0xC0]  }
0x448: {  	v31 =	vmax.f32 v22, v31;
	v30 =	vmax.f32 v30, v28;
	v22 =	vld [tilespmem:s24+$0x100]  }
0x449: {  	v28 =	vmax.f32 v32, v27;
	v27 =	vmax.f32 v31, v23;
	v29 =	vmax.f32 v30, v29;
	v23 =	vld [tilespmem:s24+$0x140]  }
0x44a: {  	v30 =	vld [tilespmem:s19+$0x1B0]  }
0x44b: {  	v21 =	vmax.f32 v26, v21;
	v58 =	vld [tilespmem:s19+$0x1C0]  }
0x44c: {  	v19 =	vmax.f32 v28, v19;
	v20 =	vmax.f32 v29, v20;
	v59 =	vld [tilespmem:s19+$0x190];
	v17 =	vmax.f32 v27, v17  }
0x44d: {  	v60 =	vld [tilespmem:s19+$0x1D0];
	v21 =	vmax.f32 v21, v25;
	v15 =	vmax.f32 v17, v15;
	v62 =	vmax.f32 v20, v16  }
0x44e: {  	v19 =	vmax.f32 v19, v24;
	v18 =	vmax.f32 v21, v18;
	v13 =	vmax.f32 v15, v13  }
0x44f: {  	v19 =	vmax.f32 v19, v22;
	v14 =	vmax.f32 v18, v14;
	v11 =	vmax.f32 v13, v11  }
0x450: {  	v61 =	vmax.f32 v19, v23;
	v12 =	vmax.f32 v14, v12;
	v9 =	vmax.f32 v11, v9  }
0x451: {  	v10 =	vmax.f32 v61, v10;
	v12 =	vmax.f32 v12, v30;
	v11 =	vmax.f32 v62, v59  }
0x452: {  	v8 =	vmax.f32 v12, v8;
	v10 =	vmax.f32 v10, v58;
	v11 =	vmax.f32 v11, v60  }
0x453: {  	v8 =	vmax.f32 v9, v8;
	v9 =	vmax.f32 v10, v11  }
0x454: {  	v8 =	vmax.f32 v9, v8  }
0x455: {  	(xrf1) =	vsort.dscd.msk.f32 $0xffff, v8, v8;
	_ =	sdelay $0x8  }
0x456: {  	s30 =	sadd.s32 $0x1, s20  }
0x457: {  	v9 =	vmov s30;
	_ =	sdelay $0x3  }
0x458: {  	[tilespmem:s22+$0x0] =	vst v8;
	v8, _, _ =	vpop (xrf1)  }
0x459: {  	[tilespmem:v9+s13+$0x0] =	vst.idx.msk $0x1, v8  }
0x45a: {  	v9 =	vld [tilespmem:$0x10400]  }
0x45b: {  	v8 =	vld [tilespmem:$0x10410]  }
0x45c: {  	v10 =	vld [tilespmem:$0x10420]  }
0x45d: {  	v11 =	vld [tilespmem:$0x10430];
	_ =	sdelay $0x1  }
0x45e: {  	(xrf1) =	vsort.dscd.msk.f32 $0xffff, v9, v9  }
0x45f: {  	(xrf1) =	vsort.dscd.msk.f32 $0xffff, v8, v8  }
0x460: {  	(xrf1) =	vsort.dscd.msk.f32 $0xffff, v10, v10  }
0x461: {  	(xrf1) =	vsort.dscd.msk.f32 $0xffff, v11, v11;
	_ =	sdelay $0xa  }
0x462: {  	v8, _, _ =	vpop (xrf1)  }
0x463: {  	v10, _, _ =	vpop (xrf1)  }
0x464: {  	v11, _, _ =	vpop (xrf1)  }
0x465: {  	v10 =	vperm.xlane v10, v2;
	v63, _, _ =	vpop (xrf1)  }
0x466: {  	v12 =	vperm.xlane v63, v2  }
0x467: {  	v8 =	vmax.f32 v8, v10  }
0x468: {  	(xrf1) =	vsort.dscd.msk.f32 $0xffff, v8, v8;
	v8 =	vmax.f32 v11, v12  }
0x469: {  	(xrf1) =	vsort.dscd.msk.f32 $0xffff, v8, v8;
	_ =	sdelay $0xc  }
0x46a: {  	v8, _, _ =	vpop (xrf1)  }
0x46b: {  	v10, _, _ =	vpop (xrf1)  }
0x46c: {  	v10 =	vperm.xlane v10, v2;
	_ =	sdelay $0x1  }
0x46d: {  	v8 =	vmax.f32 v8, v10  }
0x46e: {  	(xrf1) =	vsort.dscd.msk.f32 $0xffff, v8, v8;
	_ =	sdelay $0xd  }
0x46f: {  	v8, _, _ =	vpop (xrf1)  }
0x470: {  	(xrf0) =	vmin.scan.msk.f32 $0xffff, v8;
	_ =	sdelay $0x5  }
0x471: {  	v8, _, _ =	vpop (xrf0)  }
0x472: {  	v8 =	vbroadcast v8, $0xF;
	_ =	sdelay $0x1  }
0x473: {  	vm0 =	vgt.f32 v9, v8  }
0x474: {  	v9 =	vsel vm0, $0x1, v3  }
0x475: {  	(xrf0) =	vadd.scan.msk.s32 $0xffff, v9;
	_ =	sdelay $0x5  }
0x476: {  	v9, _, _ =	vpop (xrf0)  }
0x477: {  	v9 =	vadd.s32 $0xFFFFFFFF, v9  }
0x478: {  	v9 =	vnsel vm0, $0x1F, v9;
	_ =	sdelay $0x3  }
0x479: {  	s19 =	simm.s32 $0x10480  }
0x47a: {  	[tilespmem:v9+s19+$0x0] =	vst.idx.msk vm0, v0  }
0x47b: {  	v9 =	vld [tilespmem:$0x10410];
	_ =	sdelay $0x4  }
0x47c: {  	vm1 =	vgt.f32 v9, v8  }
0x47d: {  	v9 =	vsel vm1, $0x1, v3  }
0x47e: {  	(xrf0) =	vadd.scan.msk.s32 $0xffff, v9;
	_ =	sdelay $0x4  }
0x47f: {  	v9 =	vmpcnt.ones.xlane vm0  }
0x480: {  	v10, _, _ =	vpop (xrf0)  }
0x481: {  	v10 =	vadd.s32 v10, v9  }
0x482: {  	v10 =	vadd.s32 $0xFFFFFFFF, v10  }
0x483: {  	v10 =	vnsel vm1, $0x1F, v10;
	_ =	sdelay $0x4  }
0x484: {  	[tilespmem:v10+s19+$0x0] =	vst.idx.msk vm1, v4  }
0x485: {  	v10 =	vld [tilespmem:$0x10420];
	_ =	sdelay $0x4  }
0x486: {  	vm14 =	vgt.f32 v10, v8  }
0x487: {  	v10 =	vsel vm14, $0x1, v3  }
0x488: {  	(xrf0) =	vadd.scan.msk.s32 $0xffff, v10;
	_ =	sdelay $0x1  }
0x489: {  	v10 =	vmpcnt.ones.xlane vm1;
	_ =	sdelay $0x3  }
0x48a: {  	v9 =	vadd.s32 v9, v10;
	v10, _, _ =	vpop (xrf0)  }
0x48b: {  	v10 =	vadd.s32 v10, v9  }
0x48c: {  	v10 =	vadd.s32 $0xFFFFFFFF, v10  }
0x48d: {  	v10 =	vnsel vm14, $0x1F, v10;
	_ =	sdelay $0x4  }
0x48e: {  	[tilespmem:v10+s19+$0x0] =	vst.idx.msk vm14, v5  }
0x48f: {  	v10 =	vld [tilespmem:$0x10430];
	_ =	sdelay $0x4  }
0x490: {  	v11 =	vmpcnt.ones.xlane vm14;
	vm15 =	vgt.f32 v10, v8  }
0x491: {  	v10 =	vmpcnt.ones.xlane vm15  }
0x492: {  	v9 =	vadd.s32 v9, v11  }
0x493: {  	v11 =	vsel vm15, $0x1, v3;
	v10 =	vadd.s32 v9, v10  }
0x494: {  	(xrf0) =	vadd.scan.msk.s32 $0xffff, v11;
	v10 =	vxor.u32 $0x80000000, v10  }
0x495: {  	(xrf0) =	vmax.scan.msk.u32 $0xffff, v10;
	_ =	sdelay $0x4  }
0x496: {  	v10, _, _ =	vpop (xrf0)  }
0x497: {  	v11, _, _ =	vpop (xrf0)  }
0x498: {  	(v2sf) =	vpush v11, $0xF;
	_ =	sdelay $0xe  }
0x499: {  	v9 =	vadd.s32 v10, v9;
	s31 =	spop (v2sf)  }
0x49a: {  	v9 =	vadd.s32 $0xFFFFFFFF, v9;
	s20 =	sxor.u32 $0x80000000, s31  }
0x49b: {  	v9 =	vnsel vm15, $0x1F, v9;
	p0 =	slt.s32 s20, $0x1  }
.Ltmp29:
0x49c: {  	_ = 	snop;
	(pc) =	sbr.rel @p0 .LBB2_50-.Ltmp29, $2  }
0x49d: {  	_ =	sdelay $0x2  }
0x49e: {  	[tilespmem:v9+s19+$0x0] =	vst.idx.msk vm15, v6;
	v9 =	vimm.s32 $0x0  }
0x49f: {  	p0 =	sne.s32 s20, $0x1  }
.Ltmp30:
0x4a0: {  	_ = 	snop;
	(pc) =	sbr.rel @!p0 .LBB2_53-.Ltmp30, $2  }
0x4a1: {  	_ =	sdelay $0x2  }
0x4a2: {  	v11 =	vld [tilespmem:s19+$0x0];
	s20 =	sadd.s32 $0xFFFFFFFF, s20;
	v10 =	vimm.s32 $0x0  }
.LBB2_52:
0x4a3: {  	p0 =	sne.s32 s20, $0x1;
	_ =	sdelay $0x3  }
0x4a4: {  	(v2sf) =	vpush v11, $0x0;
	_ =	sdelay $0xe  }
0x4a5: {  	s21 =	spop (v2sf)  }
0x4a6: {  	s21 =	sshll.u32 s21, $0x4  }
0x4a7: {  	v11 =	vld [tilespmem:s21+$0x10000];
	_ =	sdelay $0x4  }
0x4a8: {  	vm0 =	vgt.f32 v11, v8  }
0x4a9: {  	v11 =	vmpcnt.ones.xlane vm0;
	v12 =	vsel vm0, $0x1, v3  }
0x4aa: {  	(xrf0) =	vadd.scan.msk.s32 $0xffff, v12  }
0x4ab: {  	v9 =	vadd.s32 v9, v11;
	_ =	sdelay $0x4  }
0x4ac: {  	v11, _, _ =	vpop (xrf0)  }
0x4ad: {  	v11 =	vadd.s32 v11, v10;
	v10 =	vmov v9  }
0x4ae: {  	v11 =	vadd.s32 $0xFFFFFFFF, v11  }
0x4af: {  	v11 =	vnsel vm0, $0xFF, v11;
	_ =	sdelay $0x1  }
.Ltmp31:
0x4b0: {  	(pc) =	sbr.rel @p0 .LBB2_52-.Ltmp31, $4  }
0x4b1: {  	_ = 	snop  }
0x4b2: {  	v12 =	vor.u32 s21, v0  }
0x4b3: {  	s19 =	sadd.s32 $0x1, s19;
	[tilespmem:v11+s14+$0x0] =	vst.idx.msk vm0, v12  }
0x4b4: {  	s20 =	sadd.s32 $0xFFFFFFFF, s20;
	v11 =	vld [tilespmem:s19+$0x0]  }
.LBB2_53:
0x4b5: {  	_ =	sdelay $0x3  }
0x4b6: {  	(v2sf) =	vpush v11, $0x0;
	_ =	sdelay $0xe  }
0x4b7: {  	s19 =	spop (v2sf)  }
0x4b8: {  	s19 =	sshll.u32 s19, $0x4  }
0x4b9: {  	v11 =	vld [tilespmem:s19+$0x10000];
	_ =	sdelay $0x4  }
0x4ba: {  	vm0 =	vgt.f32 v11, v8  }
0x4bb: {  	v11 =	vsel vm0, $0x1, v3  }
0x4bc: {  	(xrf0) =	vadd.scan.msk.s32 $0xffff, v11;
	_ =	sdelay $0x5  }
0x4bd: {  	v11, _, _ =	vpop (xrf0)  }
0x4be: {  	v10 =	vadd.s32 v11, v10  }
0x4bf: {  	v10 =	vadd.s32 $0xFFFFFFFF, v10  }
0x4c0: {  	v10 =	vnsel vm0, $0xFF, v10  }
.Ltmp32:
0x4c1: {  	_ = 	snop;
	(pc) =	sbr.rel .LBB2_54-.Ltmp32, $3  }
0x4c2: {  	v11 =	vmpcnt.ones.xlane vm0;
	_ =	sdelay $0x1  }
0x4c3: {  	v9 =	vadd.s32 v9, v11;
	v11 =	vor.u32 s19, v0  }
0x4c4: {  	v9 =	vxor.u32 $0x80000000, v9;
	[tilespmem:v10+s14+$0x0] =	vst.idx.msk vm0, v11  }
.LBB2_50:
0x4c5: {  	v9 =	vimm.s32 $0x80000000  }
.LBB2_54:
0x4c6: {  	(xrf0) =	vmax.scan.msk.u32 $0xffff, v9;
	_ =	sdelay $0x5  }
0x4c7: {  	v9, _, _ =	vpop (xrf0)  }
0x4c8: {  	(v2sf) =	vpush v9, $0xF;
	_ =	sdelay $0xe  }
0x4c9: {  	s19 =	spop (v2sf)  }
0x4ca: {  	s20 =	sxor.u32 $0x80000000, s19  }
0x4cb: {  	p0 =	slt.s32 s20, $0x1  }
.Ltmp33:
0x4cc: {  	_ = 	snop;
	(pc) =	sbr.rel @p0 .LBB2_70-.Ltmp33, $2  }
0x4cd: {  	_ =	sdelay $0x2  }
0x4ce: {  	s19 =	simm.s32 $0x10500  }
0x4cf: {  	p5 =	sne.s32 s20, $0x1  }
.Ltmp34:
0x4d0: {  	_ = 	snop;
	(pc) =	sbr.rel @!p5 .LBB2_56-.Ltmp34, $3  }
0x4d1: {  	_ =	sdelay $0x1  }
0x4d2: {  	s20 =	sadd.s32 $0xFFFFFFFF, s20;
	p0 =	por $0x0, $0x0;
	p1 =	por $0x0, $0x0  }
0x4d3: {  	v9 =	vld [tilespmem:s19+$0x0];
	p2 =	por $0x0, $0x0;
	p3 =	por $0x0, $0x0;
	p6 =	por $0x0, $0x0  }
0x4d4: {  	p5 =	sne.s32 s20, $0x1  }
.Ltmp35:
0x4d5: {  	_ = 	snop;
	(pc) =	sbr.rel @!p5 .LBB2_58-.Ltmp35, $3  }
0x4d6: {  	_ =	sdelay $0x1  }
0x4d7: {  	s19 =	sadd.s32 $0x1, s19  }
0x4d8: {  	s20 =	sadd.s32 $0xFFFFFFFF, s20;
	p0 =	por $0x1, $0x1;
	(v2sf) =	vpush v9, $0x0;
	v9 =	vld [tilespmem:s19+$0x0]  }
0x4d9: {  	_ =	sdelay $0xd  }
0x4da: {  	s21 =	spop (v2sf)  }
0x4db: {  	s22 =	sand.u32 $0xF, s21  }
0x4dc: {  	s23 =	sshra.s32 s21, $0x1F;
	p1 =	slt.s32 s21, $0x1;
	p5 =	sne.s32 s22, $0x0  }
0x4dd: {  	s31 =	sshrl.u32 s23, $0x1C;
	p1 =	por !p1, !p5  }
0x4de: {  	s23 =	simm.s32 $0x1;
	s22 =	sadd.s32 s31, s21;
	p1 =	por !p1, !p1  }
0x4df: {  	p5 =	sne.s32 s20, $0x1;
	s22 =	sshra.s32 s22, $0x4;
	s23 =	simm.s32 @!p1 $0x0  }
.Ltmp36:
0x4e0: {  	s22 =	ssub.s32 s22, s23;
	(pc) =	sbr.rel @!p5 .LBB2_60-.Ltmp36, $4  }
0x4e1: {  	s23 =	sshll.u32 s22, $0x4  }
0x4e2: {  	s22 =	sshll.u32 s22, $0x9;
	s21 =	ssub.s32 s21, s23  }
0x4e3: {  	s19 =	sadd.s32 $0x1, s19;
	s21 =	sadd.s32 s22, s21  }
0x4e4: {  	(v2sf) =	vpush v9, $0x0;
	v9 =	vld [tilespmem:s19+$0x0];
	s20 =	sadd.s32 $0xFFFFFFFF, s20;
	p1 =	por $0x1, $0x1;
	v13 =	vadd.s32 s21, v7;
	v12 =	vadd.s32 s21, v1  }
0x4e5: {  	_ =	sdelay $0xd  }
0x4e6: {  	s21 =	spop (v2sf)  }
0x4e7: {  	s22 =	sand.u32 $0xF, s21  }
0x4e8: {  	s23 =	sshra.s32 s21, $0x1F;
	p2 =	slt.s32 s21, $0x1;
	p5 =	sne.s32 s22, $0x0  }
0x4e9: {  	s31 =	sshrl.u32 s23, $0x1C;
	p2 =	por !p2, !p5  }
0x4ea: {  	v10 =	vld.idx.msk [tilespmem:v13+s2+$0x0], $0xffff;
	s23 =	simm.s32 $0x1;
	s22 =	sadd.s32 s31, s21;
	p2 =	por !p2, !p2  }
0x4eb: {  	v11 =	vld.idx.msk [tilespmem:v12+s2+$0x0], $0xffff;
	p5 =	sne.s32 s20, $0x1;
	s22 =	sshra.s32 s22, $0x4;
	s23 =	simm.s32 @!p2 $0x0  }
.Ltmp37:
0x4ec: {  	s22 =	ssub.s32 s22, s23;
	(pc) =	sbr.rel @!p5 .LBB2_62-.Ltmp37, $4  }
0x4ed: {  	s23 =	sshll.u32 s22, $0x4  }
0x4ee: {  	s22 =	sshll.u32 s22, $0x9;
	s21 =	ssub.s32 s21, s23  }
0x4ef: {  	s19 =	sadd.s32 $0x1, s19;
	(xrf1) =	vsort.dscd.msk.f32 $0xffff, v10, v10;
	s21 =	sadd.s32 s22, s21  }
0x4f0: {  	(xrf1) =	vsort.dscd.msk.f32 $0xffff, v11, v11;
	(v2sf) =	vpush v9, $0x0;
	v9 =	vld [tilespmem:s19+$0x0];
	s20 =	sadd.s32 $0xFFFFFFFF, s20;
	p2 =	por $0x1, $0x1;
	v13 =	vadd.s32 s21, v7;
	v12 =	vadd.s32 s21, v1  }
0x4f1: {  	_ =	sdelay $0xd  }
0x4f2: {  	s21 =	spop (v2sf)  }
0x4f3: {  	s22 =	sand.u32 $0xF, s21  }
0x4f4: {  	s23 =	sshra.s32 s21, $0x1F;
	p3 =	slt.s32 s21, $0x1;
	p5 =	sne.s32 s22, $0x0  }
0x4f5: {  	v10 =	vld.idx.msk [tilespmem:v13+s2+$0x0], $0xffff;
	s31 =	sshrl.u32 s23, $0x1C;
	p3 =	por !p3, !p5  }
0x4f6: {  	v11 =	vld.idx.msk [tilespmem:v12+s2+$0x0], $0xffff;
	s23 =	simm.s32 $0x1;
	s22 =	sadd.s32 s31, s21;
	p3 =	por !p3, !p3  }
0x4f7: {  	p5 =	sne.s32 s20, $0x1;
	s22 =	sshra.s32 s22, $0x4;
	s23 =	simm.s32 @!p3 $0x0  }
.Ltmp38:
0x4f8: {  	v63, _, _ =	vpop (xrf1);
	s22 =	ssub.s32 s22, s23;
	(pc) =	sbr.rel @!p5 .LBB2_64-.Ltmp38, $4  }
0x4f9: {  	v12 =	vperm.xlane v63, v2;
	s23 =	sshll.u32 s22, $0x4  }
0x4fa: {  	(xrf1) =	vsort.dscd.msk.f32 $0xffff, v10, v10;
	v10, _, _ =	vpop (xrf1);
	s22 =	sshll.u32 s22, $0x9;
	s21 =	ssub.s32 s21, s23  }
0x4fb: {  	s19 =	sadd.s32 $0x1, s19;
	(xrf1) =	vsort.dscd.msk.f32 $0xffff, v11, v11;
	(v2sf) =	vpush v9, $0x0;
	v9 =	vmax.f32 v10, v12;
	s21 =	sadd.s32 s22, s21  }
0x4fc: {  	(xrf1) =	vsort.dscd.msk.f32 $0xffff, v9, v9;
	v9 =	vld [tilespmem:s19+$0x0];
	s20 =	sadd.s32 $0xFFFFFFFF, s20;
	p3 =	por $0x1, $0x1;
	v10 =	vadd.s32 s21, v7;
	v11 =	vadd.s32 s21, v1  }
0x4fd: {  	_ =	sdelay $0xc  }
0x4fe: {  	v12 =	vld.idx.msk [tilespmem:v10+s2+$0x0], $0xffff;
	s21 =	spop (v2sf)  }
0x4ff: {  	v13 =	vld.idx.msk [tilespmem:v11+s2+$0x0], $0xffff;
	(v2sf) =	vpush v9, $0x0;
	s22 =	sand.u32 $0xF, s21  }
0x500: {  	s23 =	sshra.s32 s21, $0x1F;
	p4 =	slt.s32 s21, $0x1;
	p5 =	sne.s32 s22, $0x0  }
0x501: {  	v14, _, _ =	vpop (xrf1);
	s31 =	sshrl.u32 s23, $0x1C;
	p4 =	por !p4, !p5  }
0x502: {  	v15, _, _ =	vpop (xrf1);
	v14 =	vperm.xlane v14, v2;
	s23 =	simm.s32 $0x1;
	s22 =	sadd.s32 s31, s21;
	p4 =	por !p4, !p4  }
0x503: {  	(xrf1) =	vsort.dscd.msk.f32 $0xffff, v12, v12;
	v16, _, _ =	vpop (xrf1);
	s22 =	sshra.s32 s22, $0x4;
	s23 =	simm.s32 @!p4 $0x0  }
0x504: {  	(xrf1) =	vsort.dscd.msk.f32 $0xffff, v13, v13;
	v12 =	vperm.xlane v16, v2;
	v13 =	vmax.f32 v15, v14;
	s22 =	ssub.s32 s22, s23  }
0x505: {  	(xrf1) =	vsort.dscd.msk.f32 $0xffff, v13, v13;
	p5 =	sne.s32 s20, $0x1;
	s23 =	sshll.u32 s22, $0x4  }
.Ltmp39:
0x506: {  	v9 =	vmax.f32 v8, v12;
	s22 =	sshll.u32 s22, $0x9;
	s21 =	ssub.s32 s21, s23;
	(pc) =	sbr.rel @!p5 .LBB2_66-.Ltmp39, $4  }
0x507: {  	(xrf1) =	vsort.dscd.msk.f32 $0xffff, v9, v9;
	s21 =	sadd.s32 s22, s21  }
0x508: {  	v13 =	vadd.s32 s21, v7  }
0x509: {  	s19 =	sadd.s32 $0x1, s19;
	v12 =	vadd.s32 s21, v1  }
0x50a: {  	s20 =	sadd.s32 $0xFFFFFFFF, s20;
	v9 =	vld [tilespmem:s19+$0x0]  }
.LBB2_67:
0x50b: {  	p5 =	sne.s32 s20, $0x1;
	_ =	sdelay $0x1  }
0x50c: {  	v13 =	vld.idx.msk [tilespmem:v13+s2+$0x0], $0xffff  }
0x50d: {  	s21 =	spop (v2sf);
	v12 =	vld.idx.msk [tilespmem:v12+s2+$0x0], $0xffff  }
0x50e: {  	(v2sf) =	vpush v9, $0x0;
	s22 =	sand.u32 $0xF, s21  }
0x50f: {  	s23 =	sshra.s32 s21, $0x1F;
	p6 =	slt.s32 s21, $0x1;
	p4 =	sne.s32 s22, $0x0  }
0x510: {  	s22 =	sshrl.u32 s23, $0x1C;
	p4 =	por !p6, !p4;
	v9, _, _ =	vpop (xrf1)  }
0x511: {  	s23 =	simm.s32 $0x1;
	s22 =	sadd.s32 s22, s21;
	p4 =	por !p4, !p4;
	v15 =	vperm.xlane v9, v2;
	v14, _, _ =	vpop (xrf1)  }
0x512: {  	s22 =	sshra.s32 s22, $0x4;
	s23 =	simm.s32 @!p4 $0x0;
	(xrf1) =	vsort.dscd.msk.f32 $0xffff, v13, v13;
	v13, _, _ =	vpop (xrf1)  }
0x513: {  	s22 =	ssub.s32 s22, s23;
	(xrf1) =	vsort.dscd.msk.f32 $0xffff, v12, v12;
	v14 =	vmax.f32 v14, v15;
	v12 =	vperm.xlane v13, v2  }
0x514: {  	s23 =	sshll.u32 s22, $0x4;
	(xrf1) =	vsort.dscd.msk.f32 $0xffff, v14, v14;
	v9, _, _ =	vpop (xrf1)  }
.Ltmp40:
0x515: {  	s22 =	sshll.u32 s22, $0x9;
	s21 =	ssub.s32 s21, s23;
	v9 =	vmax.f32 v9, v12;
	(pc) =	sbr.rel @p5 .LBB2_67-.Ltmp40, $4  }
0x516: {  	s21 =	sadd.s32 s22, s21;
	(xrf1) =	vsort.dscd.msk.f32 $0xffff, v9, v9  }
0x517: {  	v13 =	vadd.s32 s21, v7  }
0x518: {  	s19 =	sadd.s32 $0x1, s19;
	v12 =	vadd.s32 s21, v1  }
0x519: {  	s20 =	sadd.s32 $0xFFFFFFFF, s20;
	v9 =	vld [tilespmem:s19+$0x0]  }
0x51a: {  	p6 =	por $0x1, $0x1  }
.LBB2_69:
0x51b: {  	_ =	sdelay $0x3  }
0x51c: {  	v13 =	vld.idx.msk @p1 [tilespmem:v13+s2+$0x0], $0xffff;
	s19 =	spop @p0 (v2sf)  }
0x51d: {  	v12 =	vld.idx.msk @p1 [tilespmem:v12+s2+$0x0], $0xffff;
	s20 =	sand.u32 @p0 $0xF, s19  }
0x51e: {  	p4 =	slt.s32 @p0 s19, $0x1;
	p5 =	sne.s32 @p0 s20, $0x0;
	v14, _, _ =	vpop @p2 (xrf1)  }
0x51f: {  	s20 =	sshra.s32 @p0 s19, $0x1F;
	p4 =	por @p0 !p4, !p5;
	v15, _, _ =	vpop @p2 (xrf1)  }
0x520: {  	(v2sf) =	vpush v9, $0x0;
	s20 =	sshrl.u32 @p0 s20, $0x1C;
	p4 =	por @p0 !p4, !p4;
	v9 =	vperm.xlane @p2 v14, v2;
	v14, _, _ =	vpop @p3 (xrf1)  }
0x521: {  	s21 =	simm.s32 $0x1;
	(xrf1) =	vsort.dscd.msk.f32 @p1 $0xffff, v13, v13;
	s20 =	sadd.s32 @p0 s20, s19;
	p4 =	por !p4, !p0;
	v13 =	vperm.xlane @p3 v14, v2;
	v14, _, _ =	vpop @p6 (xrf1)  }
0x522: {  	(xrf1) =	vsort.dscd.msk.f32 @p1 $0xffff, v12, v12;
	s20 =	sshra.s32 @p0 s20, $0x4;
	s21 =	simm.s32 @p4 $0x0;
	v9 =	vmax.f32 @p2 v15, v9;
	v12 =	vpsel p6, v14, v8  }
0x523: {  	s20 =	ssub.s32 @p0 s20, s21;
	(xrf1) =	vsort.dscd.msk.f32 @p2 $0xffff, v9, v9;
	v9 =	vmax.f32 @p3 v12, v13  }
0x524: {  	s21 =	sshll.u32 @p0 s20, $0x4;
	(xrf1) =	vsort.dscd.msk.f32 @p3 $0xffff, v9, v9  }
0x525: {  	s20 =	sshll.u32 @p0 s20, $0x9;
	s19 =	ssub.s32 @p0 s19, s21  }
0x526: {  	s19 =	sadd.s32 @p0 s20, s19  }
0x527: {  	v9 =	vadd.s32 @p0 s19, v7  }
0x528: {  	v12 =	vadd.s32 @p0 s19, v1;
	v9 =	vpsel p0, v9, v10  }
0x529: {  	v10 =	vpsel p0, v12, v11;
	_ =	sdelay $0x3  }
0x52a: {  	v9 =	vld.idx.msk @p0 [tilespmem:v9+s2+$0x0], $0xffff  }
0x52b: {  	v10 =	vld.idx.msk @p0 [tilespmem:v10+s2+$0x0], $0xffff  }
0x52c: {  	s28 =	spop (v2sf);
	v11, _, _ =	vpop @p1 (xrf1)  }
0x52d: {  	s29 =	sand.u32 $0xF, s28;
	v12, _, _ =	vpop @p1 (xrf1)  }
0x52e: {  	s30 =	sshra.s32 s28, $0x1F;
	p5 =	slt.s32 s28, $0x1;
	p6 =	sne.s32 s29, $0x0;
	v11 =	vperm.xlane @p1 v11, v2;
	v13, _, _ =	vpop @p2 (xrf1)  }
0x52f: {  	s31 =	sshrl.u32 s30, $0x1C;
	p4 =	por !p5, !p6;
	(xrf1) =	vsort.dscd.msk.f32 @p0 $0xffff, v9, v9;
	v9 =	vperm.xlane @p2 v13, v2;
	v13, _, _ =	vpop @p3 (xrf1)  }
0x530: {  	s21 =	simm.s32 $0x1;
	s20 =	sadd.s32 s31, s28;
	p4 =	por !p4, !p4;
	(xrf1) =	vsort.dscd.msk.f32 @p0 $0xffff, v10, v10;
	v10 =	vmax.f32 @p1 v12, v11;
	v11 =	vpsel p3, v13, v8  }
0x531: {  	s20 =	sshra.s32 s20, $0x4;
	s21 =	simm.s32 @!p4 $0x0;
	(xrf1) =	vsort.dscd.msk.f32 @p1 $0xffff, v10, v10;
	v9 =	vmax.f32 @p2 v11, v9  }
0x532: {  	s20 =	ssub.s32 s20, s21;
	(xrf1) =	vsort.dscd.msk.f32 @p2 $0xffff, v9, v9  }
0x533: {  	s21 =	sshll.u32 s20, $0x4  }
0x534: {  	s20 =	sshll.u32 s20, $0x9;
	s19 =	ssub.s32 s28, s21  }
0x535: {  	s19 =	sadd.s32 s20, s19  }
0x536: {  	v9 =	vadd.s32 s19, v7  }
0x537: {  	v10 =	vadd.s32 s19, v1;
	_ =	sdelay $0x3  }
0x538: {  	v9 =	vld.idx.msk [tilespmem:v9+s2+$0x0], $0xffff  }
0x539: {  	v10 =	vld.idx.msk [tilespmem:v10+s2+$0x0], $0xffff  }
0x53a: {  	v11, _, _ =	vpop @p0 (xrf1)  }
0x53b: {  	v12, _, _ =	vpop @p0 (xrf1)  }
0x53c: {  	v11 =	vperm.xlane @p0 v11, v2;
	v13, _, _ =	vpop @p1 (xrf1)  }
0x53d: {  	(xrf1) =	vsort.dscd.msk.f32 $0xffff, v9, v9;
	v9 =	vperm.xlane @p1 v13, v2;
	v13, _, _ =	vpop @p2 (xrf1)  }
0x53e: {  	(xrf1) =	vsort.dscd.msk.f32 $0xffff, v10, v10;
	v10 =	vmax.f32 @p0 v12, v11;
	v11 =	vpsel p2, v13, v8  }
0x53f: {  	(xrf1) =	vsort.dscd.msk.f32 @p0 $0xffff, v10, v10;
	v9 =	vmax.f32 @p1 v11, v9  }
0x540: {  	(xrf1) =	vsort.dscd.msk.f32 @p1 $0xffff, v9, v9;
	_ =	sdelay $0xa  }
0x541: {  	v9, _, _ =	vpop (xrf1)  }
0x542: {  	v10, _, _ =	vpop (xrf1)  }
0x543: {  	v9 =	vperm.xlane v9, v2;
	v11, _, _ =	vpop @p0 (xrf1)  }
0x544: {  	v11 =	vperm.xlane @p0 v11, v2;
	v12, _, _ =	vpop @p1 (xrf1)  }
0x545: {  	v9 =	vmax.f32 v10, v9;
	v10 =	vpsel p1, v12, v8  }
0x546: {  	(xrf1) =	vsort.dscd.msk.f32 $0xffff, v9, v9;
	v9 =	vmax.f32 @p0 v10, v11  }
0x547: {  	(xrf1) =	vsort.dscd.msk.f32 @p0 $0xffff, v9, v9;
	_ =	sdelay $0xc  }
0x548: {  	v9, _, _ =	vpop (xrf1)  }
0x549: {  	v9 =	vperm.xlane v9, v2;
	v10, _, _ =	vpop @p0 (xrf1)  }
0x54a: {  	v8 =	vpsel p0, v10, v8  }
0x54b: {  	v8 =	vmax.f32 v8, v9  }
0x54c: {  	(xrf1) =	vsort.dscd.msk.f32 $0xffff, v8, v8;
	_ =	sdelay $0xd  }
0x54d: {  	v8, _, _ =	vpop (xrf1)  }
.LBB2_70:
0x54e: {  	[tilespmem:$0x10620] =	vst v8  }
0x54f: {  	_ =	swait.ge [sflag:s15], $0x8000  }
0x550: {  	[sflag:s15] =	ssyncset.done $0x0  }
0x551: {  	s19 =	simm.s32 $0x8200;
	[sflag:s15] =	ssyncadd.s32 $0xFFFF8000  }
0x552: {  	v8 =	vld [tilespmem:s19+$0xFFFFFFD0]  }
0x553: {  	v9 =	vld [tilespmem:s19+$0xFFFFFFC0]  }
0x554: {  	v10 =	vld [tilespmem:s19+$0xFFFFFF90]  }
0x555: {  	v11 =	vld [tilespmem:s19+$0xFFFFFF80]  }
0x556: {  	v12 =	vld [tilespmem:s19+$0xFFFFFFF0]  }
0x557: {  	v13 =	vld [tilespmem:s19+$0xFFFFFF50]  }
0x558: {  	v14 =	vld [tilespmem:s19+$0xFFFFFFB0]  }
0x559: {  	v15 =	vld [tilespmem:s19+$0xFFFFFF10]  }
0x55a: {  	v16 =	vld [tilespmem:s19+$0xFFFFFF70]  }
0x55b: {  	v17 =	vld [tilespmem:s19+$0xFFFFFF40]  }
0x55c: {  	v18 =	vld [tilespmem:s19+$0xFFFFFF30]  }
0x55d: {  	v19 =	vld [tilespmem:s19+$0xFFFFFEA0]  }
0x55e: {  	v20 =	vld [tilespmem:s19+$0xFFFFFF00]  }
0x55f: {  	v21 =	vld [tilespmem:s19+$0xFFFFFEF0]  }
0x560: {  	v22 =	vld [tilespmem:s19+$0xFFFFFEC0]  }
0x561: {  	v23 =	vld [tilespmem:s19+$0xFFFFFEB0]  }
0x562: {  	v24 =	vld [tilespmem:s19+$0xFFFFFE60]  }
0x563: {  	v25 =	vld [tilespmem:s19+$0xFFFFFE80]  }
0x564: {  	v26 =	vld [tilespmem:s19+$0xFFFFFE00]  }
0x565: {  	v27 =	vld [tilespmem:s19+$0xFFFFFE70]  }
0x566: {  	v28 =	vld [tilespmem:s19+$0xFFFFFE50]  }
0x567: {  	v29 =	vld [tilespmem:s19+$0xFFFFFE40]  }
0x568: {  	v30 =	vld [tilespmem:s19+$0xFFFFFE30]  }
0x569: {  	v31 =	vld [tilespmem:s19+$0xFFFFFE20]  }
0x56a: {  	v32 =	vld [tilespmem:s19+$0xFFFFFE10]  }
0x56b: {  	v33 =	vld [tilespmem:s19+$0xFFFFFE90]  }
0x56c: {  	v34 =	vld [tilespmem:s19+$0xFFFFFED0]  }
0x56d: {  	v26 =	vmax.f32 v26, v29;
	v29 =	vld [tilespmem:s19+$0xFFFFFEE0]  }
0x56e: {  	v27 =	vmax.f32 v30, v27;
	v24 =	vmax.f32 v31, v24;
	v25 =	vmax.f32 v26, v25;
	v26 =	vld [tilespmem:s19+$0xFFFFFF20]  }
0x56f: {  	v23 =	vmax.f32 v27, v23;
	v27 =	vld [tilespmem:s19+$0xFFFFFF60];
	v22 =	vmax.f32 v25, v22;
	v25 =	vmax.f32 v32, v28  }
0x570: {  	v21 =	vmax.f32 v23, v21;
	v23 =	vld [tilespmem:s19+$0xFFFFFFA0];
	v20 =	vmax.f32 v22, v20;
	v22 =	vmax.f32 v25, v33  }
0x571: {  	v19 =	vmax.f32 v24, v19;
	v18 =	vmax.f32 v21, v18;
	v21 =	vmax.f32 v22, v34;
	v22 =	vld [tilespmem:s19+$0xFFFFFFE0]  }
0x572: {  	v17 =	vmax.f32 v20, v17;
	v16 =	vmax.f32 v18, v16;
	v18 =	vmax.f32 v19, v29  }
0x573: {  	v15 =	vmax.f32 v21, v15;
	v14 =	vmax.f32 v16, v14;
	v16 =	vmax.f32 v18, v26  }
0x574: {  	v13 =	vmax.f32 v15, v13;
	v12 =	vmax.f32 v14, v12;
	v14 =	vmax.f32 v16, v27  }
0x575: {  	v11 =	vmax.f32 v17, v11;
	v10 =	vmax.f32 v13, v10;
	v13 =	vmax.f32 v14, v23  }
0x576: {  	v9 =	vmax.f32 v11, v9;
	v8 =	vmax.f32 v10, v8;
	v10 =	vmax.f32 v13, v22  }
0x577: {  	v8 =	vmax.f32 v9, v8;
	v9 =	vmax.f32 v10, v12  }
0x578: {  	v8 =	vmax.f32 v8, v9  }
0x579: {  	(xrf1) =	vsort.dscd.msk.f32 $0xffff, v8, v8;
	_ =	sdelay $0x5  }
0x57a: {  	s20 =	simm.s32 $0x0  }
0x57b: {  	v9 =	vmov s20  }
0x57c: {  	v9 =	vand.u32 $0xFFFFFFFE, v9  }
0x57d: {  	v9 =	vbroadcast v9, $0x0;
	_ =	sdelay $0x3  }
0x57e: {  	s21 =	simm.s32 $0x10010  }
0x57f: {  	[tilespmem:s21+$0xFFFFFFF0] =	vst v8;
	v8, _, _ =	vpop (xrf1)  }
0x580: {  	[tilespmem:v9+s13+$0x0] =	vst.idx.msk $0x1, v8  }
0x581: {  	v8 =	vld [tilespmem:s19+$0x1F0]  }
0x582: {  	v9 =	vld [tilespmem:s19+$0x1E0]  }
0x583: {  	v22 =	vld [tilespmem:s19+$0x20]  }
0x584: {  	v10 =	vld [tilespmem:s19+$0x180]  }
0x585: {  	v11 =	vld [tilespmem:s19+$0x1A0]  }
0x586: {  	v12 =	vld [tilespmem:s19+$0x170]  }
0x587: {  	v13 =	vld [tilespmem:s19+$0x160]  }
0x588: {  	v14 =	vld [tilespmem:s19+$0x130]  }
0x589: {  	v15 =	vld [tilespmem:s19+$0x120]  }
0x58a: {  	v23 =	vld [tilespmem:s19+$0xA0]  }
0x58b: {  	v17 =	vld [tilespmem:s19+$0xE0]  }
0x58c: {  	v29 =	vld [tilespmem:s19+$0xD0]  }
0x58d: {  	v19 =	vld [tilespmem:s19+$0x80]  }
0x58e: {  	v27 =	vld [tilespmem:s19+$0x40]  }
0x58f: {  	v18 =	vld [tilespmem:s19+$0xF0]  }
0x590: {  	v24 =	vld [tilespmem:s19+$0x50]  }
0x591: {  	v28 =	vld [tilespmem:s19+$0x90]  }
0x592: {  	v21 =	vld [tilespmem:s19+$0x70]  }
0x593: {  	v20 =	vld [tilespmem:s19+$0x110]  }
0x594: {  	v16 =	vld [tilespmem:s19+$0x150]  }
0x595: {  	v30 =	vld [tilespmem:s19+$0x10]  }
0x596: {  	v31 =	vld [tilespmem:s19+$0x60]  }
0x597: {  	v63 =	vld [tilespmem:s19+$0x0]  }
0x598: {  	v26 =	vld [tilespmem:s19+$0x30]  }
0x599: {  	v25 =	vld [tilespmem:s19+$0xB0]  }
0x59a: {  	v30 =	vmax.f32 v30, v24;
	v24 =	vld [tilespmem:s19+$0xC0]  }
0x59b: {  	v31 =	vmax.f32 v22, v31;
	v22 =	vld [tilespmem:s19+$0x100];
	v30 =	vmax.f32 v30, v28  }
0x59c: {  	s23 =	simm.s32 $0x2;
	s24 =	simm.s32 $0x8200;
	s22 =	simm.s32 $0x10010;
	v28 =	vmax.f32 v63, v27;
	v27 =	vmax.f32 v31, v23;
	v23 =	vld [tilespmem:s19+$0x140];
	v29 =	vmax.f32 v30, v29  }
.LBB2_71:
0x59d: {  	p0 =	slt.u32 s23, $0x3E;
	v21 =	vmax.f32 v26, v21;
	v26 =	vld [tilespmem:s19+$0x1B0];
	s21 =	sadd.s32 $0x20, s21;
	s24 =	sadd.s32 $0x400, s24  }
0x59e: {  	v19 =	vmax.f32 v28, v19;
	v20 =	vmax.f32 v29, v20;
	s25 =	smov.u32 s23;
	s23 =	sadd.s32 $0x2, s23;
	v21 =	vmax.f32 v21, v25;
	v25 =	vld [tilespmem:s19+$0x1C0]  }
0x59f: {  	v17 =	vmax.f32 v27, v17;
	v19 =	vmax.f32 v19, v24;
	v18 =	vmax.f32 v21, v18;
	v21 =	vld [tilespmem:s19+$0x190]  }
0x5a0: {  	v15 =	vmax.f32 v17, v15;
	v19 =	vmax.f32 v19, v22;
	v14 =	vmax.f32 v18, v14;
	v17 =	vld [tilespmem:s19+$0x1D0];
	s19 =	smov.u32 s24  }
0x5a1: {  	v13 =	vmax.f32 v15, v13;
	v18 =	vmax.f32 v19, v23;
	v12 =	vmax.f32 v14, v12  }
0x5a2: {  	v11 =	vmax.f32 v13, v11;
	v10 =	vmax.f32 v18, v10;
	v12 =	vmax.f32 v12, v26  }
0x5a3: {  	v13 =	vmax.f32 v20, v16;
	v9 =	vmax.f32 v11, v9;
	v8 =	vmax.f32 v12, v8  }
0x5a4: {  	v10 =	vmax.f32 v10, v25;
	v11 =	vmax.f32 v13, v21;
	v8 =	vmax.f32 v9, v8  }
0x5a5: {  	v9 =	vmax.f32 v11, v17  }
0x5a6: {  	v9 =	vmax.f32 v10, v9  }
0x5a7: {  	v8 =	vmax.f32 v9, v8  }
0x5a8: {  	[tilespmem:s22+$0x0] =	vst v8;
	(xrf1) =	vsort.dscd.msk.f32 $0xffff, v8, v8;
	s22 =	smov.u32 s21;
	_ =	sdelay $0x7  }
0x5a9: {  	s26 =	sadd.s32 $0x1, s20;
	s20 =	smov.u32 s25  }
0x5aa: {  	v8 =	vmov s26;
	_ =	sdelay $0x4  }
0x5ab: {  	v9, _, _ =	vpop (xrf1)  }
0x5ac: {  	[tilespmem:v8+s13+$0x0] =	vst.idx.msk $0x1, v9  }
0x5ad: {  	v8 =	vld [tilespmem:s24+$0xFFFFFFD0]  }
0x5ae: {  	v9 =	vld [tilespmem:s24+$0xFFFFFFC0]  }
0x5af: {  	v10 =	vld [tilespmem:s24+$0xFFFFFF90]  }
0x5b0: {  	v11 =	vld [tilespmem:s24+$0xFFFFFF80]  }
0x5b1: {  	v12 =	vld [tilespmem:s24+$0xFFFFFFF0]  }
0x5b2: {  	v13 =	vld [tilespmem:s24+$0xFFFFFF50]  }
0x5b3: {  	v14 =	vld [tilespmem:s24+$0xFFFFFFB0]  }
0x5b4: {  	v15 =	vld [tilespmem:s24+$0xFFFFFF10]  }
0x5b5: {  	v16 =	vld [tilespmem:s24+$0xFFFFFF70]  }
0x5b6: {  	v17 =	vld [tilespmem:s24+$0xFFFFFF40]  }
0x5b7: {  	v18 =	vld [tilespmem:s24+$0xFFFFFF30]  }
0x5b8: {  	v19 =	vld [tilespmem:s24+$0xFFFFFEA0]  }
0x5b9: {  	v20 =	vld [tilespmem:s24+$0xFFFFFF00]  }
0x5ba: {  	v21 =	vld [tilespmem:s24+$0xFFFFFEF0]  }
0x5bb: {  	v22 =	vld [tilespmem:s24+$0xFFFFFEC0]  }
0x5bc: {  	v23 =	vld [tilespmem:s24+$0xFFFFFEB0]  }
0x5bd: {  	v24 =	vld [tilespmem:s24+$0xFFFFFE60]  }
0x5be: {  	v25 =	vld [tilespmem:s24+$0xFFFFFE80]  }
0x5bf: {  	v26 =	vld [tilespmem:s24+$0xFFFFFE00]  }
0x5c0: {  	v27 =	vld [tilespmem:s24+$0xFFFFFE70]  }
0x5c1: {  	v28 =	vld [tilespmem:s24+$0xFFFFFE50]  }
0x5c2: {  	v29 =	vld [tilespmem:s24+$0xFFFFFE40]  }
0x5c3: {  	v30 =	vld [tilespmem:s24+$0xFFFFFE30]  }
0x5c4: {  	v31 =	vld [tilespmem:s24+$0xFFFFFE20]  }
0x5c5: {  	v32 =	vld [tilespmem:s24+$0xFFFFFE10]  }
0x5c6: {  	v33 =	vld [tilespmem:s24+$0xFFFFFE90]  }
0x5c7: {  	v26 =	vmax.f32 v26, v29;
	v29 =	vld [tilespmem:s24+$0xFFFFFED0]  }
0x5c8: {  	v27 =	vmax.f32 v30, v27;
	v25 =	vmax.f32 v26, v25;
	v26 =	vld [tilespmem:s24+$0xFFFFFEE0]  }
0x5c9: {  	v24 =	vmax.f32 v31, v24;
	v23 =	vmax.f32 v27, v23;
	v22 =	vmax.f32 v25, v22;
	v25 =	vld [tilespmem:s24+$0xFFFFFF20]  }
0x5ca: {  	v27 =	vmax.f32 v32, v28;
	v21 =	vmax.f32 v23, v21;
	v20 =	vmax.f32 v22, v20;
	v22 =	vld [tilespmem:s24+$0xFFFFFF60]  }
0x5cb: {  	v19 =	vmax.f32 v24, v19;
	v23 =	vmax.f32 v27, v33;
	v18 =	vmax.f32 v21, v18;
	v21 =	vld [tilespmem:s24+$0xFFFFFFA0]  }
0x5cc: {  	v17 =	vmax.f32 v20, v17;
	v23 =	vmax.f32 v23, v29;
	v16 =	vmax.f32 v18, v16;
	v18 =	vld [tilespmem:s24+$0xFFFFFFE0]  }
0x5cd: {  	v19 =	vmax.f32 v19, v26;
	v15 =	vmax.f32 v23, v15;
	v14 =	vmax.f32 v16, v14  }
0x5ce: {  	v16 =	vmax.f32 v19, v25;
	v13 =	vmax.f32 v15, v13;
	v12 =	vmax.f32 v14, v12  }
0x5cf: {  	v11 =	vmax.f32 v17, v11;
	v14 =	vmax.f32 v16, v22;
	v10 =	vmax.f32 v13, v10  }
0x5d0: {  	v9 =	vmax.f32 v11, v9;
	v13 =	vmax.f32 v14, v21;
	v8 =	vmax.f32 v10, v8  }
0x5d1: {  	v10 =	vmax.f32 v13, v18;
	v8 =	vmax.f32 v9, v8  }
0x5d2: {  	v9 =	vmax.f32 v10, v12  }
0x5d3: {  	v8 =	vmax.f32 v8, v9  }
0x5d4: {  	[tilespmem:s21+$0xFFFFFFF0] =	vst v8;
	(xrf1) =	vsort.dscd.msk.f32 $0xffff, v8, v8;
	_ =	sdelay $0x6  }
0x5d5: {  	v8 =	vmov s20  }
0x5d6: {  	v8 =	vand.u32 $0xFFFFFFFE, v8  }
0x5d7: {  	v8 =	vbroadcast v8, $0x0;
	_ =	sdelay $0x4  }
0x5d8: {  	v9, _, _ =	vpop (xrf1)  }
0x5d9: {  	[tilespmem:v8+s13+$0x0] =	vst.idx.msk $0x1, v9  }
0x5da: {  	v8 =	vld [tilespmem:s24+$0x1F0]  }
0x5db: {  	v9 =	vld [tilespmem:s24+$0x1E0]  }
0x5dc: {  	v22 =	vld [tilespmem:s24+$0x20]  }
0x5dd: {  	v10 =	vld [tilespmem:s24+$0x180]  }
0x5de: {  	v11 =	vld [tilespmem:s24+$0x1A0]  }
0x5df: {  	v12 =	vld [tilespmem:s24+$0x170]  }
0x5e0: {  	v13 =	vld [tilespmem:s24+$0x160]  }
0x5e1: {  	v14 =	vld [tilespmem:s24+$0x130]  }
0x5e2: {  	v15 =	vld [tilespmem:s24+$0x120]  }
0x5e3: {  	v23 =	vld [tilespmem:s24+$0xA0]  }
0x5e4: {  	v17 =	vld [tilespmem:s24+$0xE0]  }
0x5e5: {  	v29 =	vld [tilespmem:s24+$0xD0]  }
0x5e6: {  	v19 =	vld [tilespmem:s24+$0x80]  }
0x5e7: {  	v27 =	vld [tilespmem:s24+$0x40]  }
0x5e8: {  	v18 =	vld [tilespmem:s24+$0xF0]  }
0x5e9: {  	v24 =	vld [tilespmem:s24+$0x50]  }
0x5ea: {  	v28 =	vld [tilespmem:s24+$0x90]  }
0x5eb: {  	v21 =	vld [tilespmem:s24+$0x70]  }
0x5ec: {  	v20 =	vld [tilespmem:s24+$0x110]  }
0x5ed: {  	v16 =	vld [tilespmem:s24+$0x150]  }
0x5ee: {  	v30 =	vld [tilespmem:s24+$0x10]  }
0x5ef: {  	v31 =	vld [tilespmem:s24+$0x60]  }
0x5f0: {  	v32 =	vld [tilespmem:s24+$0x0]  }
.Ltmp41:
0x5f1: {  	v26 =	vld [tilespmem:s24+$0x30];
	(pc) =	sbr.rel @p0 .LBB2_71-.Ltmp41, $4  }
0x5f2: {  	v25 =	vld [tilespmem:s24+$0xB0]  }
0x5f3: {  	v30 =	vmax.f32 v30, v24;
	v24 =	vld [tilespmem:s24+$0xC0]  }
0x5f4: {  	v31 =	vmax.f32 v22, v31;
	v30 =	vmax.f32 v30, v28;
	v22 =	vld [tilespmem:s24+$0x100]  }
0x5f5: {  	v28 =	vmax.f32 v32, v27;
	v27 =	vmax.f32 v31, v23;
	v29 =	vmax.f32 v30, v29;
	v23 =	vld [tilespmem:s24+$0x140]  }
0x5f6: {  	v30 =	vld [tilespmem:s19+$0x1B0]  }
0x5f7: {  	v21 =	vmax.f32 v26, v21;
	v58 =	vld [tilespmem:s19+$0x1C0]  }
0x5f8: {  	v19 =	vmax.f32 v28, v19;
	v20 =	vmax.f32 v29, v20;
	v59 =	vld [tilespmem:s19+$0x190];
	v17 =	vmax.f32 v27, v17  }
0x5f9: {  	v60 =	vld [tilespmem:s19+$0x1D0];
	v21 =	vmax.f32 v21, v25;
	v15 =	vmax.f32 v17, v15;
	v62 =	vmax.f32 v20, v16  }
0x5fa: {  	v19 =	vmax.f32 v19, v24;
	v18 =	vmax.f32 v21, v18;
	v13 =	vmax.f32 v15, v13  }
0x5fb: {  	v19 =	vmax.f32 v19, v22;
	v14 =	vmax.f32 v18, v14;
	v11 =	vmax.f32 v13, v11  }
0x5fc: {  	v61 =	vmax.f32 v19, v23;
	v12 =	vmax.f32 v14, v12;
	v9 =	vmax.f32 v11, v9  }
0x5fd: {  	v10 =	vmax.f32 v61, v10;
	v12 =	vmax.f32 v12, v30;
	v11 =	vmax.f32 v62, v59  }
0x5fe: {  	v8 =	vmax.f32 v12, v8;
	v10 =	vmax.f32 v10, v58;
	v11 =	vmax.f32 v11, v60  }
0x5ff: {  	v8 =	vmax.f32 v9, v8;
	v9 =	vmax.f32 v10, v11  }
0x600: {  	v8 =	vmax.f32 v9, v8  }
0x601: {  	(xrf1) =	vsort.dscd.msk.f32 $0xffff, v8, v8;
	_ =	sdelay $0x8  }
0x602: {  	s30 =	sadd.s32 $0x1, s20  }
0x603: {  	v9 =	vmov s30;
	_ =	sdelay $0x3  }
0x604: {  	[tilespmem:s22+$0x0] =	vst v8;
	v8, _, _ =	vpop (xrf1)  }
0x605: {  	[tilespmem:v9+s13+$0x0] =	vst.idx.msk $0x1, v8  }
0x606: {  	v9 =	vld [tilespmem:$0x10400]  }
0x607: {  	v8 =	vld [tilespmem:$0x10410]  }
0x608: {  	v10 =	vld [tilespmem:$0x10420]  }
0x609: {  	v11 =	vld [tilespmem:$0x10430];
	_ =	sdelay $0x1  }
0x60a: {  	(xrf1) =	vsort.dscd.msk.f32 $0xffff, v9, v9  }
0x60b: {  	(xrf1) =	vsort.dscd.msk.f32 $0xffff, v8, v8  }
0x60c: {  	(xrf1) =	vsort.dscd.msk.f32 $0xffff, v10, v10  }
0x60d: {  	(xrf1) =	vsort.dscd.msk.f32 $0xffff, v11, v11;
	_ =	sdelay $0xa  }
0x60e: {  	v8, _, _ =	vpop (xrf1)  }
0x60f: {  	v10, _, _ =	vpop (xrf1)  }
0x610: {  	v11, _, _ =	vpop (xrf1)  }
0x611: {  	v10 =	vperm.xlane v10, v2;
	v63, _, _ =	vpop (xrf1)  }
0x612: {  	v12 =	vperm.xlane v63, v2  }
0x613: {  	v8 =	vmax.f32 v8, v10  }
0x614: {  	(xrf1) =	vsort.dscd.msk.f32 $0xffff, v8, v8;
	v8 =	vmax.f32 v11, v12  }
0x615: {  	(xrf1) =	vsort.dscd.msk.f32 $0xffff, v8, v8;
	_ =	sdelay $0xc  }
0x616: {  	v8, _, _ =	vpop (xrf1)  }
0x617: {  	v10, _, _ =	vpop (xrf1)  }
0x618: {  	v10 =	vperm.xlane v10, v2;
	_ =	sdelay $0x1  }
0x619: {  	v8 =	vmax.f32 v8, v10  }
0x61a: {  	(xrf1) =	vsort.dscd.msk.f32 $0xffff, v8, v8;
	_ =	sdelay $0xd  }
0x61b: {  	v8, _, _ =	vpop (xrf1)  }
0x61c: {  	(xrf0) =	vmin.scan.msk.f32 $0xffff, v8;
	_ =	sdelay $0x5  }
0x61d: {  	v8, _, _ =	vpop (xrf0)  }
0x61e: {  	v8 =	vbroadcast v8, $0xF;
	_ =	sdelay $0x1  }
0x61f: {  	vm0 =	vgt.f32 v9, v8  }
0x620: {  	v9 =	vsel vm0, $0x1, v3  }
0x621: {  	(xrf0) =	vadd.scan.msk.s32 $0xffff, v9;
	_ =	sdelay $0x5  }
0x622: {  	v9, _, _ =	vpop (xrf0)  }
0x623: {  	v9 =	vadd.s32 $0xFFFFFFFF, v9  }
0x624: {  	v9 =	vnsel vm0, $0x1F, v9;
	_ =	sdelay $0x3  }
0x625: {  	s19 =	simm.s32 $0x10480  }
0x626: {  	[tilespmem:v9+s19+$0x0] =	vst.idx.msk vm0, v0  }
0x627: {  	v9 =	vld [tilespmem:$0x10410];
	_ =	sdelay $0x4  }
0x628: {  	vm1 =	vgt.f32 v9, v8  }
0x629: {  	v9 =	vsel vm1, $0x1, v3  }
0x62a: {  	(xrf0) =	vadd.scan.msk.s32 $0xffff, v9;
	_ =	sdelay $0x4  }
0x62b: {  	v9 =	vmpcnt.ones.xlane vm0  }
0x62c: {  	v10, _, _ =	vpop (xrf0)  }
0x62d: {  	v10 =	vadd.s32 v10, v9  }
0x62e: {  	v10 =	vadd.s32 $0xFFFFFFFF, v10  }
0x62f: {  	v10 =	vnsel vm1, $0x1F, v10;
	_ =	sdelay $0x4  }
0x630: {  	[tilespmem:v10+s19+$0x0] =	vst.idx.msk vm1, v4  }
0x631: {  	v10 =	vld [tilespmem:$0x10420];
	_ =	sdelay $0x4  }
0x632: {  	vm14 =	vgt.f32 v10, v8  }
0x633: {  	v10 =	vsel vm14, $0x1, v3  }
0x634: {  	(xrf0) =	vadd.scan.msk.s32 $0xffff, v10;
	_ =	sdelay $0x1  }
0x635: {  	v10 =	vmpcnt.ones.xlane vm1;
	_ =	sdelay $0x3  }
0x636: {  	v9 =	vadd.s32 v9, v10;
	v10, _, _ =	vpop (xrf0)  }
0x637: {  	v10 =	vadd.s32 v10, v9  }
0x638: {  	v10 =	vadd.s32 $0xFFFFFFFF, v10  }
0x639: {  	v10 =	vnsel vm14, $0x1F, v10;
	_ =	sdelay $0x4  }
0x63a: {  	[tilespmem:v10+s19+$0x0] =	vst.idx.msk vm14, v5  }
0x63b: {  	v10 =	vld [tilespmem:$0x10430];
	_ =	sdelay $0x4  }
0x63c: {  	v11 =	vmpcnt.ones.xlane vm14;
	vm15 =	vgt.f32 v10, v8  }
0x63d: {  	v10 =	vmpcnt.ones.xlane vm15  }
0x63e: {  	v9 =	vadd.s32 v9, v11  }
0x63f: {  	v11 =	vsel vm15, $0x1, v3;
	v10 =	vadd.s32 v9, v10  }
0x640: {  	(xrf0) =	vadd.scan.msk.s32 $0xffff, v11;
	v10 =	vxor.u32 $0x80000000, v10  }
0x641: {  	(xrf0) =	vmax.scan.msk.u32 $0xffff, v10;
	_ =	sdelay $0x4  }
0x642: {  	v10, _, _ =	vpop (xrf0)  }
0x643: {  	v11, _, _ =	vpop (xrf0)  }
0x644: {  	(v2sf) =	vpush v11, $0xF;
	_ =	sdelay $0xe  }
0x645: {  	v9 =	vadd.s32 v10, v9;
	s31 =	spop (v2sf)  }
0x646: {  	v9 =	vadd.s32 $0xFFFFFFFF, v9;
	s20 =	sxor.u32 $0x80000000, s31  }
0x647: {  	v9 =	vnsel vm15, $0x1F, v9;
	p0 =	slt.s32 s20, $0x1  }
.Ltmp42:
0x648: {  	_ = 	snop;
	(pc) =	sbr.rel @p0 .LBB2_73-.Ltmp42, $2  }
0x649: {  	_ =	sdelay $0x2  }
0x64a: {  	[tilespmem:v9+s19+$0x0] =	vst.idx.msk vm15, v6;
	v9 =	vimm.s32 $0x0  }
0x64b: {  	p0 =	sne.s32 s20, $0x1  }
.Ltmp43:
0x64c: {  	_ = 	snop;
	(pc) =	sbr.rel @!p0 .LBB2_76-.Ltmp43, $2  }
0x64d: {  	_ =	sdelay $0x2  }
0x64e: {  	v11 =	vld [tilespmem:s19+$0x0];
	s20 =	sadd.s32 $0xFFFFFFFF, s20;
	v10 =	vimm.s32 $0x0  }
.LBB2_75:
0x64f: {  	p0 =	sne.s32 s20, $0x1;
	_ =	sdelay $0x3  }
0x650: {  	(v2sf) =	vpush v11, $0x0;
	_ =	sdelay $0xe  }
0x651: {  	s21 =	spop (v2sf)  }
0x652: {  	s21 =	sshll.u32 s21, $0x4  }
0x653: {  	v11 =	vld [tilespmem:s21+$0x10000];
	_ =	sdelay $0x4  }
0x654: {  	vm0 =	vgt.f32 v11, v8  }
0x655: {  	v11 =	vmpcnt.ones.xlane vm0;
	v12 =	vsel vm0, $0x1, v3  }
0x656: {  	(xrf0) =	vadd.scan.msk.s32 $0xffff, v12  }
0x657: {  	v9 =	vadd.s32 v9, v11;
	_ =	sdelay $0x4  }
0x658: {  	v11, _, _ =	vpop (xrf0)  }
0x659: {  	v11 =	vadd.s32 v11, v10;
	v10 =	vmov v9  }
0x65a: {  	v11 =	vadd.s32 $0xFFFFFFFF, v11  }
0x65b: {  	v11 =	vnsel vm0, $0xFF, v11;
	_ =	sdelay $0x1  }
.Ltmp44:
0x65c: {  	(pc) =	sbr.rel @p0 .LBB2_75-.Ltmp44, $4  }
0x65d: {  	_ = 	snop  }
0x65e: {  	v12 =	vor.u32 s21, v0  }
0x65f: {  	s19 =	sadd.s32 $0x1, s19;
	[tilespmem:v11+s14+$0x0] =	vst.idx.msk vm0, v12  }
0x660: {  	s20 =	sadd.s32 $0xFFFFFFFF, s20;
	v11 =	vld [tilespmem:s19+$0x0]  }
.LBB2_76:
0x661: {  	_ =	sdelay $0x3  }
0x662: {  	(v2sf) =	vpush v11, $0x0;
	_ =	sdelay $0xe  }
0x663: {  	s19 =	spop (v2sf)  }
0x664: {  	s19 =	sshll.u32 s19, $0x4  }
0x665: {  	v11 =	vld [tilespmem:s19+$0x10000];
	_ =	sdelay $0x4  }
0x666: {  	vm0 =	vgt.f32 v11, v8  }
0x667: {  	v11 =	vsel vm0, $0x1, v3  }
0x668: {  	(xrf0) =	vadd.scan.msk.s32 $0xffff, v11;
	_ =	sdelay $0x5  }
0x669: {  	v11, _, _ =	vpop (xrf0)  }
0x66a: {  	v10 =	vadd.s32 v11, v10  }
0x66b: {  	v10 =	vadd.s32 $0xFFFFFFFF, v10  }
0x66c: {  	v10 =	vnsel vm0, $0xFF, v10  }
.Ltmp45:
0x66d: {  	_ = 	snop;
	(pc) =	sbr.rel .LBB2_77-.Ltmp45, $3  }
0x66e: {  	v11 =	vmpcnt.ones.xlane vm0;
	_ =	sdelay $0x1  }
0x66f: {  	v9 =	vadd.s32 v9, v11;
	v11 =	vor.u32 s19, v0  }
0x670: {  	v9 =	vxor.u32 $0x80000000, v9;
	[tilespmem:v10+s14+$0x0] =	vst.idx.msk vm0, v11  }
.LBB2_73:
0x671: {  	v9 =	vimm.s32 $0x80000000  }
.LBB2_77:
0x672: {  	(xrf0) =	vmax.scan.msk.u32 $0xffff, v9;
	_ =	sdelay $0x5  }
0x673: {  	v9, _, _ =	vpop (xrf0)  }
0x674: {  	(v2sf) =	vpush v9, $0xF;
	_ =	sdelay $0xe  }
0x675: {  	s19 =	spop (v2sf)  }
0x676: {  	s20 =	sxor.u32 $0x80000000, s19  }
0x677: {  	p0 =	slt.s32 s20, $0x1  }
.Ltmp46:
0x678: {  	_ = 	snop;
	(pc) =	sbr.rel @p0 .LBB2_93-.Ltmp46, $2  }
0x679: {  	_ =	sdelay $0x2  }
0x67a: {  	s19 =	simm.s32 $0x10500  }
0x67b: {  	p5 =	sne.s32 s20, $0x1  }
.Ltmp47:
0x67c: {  	_ = 	snop;
	(pc) =	sbr.rel @!p5 .LBB2_79-.Ltmp47, $3  }
0x67d: {  	_ =	sdelay $0x1  }
0x67e: {  	s20 =	sadd.s32 $0xFFFFFFFF, s20;
	p0 =	por $0x0, $0x0;
	p1 =	por $0x0, $0x0  }
0x67f: {  	v9 =	vld [tilespmem:s19+$0x0];
	p2 =	por $0x0, $0x0;
	p3 =	por $0x0, $0x0;
	p6 =	por $0x0, $0x0  }
0x680: {  	_ =	sdelay $0x3  }
0x681: {  	(v2sf) =	vpush v9, $0x0;
	_ =	sdelay $0x4  }
0x682: {  	p5 =	sne.s32 s20, $0x1  }
.Ltmp48:
0x683: {  	_ = 	snop;
	(pc) =	sbr.rel @!p5 .LBB2_81-.Ltmp48, $3  }
0x684: {  	_ =	sdelay $0x1  }
0x685: {  	s19 =	sadd.s32 $0x1, s19  }
0x686: {  	s20 =	sadd.s32 $0xFFFFFFFF, s20;
	p0 =	por $0x1, $0x1;
	v9 =	vld [tilespmem:s19+$0x0]  }
0x687: {  	_ =	sdelay $0x3  }
0x688: {  	s21 =	spop (v2sf);
	(v2sf) =	vpush v9, $0x0  }
0x689: {  	s22 =	sand.u32 $0xF, s21  }
0x68a: {  	s23 =	sshra.s32 s21, $0x1F;
	p1 =	slt.s32 s21, $0x1;
	p5 =	sne.s32 s22, $0x0  }
0x68b: {  	s31 =	sshrl.u32 s23, $0x1C;
	p1 =	por !p1, !p5  }
0x68c: {  	s23 =	simm.s32 $0x1;
	s22 =	sadd.s32 s31, s21;
	p1 =	por !p1, !p1  }
0x68d: {  	p5 =	sne.s32 s20, $0x1;
	s22 =	sshra.s32 s22, $0x4;
	s23 =	simm.s32 @!p1 $0x0  }
.Ltmp49:
0x68e: {  	s22 =	ssub.s32 s22, s23;
	(pc) =	sbr.rel @!p5 .LBB2_83-.Ltmp49, $4  }
0x68f: {  	s23 =	sshll.u32 s22, $0x4  }
0x690: {  	s22 =	sshll.u32 s22, $0x9;
	s21 =	ssub.s32 s21, s23  }
0x691: {  	s19 =	sadd.s32 $0x1, s19;
	s21 =	sadd.s32 s22, s21  }
0x692: {  	v9 =	vld [tilespmem:s19+$0x0];
	s20 =	sadd.s32 $0xFFFFFFFF, s20;
	p1 =	por $0x1, $0x1;
	v13 =	vadd.s32 s21, v7;
	v12 =	vadd.s32 s21, v1  }
0x693: {  	_ =	sdelay $0x3  }
0x694: {  	v10 =	vld.idx.msk [tilespmem:v13+s12+$0x0], $0xffff  }
0x695: {  	v11 =	vld.idx.msk [tilespmem:v12+s12+$0x0], $0xffff  }
0x696: {  	s21 =	spop (v2sf);
	(v2sf) =	vpush v9, $0x0  }
0x697: {  	s22 =	sand.u32 $0xF, s21  }
0x698: {  	s23 =	sshra.s32 s21, $0x1F;
	p2 =	slt.s32 s21, $0x1;
	p5 =	sne.s32 s22, $0x0  }
0x699: {  	(xrf1) =	vsort.dscd.msk.f32 $0xffff, v10, v10;
	s31 =	sshrl.u32 s23, $0x1C;
	p2 =	por !p2, !p5  }
0x69a: {  	s23 =	simm.s32 $0x1;
	(xrf1) =	vsort.dscd.msk.f32 $0xffff, v11, v11;
	s22 =	sadd.s32 s31, s21;
	p2 =	por !p2, !p2  }
0x69b: {  	p5 =	sne.s32 s20, $0x1;
	s22 =	sshra.s32 s22, $0x4;
	s23 =	simm.s32 @!p2 $0x0  }
.Ltmp50:
0x69c: {  	s22 =	ssub.s32 s22, s23;
	(pc) =	sbr.rel @!p5 .LBB2_85-.Ltmp50, $4  }
0x69d: {  	s23 =	sshll.u32 s22, $0x4  }
0x69e: {  	s22 =	sshll.u32 s22, $0x9;
	s21 =	ssub.s32 s21, s23  }
0x69f: {  	s19 =	sadd.s32 $0x1, s19;
	s21 =	sadd.s32 s22, s21  }
0x6a0: {  	v9 =	vld [tilespmem:s19+$0x0];
	s20 =	sadd.s32 $0xFFFFFFFF, s20;
	p2 =	por $0x1, $0x1;
	v13 =	vadd.s32 s21, v7;
	v12 =	vadd.s32 s21, v1  }
0x6a1: {  	_ =	sdelay $0x3  }
0x6a2: {  	v10 =	vld.idx.msk [tilespmem:v13+s12+$0x0], $0xffff  }
0x6a3: {  	v11 =	vld.idx.msk [tilespmem:v12+s12+$0x0], $0xffff  }
0x6a4: {  	s21 =	spop (v2sf);
	(v2sf) =	vpush v9, $0x0  }
0x6a5: {  	s22 =	sand.u32 $0xF, s21;
	v63, _, _ =	vpop (xrf1)  }
0x6a6: {  	s23 =	sshra.s32 s21, $0x1F;
	p3 =	slt.s32 s21, $0x1;
	p5 =	sne.s32 s22, $0x0;
	v12 =	vperm.xlane v63, v2  }
0x6a7: {  	s31 =	sshrl.u32 s23, $0x1C;
	(xrf1) =	vsort.dscd.msk.f32 $0xffff, v10, v10;
	p3 =	por !p3, !p5;
	v10, _, _ =	vpop (xrf1)  }
0x6a8: {  	s23 =	simm.s32 $0x1;
	s22 =	sadd.s32 s31, s21;
	(xrf1) =	vsort.dscd.msk.f32 $0xffff, v11, v11;
	p3 =	por !p3, !p3;
	v9 =	vmax.f32 v10, v12  }
0x6a9: {  	p5 =	sne.s32 s20, $0x1;
	s22 =	sshra.s32 s22, $0x4;
	s23 =	simm.s32 @!p3 $0x0;
	(xrf1) =	vsort.dscd.msk.f32 $0xffff, v9, v9  }
.Ltmp51:
0x6aa: {  	s22 =	ssub.s32 s22, s23;
	(pc) =	sbr.rel @!p5 .LBB2_87-.Ltmp51, $4  }
0x6ab: {  	s23 =	sshll.u32 s22, $0x4  }
0x6ac: {  	s22 =	sshll.u32 s22, $0x9;
	s21 =	ssub.s32 s21, s23  }
0x6ad: {  	s19 =	sadd.s32 $0x1, s19;
	s21 =	sadd.s32 s22, s21  }
0x6ae: {  	s20 =	sadd.s32 $0xFFFFFFFF, s20;
	p3 =	por $0x1, $0x1;
	v9 =	vld [tilespmem:s19+$0x0];
	v10 =	vadd.s32 s21, v7;
	v11 =	vadd.s32 s21, v1  }
0x6af: {  	_ =	sdelay $0x3  }
0x6b0: {  	v12 =	vld.idx.msk [tilespmem:v10+s12+$0x0], $0xffff;
	s21 =	spop (v2sf)  }
0x6b1: {  	v13 =	vld.idx.msk [tilespmem:v11+s12+$0x0], $0xffff;
	(v2sf) =	vpush v9, $0x0;
	s22 =	sand.u32 $0xF, s21  }
0x6b2: {  	s23 =	sshra.s32 s21, $0x1F;
	p4 =	slt.s32 s21, $0x1;
	p5 =	sne.s32 s22, $0x0;
	v14, _, _ =	vpop (xrf1)  }
0x6b3: {  	s31 =	sshrl.u32 s23, $0x1C;
	p4 =	por !p4, !p5;
	v15, _, _ =	vpop (xrf1)  }
0x6b4: {  	s23 =	simm.s32 $0x1;
	s22 =	sadd.s32 s31, s21;
	v14 =	vperm.xlane v14, v2;
	p4 =	por !p4, !p4;
	v16, _, _ =	vpop (xrf1)  }
0x6b5: {  	(xrf1) =	vsort.dscd.msk.f32 $0xffff, v12, v12;
	s22 =	sshra.s32 s22, $0x4;
	s23 =	simm.s32 @!p4 $0x0;
	v12 =	vperm.xlane v16, v2  }
0x6b6: {  	(xrf1) =	vsort.dscd.msk.f32 $0xffff, v13, v13;
	v13 =	vmax.f32 v15, v14;
	s22 =	ssub.s32 s22, s23  }
0x6b7: {  	p5 =	sne.s32 s20, $0x1;
	(xrf1) =	vsort.dscd.msk.f32 $0xffff, v13, v13;
	s23 =	sshll.u32 s22, $0x4;
	v9 =	vmax.f32 v8, v12  }
.Ltmp52:
0x6b8: {  	s22 =	sshll.u32 s22, $0x9;
	s21 =	ssub.s32 s21, s23;
	(xrf1) =	vsort.dscd.msk.f32 $0xffff, v9, v9;
	(pc) =	sbr.rel @!p5 .LBB2_89-.Ltmp52, $4  }
0x6b9: {  	s21 =	sadd.s32 s22, s21  }
0x6ba: {  	v13 =	vadd.s32 s21, v7  }
0x6bb: {  	s19 =	sadd.s32 $0x1, s19;
	v12 =	vadd.s32 s21, v1  }
0x6bc: {  	s20 =	sadd.s32 $0xFFFFFFFF, s20;
	v9 =	vld [tilespmem:s19+$0x0]  }
.LBB2_90:
0x6bd: {  	p5 =	sne.s32 s20, $0x1;
	_ =	sdelay $0x1  }
0x6be: {  	v13 =	vld.idx.msk [tilespmem:v13+s12+$0x0], $0xffff  }
0x6bf: {  	s21 =	spop (v2sf);
	v12 =	vld.idx.msk [tilespmem:v12+s12+$0x0], $0xffff  }
0x6c0: {  	(v2sf) =	vpush v9, $0x0;
	s22 =	sand.u32 $0xF, s21  }
0x6c1: {  	s23 =	sshra.s32 s21, $0x1F;
	p6 =	slt.s32 s21, $0x1;
	p4 =	sne.s32 s22, $0x0  }
0x6c2: {  	s22 =	sshrl.u32 s23, $0x1C;
	p4 =	por !p6, !p4;
	v9, _, _ =	vpop (xrf1)  }
0x6c3: {  	s23 =	simm.s32 $0x1;
	s22 =	sadd.s32 s22, s21;
	p4 =	por !p4, !p4;
	v15 =	vperm.xlane v9, v2;
	v14, _, _ =	vpop (xrf1)  }
0x6c4: {  	s22 =	sshra.s32 s22, $0x4;
	s23 =	simm.s32 @!p4 $0x0;
	(xrf1) =	vsort.dscd.msk.f32 $0xffff, v13, v13;
	v13, _, _ =	vpop (xrf1)  }
0x6c5: {  	s22 =	ssub.s32 s22, s23;
	(xrf1) =	vsort.dscd.msk.f32 $0xffff, v12, v12;
	v14 =	vmax.f32 v14, v15;
	v12 =	vperm.xlane v13, v2  }
0x6c6: {  	s23 =	sshll.u32 s22, $0x4;
	(xrf1) =	vsort.dscd.msk.f32 $0xffff, v14, v14;
	v9, _, _ =	vpop (xrf1)  }
.Ltmp53:
0x6c7: {  	s22 =	sshll.u32 s22, $0x9;
	s21 =	ssub.s32 s21, s23;
	v9 =	vmax.f32 v9, v12;
	(pc) =	sbr.rel @p5 .LBB2_90-.Ltmp53, $4  }
0x6c8: {  	s21 =	sadd.s32 s22, s21;
	(xrf1) =	vsort.dscd.msk.f32 $0xffff, v9, v9  }
0x6c9: {  	v13 =	vadd.s32 s21, v7  }
0x6ca: {  	s19 =	sadd.s32 $0x1, s19;
	v12 =	vadd.s32 s21, v1  }
0x6cb: {  	s20 =	sadd.s32 $0xFFFFFFFF, s20;
	v9 =	vld [tilespmem:s19+$0x0]  }
.Ltmp54:
0x6cc: {  	(pc) =	sbr.rel .LBB2_92-.Ltmp54, $2  }
0x6cd: {  	_ =	sdelay $0x2  }
0x6ce: {  	p6 =	por $0x1, $0x1  }
.LBB2_10:
.Ltmp55:
0x6cf: {  	(pc) =	sbr.rel .LBB2_23-.Ltmp55, $2  }
0x6d0: {  	_ =	sdelay $0x2  }
0x6d1: {  	_ = 	snop  }
.LBB2_33:
.Ltmp56:
0x6d2: {  	(pc) =	sbr.rel .LBB2_46-.Ltmp56, $2  }
0x6d3: {  	_ =	sdelay $0x2  }
0x6d4: {  	_ = 	snop  }
.LBB2_56:
.Ltmp57:
0x6d5: {  	(pc) =	sbr.rel .LBB2_69-.Ltmp57, $2  }
0x6d6: {  	_ =	sdelay $0x2  }
0x6d7: {  	_ = 	snop  }
.LBB2_12:
.Ltmp58:
0x6d8: {  	(pc) =	sbr.rel .LBB2_23-.Ltmp58, $2  }
0x6d9: {  	_ =	sdelay $0x2  }
0x6da: {  	_ = 	snop  }
.LBB2_35:
.Ltmp59:
0x6db: {  	(pc) =	sbr.rel .LBB2_46-.Ltmp59, $2  }
0x6dc: {  	_ =	sdelay $0x2  }
0x6dd: {  	_ = 	snop  }
.LBB2_58:
.Ltmp60:
0x6de: {  	(pc) =	sbr.rel .LBB2_69-.Ltmp60, $2  }
0x6df: {  	_ =	sdelay $0x2  }
0x6e0: {  	_ = 	snop  }
.LBB2_81:
.Ltmp61:
0x6e1: {  	(pc) =	sbr.rel .LBB2_92-.Ltmp61, $2  }
0x6e2: {  	_ =	sdelay $0x2  }
0x6e3: {  	_ = 	snop  }
.LBB2_14:
.Ltmp62:
0x6e4: {  	(pc) =	sbr.rel .LBB2_23-.Ltmp62, $2  }
0x6e5: {  	_ =	sdelay $0x2  }
0x6e6: {  	_ = 	snop  }
.LBB2_37:
.Ltmp63:
0x6e7: {  	(pc) =	sbr.rel .LBB2_46-.Ltmp63, $2  }
0x6e8: {  	_ =	sdelay $0x2  }
0x6e9: {  	_ = 	snop  }
.LBB2_60:
.Ltmp64:
0x6ea: {  	(pc) =	sbr.rel .LBB2_69-.Ltmp64, $2  }
0x6eb: {  	_ =	sdelay $0x2  }
0x6ec: {  	_ = 	snop  }
.LBB2_83:
.Ltmp65:
0x6ed: {  	(pc) =	sbr.rel .LBB2_92-.Ltmp65, $2  }
0x6ee: {  	_ =	sdelay $0x2  }
0x6ef: {  	_ = 	snop  }
.LBB2_16:
.Ltmp66:
0x6f0: {  	(pc) =	sbr.rel .LBB2_23-.Ltmp66, $2  }
0x6f1: {  	_ =	sdelay $0x2  }
0x6f2: {  	_ = 	snop  }
.LBB2_39:
.Ltmp67:
0x6f3: {  	(pc) =	sbr.rel .LBB2_46-.Ltmp67, $2  }
0x6f4: {  	_ =	sdelay $0x2  }
0x6f5: {  	_ = 	snop  }
.LBB2_62:
.Ltmp68:
0x6f6: {  	(pc) =	sbr.rel .LBB2_69-.Ltmp68, $2  }
0x6f7: {  	_ =	sdelay $0x2  }
0x6f8: {  	_ = 	snop  }
.LBB2_85:
.Ltmp69:
0x6f9: {  	(pc) =	sbr.rel .LBB2_92-.Ltmp69, $2  }
0x6fa: {  	_ =	sdelay $0x2  }
0x6fb: {  	_ = 	snop  }
.LBB2_18:
.Ltmp70:
0x6fc: {  	(pc) =	sbr.rel .LBB2_23-.Ltmp70, $2  }
0x6fd: {  	_ =	sdelay $0x2  }
0x6fe: {  	v13 =	vmov v10;
	v12 =	vmov v11  }
.LBB2_41:
.Ltmp71:
0x6ff: {  	(pc) =	sbr.rel .LBB2_46-.Ltmp71, $2  }
0x700: {  	_ =	sdelay $0x2  }
0x701: {  	v13 =	vmov v10;
	v12 =	vmov v11  }
.LBB2_64:
.Ltmp72:
0x702: {  	(pc) =	sbr.rel .LBB2_69-.Ltmp72, $2  }
0x703: {  	_ =	sdelay $0x2  }
0x704: {  	v13 =	vmov v10;
	v12 =	vmov v11  }
.LBB2_87:
.Ltmp73:
0x705: {  	(pc) =	sbr.rel .LBB2_92-.Ltmp73, $2  }
0x706: {  	_ =	sdelay $0x2  }
0x707: {  	v13 =	vmov v10;
	v12 =	vmov v11  }
.LBB2_20:
.Ltmp74:
0x708: {  	(pc) =	sbr.rel .LBB2_23-.Ltmp74, $2  }
0x709: {  	_ =	sdelay $0x2  }
0x70a: {  	p6 =	por $0x1, $0x1  }
.LBB2_43:
.Ltmp75:
0x70b: {  	(pc) =	sbr.rel .LBB2_46-.Ltmp75, $2  }
0x70c: {  	_ =	sdelay $0x2  }
0x70d: {  	p6 =	por $0x1, $0x1  }
.LBB2_66:
.Ltmp76:
0x70e: {  	(pc) =	sbr.rel .LBB2_69-.Ltmp76, $2  }
0x70f: {  	_ =	sdelay $0x2  }
0x710: {  	p6 =	por $0x1, $0x1  }
.LBB2_89:
.Ltmp77:
0x711: {  	(pc) =	sbr.rel .LBB2_92-.Ltmp77, $2  }
0x712: {  	_ =	sdelay $0x2  }
0x713: {  	p6 =	por $0x1, $0x1  }
.LBB2_94:
0x714: {  	_ =	sfence.sel $0x180000  }
0x715: {  	[bflag:$0x0] =	sbarrier.arrive $0xFFFF  }
0x716: {  	p0 =	sne.s32 s1, $0x0;
	_ =	strace $0x90000047  }
0x717: {  	s0 =	sadd.s32 @!p0 $0x100000, s0;
	[bflag:$0x2] =	sbarrier.arrive $0xFFFF  }
0x718: {  	[sflag:s0] =	ssyncadd.tile.s32 @!p0 $0x1;
	_ =	shalt  }
.Lfunc_end2:
_tile_overlayer_lowered:
.L_overlay_start_2:
0x719: {  	(tag) =	ssettag $0x2  }
0x71a: {  	s0 =	rddreg [dreg:$0x0];
	s2 =	stileid.u32  }
0x71b: {  	s1 =	rddreg [dreg:$0x1];
	p0 =	sne.s32 s2, $0x0  }
0x71c: {  	s3 =	rddreg [dreg:$0x2];
	[bflag:$0x3] =	sbarrier.arrive $0xFFFF;
	s2 =	simm.s32 @!p0 $0x1C03  }
0x71d: {  	[timem:s3], [sflag:s2] =	dma.local @!p0 [hbm:s0], s1  }
0x71e: {  	s0 =	simm.s32 @!p0 $0x3  }
0x71f: {  	_ =	swait.ge @!p0 [sflag:s0], s1  }
0x720: {  	s1 =	ssub.s32 @!p0 $0x0, s1;
	[sflag:s0] =	ssyncset.done @!p0 $0x0  }
0x721: {  	[sflag:s0] =	ssyncadd.s32 @!p0 s1  }
0x722: {  	[bflag:$0x3] =	sbarrier.arrive $0xFFFF  }
0x723: {  	_ =	shalt  }

</sc_bundles>
